<compile_context>
chip_gen: v7x
topology: tpu7x:2x2x1
jax: 0.10.2.dev20260603
libtpu: 0.0.44.dev20260713+nightly
codegen_flags: <defaults>
</compile_context>

<pallas_src>
import functools

import jax
import jax.numpy as jnp
from jax import lax
from jax.experimental import pallas as pl
from jax.experimental.pallas import tpu as pltpu
from jax.experimental.pallas import tpu_sc as plsc

_NC = 2
_NS = 16
_NW = _NC * _NS

_FCH = 5
_NBUF = 2


def _emb_kernel(table_ref, o_ref, *, F):
    t = table_ref[0:F, :]
    norm = jnp.sqrt(jnp.sum(t * t, axis=-1, keepdims=True))
    scale = jnp.where(norm > 1.0, 1.0 / jnp.maximum(norm, 1e-12), 1.0)
    t = t * scale
    r = lax.broadcasted_iota(jnp.int32, (F, F), 0)
    c = lax.broadcasted_iota(jnp.int32, (F, F), 1)
    perm = (c == (F - 1 - r)).astype(jnp.float32)
    o_ref[...] = jnp.dot(perm, t, preferred_element_type=jnp.float32)


def _make_sc_add(B, F, N, D):
    batch_elems = F * N * D
    row = N * D
    ch = _FCH * row
    bpw = B // _NW
    welems = bpw * batch_elems
    nchunk = welems // ch
    ch_per_batch = batch_elems // ch
    nvec = D // 16
    total = B * batch_elems

    mesh = plsc.VectorSubcoreMesh(core_axis_name="c", subcore_axis_name="s")

    @functools.partial(
        pl.kernel,
        out_type=jax.ShapeDtypeStruct((total,), jnp.float32),
        mesh=mesh,
        scratch_types=[
            pltpu.VMEM((F * D,), jnp.float32),
            pltpu.VMEM((ch,), jnp.float32),
            pltpu.VMEM((ch,), jnp.float32),
            pltpu.VMEM((ch,), jnp.float32),
            pltpu.VMEM((ch,), jnp.float32),
            pltpu.SemaphoreType.DMA((_NBUF,)),
            pltpu.SemaphoreType.DMA((_NBUF,)),
        ],
    )
    def sc_add(x_hbm, emb_hbm, o_hbm, eb, i0, i1, o0, o1, insems, outsems):
        cid = lax.axis_index("c")
        sid = lax.axis_index("s")
        wid = sid * _NC + cid
        base = wid * welems
        inb = [i0, i1]
        outb = [o0, o1]

        pltpu.sync_copy(emb_hbm, eb)
        for b in range(_NBUF):
            pltpu.async_copy(
                x_hbm.at[pl.ds(base + b * ch, ch)], inb[b], insems.at[b])

        @pl.loop(0, nchunk, step=_NBUF)
        def _outer(t):
            for b in range(_NBUF):
                g = t + b
                off = base + g * ch
                pltpu.make_async_copy(
                    x_hbm.at[pl.ds(off, ch)], inb[b], insems.at[b]).wait()

                @pl.when(t > 0)
                def _wait_out():
                    poff = base + (g - _NBUF) * ch
                    pltpu.make_async_copy(
                        outb[b], o_hbm.at[pl.ds(poff, ch)],
                        outsems.at[b]).wait()

                fc = lax.rem(g, ch_per_batch) * _FCH
                for fo in range(_FCH):
                    ebase = (fc + fo) * D
                    evs = [eb[pl.ds(ebase + 16 * v, 16)] for v in range(nvec)]

                    @pl.loop(0, N)
                    def _rows(n, fo=fo, evs=evs, b=b):
                        rb = fo * row + n * D
                        for v in range(nvec):
                            sl = pl.ds(rb + 16 * v, 16)
                            outb[b][sl] = inb[b][sl] + evs[v]

                pltpu.async_copy(
                    outb[b], o_hbm.at[pl.ds(off, ch)], outsems.at[b])

                ng = g + _NBUF

                @pl.when(ng < nchunk)
                def _next_in():
                    pltpu.async_copy(
                        x_hbm.at[pl.ds(base + ng * ch, ch)], inb[b],
                        insems.at[b])

        for b in range(_NBUF):
            goff = base + (nchunk - _NBUF + b) * ch
            pltpu.make_async_copy(
                outb[b], o_hbm.at[pl.ds(goff, ch)], outsems.at[b]).wait()

    return sc_add


def kernel(x, in_F, out_F, table):
    B, F, N, D = x.shape
    emb = pl.pallas_call(
        functools.partial(_emb_kernel, F=F),
        in_specs=[pl.BlockSpec((table.shape[0], D), lambda: (0, 0))],
        out_specs=pl.BlockSpec((F, D), lambda: (0, 0)),
        out_shape=jax.ShapeDtypeStruct((F, D), jnp.float32),
    )(table)
    sc_add = _make_sc_add(B, F, N, D)
    out = sc_add(x.reshape(-1), emb.reshape(-1))
    return out.reshape(B, F, N, D)

# --- scband reference (transcript-rebuilt; emitter-appended) ---
"""Pipeline reference for scband-learnedbb3d-encoding-70686571757798 (READ-ONLY COPY).

The authoritative reference and input builder live on the scoring server;
editing this copy changes nothing except your own understanding.
"""

import jax, jax.numpy as jnp
import numpy as np


def setup_inputs(seed: int = 0) -> dict:
    key = jax.random.key(seed)
    k1, k2 = jax.random.split(key)
    x = jax.random.normal(k1, (128, 50, 12, 256), dtype=jnp.float32)
    # learned parameter: nn.Embedding(max_obs_len=200, d_model=256, max_norm=True)
    table = jax.random.normal(k2, (200, 256), dtype=jnp.float32)
    return {"x": x, "in_F": 50, "out_F": 100, "table": table}


def reference(x, in_F, out_F, table):
    # torch.arange(in_F - 1, -1, -1): reversed indices [in_F-1, ..., 0]
    idx = in_F - 1 - jnp.arange(x.shape[1])
    # embedding lookup (gather)
    emb = jnp.take(table, idx, axis=0)  # [in_F, d_model]
    # nn.Embedding max_norm=True -> max_norm=1.0: renorm looked-up rows to L2 norm <= 1
    norms = jnp.linalg.norm(emb, axis=-1, keepdims=True)
    emb = jnp.where(norms > 1.0, emb / jnp.maximum(norms, 1e-12), emb)
    # unsqueeze(1).unsqueeze(0) -> [1, in_F, 1, d_model], broadcast-add to x [B, in_F, N, d_model]
    out = x + emb[None, :, None, :]
    # dropout in eval mode = identity
    return out

if __name__ == "__main__":
    import jax
    _d = setup_inputs()
    print(jax.jit(kernel)(*tuple(_d.values())))

</pallas_src>

<mosaic_0001>
#map = affine_map<(d0, d1) -> (0)>
module attributes {stable_mosaic.version = 14 : i64} {
  func.func @sc_add(%arg0: i32, %arg1: i32, %arg2: memref<19660800xf32, #tpu.memory_space<hbm>>, %arg3: memref<12800xf32, #tpu.memory_space<hbm>>, %arg4: memref<19660800xf32, #tpu.memory_space<hbm>>, %arg5: memref<12800xf32, #tpu.memory_space<vmem>>, %arg6: memref<15360xf32, #tpu.memory_space<vmem>>, %arg7: memref<15360xf32, #tpu.memory_space<vmem>>, %arg8: memref<15360xf32, #tpu.memory_space<vmem>>, %arg9: memref<15360xf32, #tpu.memory_space<vmem>>, %arg10: memref<2x!tpu.dma_semaphore, #tpu.memory_space<semaphore_mem>>, %arg11: memref<2x!tpu.dma_semaphore, #tpu.memory_space<semaphore_mem>>) attributes {dimension_semantics = [#tpu.dimension_semantics<core_parallel>, #tpu.dimension_semantics<subcore_parallel>], iteration_bounds = array<i64: 2, 16>, scalar_prefetch = 0 : i64, scratch_operands = 7 : i64, tpu.core_type = #tpu.core_type<sc_vector_subcore>, window_params = [{transform_indices = #map}, {transform_indices = #map}, {transform_indices = #map}]} {
    %mul3A = arith.constant 2 : i32
    %mul3A_0 = arith.muli %arg1, %mul3A : i32
    %add3A = arith.addi %mul3A_0, %arg0 : i32
    %mul3A_1 = arith.constant 614400 : i32
    %mul3A_2 = arith.muli %add3A, %mul3A_1 : i32
    "tpu.region"() ({
      %run_scoped3A = tpu.sem_alloc : memref<!tpu.dma_semaphore, #tpu.memory_space<semaphore_mem>>
      tpu.enqueue_dma source(%arg3 : memref<12800xf32, #tpu.memory_space<hbm>>) target(%arg5 : memref<12800xf32, #tpu.memory_space<vmem>>) target_semaphore(%run_scoped3A : memref<!tpu.dma_semaphore, #tpu.memory_space<semaphore_mem>>)
      tpu.wait_dma2 semaphore(%run_scoped3A : memref<!tpu.dma_semaphore, #tpu.memory_space<semaphore_mem>>) src(%arg3 : memref<12800xf32, #tpu.memory_space<hbm>>) dst(%arg5 : memref<12800xf32, #tpu.memory_space<vmem>>)
      tpu.yield
    }) : () -> ()
    %add3A_3 = arith.constant 0 : i32
    %add3A_4 = arith.addi %mul3A_2, %add3A_3 : i32
    %dma_start3A = arith.constant 0 : i32
    %dma_start3A_5 = tpu.memref_slice %arg2[%add3A_4] : memref<19660800xf32, #tpu.memory_space<hbm>> -> memref<15360xf32, #tpu.memory_space<hbm>>
    %dma_start3A_6 = tpu.memref_slice %arg10[%dma_start3A] : memref<2x!tpu.dma_semaphore, #tpu.memory_space<semaphore_mem>> -> memref<1x!tpu.dma_semaphore, #tpu.memory_space<semaphore_mem>>
    %dma_start3A_7 = tpu.memref_squeeze %dma_start3A_6 : memref<1x!tpu.dma_semaphore, #tpu.memory_space<semaphore_mem>> -> memref<!tpu.dma_semaphore, #tpu.memory_space<semaphore_mem>>
    %dma_start3A_8 = tpu.memref_slice %arg2[%add3A_4] : memref<19660800xf32, #tpu.memory_space<hbm>> -> memref<15360xf32, #tpu.memory_space<hbm>>
    tpu.enqueue_dma source(%dma_start3A_8 : memref<15360xf32, #tpu.memory_space<hbm>>) target(%arg6 : memref<15360xf32, #tpu.memory_space<vmem>>) target_semaphore(%dma_start3A_7 : memref<!tpu.dma_semaphore, #tpu.memory_space<semaphore_mem>>)
    %add3A_9 = arith.constant 15360 : i32
    %add3A_10 = arith.addi %mul3A_2, %add3A_9 : i32
    %dma_start3A_11 = arith.constant 1 : i32
    %dma_start3A_12 = tpu.memref_slice %arg2[%add3A_10] : memref<19660800xf32, #tpu.memory_space<hbm>> -> memref<15360xf32, #tpu.memory_space<hbm>>
    %dma_start3A_13 = tpu.memref_slice %arg10[%dma_start3A_11] : memref<2x!tpu.dma_semaphore, #tpu.memory_space<semaphore_mem>> -> memref<1x!tpu.dma_semaphore, #tpu.memory_space<semaphore_mem>>
    %dma_start3A_14 = tpu.memref_squeeze %dma_start3A_13 : memref<1x!tpu.dma_semaphore, #tpu.memory_space<semaphore_mem>> -> memref<!tpu.dma_semaphore, #tpu.memory_space<semaphore_mem>>
    %dma_start3A_15 = tpu.memref_slice %arg2[%add3A_10] : memref<19660800xf32, #tpu.memory_space<hbm>> -> memref<15360xf32, #tpu.memory_space<hbm>>
    tpu.enqueue_dma source(%dma_start3A_15 : memref<15360xf32, #tpu.memory_space<hbm>>) target(%arg7 : memref<15360xf32, #tpu.memory_space<vmem>>) target_semaphore(%dma_start3A_14 : memref<!tpu.dma_semaphore, #tpu.memory_space<semaphore_mem>>)
    %scan3A = arith.constant 0 : i32
    %scan3A_16 = arith.constant 20 : i32
    %scan3A_17 = arith.addi %scan3A, %scan3A_16 : i32
    %scan3A_18 = arith.constant 1 : i32
    scf.for %scan3A_33 = %scan3A to %scan3A_17 step %scan3A_18  : i32 {
      %mul3A_34 = arith.constant 2 : i32
      %mul3A_35 = arith.muli %scan3A_33, %mul3A_34 : i32
      %add3A_36 = arith.constant 0 : i32
      %add3A_37 = arith.addi %add3A_36, %mul3A_35 : i32
      %add3A_38 = arith.constant 0 : i32
      %add3A_39 = arith.addi %add3A_37, %add3A_38 : i32
      %mul3A_40 = arith.constant 15360 : i32
      %mul3A_41 = arith.muli %add3A_39, %mul3A_40 : i32
      %add3A_42 = arith.addi %mul3A_2, %mul3A_41 : i32
      %dma_wait3A_43 = arith.constant 0 : i32
      %dma_wait3A_44 = tpu.memref_slice %arg2[%add3A_42] : memref<19660800xf32, #tpu.memory_space<hbm>> -> memref<15360xf32, #tpu.memory_space<hbm>>
      %dma_wait3A_45 = tpu.memref_slice %arg10[%dma_wait3A_43] : memref<2x!tpu.dma_semaphore, #tpu.memory_space<semaphore_mem>> -> memref<1x!tpu.dma_semaphore, #tpu.memory_space<semaphore_mem>>
      %dma_wait3A_46 = tpu.memref_squeeze %dma_wait3A_45 : memref<1x!tpu.dma_semaphore, #tpu.memory_space<semaphore_mem>> -> memref<!tpu.dma_semaphore, #tpu.memory_space<semaphore_mem>>
      %dma_wait3A_47 = tpu.memref_slice %arg2[%add3A_42] : memref<19660800xf32, #tpu.memory_space<hbm>> -> memref<15360xf32, #tpu.memory_space<hbm>>
      tpu.wait_dma2 semaphore(%dma_wait3A_46 : memref<!tpu.dma_semaphore, #tpu.memory_space<semaphore_mem>>) src(%dma_wait3A_47 : memref<15360xf32, #tpu.memory_space<hbm>>) dst(%arg6 : memref<15360xf32, #tpu.memory_space<vmem>>)
      %gt3A = arith.constant 0 : i32
      %gt3A_48 = arith.cmpi sgt, %add3A_37, %gt3A : i32
      %convert_element_type3A = arith.extui %gt3A_48 : i1 to i32
      %cond3A = arith.constant 0 : i32
      %cond3A_49 = arith.cmpi ne, %convert_element_type3A, %cond3A : i32
      scf.if %cond3A_49 {
        %sub3A = arith.constant 2 : i32
        %sub3A_984 = arith.subi %add3A_39, %sub3A : i32
        %mul3A_985 = arith.constant 15360 : i32
        %mul3A_986 = arith.muli %sub3A_984, %mul3A_985 : i32
        %add3A_987 = arith.addi %mul3A_2, %mul3A_986 : i32
        %dma_wait3A_988 = arith.constant 0 : i32
        %dma_wait3A_989 = tpu.memref_slice %arg4[%add3A_987] : memref<19660800xf32, #tpu.memory_space<hbm>> -> memref<15360xf32, #tpu.memory_space<hbm>>
        %dma_wait3A_990 = tpu.memref_slice %arg11[%dma_wait3A_988] : memref<2x!tpu.dma_semaphore, #tpu.memory_space<semaphore_mem>> -> memref<1x!tpu.dma_semaphore, #tpu.memory_space<semaphore_mem>>
        %dma_wait3A_991 = tpu.memref_squeeze %dma_wait3A_990 : memref<1x!tpu.dma_semaphore, #tpu.memory_space<semaphore_mem>> -> memref<!tpu.dma_semaphore, #tpu.memory_space<semaphore_mem>>
        %dma_wait3A_992 = tpu.memref_slice %arg4[%add3A_987] : memref<19660800xf32, #tpu.memory_space<hbm>> -> memref<15360xf32, #tpu.memory_space<hbm>>
        tpu.wait_dma2 semaphore(%dma_wait3A_991 : memref<!tpu.dma_semaphore, #tpu.memory_space<semaphore_mem>>) src(%arg8 : memref<15360xf32, #tpu.memory_space<vmem>>) dst(%dma_wait3A_992 : memref<15360xf32, #tpu.memory_space<hbm>>)
      } else {
      }
      %rem3A = arith.constant 10 : i32
      %rem3A_50 = arith.remsi %add3A_39, %rem3A : i32
      %mul3A_51 = arith.constant 5 : i32
      %mul3A_52 = arith.muli %rem3A_50, %mul3A_51 : i32
      %add3A_53 = arith.constant 0 : i32
      %add3A_54 = arith.addi %mul3A_52, %add3A_53 : i32
      %mul3A_55 = arith.constant 256 : i32
      %mul3A_56 = arith.muli %add3A_54, %mul3A_55 : i32
      %add3A_57 = arith.constant 0 : i32
      %add3A_58 = arith.addi %mul3A_56, %add3A_57 : i32
      %get3A = arith.index_cast %add3A_58 : i32 to index
      %get3A_59 = tpu.vector_load %arg5[%get3A] {strides = array<i32>} : memref<12800xf32, #tpu.memory_space<vmem>>, vector<16xf32>,
      %get3A_60 = vector.shape_cast %get3A_59 : vector<16xf32> to vector<16xf32>
      %add3A_61 = arith.constant 16 : i32
      %add3A_62 = arith.addi %mul3A_56, %add3A_61 : i32
      %get3A_63 = arith.index_cast %add3A_62 : i32 to index
      %get3A_64 = tpu.vector_load %arg5[%get3A_63] {strides = array<i32>} : memref<12800xf32, #tpu.memory_space<vmem>>, vector<16xf32>,
      %get3A_65 = vector.shape_cast %get3A_64 : vector<16xf32> to vector<16xf32>
      %add3A_66 = arith.constant 32 : i32
      %add3A_67 = arith.addi %mul3A_56, %add3A_66 : i32
      %get3A_68 = arith.index_cast %add3A_67 : i32 to index
      %get3A_69 = tpu.vector_load %arg5[%get3A_68] {strides = array<i32>} : memref<12800xf32, #tpu.memory_space<vmem>>, vector<16xf32>,
      %get3A_70 = vector.shape_cast %get3A_69 : vector<16xf32> to vector<16xf32>
      %add3A_71 = arith.constant 48 : i32
      %add3A_72 = arith.addi %mul3A_56, %add3A_71 : i32
      %get3A_73 = arith.index_cast %add3A_72 : i32 to index
      %get3A_74 = tpu.vector_load %arg5[%get3A_73] {strides = array<i32>} : memref<12800xf32, #tpu.memory_space<vmem>>, vector<16xf32>,
      %get3A_75 = vector.shape_cast %get3A_74 : vector<16xf32> to vector<16xf32>
      %add3A_76 = arith.constant 64 : i32
      %add3A_77 = arith.addi %mul3A_56, %add3A_76 : i32
      %get3A_78 = arith.index_cast %add3A_77 : i32 to index
      %get3A_79 = tpu.vector_load %arg5[%get3A_78] {strides = array<i32>} : memref<12800xf32, #tpu.memory_space<vmem>>, vector<16xf32>,
      %get3A_80 = vector.shape_cast %get3A_79 : vector<16xf32> to vector<16xf32>
      %add3A_81 = arith.constant 80 : i32
      %add3A_82 = arith.addi %mul3A_56, %add3A_81 : i32
      %get3A_83 = arith.index_cast %add3A_82 : i32 to index
      %get3A_84 = tpu.vector_load %arg5[%get3A_83] {strides = array<i32>} : memref<12800xf32, #tpu.memory_space<vmem>>, vector<16xf32>,
      %get3A_85 = vector.shape_cast %get3A_84 : vector<16xf32> to vector<16xf32>
      %add3A_86 = arith.constant 96 : i32
      %add3A_87 = arith.addi %mul3A_56, %add3A_86 : i32
      %get3A_88 = arith.index_cast %add3A_87 : i32 to index
      %get3A_89 = tpu.vector_load %arg5[%get3A_88] {strides = array<i32>} : memref<12800xf32, #tpu.memory_space<vmem>>, vector<16xf32>,
      %get3A_90 = vector.shape_cast %get3A_89 : vector<16xf32> to vector<16xf32>
      %add3A_91 = arith.constant 112 : i32
      %add3A_92 = arith.addi %mul3A_56, %add3A_91 : i32
      %get3A_93 = arith.index_cast %add3A_92 : i32 to index
      %get3A_94 = tpu.vector_load %arg5[%get3A_93] {strides = array<i32>} : memref<12800xf32, #tpu.memory_space<vmem>>, vector<16xf32>,
      %get3A_95 = vector.shape_cast %get3A_94 : vector<16xf32> to vector<16xf32>
      %add3A_96 = arith.constant 128 : i32
      %add3A_97 = arith.addi %mul3A_56, %add3A_96 : i32
      %get3A_98 = arith.index_cast %add3A_97 : i32 to index
      %get3A_99 = tpu.vector_load %arg5[%get3A_98] {strides = array<i32>} : memref<12800xf32, #tpu.memory_space<vmem>>, vector<16xf32>,
      %get3A_100 = vector.shape_cast %get3A_99 : vector<16xf32> to vector<16xf32>
      %add3A_101 = arith.constant 144 : i32
      %add3A_102 = arith.addi %mul3A_56, %add3A_101 : i32
      %get3A_103 = arith.index_cast %add3A_102 : i32 to index
      %get3A_104 = tpu.vector_load %arg5[%get3A_103] {strides = array<i32>} : memref<12800xf32, #tpu.memory_space<vmem>>, vector<16xf32>,
      %get3A_105 = vector.shape_cast %get3A_104 : vector<16xf32> to vector<16xf32>
      %add3A_106 = arith.constant 160 : i32
      %add3A_107 = arith.addi %mul3A_56, %add3A_106 : i32
      %get3A_108 = arith.index_cast %add3A_107 : i32 to index
      %get3A_109 = tpu.vector_load %arg5[%get3A_108] {strides = array<i32>} : memref<12800xf32, #tpu.memory_space<vmem>>, vector<16xf32>,
      %get3A_110 = vector.shape_cast %get3A_109 : vector<16xf32> to vector<16xf32>
      %add3A_111 = arith.constant 176 : i32
      %add3A_112 = arith.addi %mul3A_56, %add3A_111 : i32
      %get3A_113 = arith.index_cast %add3A_112 : i32 to index
      %get3A_114 = tpu.vector_load %arg5[%get3A_113] {strides = array<i32>} : memref<12800xf32, #tpu.memory_space<vmem>>, vector<16xf32>,
      %get3A_115 = vector.shape_cast %get3A_114 : vector<16xf32> to vector<16xf32>
      %add3A_116 = arith.constant 192 : i32
      %add3A_117 = arith.addi %mul3A_56, %add3A_116 : i32
      %get3A_118 = arith.index_cast %add3A_117 : i32 to index
      %get3A_119 = tpu.vector_load %arg5[%get3A_118] {strides = array<i32>} : memref<12800xf32, #tpu.memory_space<vmem>>, vector<16xf32>,
      %get3A_120 = vector.shape_cast %get3A_119 : vector<16xf32> to vector<16xf32>
      %add3A_121 = arith.constant 208 : i32
      %add3A_122 = arith.addi %mul3A_56, %add3A_121 : i32
      %get3A_123 = arith.index_cast %add3A_122 : i32 to index
      %get3A_124 = tpu.vector_load %arg5[%get3A_123] {strides = array<i32>} : memref<12800xf32, #tpu.memory_space<vmem>>, vector<16xf32>,
      %get3A_125 = vector.shape_cast %get3A_124 : vector<16xf32> to vector<16xf32>
      %add3A_126 = arith.constant 224 : i32
      %add3A_127 = arith.addi %mul3A_56, %add3A_126 : i32
      %get3A_128 = arith.index_cast %add3A_127 : i32 to index
      %get3A_129 = tpu.vector_load %arg5[%get3A_128] {strides = array<i32>} : memref<12800xf32, #tpu.memory_space<vmem>>, vector<16xf32>,
      %get3A_130 = vector.shape_cast %get3A_129 : vector<16xf32> to vector<16xf32>
      %add3A_131 = arith.constant 240 : i32
      %add3A_132 = arith.addi %mul3A_56, %add3A_131 : i32
      %get3A_133 = arith.index_cast %add3A_132 : i32 to index
      %get3A_134 = tpu.vector_load %arg5[%get3A_133] {strides = array<i32>} : memref<12800xf32, #tpu.memory_space<vmem>>, vector<16xf32>,
      %get3A_135 = vector.shape_cast %get3A_134 : vector<16xf32> to vector<16xf32>
      %scan3A_136 = arith.constant 0 : i32
      %scan3A_137 = arith.constant 12 : i32
      %scan3A_138 = arith.addi %scan3A_136, %scan3A_137 : i32
      %scan3A_139 = arith.constant 1 : i32
      scf.for %scan3A_984 = %scan3A_136 to %scan3A_138 step %scan3A_139  : i32 {
        %mul3A_985 = arith.constant 1 : i32
        %mul3A_986 = arith.muli %scan3A_984, %mul3A_985 : i32
        %add3A_987 = arith.constant 0 : i32
        %add3A_988 = arith.addi %add3A_987, %mul3A_986 : i32
        %mul3A_989 = arith.constant 256 : i32
        %mul3A_990 = arith.muli %add3A_988, %mul3A_989 : i32
        %add3A_991 = arith.constant 0 : i32
        %add3A_992 = arith.addi %add3A_991, %mul3A_990 : i32
        %add3A_993 = arith.constant 0 : i32
        %add3A_994 = arith.addi %add3A_992, %add3A_993 : i32
        %get3A_995 = arith.index_cast %add3A_994 : i32 to index
        %get3A_996 = tpu.vector_load %arg6[%get3A_995] {strides = array<i32>} : memref<15360xf32, #tpu.memory_space<vmem>>, vector<16xf32>,
        %get3A_997 = vector.shape_cast %get3A_996 : vector<16xf32> to vector<16xf32>
        %add3A_998 = arith.addf %get3A_997, %get3A_60 : vector<16xf32>
        %swap3A = arith.index_cast %add3A_994 : i32 to index
        %swap3A_999 = tpu.vector_load %arg8[%swap3A] {strides = array<i32>} : memref<15360xf32, #tpu.memory_space<vmem>>, vector<16xf32>,
        %swap3A_1000 = vector.shape_cast %swap3A_999 : vector<16xf32> to vector<16xf32>
        %swap3A_1001 = vector.shape_cast %add3A_998 : vector<16xf32> to vector<16xf32>
        tpu.vector_store %arg8[%swap3A], %swap3A_1001 {strides = array<i32>} : memref<15360xf32, #tpu.memory_space<vmem>>, vector<16xf32>,
        %add3A_1002 = arith.constant 16 : i32
        %add3A_1003 = arith.addi %add3A_992, %add3A_1002 : i32
        %get3A_1004 = arith.index_cast %add3A_1003 : i32 to index
        %get3A_1005 = tpu.vector_load %arg6[%get3A_1004] {strides = array<i32>} : memref<15360xf32, #tpu.memory_space<vmem>>, vector<16xf32>,
        %get3A_1006 = vector.shape_cast %get3A_1005 : vector<16xf32> to vector<16xf32>
        %add3A_1007 = arith.addf %get3A_1006, %get3A_65 : vector<16xf32>
        %swap3A_1008 = arith.index_cast %add3A_1003 : i32 to index
        %swap3A_1009 = tpu.vector_load %arg8[%swap3A_1008] {strides = array<i32>} : memref<15360xf32, #tpu.memory_space<vmem>>, vector<16xf32>,
        %swap3A_1010 = vector.shape_cast %swap3A_1009 : vector<16xf32> to vector<16xf32>
        %swap3A_1011 = vector.shape_cast %add3A_1007 : vector<16xf32> to vector<16xf32>
        tpu.vector_store %arg8[%swap3A_1008], %swap3A_1011 {strides = array<i32>} : memref<15360xf32, #tpu.memory_space<vmem>>, vector<16xf32>,
        %add3A_1012 = arith.constant 32 : i32
        %add3A_1013 = arith.addi %add3A_992, %add3A_1012 : i32
        %get3A_1014 = arith.index_cast %add3A_1013 : i32 to index
        %get3A_1015 = tpu.vector_load %arg6[%get3A_1014] {strides = array<i32>} : memref<15360xf32, #tpu.memory_space<vmem>>, vector<16xf32>,
        %get3A_1016 = vector.shape_cast %get3A_1015 : vector<16xf32> to vector<16xf32>
        %add3A_1017 = arith.addf %get3A_1016, %get3A_70 : vector<16xf32>
        %swap3A_1018 = arith.index_cast %add3A_1013 : i32 to index
        %swap3A_1019 = tpu.vector_load %arg8[%swap3A_1018] {strides = array<i32>} : memref<15360xf32, #tpu.memory_space<vmem>>, vector<16xf32>,
        %swap3A_1020 = vector.shape_cast %swap3A_1019 : vector<16xf32> to vector<16xf32>
        %swap3A_1021 = vector.shape_cast %add3A_1017 : vector<16xf32> to vector<16xf32>
        tpu.vector_store %arg8[%swap3A_1018], %swap3A_1021 {strides = array<i32>} : memref<15360xf32, #tpu.memory_space<vmem>>, vector<16xf32>,
        %add3A_1022 = arith.constant 48 : i32
        %add3A_1023 = arith.addi %add3A_992, %add3A_1022 : i32
        %get3A_1024 = arith.index_cast %add3A_1023 : i32 to index
        %get3A_1025 = tpu.vector_load %arg6[%get3A_1024] {strides = array<i32>} : memref<15360xf32, #tpu.memory_space<vmem>>, vector<16xf32>,
        %get3A_1026 = vector.shape_cast %get3A_1025 : vector<16xf32> to vector<16xf32>
        %add3A_1027 = arith.addf %get3A_1026, %get3A_75 : vector<16xf32>
        %swap3A_1028 = arith.index_cast %add3A_1023 : i32 to index
        %swap3A_1029 = tpu.vector_load %arg8[%swap3A_1028] {strides = array<i32>} : memref<15360xf32, #tpu.memory_space<vmem>>, vector<16xf32>,
        %swap3A_1030 = vector.shape_cast %swap3A_1029 : vector<16xf32> to vector<16xf32>
        %swap3A_1031 = vector.shape_cast %add3A_1027 : vector<16xf32> to vector<16xf32>
        tpu.vector_store %arg8[%swap3A_1028], %swap3A_1031 {strides = array<i32>} : memref<15360xf32, #tpu.memory_space<vmem>>, vector<16xf32>,
        %add3A_1032 = arith.constant 64 : i32
        %add3A_1033 = arith.addi %add3A_992, %add3A_1032 : i32
        %get3A_1034 = arith.index_cast %add3A_1033 : i32 to index
        %get3A_1035 = tpu.vector_load %arg6[%get3A_1034] {strides = array<i32>} : memref<15360xf32, #tpu.memory_space<vmem>>, vector<16xf32>,
        %get3A_1036 = vector.shape_cast %get3A_1035 : vector<16xf32> to vector<16xf32>
        %add3A_1037 = arith.addf %get3A_1036, %get3A_80 : vector<16xf32>
        %swap3A_1038 = arith.index_cast %add3A_1033 : i32 to index
        %swap3A_1039 = tpu.vector_load %arg8[%swap3A_1038] {strides = array<i32>} : memref<15360xf32, #tpu.memory_space<vmem>>, vector<16xf32>,
        %swap3A_1040 = vector.shape_cast %swap3A_1039 : vector<16xf32> to vector<16xf32>
        %swap3A_1041 = vector.shape_cast %add3A_1037 : vector<16xf32> to vector<16xf32>
        tpu.vector_store %arg8[%swap3A_1038], %swap3A_1041 {strides = array<i32>} : memref<15360xf32, #tpu.memory_space<vmem>>, vector<16xf32>,
        %add3A_1042 = arith.constant 80 : i32
        %add3A_1043 = arith.addi %add3A_992, %add3A_1042 : i32
        %get3A_1044 = arith.index_cast %add3A_1043 : i32 to index
        %get3A_1045 = tpu.vector_load %arg6[%get3A_1044] {strides = array<i32>} : memref<15360xf32, #tpu.memory_space<vmem>>, vector<16xf32>,
        %get3A_1046 = vector.shape_cast %get3A_1045 : vector<16xf32> to vector<16xf32>
        %add3A_1047 = arith.addf %get3A_1046, %get3A_85 : vector<16xf32>
        %swap3A_1048 = arith.index_cast %add3A_1043 : i32 to index
        %swap3A_1049 = tpu.vector_load %arg8[%swap3A_1048] {strides = array<i32>} : memref<15360xf32, #tpu.memory_space<vmem>>, vector<16xf32>,
        %swap3A_1050 = vector.shape_cast %swap3A_1049 : vector<16xf32> to vector<16xf32>
        %swap3A_1051 = vector.shape_cast %add3A_1047 : vector<16xf32> to vector<16xf32>
        tpu.vector_store %arg8[%swap3A_1048], %swap3A_1051 {strides = array<i32>} : memref<15360xf32, #tpu.memory_space<vmem>>, vector<16xf32>,
        %add3A_1052 = arith.constant 96 : i32
        %add3A_1053 = arith.addi %add3A_992, %add3A_1052 : i32
        %get3A_1054 = arith.index_cast %add3A_1053 : i32 to index
        %get3A_1055 = tpu.vector_load %arg6[%get3A_1054] {strides = array<i32>} : memref<15360xf32, #tpu.memory_space<vmem>>, vector<16xf32>,
        %get3A_1056 = vector.shape_cast %get3A_1055 : vector<16xf32> to vector<16xf32>
        %add3A_1057 = arith.addf %get3A_1056, %get3A_90 : vector<16xf32>
        %swap3A_1058 = arith.index_cast %add3A_1053 : i32 to index
        %swap3A_1059 = tpu.vector_load %arg8[%swap3A_1058] {strides = array<i32>} : memref<15360xf32, #tpu.memory_space<vmem>>, vector<16xf32>,
        %swap3A_1060 = vector.shape_cast %swap3A_1059 : vector<16xf32> to vector<16xf32>
        %swap3A_1061 = vector.shape_cast %add3A_1057 : vector<16xf32> to vector<16xf32>
        tpu.vector_store %arg8[%swap3A_1058], %swap3A_1061 {strides = array<i32>} : memref<15360xf32, #tpu.memory_space<vmem>>, vector<16xf32>,
        %add3A_1062 = arith.constant 112 : i32
        %add3A_1063 = arith.addi %add3A_992, %add3A_1062 : i32
        %get3A_1064 = arith.index_cast %add3A_1063 : i32 to index
        %get3A_1065 = tpu.vector_load %arg6[%get3A_1064] {strides = array<i32>} : memref<15360xf32, #tpu.memory_space<vmem>>, vector<16xf32>,
        %get3A_1066 = vector.shape_cast %get3A_1065 : vector<16xf32> to vector<16xf32>
        %add3A_1067 = arith.addf %get3A_1066, %get3A_95 : vector<16xf32>
        %swap3A_1068 = arith.index_cast %add3A_1063 : i32 to index
        %swap3A_1069 = tpu.vector_load %arg8[%swap3A_1068] {strides = array<i32>} : memref<15360xf32, #tpu.memory_space<vmem>>, vector<16xf32>,
        %swap3A_1070 = vector.shape_cast %swap3A_1069 : vector<16xf32> to vector<16xf32>
        %swap3A_1071 = vector.shape_cast %add3A_1067 : vector<16xf32> to vector<16xf32>
        tpu.vector_store %arg8[%swap3A_1068], %swap3A_1071 {strides = array<i32>} : memref<15360xf32, #tpu.memory_space<vmem>>, vector<16xf32>,
        %add3A_1072 = arith.constant 128 : i32
        %add3A_1073 = arith.addi %add3A_992, %add3A_1072 : i32
        %get3A_1074 = arith.index_cast %add3A_1073 : i32 to index
        %get3A_1075 = tpu.vector_load %arg6[%get3A_1074] {strides = array<i32>} : memref<15360xf32, #tpu.memory_space<vmem>>, vector<16xf32>,
        %get3A_1076 = vector.shape_cast %get3A_1075 : vector<16xf32> to vector<16xf32>
        %add3A_1077 = arith.addf %get3A_1076, %get3A_100 : vector<16xf32>
        %swap3A_1078 = arith.index_cast %add3A_1073 : i32 to index
        %swap3A_1079 = tpu.vector_load %arg8[%swap3A_1078] {strides = array<i32>} : memref<15360xf32, #tpu.memory_space<vmem>>, vector<16xf32>,
        %swap3A_1080 = vector.shape_cast %swap3A_1079 : vector<16xf32> to vector<16xf32>
        %swap3A_1081 = vector.shape_cast %add3A_1077 : vector<16xf32> to vector<16xf32>
        tpu.vector_store %arg8[%swap3A_1078], %swap3A_1081 {strides = array<i32>} : memref<15360xf32, #tpu.memory_space<vmem>>, vector<16xf32>,
        %add3A_1082 = arith.constant 144 : i32
        %add3A_1083 = arith.addi %add3A_992, %add3A_1082 : i32
        %get3A_1084 = arith.index_cast %add3A_1083 : i32 to index
        %get3A_1085 = tpu.vector_load %arg6[%get3A_1084] {strides = array<i32>} : memref<15360xf32, #tpu.memory_space<vmem>>, vector<16xf32>,
        %get3A_1086 = vector.shape_cast %get3A_1085 : vector<16xf32> to vector<16xf32>
        %add3A_1087 = arith.addf %get3A_1086, %get3A_105 : vector<16xf32>
        %swap3A_1088 = arith.index_cast %add3A_1083 : i32 to index
        %swap3A_1089 = tpu.vector_load %arg8[%swap3A_1088] {strides = array<i32>} : memref<15360xf32, #tpu.memory_space<vmem>>, vector<16xf32>,
        %swap3A_1090 = vector.shape_cast %swap3A_1089 : vector<16xf32> to vector<16xf32>
        %swap3A_1091 = vector.shape_cast %add3A_1087 : vector<16xf32> to vector<16xf32>
        tpu.vector_store %arg8[%swap3A_1088], %swap3A_1091 {strides = array<i32>} : memref<15360xf32, #tpu.memory_space<vmem>>, vector<16xf32>,
        %add3A_1092 = arith.constant 160 : i32
        %add3A_1093 = arith.addi %add3A_992, %add3A_1092 : i32
        %get3A_1094 = arith.index_cast %add3A_1093 : i32 to index
        %get3A_1095 = tpu.vector_load %arg6[%get3A_1094] {strides = array<i32>} : memref<15360xf32, #tpu.memory_space<vmem>>, vector<16xf32>,
        %get3A_1096 = vector.shape_cast %get3A_1095 : vector<16xf32> to vector<16xf32>
        %add3A_1097 = arith.addf %get3A_1096, %get3A_110 : vector<16xf32>
        %swap3A_1098 = arith.index_cast %add3A_1093 : i32 to index
        %swap3A_1099 = tpu.vector_load %arg8[%swap3A_1098] {strides = array<i32>} : memref<15360xf32, #tpu.memory_space<vmem>>, vector<16xf32>,
        %swap3A_1100 = vector.shape_cast %swap3A_1099 : vector<16xf32> to vector<16xf32>
        %swap3A_1101 = vector.shape_cast %add3A_1097 : vector<16xf32> to vector<16xf32>
        tpu.vector_store %arg8[%swap3A_1098], %swap3A_1101 {strides = array<i32>} : memref<15360xf32, #tpu.memory_space<vmem>>, vector<16xf32>,
        %add3A_1102 = arith.constant 176 : i32
        %add3A_1103 = arith.addi %add3A_992, %add3A_1102 : i32
        %get3A_1104 = arith.index_cast %add3A_1103 : i32 to index
        %get3A_1105 = tpu.vector_load %arg6[%get3A_1104] {strides = array<i32>} : memref<15360xf32, #tpu.memory_space<vmem>>, vector<16xf32>,
        %get3A_1106 = vector.shape_cast %get3A_1105 : vector<16xf32> to vector<16xf32>
        %add3A_1107 = arith.addf %get3A_1106, %get3A_115 : vector<16xf32>
        %swap3A_1108 = arith.index_cast %add3A_1103 : i32 to index
        %swap3A_1109 = tpu.vector_load %arg8[%swap3A_1108] {strides = array<i32>} : memref<15360xf32, #tpu.memory_space<vmem>>, vector<16xf32>,
        %swap3A_1110 = vector.shape_cast %swap3A_1109 : vector<16xf32> to vector<16xf32>
        %swap3A_1111 = vector.shape_cast %add3A_1107 : vector<16xf32> to vector<16xf32>
        tpu.vector_store %arg8[%swap3A_1108], %swap3A_1111 {strides = array<i32>} : memref<15360xf32, #tpu.memory_space<vmem>>, vector<16xf32>,
        %add3A_1112 = arith.constant 192 : i32
        %add3A_1113 = arith.addi %add3A_992, %add3A_1112 : i32
        %get3A_1114 = arith.index_cast %add3A_1113 : i32 to index
        %get3A_1115 = tpu.vector_load %arg6[%get3A_1114] {strides = array<i32>} : memref<15360xf32, #tpu.memory_space<vmem>>, vector<16xf32>,
        %get3A_1116 = vector.shape_cast %get3A_1115 : vector<16xf32> to vector<16xf32>
        %add3A_1117 = arith.addf %get3A_1116, %get3A_120 : vector<16xf32>
        %swap3A_1118 = arith.index_cast %add3A_1113 : i32 to index
        %swap3A_1119 = tpu.vector_load %arg8[%swap3A_1118] {strides = array<i32>} : memref<15360xf32, #tpu.memory_space<vmem>>, vector<16xf32>,
        %swap3A_1120 = vector.shape_cast %swap3A_1119 : vector<16xf32> to vector<16xf32>
        %swap3A_1121 = vector.shape_cast %add3A_1117 : vector<16xf32> to vector<16xf32>
        tpu.vector_store %arg8[%swap3A_1118], %swap3A_1121 {strides = array<i32>} : memref<15360xf32, #tpu.memory_space<vmem>>, vector<16xf32>,
        %add3A_1122 = arith.constant 208 : i32
        %add3A_1123 = arith.addi %add3A_992, %add3A_1122 : i32
        %get3A_1124 = arith.index_cast %add3A_1123 : i32 to index
        %get3A_1125 = tpu.vector_load %arg6[%get3A_1124] {strides = array<i32>} : memref<15360xf32, #tpu.memory_space<vmem>>, vector<16xf32>,
        %get3A_1126 = vector.shape_cast %get3A_1125 : vector<16xf32> to vector<16xf32>
        %add3A_1127 = arith.addf %get3A_1126, %get3A_125 : vector<16xf32>
        %swap3A_1128 = arith.index_cast %add3A_1123 : i32 to index
        %swap3A_1129 = tpu.vector_load %arg8[%swap3A_1128] {strides = array<i32>} : memref<15360xf32, #tpu.memory_space<vmem>>, vector<16xf32>,
        %swap3A_1130 = vector.shape_cast %swap3A_1129 : vector<16xf32> to vector<16xf32>
        %swap3A_1131 = vector.shape_cast %add3A_1127 : vector<16xf32> to vector<16xf32>
        tpu.vector_store %arg8[%swap3A_1128], %swap3A_1131 {strides = array<i32>} : memref<15360xf32, #tpu.memory_space<vmem>>, vector<16xf32>,
        %add3A_1132 = arith.constant 224 : i32
        %add3A_1133 = arith.addi %add3A_992, %add3A_1132 : i32
        %get3A_1134 = arith.index_cast %add3A_1133 : i32 to index
        %get3A_1135 = tpu.vector_load %arg6[%get3A_1134] {strides = array<i32>} : memref<15360xf32, #tpu.memory_space<vmem>>, vector<16xf32>,
        %get3A_1136 = vector.shape_cast %get3A_1135 : vector<16xf32> to vector<16xf32>
        %add3A_1137 = arith.addf %get3A_1136, %get3A_130 : vector<16xf32>
        %swap3A_1138 = arith.index_cast %add3A_1133 : i32 to index
        %swap3A_1139 = tpu.vector_load %arg8[%swap3A_1138] {strides = array<i32>} : memref<15360xf32, #tpu.memory_space<vmem>>, vector<16xf32>,
        %swap3A_1140 = vector.shape_cast %swap3A_1139 : vector<16xf32> to vector<16xf32>
        %swap3A_1141 = vector.shape_cast %add3A_1137 : vector<16xf32> to vector<16xf32>
        tpu.vector_store %arg8[%swap3A_1138], %swap3A_1141 {strides = array<i32>} : memref<15360xf32, #tpu.memory_space<vmem>>, vector<16xf32>,
        %add3A_1142 = arith.constant 240 : i32
        %add3A_1143 = arith.addi %add3A_992, %add3A_1142 : i32
        %get3A_1144 = arith.index_cast %add3A_1143 : i32 to index
        %get3A_1145 = tpu.vector_load %arg6[%get3A_1144] {strides = array<i32>} : memref<15360xf32, #tpu.memory_space<vmem>>, vector<16xf32>,
        %get3A_1146 = vector.shape_cast %get3A_1145 : vector<16xf32> to vector<16xf32>
        %add3A_1147 = arith.addf %get3A_1146, %get3A_135 : vector<16xf32>
        %swap3A_1148 = arith.index_cast %add3A_1143 : i32 to index
        %swap3A_1149 = tpu.vector_load %arg8[%swap3A_1148] {strides = array<i32>} : memref<15360xf32, #tpu.memory_space<vmem>>, vector<16xf32>,
        %swap3A_1150 = vector.shape_cast %swap3A_1149 : vector<16xf32> to vector<16xf32>
        %swap3A_1151 = vector.shape_cast %add3A_1147 : vector<16xf32> to vector<16xf32>
        tpu.vector_store %arg8[%swap3A_1148], %swap3A_1151 {strides = array<i32>} : memref<15360xf32, #tpu.memory_space<vmem>>, vector<16xf32>,
      }
      %scan3A_140 = arith.constant 12 : i32
      %add3A_141 = arith.constant 1 : i32
      %add3A_142 = arith.addi %mul3A_52, %add3A_141 : i32
      %mul3A_143 = arith.constant 256 : i32
      %mul3A_144 = arith.muli %add3A_142, %mul3A_143 : i32
      %add3A_145 = arith.constant 0 : i32
      %add3A_146 = arith.addi %mul3A_144, %add3A_145 : i32
      %get3A_147 = arith.index_cast %add3A_146 : i32 to index
      %get3A_148 = tpu.vector_load %arg5[%get3A_147] {strides = array<i32>} : memref<12800xf32, #tpu.memory_space<vmem>>, vector<16xf32>,
      %get3A_149 = vector.shape_cast %get3A_148 : vector<16xf32> to vector<16xf32>
      %add3A_150 = arith.constant 16 : i32
      %add3A_151 = arith.addi %mul3A_144, %add3A_150 : i32
      %get3A_152 = arith.index_cast %add3A_151 : i32 to index
      %get3A_153 = tpu.vector_load %arg5[%get3A_152] {strides = array<i32>} : memref<12800xf32, #tpu.memory_space<vmem>>, vector<16xf32>,
      %get3A_154 = vector.shape_cast %get3A_153 : vector<16xf32> to vector<16xf32>
      %add3A_155 = arith.constant 32 : i32
      %add3A_156 = arith.addi %mul3A_144, %add3A_155 : i32
      %get3A_157 = arith.index_cast %add3A_156 : i32 to index
      %get3A_158 = tpu.vector_load %arg5[%get3A_157] {strides = array<i32>} : memref<12800xf32, #tpu.memory_space<vmem>>, vector<16xf32>,
      %get3A_159 = vector.shape_cast %get3A_158 : vector<16xf32> to vector<16xf32>
      %add3A_160 = arith.constant 48 : i32
      %add3A_161 = arith.addi %mul3A_144, %add3A_160 : i32
      %get3A_162 = arith.index_cast %add3A_161 : i32 to index
      %get3A_163 = tpu.vector_load %arg5[%get3A_162] {strides = array<i32>} : memref<12800xf32, #tpu.memory_space<vmem>>, vector<16xf32>,
      %get3A_164 = vector.shape_cast %get3A_163 : vector<16xf32> to vector<16xf32>
      %add3A_165 = arith.constant 64 : i32
      %add3A_166 = arith.addi %mul3A_144, %add3A_165 : i32
      %get3A_167 = arith.index_cast %add3A_166 : i32 to index
      %get3A_168 = tpu.vector_load %arg5[%get3A_167] {strides = array<i32>} : memref<12800xf32, #tpu.memory_space<vmem>>, vector<16xf32>,
      %get3A_169 = vector.shape_cast %get3A_168 : vector<16xf32> to vector<16xf32>
      %add3A_170 = arith.constant 80 : i32
      %add3A_171 = arith.addi %mul3A_144, %add3A_170 : i32
      %get3A_172 = arith.index_cast %add3A_171 : i32 to index
      %get3A_173 = tpu.vector_load %arg5[%get3A_172] {strides = array<i32>} : memref<12800xf32, #tpu.memory_space<vmem>>, vector<16xf32>,
      %get3A_174 = vector.shape_cast %get3A_173 : vector<16xf32> to vector<16xf32>
      %add3A_175 = arith.constant 96 : i32
      %add3A_176 = arith.addi %mul3A_144, %add3A_175 : i32
      %get3A_177 = arith.index_cast %add3A_176 : i32 to index
      %get3A_178 = tpu.vector_load %arg5[%get3A_177] {strides = array<i32>} : memref<12800xf32, #tpu.memory_space<vmem>>, vector<16xf32>,
      %get3A_179 = vector.shape_cast %get3A_178 : vector<16xf32> to vector<16xf32>
      %add3A_180 = arith.constant 112 : i32
      %add3A_181 = arith.addi %mul3A_144, %add3A_180 : i32
      %get3A_182 = arith.index_cast %add3A_181 : i32 to index
      %get3A_183 = tpu.vector_load %arg5[%get3A_182] {strides = array<i32>} : memref<12800xf32, #tpu.memory_space<vmem>>, vector<16xf32>,
      %get3A_184 = vector.shape_cast %get3A_183 : vector<16xf32> to vector<16xf32>
      %add3A_185 = arith.constant 128 : i32
      %add3A_186 = arith.addi %mul3A_144, %add3A_185 : i32
      %get3A_187 = arith.index_cast %add3A_186 : i32 to index
      %get3A_188 = tpu.vector_load %arg5[%get3A_187] {strides = array<i32>} : memref<12800xf32, #tpu.memory_space<vmem>>, vector<16xf32>,
      %get3A_189 = vector.shape_cast %get3A_188 : vector<16xf32> to vector<16xf32>
      %add3A_190 = arith.constant 144 : i32
      %add3A_191 = arith.addi %mul3A_144, %add3A_190 : i32
      %get3A_192 = arith.index_cast %add3A_191 : i32 to index
      %get3A_193 = tpu.vector_load %arg5[%get3A_192] {strides = array<i32>} : memref<12800xf32, #tpu.memory_space<vmem>>, vector<16xf32>,
      %get3A_194 = vector.shape_cast %get3A_193 : vector<16xf32> to vector<16xf32>
      %add3A_195 = arith.constant 160 : i32
      %add3A_196 = arith.addi %mul3A_144, %add3A_195 : i32
      %get3A_197 = arith.index_cast %add3A_196 : i32 to index
      %get3A_198 = tpu.vector_load %arg5[%get3A_197] {strides = array<i32>} : memref<12800xf32, #tpu.memory_space<vmem>>, vector<16xf32>,
      %get3A_199 = vector.shape_cast %get3A_198 : vector<16xf32> to vector<16xf32>
      %add3A_200 = arith.constant 176 : i32
      %add3A_201 = arith.addi %mul3A_144, %add3A_200 : i32
      %get3A_202 = arith.index_cast %add3A_201 : i32 to index
      %get3A_203 = tpu.vector_load %arg5[%get3A_202] {strides = array<i32>} : memref<12800xf32, #tpu.memory_space<vmem>>, vector<16xf32>,
      %get3A_204 = vector.shape_cast %get3A_203 : vector<16xf32> to vector<16xf32>
      %add3A_205 = arith.constant 192 : i32
      %add3A_206 = arith.addi %mul3A_144, %add3A_205 : i32
      %get3A_207 = arith.index_cast %add3A_206 : i32 to index
      %get3A_208 = tpu.vector_load %arg5[%get3A_207] {strides = array<i32>} : memref<12800xf32, #tpu.memory_space<vmem>>, vector<16xf32>,
      %get3A_209 = vector.shape_cast %get3A_208 : vector<16xf32> to vector<16xf32>
      %add3A_210 = arith.constant 208 : i32
      %add3A_211 = arith.addi %mul3A_144, %add3A_210 : i32
      %get3A_212 = arith.index_cast %add3A_211 : i32 to index
      %get3A_213 = tpu.vector_load %arg5[%get3A_212] {strides = array<i32>} : memref<12800xf32, #tpu.memory_space<vmem>>, vector<16xf32>,
      %get3A_214 = vector.shape_cast %get3A_213 : vector<16xf32> to vector<16xf32>
      %add3A_215 = arith.constant 224 : i32
      %add3A_216 = arith.addi %mul3A_144, %add3A_215 : i32
      %get3A_217 = arith.index_cast %add3A_216 : i32 to index
      %get3A_218 = tpu.vector_load %arg5[%get3A_217] {strides = array<i32>} : memref<12800xf32, #tpu.memory_space<vmem>>, vector<16xf32>,
      %get3A_219 = vector.shape_cast %get3A_218 : vector<16xf32> to vector<16xf32>
      %add3A_220 = arith.constant 240 : i32
      %add3A_221 = arith.addi %mul3A_144, %add3A_220 : i32
      %get3A_222 = arith.index_cast %add3A_221 : i32 to index
      %get3A_223 = tpu.vector_load %arg5[%get3A_222] {strides = array<i32>} : memref<12800xf32, #tpu.memory_space<vmem>>, vector<16xf32>,
      %get3A_224 = vector.shape_cast %get3A_223 : vector<16xf32> to vector<16xf32>
      %scan3A_225 = arith.constant 0 : i32
      %scan3A_226 = arith.constant 12 : i32
      %scan3A_227 = arith.addi %scan3A_225, %scan3A_226 : i32
      %scan3A_228 = arith.constant 1 : i32
      scf.for %scan3A_984 = %scan3A_225 to %scan3A_227 step %scan3A_228  : i32 {
        %mul3A_985 = arith.constant 1 : i32
        %mul3A_986 = arith.muli %scan3A_984, %mul3A_985 : i32
        %add3A_987 = arith.constant 0 : i32
        %add3A_988 = arith.addi %add3A_987, %mul3A_986 : i32
        %mul3A_989 = arith.constant 256 : i32
        %mul3A_990 = arith.muli %add3A_988, %mul3A_989 : i32
        %add3A_991 = arith.constant 3072 : i32
        %add3A_992 = arith.addi %add3A_991, %mul3A_990 : i32
        %add3A_993 = arith.constant 0 : i32
        %add3A_994 = arith.addi %add3A_992, %add3A_993 : i32
        %get3A_995 = arith.index_cast %add3A_994 : i32 to index
        %get3A_996 = tpu.vector_load %arg6[%get3A_995] {strides = array<i32>} : memref<15360xf32, #tpu.memory_space<vmem>>, vector<16xf32>,
        %get3A_997 = vector.shape_cast %get3A_996 : vector<16xf32> to vector<16xf32>
        %add3A_998 = arith.addf %get3A_997, %get3A_149 : vector<16xf32>
        %swap3A = arith.index_cast %add3A_994 : i32 to index
        %swap3A_999 = tpu.vector_load %arg8[%swap3A] {strides = array<i32>} : memref<15360xf32, #tpu.memory_space<vmem>>, vector<16xf32>,
        %swap3A_1000 = vector.shape_cast %swap3A_999 : vector<16xf32> to vector<16xf32>
        %swap3A_1001 = vector.shape_cast %add3A_998 : vector<16xf32> to vector<16xf32>
        tpu.vector_store %arg8[%swap3A], %swap3A_1001 {strides = array<i32>} : memref<15360xf32, #tpu.memory_space<vmem>>, vector<16xf32>,
        %add3A_1002 = arith.constant 16 : i32
        %add3A_1003 = arith.addi %add3A_992, %add3A_1002 : i32
        %get3A_1004 = arith.index_cast %add3A_1003 : i32 to index
        %get3A_1005 = tpu.vector_load %arg6[%get3A_1004] {strides = array<i32>} : memref<15360xf32, #tpu.memory_space<vmem>>, vector<16xf32>,
        %get3A_1006 = vector.shape_cast %get3A_1005 : vector<16xf32> to vector<16xf32>
        %add3A_1007 = arith.addf %get3A_1006, %get3A_154 : vector<16xf32>
        %swap3A_1008 = arith.index_cast %add3A_1003 : i32 to index
        %swap3A_1009 = tpu.vector_load %arg8[%swap3A_1008] {strides = array<i32>} : memref<15360xf32, #tpu.memory_space<vmem>>, vector<16xf32>,
        %swap3A_1010 = vector.shape_cast %swap3A_1009 : vector<16xf32> to vector<16xf32>
        %swap3A_1011 = vector.shape_cast %add3A_1007 : vector<16xf32> to vector<16xf32>
        tpu.vector_store %arg8[%swap3A_1008], %swap3A_1011 {strides = array<i32>} : memref<15360xf32, #tpu.memory_space<vmem>>, vector<16xf32>,
        %add3A_1012 = arith.constant 32 : i32
        %add3A_1013 = arith.addi %add3A_992, %add3A_1012 : i32
        %get3A_1014 = arith.index_cast %add3A_1013 : i32 to index
        %get3A_1015 = tpu.vector_load %arg6[%get3A_1014] {strides = array<i32>} : memref<15360xf32, #tpu.memory_space<vmem>>, vector<16xf32>,
        %get3A_1016 = vector.shape_cast %get3A_1015 : vector<16xf32> to vector<16xf32>
        %add3A_1017 = arith.addf %get3A_1016, %get3A_159 : vector<16xf32>
        %swap3A_1018 = arith.index_cast %add3A_1013 : i32 to index
        %swap3A_1019 = tpu.vector_load %arg8[%swap3A_1018] {strides = array<i32>} : memref<15360xf32, #tpu.memory_space<vmem>>, vector<16xf32>,
        %swap3A_1020 = vector.shape_cast %swap3A_1019 : vector<16xf32> to vector<16xf32>
        %swap3A_1021 = vector.shape_cast %add3A_1017 : vector<16xf32> to vector<16xf32>
        tpu.vector_store %arg8[%swap3A_1018], %swap3A_1021 {strides = array<i32>} : memref<15360xf32, #tpu.memory_space<vmem>>, vector<16xf32>,
        %add3A_1022 = arith.constant 48 : i32
        %add3A_1023 = arith.addi %add3A_992, %add3A_1022 : i32
        %get3A_1024 = arith.index_cast %add3A_1023 : i32 to index
        %get3A_1025 = tpu.vector_load %arg6[%get3A_1024] {strides = array<i32>} : memref<15360xf32, #tpu.memory_space<vmem>>, vector<16xf32>,
        %get3A_1026 = vector.shape_cast %get3A_1025 : vector<16xf32> to vector<16xf32>
        %add3A_1027 = arith.addf %get3A_1026, %get3A_164 : vector<16xf32>
        %swap3A_1028 = arith.index_cast %add3A_1023 : i32 to index
        %swap3A_1029 = tpu.vector_load %arg8[%swap3A_1028] {strides = array<i32>} : memref<15360xf32, #tpu.memory_space<vmem>>, vector<16xf32>,
        %swap3A_1030 = vector.shape_cast %swap3A_1029 : vector<16xf32> to vector<16xf32>
        %swap3A_1031 = vector.shape_cast %add3A_1027 : vector<16xf32> to vector<16xf32>
        tpu.vector_store %arg8[%swap3A_1028], %swap3A_1031 {strides = array<i32>} : memref<15360xf32, #tpu.memory_space<vmem>>, vector<16xf32>,
        %add3A_1032 = arith.constant 64 : i32
        %add3A_1033 = arith.addi %add3A_992, %add3A_1032 : i32
        %get3A_1034 = arith.index_cast %add3A_1033 : i32 to index
        %get3A_1035 = tpu.vector_load %arg6[%get3A_1034] {strides = array<i32>} : memref<15360xf32, #tpu.memory_space<vmem>>, vector<16xf32>,
        %get3A_1036 = vector.shape_cast %get3A_1035 : vector<16xf32> to vector<16xf32>
        %add3A_1037 = arith.addf %get3A_1036, %get3A_169 : vector<16xf32>
        %swap3A_1038 = arith.index_cast %add3A_1033 : i32 to index
        %swap3A_1039 = tpu.vector_load %arg8[%swap3A_1038] {strides = array<i32>} : memref<15360xf32, #tpu.memory_space<vmem>>, vector<16xf32>,
        %swap3A_1040 = vector.shape_cast %swap3A_1039 : vector<16xf32> to vector<16xf32>
        %swap3A_1041 = vector.shape_cast %add3A_1037 : vector<16xf32> to vector<16xf32>
        tpu.vector_store %arg8[%swap3A_1038], %swap3A_1041 {strides = array<i32>} : memref<15360xf32, #tpu.memory_space<vmem>>, vector<16xf32>,
        %add3A_1042 = arith.constant 80 : i32
        %add3A_1043 = arith.addi %add3A_992, %add3A_1042 : i32
        %get3A_1044 = arith.index_cast %add3A_1043 : i32 to index
        %get3A_1045 = tpu.vector_load %arg6[%get3A_1044] {strides = array<i32>} : memref<15360xf32, #tpu.memory_space<vmem>>, vector<16xf32>,
        %get3A_1046 = vector.shape_cast %get3A_1045 : vector<16xf32> to vector<16xf32>
        %add3A_1047 = arith.addf %get3A_1046, %get3A_174 : vector<16xf32>
        %swap3A_1048 = arith.index_cast %add3A_1043 : i32 to index
        %swap3A_1049 = tpu.vector_load %arg8[%swap3A_1048] {strides = array<i32>} : memref<15360xf32, #tpu.memory_space<vmem>>, vector<16xf32>,
        %swap3A_1050 = vector.shape_cast %swap3A_1049 : vector<16xf32> to vector<16xf32>
        %swap3A_1051 = vector.shape_cast %add3A_1047 : vector<16xf32> to vector<16xf32>
        tpu.vector_store %arg8[%swap3A_1048], %swap3A_1051 {strides = array<i32>} : memref<15360xf32, #tpu.memory_space<vmem>>, vector<16xf32>,
        %add3A_1052 = arith.constant 96 : i32
        %add3A_1053 = arith.addi %add3A_992, %add3A_1052 : i32
        %get3A_1054 = arith.index_cast %add3A_1053 : i32 to index
        %get3A_1055 = tpu.vector_load %arg6[%get3A_1054] {strides = array<i32>} : memref<15360xf32, #tpu.memory_space<vmem>>, vector<16xf32>,
        %get3A_1056 = vector.shape_cast %get3A_1055 : vector<16xf32> to vector<16xf32>
        %add3A_1057 = arith.addf %get3A_1056, %get3A_179 : vector<16xf32>
        %swap3A_1058 = arith.index_cast %add3A_1053 : i32 to index
        %swap3A_1059 = tpu.vector_load %arg8[%swap3A_1058] {strides = array<i32>} : memref<15360xf32, #tpu.memory_space<vmem>>, vector<16xf32>,
        %swap3A_1060 = vector.shape_cast %swap3A_1059 : vector<16xf32> to vector<16xf32>
        %swap3A_1061 = vector.shape_cast %add3A_1057 : vector<16xf32> to vector<16xf32>
        tpu.vector_store %arg8[%swap3A_1058], %swap3A_1061 {strides = array<i32>} : memref<15360xf32, #tpu.memory_space<vmem>>, vector<16xf32>,
        %add3A_1062 = arith.constant 112 : i32
        %add3A_1063 = arith.addi %add3A_992, %add3A_1062 : i32
        %get3A_1064 = arith.index_cast %add3A_1063 : i32 to index
        %get3A_1065 = tpu.vector_load %arg6[%get3A_1064] {strides = array<i32>} : memref<15360xf32, #tpu.memory_space<vmem>>, vector<16xf32>,
        %get3A_1066 = vector.shape_cast %get3A_1065 : vector<16xf32> to vector<16xf32>
        %add3A_1067 = arith.addf %get3A_1066, %get3A_184 : vector<16xf32>
        %swap3A_1068 = arith.index_cast %add3A_1063 : i32 to index
        %swap3A_1069 = tpu.vector_load %arg8[%swap3A_1068] {strides = array<i32>} : memref<15360xf32, #tpu.memory_space<vmem>>, vector<16xf32>,
        %swap3A_1070 = vector.shape_cast %swap3A_1069 : vector<16xf32> to vector<16xf32>
        %swap3A_1071 = vector.shape_cast %add3A_1067 : vector<16xf32> to vector<16xf32>
        tpu.vector_store %arg8[%swap3A_1068], %swap3A_1071 {strides = array<i32>} : memref<15360xf32, #tpu.memory_space<vmem>>, vector<16xf32>,
        %add3A_1072 = arith.constant 128 : i32
        %add3A_1073 = arith.addi %add3A_992, %add3A_1072 : i32
        %get3A_1074 = arith.index_cast %add3A_1073 : i32 to index
        %get3A_1075 = tpu.vector_load %arg6[%get3A_1074] {strides = array<i32>} : memref<15360xf32, #tpu.memory_space<vmem>>, vector<16xf32>,
        %get3A_1076 = vector.shape_cast %get3A_1075 : vector<16xf32> to vector<16xf32>
        %add3A_1077 = arith.addf %get3A_1076, %get3A_189 : vector<16xf32>
        %swap3A_1078 = arith.index_cast %add3A_1073 : i32 to index
        %swap3A_1079 = tpu.vector_load %arg8[%swap3A_1078] {strides = array<i32>} : memref<15360xf32, #tpu.memory_space<vmem>>, vector<16xf32>,
        %swap3A_1080 = vector.shape_cast %swap3A_1079 : vector<16xf32> to vector<16xf32>
        %swap3A_1081 = vector.shape_cast %add3A_1077 : vector<16xf32> to vector<16xf32>
        tpu.vector_store %arg8[%swap3A_1078], %swap3A_1081 {strides = array<i32>} : memref<15360xf32, #tpu.memory_space<vmem>>, vector<16xf32>,
        %add3A_1082 = arith.constant 144 : i32
        %add3A_1083 = arith.addi %add3A_992, %add3A_1082 : i32
        %get3A_1084 = arith.index_cast %add3A_1083 : i32 to index
        %get3A_1085 = tpu.vector_load %arg6[%get3A_1084] {strides = array<i32>} : memref<15360xf32, #tpu.memory_space<vmem>>, vector<16xf32>,
        %get3A_1086 = vector.shape_cast %get3A_1085 : vector<16xf32> to vector<16xf32>
        %add3A_1087 = arith.addf %get3A_1086, %get3A_194 : vector<16xf32>
        %swap3A_1088 = arith.index_cast %add3A_1083 : i32 to index
        %swap3A_1089 = tpu.vector_load %arg8[%swap3A_1088] {strides = array<i32>} : memref<15360xf32, #tpu.memory_space<vmem>>, vector<16xf32>,
        %swap3A_1090 = vector.shape_cast %swap3A_1089 : vector<16xf32> to vector<16xf32>
        %swap3A_1091 = vector.shape_cast %add3A_1087 : vector<16xf32> to vector<16xf32>
        tpu.vector_store %arg8[%swap3A_1088], %swap3A_1091 {strides = array<i32>} : memref<15360xf32, #tpu.memory_space<vmem>>, vector<16xf32>,
        %add3A_1092 = arith.constant 160 : i32
        %add3A_1093 = arith.addi %add3A_992, %add3A_1092 : i32
        %get3A_1094 = arith.index_cast %add3A_1093 : i32 to index
        %get3A_1095 = tpu.vector_load %arg6[%get3A_1094] {strides = array<i32>} : memref<15360xf32, #tpu.memory_space<vmem>>, vector<16xf32>,
        %get3A_1096 = vector.shape_cast %get3A_1095 : vector<16xf32> to vector<16xf32>
        %add3A_1097 = arith.addf %get3A_1096, %get3A_199 : vector<16xf32>
        %swap3A_1098 = arith.index_cast %add3A_1093 : i32 to index
        %swap3A_1099 = tpu.vector_load %arg8[%swap3A_1098] {strides = array<i32>} : memref<15360xf32, #tpu.memory_space<vmem>>, vector<16xf32>,
        %swap3A_1100 = vector.shape_cast %swap3A_1099 : vector<16xf32> to vector<16xf32>
        %swap3A_1101 = vector.shape_cast %add3A_1097 : vector<16xf32> to vector<16xf32>
        tpu.vector_store %arg8[%swap3A_1098], %swap3A_1101 {strides = array<i32>} : memref<15360xf32, #tpu.memory_space<vmem>>, vector<16xf32>,
        %add3A_1102 = arith.constant 176 : i32
        %add3A_1103 = arith.addi %add3A_992, %add3A_1102 : i32
        %get3A_1104 = arith.index_cast %add3A_1103 : i32 to index
        %get3A_1105 = tpu.vector_load %arg6[%get3A_1104] {strides = array<i32>} : memref<15360xf32, #tpu.memory_space<vmem>>, vector<16xf32>,
        %get3A_1106 = vector.shape_cast %get3A_1105 : vector<16xf32> to vector<16xf32>
        %add3A_1107 = arith.addf %get3A_1106, %get3A_204 : vector<16xf32>
        %swap3A_1108 = arith.index_cast %add3A_1103 : i32 to index
        %swap3A_1109 = tpu.vector_load %arg8[%swap3A_1108] {strides = array<i32>} : memref<15360xf32, #tpu.memory_space<vmem>>, vector<16xf32>,
        %swap3A_1110 = vector.shape_cast %swap3A_1109 : vector<16xf32> to vector<16xf32>
        %swap3A_1111 = vector.shape_cast %add3A_1107 : vector<16xf32> to vector<16xf32>
        tpu.vector_store %arg8[%swap3A_1108], %swap3A_1111 {strides = array<i32>} : memref<15360xf32, #tpu.memory_space<vmem>>, vector<16xf32>,
        %add3A_1112 = arith.constant 192 : i32
        %add3A_1113 = arith.addi %add3A_992, %add3A_1112 : i32
        %get3A_1114 = arith.index_cast %add3A_1113 : i32 to index
        %get3A_1115 = tpu.vector_load %arg6[%get3A_1114] {strides = array<i32>} : memref<15360xf32, #tpu.memory_space<vmem>>, vector<16xf32>,
        %get3A_1116 = vector.shape_cast %get3A_1115 : vector<16xf32> to vector<16xf32>
        %add3A_1117 = arith.addf %get3A_1116, %get3A_209 : vector<16xf32>
        %swap3A_1118 = arith.index_cast %add3A_1113 : i32 to index
        %swap3A_1119 = tpu.vector_load %arg8[%swap3A_1118] {strides = array<i32>} : memref<15360xf32, #tpu.memory_space<vmem>>, vector<16xf32>,
        %swap3A_1120 = vector.shape_cast %swap3A_1119 : vector<16xf32> to vector<16xf32>
        %swap3A_1121 = vector.shape_cast %add3A_1117 : vector<16xf32> to vector<16xf32>
        tpu.vector_store %arg8[%swap3A_1118], %swap3A_1121 {strides = array<i32>} : memref<15360xf32, #tpu.memory_space<vmem>>, vector<16xf32>,
        %add3A_1122 = arith.constant 208 : i32
        %add3A_1123 = arith.addi %add3A_992, %add3A_1122 : i32
        %get3A_1124 = arith.index_cast %add3A_1123 : i32 to index
        %get3A_1125 = tpu.vector_load %arg6[%get3A_1124] {strides = array<i32>} : memref<15360xf32, #tpu.memory_space<vmem>>, vector<16xf32>,
        %get3A_1126 = vector.shape_cast %get3A_1125 : vector<16xf32> to vector<16xf32>
        %add3A_1127 = arith.addf %get3A_1126, %get3A_214 : vector<16xf32>
        %swap3A_1128 = arith.index_cast %add3A_1123 : i32 to index
        %swap3A_1129 = tpu.vector_load %arg8[%swap3A_1128] {strides = array<i32>} : memref<15360xf32, #tpu.memory_space<vmem>>, vector<16xf32>,
        %swap3A_1130 = vector.shape_cast %swap3A_1129 : vector<16xf32> to vector<16xf32>
        %swap3A_1131 = vector.shape_cast %add3A_1127 : vector<16xf32> to vector<16xf32>
        tpu.vector_store %arg8[%swap3A_1128], %swap3A_1131 {strides = array<i32>} : memref<15360xf32, #tpu.memory_space<vmem>>, vector<16xf32>,
        %add3A_1132 = arith.constant 224 : i32
        %add3A_1133 = arith.addi %add3A_992, %add3A_1132 : i32
        %get3A_1134 = arith.index_cast %add3A_1133 : i32 to index
        %get3A_1135 = tpu.vector_load %arg6[%get3A_1134] {strides = array<i32>} : memref<15360xf32, #tpu.memory_space<vmem>>, vector<16xf32>,
        %get3A_1136 = vector.shape_cast %get3A_1135 : vector<16xf32> to vector<16xf32>
        %add3A_1137 = arith.addf %get3A_1136, %get3A_219 : vector<16xf32>
        %swap3A_1138 = arith.index_cast %add3A_1133 : i32 to index
        %swap3A_1139 = tpu.vector_load %arg8[%swap3A_1138] {strides = array<i32>} : memref<15360xf32, #tpu.memory_space<vmem>>, vector<16xf32>,
        %swap3A_1140 = vector.shape_cast %swap3A_1139 : vector<16xf32> to vector<16xf32>
        %swap3A_1141 = vector.shape_cast %add3A_1137 : vector<16xf32> to vector<16xf32>
        tpu.vector_store %arg8[%swap3A_1138], %swap3A_1141 {strides = array<i32>} : memref<15360xf32, #tpu.memory_space<vmem>>, vector<16xf32>,
        %add3A_1142 = arith.constant 240 : i32
        %add3A_1143 = arith.addi %add3A_992, %add3A_1142 : i32
        %get3A_1144 = arith.index_cast %add3A_1143 : i32 to index
        %get3A_1145 = tpu.vector_load %arg6[%get3A_1144] {strides = array<i32>} : memref<15360xf32, #tpu.memory_space<vmem>>, vector<16xf32>,
        %get3A_1146 = vector.shape_cast %get3A_1145 : vector<16xf32> to vector<16xf32>
        %add3A_1147 = arith.addf %get3A_1146, %get3A_224 : vector<16xf32>
        %swap3A_1148 = arith.index_cast %add3A_1143 : i32 to index
        %swap3A_1149 = tpu.vector_load %arg8[%swap3A_1148] {strides = array<i32>} : memref<15360xf32, #tpu.memory_space<vmem>>, vector<16xf32>,
        %swap3A_1150 = vector.shape_cast %swap3A_1149 : vector<16xf32> to vector<16xf32>
        %swap3A_1151 = vector.shape_cast %add3A_1147 : vector<16xf32> to vector<16xf32>
        tpu.vector_store %arg8[%swap3A_1148], %swap3A_1151 {strides = array<i32>} : memref<15360xf32, #tpu.memory_space<vmem>>, vector<16xf32>,
      }
      %scan3A_229 = arith.constant 12 : i32
      %add3A_230 = arith.constant 2 : i32
      %add3A_231 = arith.addi %mul3A_52, %add3A_230 : i32
      %mul3A_232 = arith.constant 256 : i32
      %mul3A_233 = arith.muli %add3A_231, %mul3A_232 : i32
      %add3A_234 = arith.constant 0 : i32
      %add3A_235 = arith.addi %mul3A_233, %add3A_234 : i32
      %get3A_236 = arith.index_cast %add3A_235 : i32 to index
      %get3A_237 = tpu.vector_load %arg5[%get3A_236] {strides = array<i32>} : memref<12800xf32, #tpu.memory_space<vmem>>, vector<16xf32>,
      %get3A_238 = vector.shape_cast %get3A_237 : vector<16xf32> to vector<16xf32>
      %add3A_239 = arith.constant 16 : i32
      %add3A_240 = arith.addi %mul3A_233, %add3A_239 : i32
      %get3A_241 = arith.index_cast %add3A_240 : i32 to index
      %get3A_242 = tpu.vector_load %arg5[%get3A_241] {strides = array<i32>} : memref<12800xf32, #tpu.memory_space<vmem>>, vector<16xf32>,
      %get3A_243 = vector.shape_cast %get3A_242 : vector<16xf32> to vector<16xf32>
      %add3A_244 = arith.constant 32 : i32
      %add3A_245 = arith.addi %mul3A_233, %add3A_244 : i32
      %get3A_246 = arith.index_cast %add3A_245 : i32 to index
      %get3A_247 = tpu.vector_load %arg5[%get3A_246] {strides = array<i32>} : memref<12800xf32, #tpu.memory_space<vmem>>, vector<16xf32>,
      %get3A_248 = vector.shape_cast %get3A_247 : vector<16xf32> to vector<16xf32>
      %add3A_249 = arith.constant 48 : i32
      %add3A_250 = arith.addi %mul3A_233, %add3A_249 : i32
      %get3A_251 = arith.index_cast %add3A_250 : i32 to index
      %get3A_252 = tpu.vector_load %arg5[%get3A_251] {strides = array<i32>} : memref<12800xf32, #tpu.memory_space<vmem>>, vector<16xf32>,
      %get3A_253 = vector.shape_cast %get3A_252 : vector<16xf32> to vector<16xf32>
      %add3A_254 = arith.constant 64 : i32
      %add3A_255 = arith.addi %mul3A_233, %add3A_254 : i32
      %get3A_256 = arith.index_cast %add3A_255 : i32 to index
      %get3A_257 = tpu.vector_load %arg5[%get3A_256] {strides = array<i32>} : memref<12800xf32, #tpu.memory_space<vmem>>, vector<16xf32>,
      %get3A_258 = vector.shape_cast %get3A_257 : vector<16xf32> to vector<16xf32>
      %add3A_259 = arith.constant 80 : i32
      %add3A_260 = arith.addi %mul3A_233, %add3A_259 : i32
      %get3A_261 = arith.index_cast %add3A_260 : i32 to index
      %get3A_262 = tpu.vector_load %arg5[%get3A_261] {strides = array<i32>} : memref<12800xf32, #tpu.memory_space<vmem>>, vector<16xf32>,
      %get3A_263 = vector.shape_cast %get3A_262 : vector<16xf32> to vector<16xf32>
      %add3A_264 = arith.constant 96 : i32
      %add3A_265 = arith.addi %mul3A_233, %add3A_264 : i32
      %get3A_266 = arith.index_cast %add3A_265 : i32 to index
      %get3A_267 = tpu.vector_load %arg5[%get3A_266] {strides = array<i32>} : memref<12800xf32, #tpu.memory_space<vmem>>, vector<16xf32>,
      %get3A_268 = vector.shape_cast %get3A_267 : vector<16xf32> to vector<16xf32>
      %add3A_269 = arith.constant 112 : i32
      %add3A_270 = arith.addi %mul3A_233, %add3A_269 : i32
      %get3A_271 = arith.index_cast %add3A_270 : i32 to index
      %get3A_272 = tpu.vector_load %arg5[%get3A_271] {strides = array<i32>} : memref<12800xf32, #tpu.memory_space<vmem>>, vector<16xf32>,
      %get3A_273 = vector.shape_cast %get3A_272 : vector<16xf32> to vector<16xf32>
      %add3A_274 = arith.constant 128 : i32
      %add3A_275 = arith.addi %mul3A_233, %add3A_274 : i32
      %get3A_276 = arith.index_cast %add3A_275 : i32 to index
      %get3A_277 = tpu.vector_load %arg5[%get3A_276] {strides = array<i32>} : memref<12800xf32, #tpu.memory_space<vmem>>, vector<16xf32>,
      %get3A_278 = vector.shape_cast %get3A_277 : vector<16xf32> to vector<16xf32>
      %add3A_279 = arith.constant 144 : i32
      %add3A_280 = arith.addi %mul3A_233, %add3A_279 : i32
      %get3A_281 = arith.index_cast %add3A_280 : i32 to index
      %get3A_282 = tpu.vector_load %arg5[%get3A_281] {strides = array<i32>} : memref<12800xf32, #tpu.memory_space<vmem>>, vector<16xf32>,
      %get3A_283 = vector.shape_cast %get3A_282 : vector<16xf32> to vector<16xf32>
      %add3A_284 = arith.constant 160 : i32
      %add3A_285 = arith.addi %mul3A_233, %add3A_284 : i32
      %get3A_286 = arith.index_cast %add3A_285 : i32 to index
      %get3A_287 = tpu.vector_load %arg5[%get3A_286] {strides = array<i32>} : memref<12800xf32, #tpu.memory_space<vmem>>, vector<16xf32>,
      %get3A_288 = vector.shape_cast %get3A_287 : vector<16xf32> to vector<16xf32>
      %add3A_289 = arith.constant 176 : i32
      %add3A_290 = arith.addi %mul3A_233, %add3A_289 : i32
      %get3A_291 = arith.index_cast %add3A_290 : i32 to index
      %get3A_292 = tpu.vector_load %arg5[%get3A_291] {strides = array<i32>} : memref<12800xf32, #tpu.memory_space<vmem>>, vector<16xf32>,
      %get3A_293 = vector.shape_cast %get3A_292 : vector<16xf32> to vector<16xf32>
      %add3A_294 = arith.constant 192 : i32
      %add3A_295 = arith.addi %mul3A_233, %add3A_294 : i32
      %get3A_296 = arith.index_cast %add3A_295 : i32 to index
      %get3A_297 = tpu.vector_load %arg5[%get3A_296] {strides = array<i32>} : memref<12800xf32, #tpu.memory_space<vmem>>, vector<16xf32>,
      %get3A_298 = vector.shape_cast %get3A_297 : vector<16xf32> to vector<16xf32>
      %add3A_299 = arith.constant 208 : i32
      %add3A_300 = arith.addi %mul3A_233, %add3A_299 : i32
      %get3A_301 = arith.index_cast %add3A_300 : i32 to index
      %get3A_302 = tpu.vector_load %arg5[%get3A_301] {strides = array<i32>} : memref<12800xf32, #tpu.memory_space<vmem>>, vector<16xf32>,
      %get3A_303 = vector.shape_cast %get3A_302 : vector<16xf32> to vector<16xf32>
      %add3A_304 = arith.constant 224 : i32
      %add3A_305 = arith.addi %mul3A_233, %add3A_304 : i32
      %get3A_306 = arith.index_cast %add3A_305 : i32 to index
      %get3A_307 = tpu.vector_load %arg5[%get3A_306] {strides = array<i32>} : memref<12800xf32, #tpu.memory_space<vmem>>, vector<16xf32>,
      %get3A_308 = vector.shape_cast %get3A_307 : vector<16xf32> to vector<16xf32>
      %add3A_309 = arith.constant 240 : i32
      %add3A_310 = arith.addi %mul3A_233, %add3A_309 : i32
      %get3A_311 = arith.index_cast %add3A_310 : i32 to index
      %get3A_312 = tpu.vector_load %arg5[%get3A_311] {strides = array<i32>} : memref<12800xf32, #tpu.memory_space<vmem>>, vector<16xf32>,
      %get3A_313 = vector.shape_cast %get3A_312 : vector<16xf32> to vector<16xf32>
      %scan3A_314 = arith.constant 0 : i32
      %scan3A_315 = arith.constant 12 : i32
      %scan3A_316 = arith.addi %scan3A_314, %scan3A_315 : i32
      %scan3A_317 = arith.constant 1 : i32
      scf.for %scan3A_984 = %scan3A_314 to %scan3A_316 step %scan3A_317  : i32 {
        %mul3A_985 = arith.constant 1 : i32
        %mul3A_986 = arith.muli %scan3A_984, %mul3A_985 : i32
        %add3A_987 = arith.constant 0 : i32
        %add3A_988 = arith.addi %add3A_987, %mul3A_986 : i32
        %mul3A_989 = arith.constant 256 : i32
        %mul3A_990 = arith.muli %add3A_988, %mul3A_989 : i32
        %add3A_991 = arith.constant 6144 : i32
        %add3A_992 = arith.addi %add3A_991, %mul3A_990 : i32
        %add3A_993 = arith.constant 0 : i32
        %add3A_994 = arith.addi %add3A_992, %add3A_993 : i32
        %get3A_995 = arith.index_cast %add3A_994 : i32 to index
        %get3A_996 = tpu.vector_load %arg6[%get3A_995] {strides = array<i32>} : memref<15360xf32, #tpu.memory_space<vmem>>, vector<16xf32>,
        %get3A_997 = vector.shape_cast %get3A_996 : vector<16xf32> to vector<16xf32>
        %add3A_998 = arith.addf %get3A_997, %get3A_238 : vector<16xf32>
        %swap3A = arith.index_cast %add3A_994 : i32 to index
        %swap3A_999 = tpu.vector_load %arg8[%swap3A] {strides = array<i32>} : memref<15360xf32, #tpu.memory_space<vmem>>, vector<16xf32>,
        %swap3A_1000 = vector.shape_cast %swap3A_999 : vector<16xf32> to vector<16xf32>
        %swap3A_1001 = vector.shape_cast %add3A_998 : vector<16xf32> to vector<16xf32>
        tpu.vector_store %arg8[%swap3A], %swap3A_1001 {strides = array<i32>} : memref<15360xf32, #tpu.memory_space<vmem>>, vector<16xf32>,
        %add3A_1002 = arith.constant 16 : i32
        %add3A_1003 = arith.addi %add3A_992, %add3A_1002 : i32
        %get3A_1004 = arith.index_cast %add3A_1003 : i32 to index
        %get3A_1005 = tpu.vector_load %arg6[%get3A_1004] {strides = array<i32>} : memref<15360xf32, #tpu.memory_space<vmem>>, vector<16xf32>,
        %get3A_1006 = vector.shape_cast %get3A_1005 : vector<16xf32> to vector<16xf32>
        %add3A_1007 = arith.addf %get3A_1006, %get3A_243 : vector<16xf32>
        %swap3A_1008 = arith.index_cast %add3A_1003 : i32 to index
        %swap3A_1009 = tpu.vector_load %arg8[%swap3A_1008] {strides = array<i32>} : memref<15360xf32, #tpu.memory_space<vmem>>, vector<16xf32>,
        %swap3A_1010 = vector.shape_cast %swap3A_1009 : vector<16xf32> to vector<16xf32>
        %swap3A_1011 = vector.shape_cast %add3A_1007 : vector<16xf32> to vector<16xf32>
        tpu.vector_store %arg8[%swap3A_1008], %swap3A_1011 {strides = array<i32>} : memref<15360xf32, #tpu.memory_space<vmem>>, vector<16xf32>,
        %add3A_1012 = arith.constant 32 : i32
        %add3A_1013 = arith.addi %add3A_992, %add3A_1012 : i32
        %get3A_1014 = arith.index_cast %add3A_1013 : i32 to index
        %get3A_1015 = tpu.vector_load %arg6[%get3A_1014] {strides = array<i32>} : memref<15360xf32, #tpu.memory_space<vmem>>, vector<16xf32>,
        %get3A_1016 = vector.shape_cast %get3A_1015 : vector<16xf32> to vector<16xf32>
        %add3A_1017 = arith.addf %get3A_1016, %get3A_248 : vector<16xf32>
        %swap3A_1018 = arith.index_cast %add3A_1013 : i32 to index
        %swap3A_1019 = tpu.vector_load %arg8[%swap3A_1018] {strides = array<i32>} : memref<15360xf32, #tpu.memory_space<vmem>>, vector<16xf32>,
        %swap3A_1020 = vector.shape_cast %swap3A_1019 : vector<16xf32> to vector<16xf32>
        %swap3A_1021 = vector.shape_cast %add3A_1017 : vector<16xf32> to vector<16xf32>
        tpu.vector_store %arg8[%swap3A_1018], %swap3A_1021 {strides = array<i32>} : memref<15360xf32, #tpu.memory_space<vmem>>, vector<16xf32>,
        %add3A_1022 = arith.constant 48 : i32
        %add3A_1023 = arith.addi %add3A_992, %add3A_1022 : i32
        %get3A_1024 = arith.index_cast %add3A_1023 : i32 to index
        %get3A_1025 = tpu.vector_load %arg6[%get3A_1024] {strides = array<i32>} : memref<15360xf32, #tpu.memory_space<vmem>>, vector<16xf32>,
        %get3A_1026 = vector.shape_cast %get3A_1025 : vector<16xf32> to vector<16xf32>
        %add3A_1027 = arith.addf %get3A_1026, %get3A_253 : vector<16xf32>
        %swap3A_1028 = arith.index_cast %add3A_1023 : i32 to index
        %swap3A_1029 = tpu.vector_load %arg8[%swap3A_1028] {strides = array<i32>} : memref<15360xf32, #tpu.memory_space<vmem>>, vector<16xf32>,
        %swap3A_1030 = vector.shape_cast %swap3A_1029 : vector<16xf32> to vector<16xf32>
        %swap3A_1031 = vector.shape_cast %add3A_1027 : vector<16xf32> to vector<16xf32>
        tpu.vector_store %arg8[%swap3A_1028], %swap3A_1031 {strides = array<i32>} : memref<15360xf32, #tpu.memory_space<vmem>>, vector<16xf32>,
        %add3A_1032 = arith.constant 64 : i32
        %add3A_1033 = arith.addi %add3A_992, %add3A_1032 : i32
        %get3A_1034 = arith.index_cast %add3A_1033 : i32 to index
        %get3A_1035 = tpu.vector_load %arg6[%get3A_1034] {strides = array<i32>} : memref<15360xf32, #tpu.memory_space<vmem>>, vector<16xf32>,
        %get3A_1036 = vector.shape_cast %get3A_1035 : vector<16xf32> to vector<16xf32>
        %add3A_1037 = arith.addf %get3A_1036, %get3A_258 : vector<16xf32>
        %swap3A_1038 = arith.index_cast %add3A_1033 : i32 to index
        %swap3A_1039 = tpu.vector_load %arg8[%swap3A_1038] {strides = array<i32>} : memref<15360xf32, #tpu.memory_space<vmem>>, vector<16xf32>,
        %swap3A_1040 = vector.shape_cast %swap3A_1039 : vector<16xf32> to vector<16xf32>
        %swap3A_1041 = vector.shape_cast %add3A_1037 : vector<16xf32> to vector<16xf32>
        tpu.vector_store %arg8[%swap3A_1038], %swap3A_1041 {strides = array<i32>} : memref<15360xf32, #tpu.memory_space<vmem>>, vector<16xf32>,
        %add3A_1042 = arith.constant 80 : i32
        %add3A_1043 = arith.addi %add3A_992, %add3A_1042 : i32
        %get3A_1044 = arith.index_cast %add3A_1043 : i32 to index
        %get3A_1045 = tpu.vector_load %arg6[%get3A_1044] {strides = array<i32>} : memref<15360xf32, #tpu.memory_space<vmem>>, vector<16xf32>,
        %get3A_1046 = vector.shape_cast %get3A_1045 : vector<16xf32> to vector<16xf32>
        %add3A_1047 = arith.addf %get3A_1046, %get3A_263 : vector<16xf32>
        %swap3A_1048 = arith.index_cast %add3A_1043 : i32 to index
        %swap3A_1049 = tpu.vector_load %arg8[%swap3A_1048] {strides = array<i32>} : memref<15360xf32, #tpu.memory_space<vmem>>, vector<16xf32>,
        %swap3A_1050 = vector.shape_cast %swap3A_1049 : vector<16xf32> to vector<16xf32>
        %swap3A_1051 = vector.shape_cast %add3A_1047 : vector<16xf32> to vector<16xf32>
        tpu.vector_store %arg8[%swap3A_1048], %swap3A_1051 {strides = array<i32>} : memref<15360xf32, #tpu.memory_space<vmem>>, vector<16xf32>,
        %add3A_1052 = arith.constant 96 : i32
        %add3A_1053 = arith.addi %add3A_992, %add3A_1052 : i32
        %get3A_1054 = arith.index_cast %add3A_1053 : i32 to index
        %get3A_1055 = tpu.vector_load %arg6[%get3A_1054] {strides = array<i32>} : memref<15360xf32, #tpu.memory_space<vmem>>, vector<16xf32>,
        %get3A_1056 = vector.shape_cast %get3A_1055 : vector<16xf32> to vector<16xf32>
        %add3A_1057 = arith.addf %get3A_1056, %get3A_268 : vector<16xf32>
        %swap3A_1058 = arith.index_cast %add3A_1053 : i32 to index
        %swap3A_1059 = tpu.vector_load %arg8[%swap3A_1058] {strides = array<i32>} : memref<15360xf32, #tpu.memory_space<vmem>>, vector<16xf32>,
        %swap3A_1060 = vector.shape_cast %swap3A_1059 : vector<16xf32> to vector<16xf32>
        %swap3A_1061 = vector.shape_cast %add3A_1057 : vector<16xf32> to vector<16xf32>
        tpu.vector_store %arg8[%swap3A_1058], %swap3A_1061 {strides = array<i32>} : memref<15360xf32, #tpu.memory_space<vmem>>, vector<16xf32>,
        %add3A_1062 = arith.constant 112 : i32
        %add3A_1063 = arith.addi %add3A_992, %add3A_1062 : i32
        %get3A_1064 = arith.index_cast %add3A_1063 : i32 to index
        %get3A_1065 = tpu.vector_load %arg6[%get3A_1064] {strides = array<i32>} : memref<15360xf32, #tpu.memory_space<vmem>>, vector<16xf32>,
        %get3A_1066 = vector.shape_cast %get3A_1065 : vector<16xf32> to vector<16xf32>
        %add3A_1067 = arith.addf %get3A_1066, %get3A_273 : vector<16xf32>
        %swap3A_1068 = arith.index_cast %add3A_1063 : i32 to index
        %swap3A_1069 = tpu.vector_load %arg8[%swap3A_1068] {strides = array<i32>} : memref<15360xf32, #tpu.memory_space<vmem>>, vector<16xf32>,
        %swap3A_1070 = vector.shape_cast %swap3A_1069 : vector<16xf32> to vector<16xf32>
        %swap3A_1071 = vector.shape_cast %add3A_1067 : vector<16xf32> to vector<16xf32>
        tpu.vector_store %arg8[%swap3A_1068], %swap3A_1071 {strides = array<i32>} : memref<15360xf32, #tpu.memory_space<vmem>>, vector<16xf32>,
        %add3A_1072 = arith.constant 128 : i32
        %add3A_1073 = arith.addi %add3A_992, %add3A_1072 : i32
        %get3A_1074 = arith.index_cast %add3A_1073 : i32 to index
        %get3A_1075 = tpu.vector_load %arg6[%get3A_1074] {strides = array<i32>} : memref<15360xf32, #tpu.memory_space<vmem>>, vector<16xf32>,
        %get3A_1076 = vector.shape_cast %get3A_1075 : vector<16xf32> to vector<16xf32>
        %add3A_1077 = arith.addf %get3A_1076, %get3A_278 : vector<16xf32>
        %swap3A_1078 = arith.index_cast %add3A_1073 : i32 to index
        %swap3A_1079 = tpu.vector_load %arg8[%swap3A_1078] {strides = array<i32>} : memref<15360xf32, #tpu.memory_space<vmem>>, vector<16xf32>,
        %swap3A_1080 = vector.shape_cast %swap3A_1079 : vector<16xf32> to vector<16xf32>
        %swap3A_1081 = vector.shape_cast %add3A_1077 : vector<16xf32> to vector<16xf32>
        tpu.vector_store %arg8[%swap3A_1078], %swap3A_1081 {strides = array<i32>} : memref<15360xf32, #tpu.memory_space<vmem>>, vector<16xf32>,
        %add3A_1082 = arith.constant 144 : i32
        %add3A_1083 = arith.addi %add3A_992, %add3A_1082 : i32
        %get3A_1084 = arith.index_cast %add3A_1083 : i32 to index
        %get3A_1085 = tpu.vector_load %arg6[%get3A_1084] {strides = array<i32>} : memref<15360xf32, #tpu.memory_space<vmem>>, vector<16xf32>,
        %get3A_1086 = vector.shape_cast %get3A_1085 : vector<16xf32> to vector<16xf32>
        %add3A_1087 = arith.addf %get3A_1086, %get3A_283 : vector<16xf32>
        %swap3A_1088 = arith.index_cast %add3A_1083 : i32 to index
        %swap3A_1089 = tpu.vector_load %arg8[%swap3A_1088] {strides = array<i32>} : memref<15360xf32, #tpu.memory_space<vmem>>, vector<16xf32>,
        %swap3A_1090 = vector.shape_cast %swap3A_1089 : vector<16xf32> to vector<16xf32>
        %swap3A_1091 = vector.shape_cast %add3A_1087 : vector<16xf32> to vector<16xf32>
        tpu.vector_store %arg8[%swap3A_1088], %swap3A_1091 {strides = array<i32>} : memref<15360xf32, #tpu.memory_space<vmem>>, vector<16xf32>,
        %add3A_1092 = arith.constant 160 : i32
        %add3A_1093 = arith.addi %add3A_992, %add3A_1092 : i32
        %get3A_1094 = arith.index_cast %add3A_1093 : i32 to index
        %get3A_1095 = tpu.vector_load %arg6[%get3A_1094] {strides = array<i32>} : memref<15360xf32, #tpu.memory_space<vmem>>, vector<16xf32>,
        %get3A_1096 = vector.shape_cast %get3A_1095 : vector<16xf32> to vector<16xf32>
        %add3A_1097 = arith.addf %get3A_1096, %get3A_288 : vector<16xf32>
        %swap3A_1098 = arith.index_cast %add3A_1093 : i32 to index
        %swap3A_1099 = tpu.vector_load %arg8[%swap3A_1098] {strides = array<i32>} : memref<15360xf32, #tpu.memory_space<vmem>>, vector<16xf32>,
        %swap3A_1100 = vector.shape_cast %swap3A_1099 : vector<16xf32> to vector<16xf32>
        %swap3A_1101 = vector.shape_cast %add3A_1097 : vector<16xf32> to vector<16xf32>
        tpu.vector_store %arg8[%swap3A_1098], %swap3A_1101 {strides = array<i32>} : memref<15360xf32, #tpu.memory_space<vmem>>, vector<16xf32>,
        %add3A_1102 = arith.constant 176 : i32
        %add3A_1103 = arith.addi %add3A_992, %add3A_1102 : i32
        %get3A_1104 = arith.index_cast %add3A_1103 : i32 to index
        %get3A_1105 = tpu.vector_load %arg6[%get3A_1104] {strides = array<i32>} : memref<15360xf32, #tpu.memory_space<vmem>>, vector<16xf32>,
        %get3A_1106 = vector.shape_cast %get3A_1105 : vector<16xf32> to vector<16xf32>
        %add3A_1107 = arith.addf %get3A_1106, %get3A_293 : vector<16xf32>
        %swap3A_1108 = arith.index_cast %add3A_1103 : i32 to index
        %swap3A_1109 = tpu.vector_load %arg8[%swap3A_1108] {strides = array<i32>} : memref<15360xf32, #tpu.memory_space<vmem>>, vector<16xf32>,
        %swap3A_1110 = vector.shape_cast %swap3A_1109 : vector<16xf32> to vector<16xf32>
        %swap3A_1111 = vector.shape_cast %add3A_1107 : vector<16xf32> to vector<16xf32>
        tpu.vector_store %arg8[%swap3A_1108], %swap3A_1111 {strides = array<i32>} : memref<15360xf32, #tpu.memory_space<vmem>>, vector<16xf32>,
        %add3A_1112 = arith.constant 192 : i32
        %add3A_1113 = arith.addi %add3A_992, %add3A_1112 : i32
        %get3A_1114 = arith.index_cast %add3A_1113 : i32 to index
        %get3A_1115 = tpu.vector_load %arg6[%get3A_1114] {strides = array<i32>} : memref<15360xf32, #tpu.memory_space<vmem>>, vector<16xf32>,
        %get3A_1116 = vector.shape_cast %get3A_1115 : vector<16xf32> to vector<16xf32>
        %add3A_1117 = arith.addf %get3A_1116, %get3A_298 : vector<16xf32>
        %swap3A_1118 = arith.index_cast %add3A_1113 : i32 to index
        %swap3A_1119 = tpu.vector_load %arg8[%swap3A_1118] {strides = array<i32>} : memref<15360xf32, #tpu.memory_space<vmem>>, vector<16xf32>,
        %swap3A_1120 = vector.shape_cast %swap3A_1119 : vector<16xf32> to vector<16xf32>
        %swap3A_1121 = vector.shape_cast %add3A_1117 : vector<16xf32> to vector<16xf32>
        tpu.vector_store %arg8[%swap3A_1118], %swap3A_1121 {strides = array<i32>} : memref<15360xf32, #tpu.memory_space<vmem>>, vector<16xf32>,
        %add3A_1122 = arith.constant 208 : i32
        %add3A_1123 = arith.addi %add3A_992, %add3A_1122 : i32
        %get3A_1124 = arith.index_cast %add3A_1123 : i32 to index
        %get3A_1125 = tpu.vector_load %arg6[%get3A_1124] {strides = array<i32>} : memref<15360xf32, #tpu.memory_space<vmem>>, vector<16xf32>,
        %get3A_1126 = vector.shape_cast %get3A_1125 : vector<16xf32> to vector<16xf32>
        %add3A_1127 = arith.addf %get3A_1126, %get3A_303 : vector<16xf32>
        %swap3A_1128 = arith.index_cast %add3A_1123 : i32 to index
        %swap3A_1129 = tpu.vector_load %arg8[%swap3A_1128] {strides = array<i32>} : memref<15360xf32, #tpu.memory_space<vmem>>, vector<16xf32>,
        %swap3A_1130 = vector.shape_cast %swap3A_1129 : vector<16xf32> to vector<16xf32>
        %swap3A_1131 = vector.shape_cast %add3A_1127 : vector<16xf32> to vector<16xf32>
        tpu.vector_store %arg8[%swap3A_1128], %swap3A_1131 {strides = array<i32>} : memref<15360xf32, #tpu.memory_space<vmem>>, vector<16xf32>,
        %add3A_1132 = arith.constant 224 : i32
        %add3A_1133 = arith.addi %add3A_992, %add3A_1132 : i32
        %get3A_1134 = arith.index_cast %add3A_1133 : i32 to index
        %get3A_1135 = tpu.vector_load %arg6[%get3A_1134] {strides = array<i32>} : memref<15360xf32, #tpu.memory_space<vmem>>, vector<16xf32>,
        %get3A_1136 = vector.shape_cast %get3A_1135 : vector<16xf32> to vector<16xf32>
        %add3A_1137 = arith.addf %get3A_1136, %get3A_308 : vector<16xf32>
        %swap3A_1138 = arith.index_cast %add3A_1133 : i32 to index
        %swap3A_1139 = tpu.vector_load %arg8[%swap3A_1138] {strides = array<i32>} : memref<15360xf32, #tpu.memory_space<vmem>>, vector<16xf32>,
        %swap3A_1140 = vector.shape_cast %swap3A_1139 : vector<16xf32> to vector<16xf32>
        %swap3A_1141 = vector.shape_cast %add3A_1137 : vector<16xf32> to vector<16xf32>
        tpu.vector_store %arg8[%swap3A_1138], %swap3A_1141 {strides = array<i32>} : memref<15360xf32, #tpu.memory_space<vmem>>, vector<16xf32>,
        %add3A_1142 = arith.constant 240 : i32
        %add3A_1143 = arith.addi %add3A_992, %add3A_1142 : i32
        %get3A_1144 = arith.index_cast %add3A_1143 : i32 to index
        %get3A_1145 = tpu.vector_load %arg6[%get3A_1144] {strides = array<i32>} : memref<15360xf32, #tpu.memory_space<vmem>>, vector<16xf32>,
        %get3A_1146 = vector.shape_cast %get3A_1145 : vector<16xf32> to vector<16xf32>
        %add3A_1147 = arith.addf %get3A_1146, %get3A_313 : vector<16xf32>
        %swap3A_1148 = arith.index_cast %add3A_1143 : i32 to index
        %swap3A_1149 = tpu.vector_load %arg8[%swap3A_1148] {strides = array<i32>} : memref<15360xf32, #tpu.memory_space<vmem>>, vector<16xf32>,
        %swap3A_1150 = vector.shape_cast %swap3A_1149 : vector<16xf32> to vector<16xf32>
        %swap3A_1151 = vector.shape_cast %add3A_1147 : vector<16xf32> to vector<16xf32>
        tpu.vector_store %arg8[%swap3A_1148], %swap3A_1151 {strides = array<i32>} : memref<15360xf32, #tpu.memory_space<vmem>>, vector<16xf32>,
      }
      %scan3A_318 = arith.constant 12 : i32
      %add3A_319 = arith.constant 3 : i32
      %add3A_320 = arith.addi %mul3A_52, %add3A_319 : i32
      %mul3A_321 = arith.constant 256 : i32
      %mul3A_322 = arith.muli %add3A_320, %mul3A_321 : i32
      %add3A_323 = arith.constant 0 : i32
      %add3A_324 = arith.addi %mul3A_322, %add3A_323 : i32
      %get3A_325 = arith.index_cast %add3A_324 : i32 to index
      %get3A_326 = tpu.vector_load %arg5[%get3A_325] {strides = array<i32>} : memref<12800xf32, #tpu.memory_space<vmem>>, vector<16xf32>,
      %get3A_327 = vector.shape_cast %get3A_326 : vector<16xf32> to vector<16xf32>
      %add3A_328 = arith.constant 16 : i32
      %add3A_329 = arith.addi %mul3A_322, %add3A_328 : i32
      %get3A_330 = arith.index_cast %add3A_329 : i32 to index
      %get3A_331 = tpu.vector_load %arg5[%get3A_330] {strides = array<i32>} : memref<12800xf32, #tpu.memory_space<vmem>>, vector<16xf32>,
      %get3A_332 = vector.shape_cast %get3A_331 : vector<16xf32> to vector<16xf32>
      %add3A_333 = arith.constant 32 : i32
      %add3A_334 = arith.addi %mul3A_322, %add3A_333 : i32
      %get3A_335 = arith.index_cast %add3A_334 : i32 to index
      %get3A_336 = tpu.vector_load %arg5[%get3A_335] {strides = array<i32>} : memref<12800xf32, #tpu.memory_space<vmem>>, vector<16xf32>,
      %get3A_337 = vector.shape_cast %get3A_336 : vector<16xf32> to vector<16xf32>
      %add3A_338 = arith.constant 48 : i32
      %add3A_339 = arith.addi %mul3A_322, %add3A_338 : i32
      %get3A_340 = arith.index_cast %add3A_339 : i32 to index
      %get3A_341 = tpu.vector_load %arg5[%get3A_340] {strides = array<i32>} : memref<12800xf32, #tpu.memory_space<vmem>>, vector<16xf32>,
      %get3A_342 = vector.shape_cast %get3A_341 : vector<16xf32> to vector<16xf32>
      %add3A_343 = arith.constant 64 : i32
      %add3A_344 = arith.addi %mul3A_322, %add3A_343 : i32
      %get3A_345 = arith.index_cast %add3A_344 : i32 to index
      %get3A_346 = tpu.vector_load %arg5[%get3A_345] {strides = array<i32>} : memref<12800xf32, #tpu.memory_space<vmem>>, vector<16xf32>,
      %get3A_347 = vector.shape_cast %get3A_346 : vector<16xf32> to vector<16xf32>
      %add3A_348 = arith.constant 80 : i32
      %add3A_349 = arith.addi %mul3A_322, %add3A_348 : i32
      %get3A_350 = arith.index_cast %add3A_349 : i32 to index
      %get3A_351 = tpu.vector_load %arg5[%get3A_350] {strides = array<i32>} : memref<12800xf32, #tpu.memory_space<vmem>>, vector<16xf32>,
      %get3A_352 = vector.shape_cast %get3A_351 : vector<16xf32> to vector<16xf32>
      %add3A_353 = arith.constant 96 : i32
      %add3A_354 = arith.addi %mul3A_322, %add3A_353 : i32
      %get3A_355 = arith.index_cast %add3A_354 : i32 to index
      %get3A_356 = tpu.vector_load %arg5[%get3A_355] {strides = array<i32>} : memref<12800xf32, #tpu.memory_space<vmem>>, vector<16xf32>,
      %get3A_357 = vector.shape_cast %get3A_356 : vector<16xf32> to vector<16xf32>
      %add3A_358 = arith.constant 112 : i32
      %add3A_359 = arith.addi %mul3A_322, %add3A_358 : i32
      %get3A_360 = arith.index_cast %add3A_359 : i32 to index
      %get3A_361 = tpu.vector_load %arg5[%get3A_360] {strides = array<i32>} : memref<12800xf32, #tpu.memory_space<vmem>>, vector<16xf32>,
      %get3A_362 = vector.shape_cast %get3A_361 : vector<16xf32> to vector<16xf32>
      %add3A_363 = arith.constant 128 : i32
      %add3A_364 = arith.addi %mul3A_322, %add3A_363 : i32
      %get3A_365 = arith.index_cast %add3A_364 : i32 to index
      %get3A_366 = tpu.vector_load %arg5[%get3A_365] {strides = array<i32>} : memref<12800xf32, #tpu.memory_space<vmem>>, vector<16xf32>,
      %get3A_367 = vector.shape_cast %get3A_366 : vector<16xf32> to vector<16xf32>
      %add3A_368 = arith.constant 144 : i32
      %add3A_369 = arith.addi %mul3A_322, %add3A_368 : i32
      %get3A_370 = arith.index_cast %add3A_369 : i32 to index
      %get3A_371 = tpu.vector_load %arg5[%get3A_370] {strides = array<i32>} : memref<12800xf32, #tpu.memory_space<vmem>>, vector<16xf32>,
      %get3A_372 = vector.shape_cast %get3A_371 : vector<16xf32> to vector<16xf32>
      %add3A_373 = arith.constant 160 : i32
      %add3A_374 = arith.addi %mul3A_322, %add3A_373 : i32
      %get3A_375 = arith.index_cast %add3A_374 : i32 to index
      %get3A_376 = tpu.vector_load %arg5[%get3A_375] {strides = array<i32>} : memref<12800xf32, #tpu.memory_space<vmem>>, vector<16xf32>,
      %get3A_377 = vector.shape_cast %get3A_376 : vector<16xf32> to vector<16xf32>
      %add3A_378 = arith.constant 176 : i32
      %add3A_379 = arith.addi %mul3A_322, %add3A_378 : i32
      %get3A_380 = arith.index_cast %add3A_379 : i32 to index
      %get3A_381 = tpu.vector_load %arg5[%get3A_380] {strides = array<i32>} : memref<12800xf32, #tpu.memory_space<vmem>>, vector<16xf32>,
      %get3A_382 = vector.shape_cast %get3A_381 : vector<16xf32> to vector<16xf32>
      %add3A_383 = arith.constant 192 : i32
      %add3A_384 = arith.addi %mul3A_322, %add3A_383 : i32
      %get3A_385 = arith.index_cast %add3A_384 : i32 to index
      %get3A_386 = tpu.vector_load %arg5[%get3A_385] {strides = array<i32>} : memref<12800xf32, #tpu.memory_space<vmem>>, vector<16xf32>,
      %get3A_387 = vector.shape_cast %get3A_386 : vector<16xf32> to vector<16xf32>
      %add3A_388 = arith.constant 208 : i32
      %add3A_389 = arith.addi %mul3A_322, %add3A_388 : i32
      %get3A_390 = arith.index_cast %add3A_389 : i32 to index
      %get3A_391 = tpu.vector_load %arg5[%get3A_390] {strides = array<i32>} : memref<12800xf32, #tpu.memory_space<vmem>>, vector<16xf32>,
      %get3A_392 = vector.shape_cast %get3A_391 : vector<16xf32> to vector<16xf32>
      %add3A_393 = arith.constant 224 : i32
      %add3A_394 = arith.addi %mul3A_322, %add3A_393 : i32
      %get3A_395 = arith.index_cast %add3A_394 : i32 to index
      %get3A_396 = tpu.vector_load %arg5[%get3A_395] {strides = array<i32>} : memref<12800xf32, #tpu.memory_space<vmem>>, vector<16xf32>,
      %get3A_397 = vector.shape_cast %get3A_396 : vector<16xf32> to vector<16xf32>
      %add3A_398 = arith.constant 240 : i32
      %add3A_399 = arith.addi %mul3A_322, %add3A_398 : i32
      %get3A_400 = arith.index_cast %add3A_399 : i32 to index
      %get3A_401 = tpu.vector_load %arg5[%get3A_400] {strides = array<i32>} : memref<12800xf32, #tpu.memory_space<vmem>>, vector<16xf32>,
      %get3A_402 = vector.shape_cast %get3A_401 : vector<16xf32> to vector<16xf32>
      %scan3A_403 = arith.constant 0 : i32
      %scan3A_404 = arith.constant 12 : i32
      %scan3A_405 = arith.addi %scan3A_403, %scan3A_404 : i32
      %scan3A_406 = arith.constant 1 : i32
      scf.for %scan3A_984 = %scan3A_403 to %scan3A_405 step %scan3A_406  : i32 {
        %mul3A_985 = arith.constant 1 : i32
        %mul3A_986 = arith.muli %scan3A_984, %mul3A_985 : i32
        %add3A_987 = arith.constant 0 : i32
        %add3A_988 = arith.addi %add3A_987, %mul3A_986 : i32
        %mul3A_989 = arith.constant 256 : i32
        %mul3A_990 = arith.muli %add3A_988, %mul3A_989 : i32
        %add3A_991 = arith.constant 9216 : i32
        %add3A_992 = arith.addi %add3A_991, %mul3A_990 : i32
        %add3A_993 = arith.constant 0 : i32
        %add3A_994 = arith.addi %add3A_992, %add3A_993 : i32
        %get3A_995 = arith.index_cast %add3A_994 : i32 to index
        %get3A_996 = tpu.vector_load %arg6[%get3A_995] {strides = array<i32>} : memref<15360xf32, #tpu.memory_space<vmem>>, vector<16xf32>,
        %get3A_997 = vector.shape_cast %get3A_996 : vector<16xf32> to vector<16xf32>
        %add3A_998 = arith.addf %get3A_997, %get3A_327 : vector<16xf32>
        %swap3A = arith.index_cast %add3A_994 : i32 to index
        %swap3A_999 = tpu.vector_load %arg8[%swap3A] {strides = array<i32>} : memref<15360xf32, #tpu.memory_space<vmem>>, vector<16xf32>,
        %swap3A_1000 = vector.shape_cast %swap3A_999 : vector<16xf32> to vector<16xf32>
        %swap3A_1001 = vector.shape_cast %add3A_998 : vector<16xf32> to vector<16xf32>
        tpu.vector_store %arg8[%swap3A], %swap3A_1001 {strides = array<i32>} : memref<15360xf32, #tpu.memory_space<vmem>>, vector<16xf32>,
        %add3A_1002 = arith.constant 16 : i32
        %add3A_1003 = arith.addi %add3A_992, %add3A_1002 : i32
        %get3A_1004 = arith.index_cast %add3A_1003 : i32 to index
        %get3A_1005 = tpu.vector_load %arg6[%get3A_1004] {strides = array<i32>} : memref<15360xf32, #tpu.memory_space<vmem>>, vector<16xf32>,
        %get3A_1006 = vector.shape_cast %get3A_1005 : vector<16xf32> to vector<16xf32>
        %add3A_1007 = arith.addf %get3A_1006, %get3A_332 : vector<16xf32>
        %swap3A_1008 = arith.index_cast %add3A_1003 : i32 to index
        %swap3A_1009 = tpu.vector_load %arg8[%swap3A_1008] {strides = array<i32>} : memref<15360xf32, #tpu.memory_space<vmem>>, vector<16xf32>,
        %swap3A_1010 = vector.shape_cast %swap3A_1009 : vector<16xf32> to vector<16xf32>
        %swap3A_1011 = vector.shape_cast %add3A_1007 : vector<16xf32> to vector<16xf32>
        tpu.vector_store %arg8[%swap3A_1008], %swap3A_1011 {strides = array<i32>} : memref<15360xf32, #tpu.memory_space<vmem>>, vector<16xf32>,
        %add3A_1012 = arith.constant 32 : i32
        %add3A_1013 = arith.addi %add3A_992, %add3A_1012 : i32
        %get3A_1014 = arith.index_cast %add3A_1013 : i32 to index
        %get3A_1015 = tpu.vector_load %arg6[%get3A_1014] {strides = array<i32>} : memref<15360xf32, #tpu.memory_space<vmem>>, vector<16xf32>,
        %get3A_1016 = vector.shape_cast %get3A_1015 : vector<16xf32> to vector<16xf32>
        %add3A_1017 = arith.addf %get3A_1016, %get3A_337 : vector<16xf32>
        %swap3A_1018 = arith.index_cast %add3A_1013 : i32 to index
        %swap3A_1019 = tpu.vector_load %arg8[%swap3A_1018] {strides = array<i32>} : memref<15360xf32, #tpu.memory_space<vmem>>, vector<16xf32>,
        %swap3A_1020 = vector.shape_cast %swap3A_1019 : vector<16xf32> to vector<16xf32>
        %swap3A_1021 = vector.shape_cast %add3A_1017 : vector<16xf32> to vector<16xf32>
        tpu.vector_store %arg8[%swap3A_1018], %swap3A_1021 {strides = array<i32>} : memref<15360xf32, #tpu.memory_space<vmem>>, vector<16xf32>,
        %add3A_1022 = arith.constant 48 : i32
        %add3A_1023 = arith.addi %add3A_992, %add3A_1022 : i32
        %get3A_1024 = arith.index_cast %add3A_1023 : i32 to index
        %get3A_1025 = tpu.vector_load %arg6[%get3A_1024] {strides = array<i32>} : memref<15360xf32, #tpu.memory_space<vmem>>, vector<16xf32>,
        %get3A_1026 = vector.shape_cast %get3A_1025 : vector<16xf32> to vector<16xf32>
        %add3A_1027 = arith.addf %get3A_1026, %get3A_342 : vector<16xf32>
        %swap3A_1028 = arith.index_cast %add3A_1023 : i32 to index
        %swap3A_1029 = tpu.vector_load %arg8[%swap3A_1028] {strides = array<i32>} : memref<15360xf32, #tpu.memory_space<vmem>>, vector<16xf32>,
        %swap3A_1030 = vector.shape_cast %swap3A_1029 : vector<16xf32> to vector<16xf32>
        %swap3A_1031 = vector.shape_cast %add3A_1027 : vector<16xf32> to vector<16xf32>
        tpu.vector_store %arg8[%swap3A_1028], %swap3A_1031 {strides = array<i32>} : memref<15360xf32, #tpu.memory_space<vmem>>, vector<16xf32>,
        %add3A_1032 = arith.constant 64 : i32
        %add3A_1033 = arith.addi %add3A_992, %add3A_1032 : i32
        %get3A_1034 = arith.index_cast %add3A_1033 : i32 to index
        %get3A_1035 = tpu.vector_load %arg6[%get3A_1034] {strides = array<i32>} : memref<15360xf32, #tpu.memory_space<vmem>>, vector<16xf32>,
        %get3A_1036 = vector.shape_cast %get3A_1035 : vector<16xf32> to vector<16xf32>
        %add3A_1037 = arith.addf %get3A_1036, %get3A_347 : vector<16xf32>
        %swap3A_1038 = arith.index_cast %add3A_1033 : i32 to index
        %swap3A_1039 = tpu.vector_load %arg8[%swap3A_1038] {strides = array<i32>} : memref<15360xf32, #tpu.memory_space<vmem>>, vector<16xf32>,
        %swap3A_1040 = vector.shape_cast %swap3A_1039 : vector<16xf32> to vector<16xf32>
        %swap3A_1041 = vector.shape_cast %add3A_1037 : vector<16xf32> to vector<16xf32>
        tpu.vector_store %arg8[%swap3A_1038], %swap3A_1041 {strides = array<i32>} : memref<15360xf32, #tpu.memory_space<vmem>>, vector<16xf32>,
        %add3A_1042 = arith.constant 80 : i32
        %add3A_1043 = arith.addi %add3A_992, %add3A_1042 : i32
        %get3A_1044 = arith.index_cast %add3A_1043 : i32 to index
        %get3A_1045 = tpu.vector_load %arg6[%get3A_1044] {strides = array<i32>} : memref<15360xf32, #tpu.memory_space<vmem>>, vector<16xf32>,
        %get3A_1046 = vector.shape_cast %get3A_1045 : vector<16xf32> to vector<16xf32>
        %add3A_1047 = arith.addf %get3A_1046, %get3A_352 : vector<16xf32>
        %swap3A_1048 = arith.index_cast %add3A_1043 : i32 to index
        %swap3A_1049 = tpu.vector_load %arg8[%swap3A_1048] {strides = array<i32>} : memref<15360xf32, #tpu.memory_space<vmem>>, vector<16xf32>,
        %swap3A_1050 = vector.shape_cast %swap3A_1049 : vector<16xf32> to vector<16xf32>
        %swap3A_1051 = vector.shape_cast %add3A_1047 : vector<16xf32> to vector<16xf32>
        tpu.vector_store %arg8[%swap3A_1048], %swap3A_1051 {strides = array<i32>} : memref<15360xf32, #tpu.memory_space<vmem>>, vector<16xf32>,
        %add3A_1052 = arith.constant 96 : i32
        %add3A_1053 = arith.addi %add3A_992, %add3A_1052 : i32
        %get3A_1054 = arith.index_cast %add3A_1053 : i32 to index
        %get3A_1055 = tpu.vector_load %arg6[%get3A_1054] {strides = array<i32>} : memref<15360xf32, #tpu.memory_space<vmem>>, vector<16xf32>,
        %get3A_1056 = vector.shape_cast %get3A_1055 : vector<16xf32> to vector<16xf32>
        %add3A_1057 = arith.addf %get3A_1056, %get3A_357 : vector<16xf32>
        %swap3A_1058 = arith.index_cast %add3A_1053 : i32 to index
        %swap3A_1059 = tpu.vector_load %arg8[%swap3A_1058] {strides = array<i32>} : memref<15360xf32, #tpu.memory_space<vmem>>, vector<16xf32>,
        %swap3A_1060 = vector.shape_cast %swap3A_1059 : vector<16xf32> to vector<16xf32>
        %swap3A_1061 = vector.shape_cast %add3A_1057 : vector<16xf32> to vector<16xf32>
        tpu.vector_store %arg8[%swap3A_1058], %swap3A_1061 {strides = array<i32>} : memref<15360xf32, #tpu.memory_space<vmem>>, vector<16xf32>,
        %add3A_1062 = arith.constant 112 : i32
        %add3A_1063 = arith.addi %add3A_992, %add3A_1062 : i32
        %get3A_1064 = arith.index_cast %add3A_1063 : i32 to index
        %get3A_1065 = tpu.vector_load %arg6[%get3A_1064] {strides = array<i32>} : memref<15360xf32, #tpu.memory_space<vmem>>, vector<16xf32>,
        %get3A_1066 = vector.shape_cast %get3A_1065 : vector<16xf32> to vector<16xf32>
        %add3A_1067 = arith.addf %get3A_1066, %get3A_362 : vector<16xf32>
        %swap3A_1068 = arith.index_cast %add3A_1063 : i32 to index
        %swap3A_1069 = tpu.vector_load %arg8[%swap3A_1068] {strides = array<i32>} : memref<15360xf32, #tpu.memory_space<vmem>>, vector<16xf32>,
        %swap3A_1070 = vector.shape_cast %swap3A_1069 : vector<16xf32> to vector<16xf32>
        %swap3A_1071 = vector.shape_cast %add3A_1067 : vector<16xf32> to vector<16xf32>
        tpu.vector_store %arg8[%swap3A_1068], %swap3A_1071 {strides = array<i32>} : memref<15360xf32, #tpu.memory_space<vmem>>, vector<16xf32>,
        %add3A_1072 = arith.constant 128 : i32
        %add3A_1073 = arith.addi %add3A_992, %add3A_1072 : i32
        %get3A_1074 = arith.index_cast %add3A_1073 : i32 to index
        %get3A_1075 = tpu.vector_load %arg6[%get3A_1074] {strides = array<i32>} : memref<15360xf32, #tpu.memory_space<vmem>>, vector<16xf32>,
        %get3A_1076 = vector.shape_cast %get3A_1075 : vector<16xf32> to vector<16xf32>
        %add3A_1077 = arith.addf %get3A_1076, %get3A_367 : vector<16xf32>
        %swap3A_1078 = arith.index_cast %add3A_1073 : i32 to index
        %swap3A_1079 = tpu.vector_load %arg8[%swap3A_1078] {strides = array<i32>} : memref<15360xf32, #tpu.memory_space<vmem>>, vector<16xf32>,
        %swap3A_1080 = vector.shape_cast %swap3A_1079 : vector<16xf32> to vector<16xf32>
        %swap3A_1081 = vector.shape_cast %add3A_1077 : vector<16xf32> to vector<16xf32>
        tpu.vector_store %arg8[%swap3A_1078], %swap3A_1081 {strides = array<i32>} : memref<15360xf32, #tpu.memory_space<vmem>>, vector<16xf32>,
        %add3A_1082 = arith.constant 144 : i32
        %add3A_1083 = arith.addi %add3A_992, %add3A_1082 : i32
        %get3A_1084 = arith.index_cast %add3A_1083 : i32 to index
        %get3A_1085 = tpu.vector_load %arg6[%get3A_1084] {strides = array<i32>} : memref<15360xf32, #tpu.memory_space<vmem>>, vector<16xf32>,
        %get3A_1086 = vector.shape_cast %get3A_1085 : vector<16xf32> to vector<16xf32>
        %add3A_1087 = arith.addf %get3A_1086, %get3A_372 : vector<16xf32>
        %swap3A_1088 = arith.index_cast %add3A_1083 : i32 to index
        %swap3A_1089 = tpu.vector_load %arg8[%swap3A_1088] {strides = array<i32>} : memref<15360xf32, #tpu.memory_space<vmem>>, vector<16xf32>,
        %swap3A_1090 = vector.shape_cast %swap3A_1089 : vector<16xf32> to vector<16xf32>
        %swap3A_1091 = vector.shape_cast %add3A_1087 : vector<16xf32> to vector<16xf32>
        tpu.vector_store %arg8[%swap3A_1088], %swap3A_1091 {strides = array<i32>} : memref<15360xf32, #tpu.memory_space<vmem>>, vector<16xf32>,
        %add3A_1092 = arith.constant 160 : i32
        %add3A_1093 = arith.addi %add3A_992, %add3A_1092 : i32
        %get3A_1094 = arith.index_cast %add3A_1093 : i32 to index
        %get3A_1095 = tpu.vector_load %arg6[%get3A_1094] {strides = array<i32>} : memref<15360xf32, #tpu.memory_space<vmem>>, vector<16xf32>,
        %get3A_1096 = vector.shape_cast %get3A_1095 : vector<16xf32> to vector<16xf32>
        %add3A_1097 = arith.addf %get3A_1096, %get3A_377 : vector<16xf32>
        %swap3A_1098 = arith.index_cast %add3A_1093 : i32 to index
        %swap3A_1099 = tpu.vector_load %arg8[%swap3A_1098] {strides = array<i32>} : memref<15360xf32, #tpu.memory_space<vmem>>, vector<16xf32>,
        %swap3A_1100 = vector.shape_cast %swap3A_1099 : vector<16xf32> to vector<16xf32>
        %swap3A_1101 = vector.shape_cast %add3A_1097 : vector<16xf32> to vector<16xf32>
        tpu.vector_store %arg8[%swap3A_1098], %swap3A_1101 {strides = array<i32>} : memref<15360xf32, #tpu.memory_space<vmem>>, vector<16xf32>,
        %add3A_1102 = arith.constant 176 : i32
        %add3A_1103 = arith.addi %add3A_992, %add3A_1102 : i32
        %get3A_1104 = arith.index_cast %add3A_1103 : i32 to index
        %get3A_1105 = tpu.vector_load %arg6[%get3A_1104] {strides = array<i32>} : memref<15360xf32, #tpu.memory_space<vmem>>, vector<16xf32>,
        %get3A_1106 = vector.shape_cast %get3A_1105 : vector<16xf32> to vector<16xf32>
        %add3A_1107 = arith.addf %get3A_1106, %get3A_382 : vector<16xf32>
        %swap3A_1108 = arith.index_cast %add3A_1103 : i32 to index
        %swap3A_1109 = tpu.vector_load %arg8[%swap3A_1108] {strides = array<i32>} : memref<15360xf32, #tpu.memory_space<vmem>>, vector<16xf32>,
        %swap3A_1110 = vector.shape_cast %swap3A_1109 : vector<16xf32> to vector<16xf32>
        %swap3A_1111 = vector.shape_cast %add3A_1107 : vector<16xf32> to vector<16xf32>
        tpu.vector_store %arg8[%swap3A_1108], %swap3A_1111 {strides = array<i32>} : memref<15360xf32, #tpu.memory_space<vmem>>, vector<16xf32>,
        %add3A_1112 = arith.constant 192 : i32
        %add3A_1113 = arith.addi %add3A_992, %add3A_1112 : i32
        %get3A_1114 = arith.index_cast %add3A_1113 : i32 to index
        %get3A_1115 = tpu.vector_load %arg6[%get3A_1114] {strides = array<i32>} : memref<15360xf32, #tpu.memory_space<vmem>>, vector<16xf32>,
        %get3A_1116 = vector.shape_cast %get3A_1115 : vector<16xf32> to vector<16xf32>
        %add3A_1117 = arith.addf %get3A_1116, %get3A_387 : vector<16xf32>
        %swap3A_1118 = arith.index_cast %add3A_1113 : i32 to index
        %swap3A_1119 = tpu.vector_load %arg8[%swap3A_1118] {strides = array<i32>} : memref<15360xf32, #tpu.memory_space<vmem>>, vector<16xf32>,
        %swap3A_1120 = vector.shape_cast %swap3A_1119 : vector<16xf32> to vector<16xf32>
        %swap3A_1121 = vector.shape_cast %add3A_1117 : vector<16xf32> to vector<16xf32>
        tpu.vector_store %arg8[%swap3A_1118], %swap3A_1121 {strides = array<i32>} : memref<15360xf32, #tpu.memory_space<vmem>>, vector<16xf32>,
        %add3A_1122 = arith.constant 208 : i32
        %add3A_1123 = arith.addi %add3A_992, %add3A_1122 : i32
        %get3A_1124 = arith.index_cast %add3A_1123 : i32 to index
        %get3A_1125 = tpu.vector_load %arg6[%get3A_1124] {strides = array<i32>} : memref<15360xf32, #tpu.memory_space<vmem>>, vector<16xf32>,
        %get3A_1126 = vector.shape_cast %get3A_1125 : vector<16xf32> to vector<16xf32>
        %add3A_1127 = arith.addf %get3A_1126, %get3A_392 : vector<16xf32>
        %swap3A_1128 = arith.index_cast %add3A_1123 : i32 to index
        %swap3A_1129 = tpu.vector_load %arg8[%swap3A_1128] {strides = array<i32>} : memref<15360xf32, #tpu.memory_space<vmem>>, vector<16xf32>,
        %swap3A_1130 = vector.shape_cast %swap3A_1129 : vector<16xf32> to vector<16xf32>
        %swap3A_1131 = vector.shape_cast %add3A_1127 : vector<16xf32> to vector<16xf32>
        tpu.vector_store %arg8[%swap3A_1128], %swap3A_1131 {strides = array<i32>} : memref<15360xf32, #tpu.memory_space<vmem>>, vector<16xf32>,
        %add3A_1132 = arith.constant 224 : i32
        %add3A_1133 = arith.addi %add3A_992, %add3A_1132 : i32
        %get3A_1134 = arith.index_cast %add3A_1133 : i32 to index
        %get3A_1135 = tpu.vector_load %arg6[%get3A_1134] {strides = array<i32>} : memref<15360xf32, #tpu.memory_space<vmem>>, vector<16xf32>,
        %get3A_1136 = vector.shape_cast %get3A_1135 : vector<16xf32> to vector<16xf32>
        %add3A_1137 = arith.addf %get3A_1136, %get3A_397 : vector<16xf32>
        %swap3A_1138 = arith.index_cast %add3A_1133 : i32 to index
        %swap3A_1139 = tpu.vector_load %arg8[%swap3A_1138] {strides = array<i32>} : memref<15360xf32, #tpu.memory_space<vmem>>, vector<16xf32>,
        %swap3A_1140 = vector.shape_cast %swap3A_1139 : vector<16xf32> to vector<16xf32>
        %swap3A_1141 = vector.shape_cast %add3A_1137 : vector<16xf32> to vector<16xf32>
        tpu.vector_store %arg8[%swap3A_1138], %swap3A_1141 {strides = array<i32>} : memref<15360xf32, #tpu.memory_space<vmem>>, vector<16xf32>,
        %add3A_1142 = arith.constant 240 : i32
        %add3A_1143 = arith.addi %add3A_992, %add3A_1142 : i32
        %get3A_1144 = arith.index_cast %add3A_1143 : i32 to index
        %get3A_1145 = tpu.vector_load %arg6[%get3A_1144] {strides = array<i32>} : memref<15360xf32, #tpu.memory_space<vmem>>, vector<16xf32>,
        %get3A_1146 = vector.shape_cast %get3A_1145 : vector<16xf32> to vector<16xf32>
        %add3A_1147 = arith.addf %get3A_1146, %get3A_402 : vector<16xf32>
        %swap3A_1148 = arith.index_cast %add3A_1143 : i32 to index
        %swap3A_1149 = tpu.vector_load %arg8[%swap3A_1148] {strides = array<i32>} : memref<15360xf32, #tpu.memory_space<vmem>>, vector<16xf32>,
        %swap3A_1150 = vector.shape_cast %swap3A_1149 : vector<16xf32> to vector<16xf32>
        %swap3A_1151 = vector.shape_cast %add3A_1147 : vector<16xf32> to vector<16xf32>
        tpu.vector_store %arg8[%swap3A_1148], %swap3A_1151 {strides = array<i32>} : memref<15360xf32, #tpu.memory_space<vmem>>, vector<16xf32>,
      }
      %scan3A_407 = arith.constant 12 : i32
      %add3A_408 = arith.constant 4 : i32
      %add3A_409 = arith.addi %mul3A_52, %add3A_408 : i32
      %mul3A_410 = arith.constant 256 : i32
      %mul3A_411 = arith.muli %add3A_409, %mul3A_410 : i32
      %add3A_412 = arith.constant 0 : i32
      %add3A_413 = arith.addi %mul3A_411, %add3A_412 : i32
      %get3A_414 = arith.index_cast %add3A_413 : i32 to index
      %get3A_415 = tpu.vector_load %arg5[%get3A_414] {strides = array<i32>} : memref<12800xf32, #tpu.memory_space<vmem>>, vector<16xf32>,
      %get3A_416 = vector.shape_cast %get3A_415 : vector<16xf32> to vector<16xf32>
      %add3A_417 = arith.constant 16 : i32
      %add3A_418 = arith.addi %mul3A_411, %add3A_417 : i32
      %get3A_419 = arith.index_cast %add3A_418 : i32 to index
      %get3A_420 = tpu.vector_load %arg5[%get3A_419] {strides = array<i32>} : memref<12800xf32, #tpu.memory_space<vmem>>, vector<16xf32>,
      %get3A_421 = vector.shape_cast %get3A_420 : vector<16xf32> to vector<16xf32>
      %add3A_422 = arith.constant 32 : i32
      %add3A_423 = arith.addi %mul3A_411, %add3A_422 : i32
      %get3A_424 = arith.index_cast %add3A_423 : i32 to index
      %get3A_425 = tpu.vector_load %arg5[%get3A_424] {strides = array<i32>} : memref<12800xf32, #tpu.memory_space<vmem>>, vector<16xf32>,
      %get3A_426 = vector.shape_cast %get3A_425 : vector<16xf32> to vector<16xf32>
      %add3A_427 = arith.constant 48 : i32
      %add3A_428 = arith.addi %mul3A_411, %add3A_427 : i32
      %get3A_429 = arith.index_cast %add3A_428 : i32 to index
      %get3A_430 = tpu.vector_load %arg5[%get3A_429] {strides = array<i32>} : memref<12800xf32, #tpu.memory_space<vmem>>, vector<16xf32>,
      %get3A_431 = vector.shape_cast %get3A_430 : vector<16xf32> to vector<16xf32>
      %add3A_432 = arith.constant 64 : i32
      %add3A_433 = arith.addi %mul3A_411, %add3A_432 : i32
      %get3A_434 = arith.index_cast %add3A_433 : i32 to index
      %get3A_435 = tpu.vector_load %arg5[%get3A_434] {strides = array<i32>} : memref<12800xf32, #tpu.memory_space<vmem>>, vector<16xf32>,
      %get3A_436 = vector.shape_cast %get3A_435 : vector<16xf32> to vector<16xf32>
      %add3A_437 = arith.constant 80 : i32
      %add3A_438 = arith.addi %mul3A_411, %add3A_437 : i32
      %get3A_439 = arith.index_cast %add3A_438 : i32 to index
      %get3A_440 = tpu.vector_load %arg5[%get3A_439] {strides = array<i32>} : memref<12800xf32, #tpu.memory_space<vmem>>, vector<16xf32>,
      %get3A_441 = vector.shape_cast %get3A_440 : vector<16xf32> to vector<16xf32>
      %add3A_442 = arith.constant 96 : i32
      %add3A_443 = arith.addi %mul3A_411, %add3A_442 : i32
      %get3A_444 = arith.index_cast %add3A_443 : i32 to index
      %get3A_445 = tpu.vector_load %arg5[%get3A_444] {strides = array<i32>} : memref<12800xf32, #tpu.memory_space<vmem>>, vector<16xf32>,
      %get3A_446 = vector.shape_cast %get3A_445 : vector<16xf32> to vector<16xf32>
      %add3A_447 = arith.constant 112 : i32
      %add3A_448 = arith.addi %mul3A_411, %add3A_447 : i32
      %get3A_449 = arith.index_cast %add3A_448 : i32 to index
      %get3A_450 = tpu.vector_load %arg5[%get3A_449] {strides = array<i32>} : memref<12800xf32, #tpu.memory_space<vmem>>, vector<16xf32>,
      %get3A_451 = vector.shape_cast %get3A_450 : vector<16xf32> to vector<16xf32>
      %add3A_452 = arith.constant 128 : i32
      %add3A_453 = arith.addi %mul3A_411, %add3A_452 : i32
      %get3A_454 = arith.index_cast %add3A_453 : i32 to index
      %get3A_455 = tpu.vector_load %arg5[%get3A_454] {strides = array<i32>} : memref<12800xf32, #tpu.memory_space<vmem>>, vector<16xf32>,
      %get3A_456 = vector.shape_cast %get3A_455 : vector<16xf32> to vector<16xf32>
      %add3A_457 = arith.constant 144 : i32
      %add3A_458 = arith.addi %mul3A_411, %add3A_457 : i32
      %get3A_459 = arith.index_cast %add3A_458 : i32 to index
      %get3A_460 = tpu.vector_load %arg5[%get3A_459] {strides = array<i32>} : memref<12800xf32, #tpu.memory_space<vmem>>, vector<16xf32>,
      %get3A_461 = vector.shape_cast %get3A_460 : vector<16xf32> to vector<16xf32>
      %add3A_462 = arith.constant 160 : i32
      %add3A_463 = arith.addi %mul3A_411, %add3A_462 : i32
      %get3A_464 = arith.index_cast %add3A_463 : i32 to index
      %get3A_465 = tpu.vector_load %arg5[%get3A_464] {strides = array<i32>} : memref<12800xf32, #tpu.memory_space<vmem>>, vector<16xf32>,
      %get3A_466 = vector.shape_cast %get3A_465 : vector<16xf32> to vector<16xf32>
      %add3A_467 = arith.constant 176 : i32
      %add3A_468 = arith.addi %mul3A_411, %add3A_467 : i32
      %get3A_469 = arith.index_cast %add3A_468 : i32 to index
      %get3A_470 = tpu.vector_load %arg5[%get3A_469] {strides = array<i32>} : memref<12800xf32, #tpu.memory_space<vmem>>, vector<16xf32>,
      %get3A_471 = vector.shape_cast %get3A_470 : vector<16xf32> to vector<16xf32>
      %add3A_472 = arith.constant 192 : i32
      %add3A_473 = arith.addi %mul3A_411, %add3A_472 : i32
      %get3A_474 = arith.index_cast %add3A_473 : i32 to index
      %get3A_475 = tpu.vector_load %arg5[%get3A_474] {strides = array<i32>} : memref<12800xf32, #tpu.memory_space<vmem>>, vector<16xf32>,
      %get3A_476 = vector.shape_cast %get3A_475 : vector<16xf32> to vector<16xf32>
      %add3A_477 = arith.constant 208 : i32
      %add3A_478 = arith.addi %mul3A_411, %add3A_477 : i32
      %get3A_479 = arith.index_cast %add3A_478 : i32 to index
      %get3A_480 = tpu.vector_load %arg5[%get3A_479] {strides = array<i32>} : memref<12800xf32, #tpu.memory_space<vmem>>, vector<16xf32>,
      %get3A_481 = vector.shape_cast %get3A_480 : vector<16xf32> to vector<16xf32>
      %add3A_482 = arith.constant 224 : i32
      %add3A_483 = arith.addi %mul3A_411, %add3A_482 : i32
      %get3A_484 = arith.index_cast %add3A_483 : i32 to index
      %get3A_485 = tpu.vector_load %arg5[%get3A_484] {strides = array<i32>} : memref<12800xf32, #tpu.memory_space<vmem>>, vector<16xf32>,
      %get3A_486 = vector.shape_cast %get3A_485 : vector<16xf32> to vector<16xf32>
      %add3A_487 = arith.constant 240 : i32
      %add3A_488 = arith.addi %mul3A_411, %add3A_487 : i32
      %get3A_489 = arith.index_cast %add3A_488 : i32 to index
      %get3A_490 = tpu.vector_load %arg5[%get3A_489] {strides = array<i32>} : memref<12800xf32, #tpu.memory_space<vmem>>, vector<16xf32>,
      %get3A_491 = vector.shape_cast %get3A_490 : vector<16xf32> to vector<16xf32>
      %scan3A_492 = arith.constant 0 : i32
      %scan3A_493 = arith.constant 12 : i32
      %scan3A_494 = arith.addi %scan3A_492, %scan3A_493 : i32
      %scan3A_495 = arith.constant 1 : i32
      scf.for %scan3A_984 = %scan3A_492 to %scan3A_494 step %scan3A_495  : i32 {
        %mul3A_985 = arith.constant 1 : i32
        %mul3A_986 = arith.muli %scan3A_984, %mul3A_985 : i32
        %add3A_987 = arith.constant 0 : i32
        %add3A_988 = arith.addi %add3A_987, %mul3A_986 : i32
        %mul3A_989 = arith.constant 256 : i32
        %mul3A_990 = arith.muli %add3A_988, %mul3A_989 : i32
        %add3A_991 = arith.constant 12288 : i32
        %add3A_992 = arith.addi %add3A_991, %mul3A_990 : i32
        %add3A_993 = arith.constant 0 : i32
        %add3A_994 = arith.addi %add3A_992, %add3A_993 : i32
        %get3A_995 = arith.index_cast %add3A_994 : i32 to index
        %get3A_996 = tpu.vector_load %arg6[%get3A_995] {strides = array<i32>} : memref<15360xf32, #tpu.memory_space<vmem>>, vector<16xf32>,
        %get3A_997 = vector.shape_cast %get3A_996 : vector<16xf32> to vector<16xf32>
        %add3A_998 = arith.addf %get3A_997, %get3A_416 : vector<16xf32>
        %swap3A = arith.index_cast %add3A_994 : i32 to index
        %swap3A_999 = tpu.vector_load %arg8[%swap3A] {strides = array<i32>} : memref<15360xf32, #tpu.memory_space<vmem>>, vector<16xf32>,
        %swap3A_1000 = vector.shape_cast %swap3A_999 : vector<16xf32> to vector<16xf32>
        %swap3A_1001 = vector.shape_cast %add3A_998 : vector<16xf32> to vector<16xf32>
        tpu.vector_store %arg8[%swap3A], %swap3A_1001 {strides = array<i32>} : memref<15360xf32, #tpu.memory_space<vmem>>, vector<16xf32>,
        %add3A_1002 = arith.constant 16 : i32
        %add3A_1003 = arith.addi %add3A_992, %add3A_1002 : i32
        %get3A_1004 = arith.index_cast %add3A_1003 : i32 to index
        %get3A_1005 = tpu.vector_load %arg6[%get3A_1004] {strides = array<i32>} : memref<15360xf32, #tpu.memory_space<vmem>>, vector<16xf32>,
        %get3A_1006 = vector.shape_cast %get3A_1005 : vector<16xf32> to vector<16xf32>
        %add3A_1007 = arith.addf %get3A_1006, %get3A_421 : vector<16xf32>
        %swap3A_1008 = arith.index_cast %add3A_1003 : i32 to index
        %swap3A_1009 = tpu.vector_load %arg8[%swap3A_1008] {strides = array<i32>} : memref<15360xf32, #tpu.memory_space<vmem>>, vector<16xf32>,
        %swap3A_1010 = vector.shape_cast %swap3A_1009 : vector<16xf32> to vector<16xf32>
        %swap3A_1011 = vector.shape_cast %add3A_1007 : vector<16xf32> to vector<16xf32>
        tpu.vector_store %arg8[%swap3A_1008], %swap3A_1011 {strides = array<i32>} : memref<15360xf32, #tpu.memory_space<vmem>>, vector<16xf32>,
        %add3A_1012 = arith.constant 32 : i32
        %add3A_1013 = arith.addi %add3A_992, %add3A_1012 : i32
        %get3A_1014 = arith.index_cast %add3A_1013 : i32 to index
        %get3A_1015 = tpu.vector_load %arg6[%get3A_1014] {strides = array<i32>} : memref<15360xf32, #tpu.memory_space<vmem>>, vector<16xf32>,
        %get3A_1016 = vector.shape_cast %get3A_1015 : vector<16xf32> to vector<16xf32>
        %add3A_1017 = arith.addf %get3A_1016, %get3A_426 : vector<16xf32>
        %swap3A_1018 = arith.index_cast %add3A_1013 : i32 to index
        %swap3A_1019 = tpu.vector_load %arg8[%swap3A_1018] {strides = array<i32>} : memref<15360xf32, #tpu.memory_space<vmem>>, vector<16xf32>,
        %swap3A_1020 = vector.shape_cast %swap3A_1019 : vector<16xf32> to vector<16xf32>
        %swap3A_1021 = vector.shape_cast %add3A_1017 : vector<16xf32> to vector<16xf32>
        tpu.vector_store %arg8[%swap3A_1018], %swap3A_1021 {strides = array<i32>} : memref<15360xf32, #tpu.memory_space<vmem>>, vector<16xf32>,
        %add3A_1022 = arith.constant 48 : i32
        %add3A_1023 = arith.addi %add3A_992, %add3A_1022 : i32
        %get3A_1024 = arith.index_cast %add3A_1023 : i32 to index
        %get3A_1025 = tpu.vector_load %arg6[%get3A_1024] {strides = array<i32>} : memref<15360xf32, #tpu.memory_space<vmem>>, vector<16xf32>,
        %get3A_1026 = vector.shape_cast %get3A_1025 : vector<16xf32> to vector<16xf32>
        %add3A_1027 = arith.addf %get3A_1026, %get3A_431 : vector<16xf32>
        %swap3A_1028 = arith.index_cast %add3A_1023 : i32 to index
        %swap3A_1029 = tpu.vector_load %arg8[%swap3A_1028] {strides = array<i32>} : memref<15360xf32, #tpu.memory_space<vmem>>, vector<16xf32>,
        %swap3A_1030 = vector.shape_cast %swap3A_1029 : vector<16xf32> to vector<16xf32>
        %swap3A_1031 = vector.shape_cast %add3A_1027 : vector<16xf32> to vector<16xf32>
        tpu.vector_store %arg8[%swap3A_1028], %swap3A_1031 {strides = array<i32>} : memref<15360xf32, #tpu.memory_space<vmem>>, vector<16xf32>,
        %add3A_1032 = arith.constant 64 : i32
        %add3A_1033 = arith.addi %add3A_992, %add3A_1032 : i32
        %get3A_1034 = arith.index_cast %add3A_1033 : i32 to index
        %get3A_1035 = tpu.vector_load %arg6[%get3A_1034] {strides = array<i32>} : memref<15360xf32, #tpu.memory_space<vmem>>, vector<16xf32>,
        %get3A_1036 = vector.shape_cast %get3A_1035 : vector<16xf32> to vector<16xf32>
        %add3A_1037 = arith.addf %get3A_1036, %get3A_436 : vector<16xf32>
        %swap3A_1038 = arith.index_cast %add3A_1033 : i32 to index
        %swap3A_1039 = tpu.vector_load %arg8[%swap3A_1038] {strides = array<i32>} : memref<15360xf32, #tpu.memory_space<vmem>>, vector<16xf32>,
        %swap3A_1040 = vector.shape_cast %swap3A_1039 : vector<16xf32> to vector<16xf32>
        %swap3A_1041 = vector.shape_cast %add3A_1037 : vector<16xf32> to vector<16xf32>
        tpu.vector_store %arg8[%swap3A_1038], %swap3A_1041 {strides = array<i32>} : memref<15360xf32, #tpu.memory_space<vmem>>, vector<16xf32>,
        %add3A_1042 = arith.constant 80 : i32
        %add3A_1043 = arith.addi %add3A_992, %add3A_1042 : i32
        %get3A_1044 = arith.index_cast %add3A_1043 : i32 to index
        %get3A_1045 = tpu.vector_load %arg6[%get3A_1044] {strides = array<i32>} : memref<15360xf32, #tpu.memory_space<vmem>>, vector<16xf32>,
        %get3A_1046 = vector.shape_cast %get3A_1045 : vector<16xf32> to vector<16xf32>
        %add3A_1047 = arith.addf %get3A_1046, %get3A_441 : vector<16xf32>
        %swap3A_1048 = arith.index_cast %add3A_1043 : i32 to index
        %swap3A_1049 = tpu.vector_load %arg8[%swap3A_1048] {strides = array<i32>} : memref<15360xf32, #tpu.memory_space<vmem>>, vector<16xf32>,
        %swap3A_1050 = vector.shape_cast %swap3A_1049 : vector<16xf32> to vector<16xf32>
        %swap3A_1051 = vector.shape_cast %add3A_1047 : vector<16xf32> to vector<16xf32>
        tpu.vector_store %arg8[%swap3A_1048], %swap3A_1051 {strides = array<i32>} : memref<15360xf32, #tpu.memory_space<vmem>>, vector<16xf32>,
        %add3A_1052 = arith.constant 96 : i32
        %add3A_1053 = arith.addi %add3A_992, %add3A_1052 : i32
        %get3A_1054 = arith.index_cast %add3A_1053 : i32 to index
        %get3A_1055 = tpu.vector_load %arg6[%get3A_1054] {strides = array<i32>} : memref<15360xf32, #tpu.memory_space<vmem>>, vector<16xf32>,
        %get3A_1056 = vector.shape_cast %get3A_1055 : vector<16xf32> to vector<16xf32>
        %add3A_1057 = arith.addf %get3A_1056, %get3A_446 : vector<16xf32>
        %swap3A_1058 = arith.index_cast %add3A_1053 : i32 to index
        %swap3A_1059 = tpu.vector_load %arg8[%swap3A_1058] {strides = array<i32>} : memref<15360xf32, #tpu.memory_space<vmem>>, vector<16xf32>,
        %swap3A_1060 = vector.shape_cast %swap3A_1059 : vector<16xf32> to vector<16xf32>
        %swap3A_1061 = vector.shape_cast %add3A_1057 : vector<16xf32> to vector<16xf32>
        tpu.vector_store %arg8[%swap3A_1058], %swap3A_1061 {strides = array<i32>} : memref<15360xf32, #tpu.memory_space<vmem>>, vector<16xf32>,
        %add3A_1062 = arith.constant 112 : i32
        %add3A_1063 = arith.addi %add3A_992, %add3A_1062 : i32
        %get3A_1064 = arith.index_cast %add3A_1063 : i32 to index
        %get3A_1065 = tpu.vector_load %arg6[%get3A_1064] {strides = array<i32>} : memref<15360xf32, #tpu.memory_space<vmem>>, vector<16xf32>,
        %get3A_1066 = vector.shape_cast %get3A_1065 : vector<16xf32> to vector<16xf32>
        %add3A_1067 = arith.addf %get3A_1066, %get3A_451 : vector<16xf32>
        %swap3A_1068 = arith.index_cast %add3A_1063 : i32 to index
        %swap3A_1069 = tpu.vector_load %arg8[%swap3A_1068] {strides = array<i32>} : memref<15360xf32, #tpu.memory_space<vmem>>, vector<16xf32>,
        %swap3A_1070 = vector.shape_cast %swap3A_1069 : vector<16xf32> to vector<16xf32>
        %swap3A_1071 = vector.shape_cast %add3A_1067 : vector<16xf32> to vector<16xf32>
        tpu.vector_store %arg8[%swap3A_1068], %swap3A_1071 {strides = array<i32>} : memref<15360xf32, #tpu.memory_space<vmem>>, vector<16xf32>,
        %add3A_1072 = arith.constant 128 : i32
        %add3A_1073 = arith.addi %add3A_992, %add3A_1072 : i32
        %get3A_1074 = arith.index_cast %add3A_1073 : i32 to index
        %get3A_1075 = tpu.vector_load %arg6[%get3A_1074] {strides = array<i32>} : memref<15360xf32, #tpu.memory_space<vmem>>, vector<16xf32>,
        %get3A_1076 = vector.shape_cast %get3A_1075 : vector<16xf32> to vector<16xf32>
        %add3A_1077 = arith.addf %get3A_1076, %get3A_456 : vector<16xf32>
        %swap3A_1078 = arith.index_cast %add3A_1073 : i32 to index
        %swap3A_1079 = tpu.vector_load %arg8[%swap3A_1078] {strides = array<i32>} : memref<15360xf32, #tpu.memory_space<vmem>>, vector<16xf32>,
        %swap3A_1080 = vector.shape_cast %swap3A_1079 : vector<16xf32> to vector<16xf32>
        %swap3A_1081 = vector.shape_cast %add3A_1077 : vector<16xf32> to vector<16xf32>
        tpu.vector_store %arg8[%swap3A_1078], %swap3A_1081 {strides = array<i32>} : memref<15360xf32, #tpu.memory_space<vmem>>, vector<16xf32>,
        %add3A_1082 = arith.constant 144 : i32
        %add3A_1083 = arith.addi %add3A_992, %add3A_1082 : i32
        %get3A_1084 = arith.index_cast %add3A_1083 : i32 to index
        %get3A_1085 = tpu.vector_load %arg6[%get3A_1084] {strides = array<i32>} : memref<15360xf32, #tpu.memory_space<vmem>>, vector<16xf32>,
        %get3A_1086 = vector.shape_cast %get3A_1085 : vector<16xf32> to vector<16xf32>
        %add3A_1087 = arith.addf %get3A_1086, %get3A_461 : vector<16xf32>
        %swap3A_1088 = arith.index_cast %add3A_1083 : i32 to index
        %swap3A_1089 = tpu.vector_load %arg8[%swap3A_1088] {strides = array<i32>} : memref<15360xf32, #tpu.memory_space<vmem>>, vector<16xf32>,
        %swap3A_1090 = vector.shape_cast %swap3A_1089 : vector<16xf32> to vector<16xf32>
        %swap3A_1091 = vector.shape_cast %add3A_1087 : vector<16xf32> to vector<16xf32>
        tpu.vector_store %arg8[%swap3A_1088], %swap3A_1091 {strides = array<i32>} : memref<15360xf32, #tpu.memory_space<vmem>>, vector<16xf32>,
        %add3A_1092 = arith.constant 160 : i32
        %add3A_1093 = arith.addi %add3A_992, %add3A_1092 : i32
        %get3A_1094 = arith.index_cast %add3A_1093 : i32 to index
        %get3A_1095 = tpu.vector_load %arg6[%get3A_1094] {strides = array<i32>} : memref<15360xf32, #tpu.memory_space<vmem>>, vector<16xf32>,
        %get3A_1096 = vector.shape_cast %get3A_1095 : vector<16xf32> to vector<16xf32>
        %add3A_1097 = arith.addf %get3A_1096, %get3A_466 : vector<16xf32>
        %swap3A_1098 = arith.index_cast %add3A_1093 : i32 to index
        %swap3A_1099 = tpu.vector_load %arg8[%swap3A_1098] {strides = array<i32>} : memref<15360xf32, #tpu.memory_space<vmem>>, vector<16xf32>,
        %swap3A_1100 = vector.shape_cast %swap3A_1099 : vector<16xf32> to vector<16xf32>
        %swap3A_1101 = vector.shape_cast %add3A_1097 : vector<16xf32> to vector<16xf32>
        tpu.vector_store %arg8[%swap3A_1098], %swap3A_1101 {strides = array<i32>} : memref<15360xf32, #tpu.memory_space<vmem>>, vector<16xf32>,
        %add3A_1102 = arith.constant 176 : i32
        %add3A_1103 = arith.addi %add3A_992, %add3A_1102 : i32
        %get3A_1104 = arith.index_cast %add3A_1103 : i32 to index
        %get3A_1105 = tpu.vector_load %arg6[%get3A_1104] {strides = array<i32>} : memref<15360xf32, #tpu.memory_space<vmem>>, vector<16xf32>,
        %get3A_1106 = vector.shape_cast %get3A_1105 : vector<16xf32> to vector<16xf32>
        %add3A_1107 = arith.addf %get3A_1106, %get3A_471 : vector<16xf32>
        %swap3A_1108 = arith.index_cast %add3A_1103 : i32 to index
        %swap3A_1109 = tpu.vector_load %arg8[%swap3A_1108] {strides = array<i32>} : memref<15360xf32, #tpu.memory_space<vmem>>, vector<16xf32>,
        %swap3A_1110 = vector.shape_cast %swap3A_1109 : vector<16xf32> to vector<16xf32>
        %swap3A_1111 = vector.shape_cast %add3A_1107 : vector<16xf32> to vector<16xf32>
        tpu.vector_store %arg8[%swap3A_1108], %swap3A_1111 {strides = array<i32>} : memref<15360xf32, #tpu.memory_space<vmem>>, vector<16xf32>,
        %add3A_1112 = arith.constant 192 : i32
        %add3A_1113 = arith.addi %add3A_992, %add3A_1112 : i32
        %get3A_1114 = arith.index_cast %add3A_1113 : i32 to index
        %get3A_1115 = tpu.vector_load %arg6[%get3A_1114] {strides = array<i32>} : memref<15360xf32, #tpu.memory_space<vmem>>, vector<16xf32>,
        %get3A_1116 = vector.shape_cast %get3A_1115 : vector<16xf32> to vector<16xf32>
        %add3A_1117 = arith.addf %get3A_1116, %get3A_476 : vector<16xf32>
        %swap3A_1118 = arith.index_cast %add3A_1113 : i32 to index
        %swap3A_1119 = tpu.vector_load %arg8[%swap3A_1118] {strides = array<i32>} : memref<15360xf32, #tpu.memory_space<vmem>>, vector<16xf32>,
        %swap3A_1120 = vector.shape_cast %swap3A_1119 : vector<16xf32> to vector<16xf32>
        %swap3A_1121 = vector.shape_cast %add3A_1117 : vector<16xf32> to vector<16xf32>
        tpu.vector_store %arg8[%swap3A_1118], %swap3A_1121 {strides = array<i32>} : memref<15360xf32, #tpu.memory_space<vmem>>, vector<16xf32>,
        %add3A_1122 = arith.constant 208 : i32
        %add3A_1123 = arith.addi %add3A_992, %add3A_1122 : i32
        %get3A_1124 = arith.index_cast %add3A_1123 : i32 to index
        %get3A_1125 = tpu.vector_load %arg6[%get3A_1124] {strides = array<i32>} : memref<15360xf32, #tpu.memory_space<vmem>>, vector<16xf32>,
        %get3A_1126 = vector.shape_cast %get3A_1125 : vector<16xf32> to vector<16xf32>
        %add3A_1127 = arith.addf %get3A_1126, %get3A_481 : vector<16xf32>
        %swap3A_1128 = arith.index_cast %add3A_1123 : i32 to index
        %swap3A_1129 = tpu.vector_load %arg8[%swap3A_1128] {strides = array<i32>} : memref<15360xf32, #tpu.memory_space<vmem>>, vector<16xf32>,
        %swap3A_1130 = vector.shape_cast %swap3A_1129 : vector<16xf32> to vector<16xf32>
        %swap3A_1131 = vector.shape_cast %add3A_1127 : vector<16xf32> to vector<16xf32>
        tpu.vector_store %arg8[%swap3A_1128], %swap3A_1131 {strides = array<i32>} : memref<15360xf32, #tpu.memory_space<vmem>>, vector<16xf32>,
        %add3A_1132 = arith.constant 224 : i32
        %add3A_1133 = arith.addi %add3A_992, %add3A_1132 : i32
        %get3A_1134 = arith.index_cast %add3A_1133 : i32 to index
        %get3A_1135 = tpu.vector_load %arg6[%get3A_1134] {strides = array<i32>} : memref<15360xf32, #tpu.memory_space<vmem>>, vector<16xf32>,
        %get3A_1136 = vector.shape_cast %get3A_1135 : vector<16xf32> to vector<16xf32>
        %add3A_1137 = arith.addf %get3A_1136, %get3A_486 : vector<16xf32>
        %swap3A_1138 = arith.index_cast %add3A_1133 : i32 to index
        %swap3A_1139 = tpu.vector_load %arg8[%swap3A_1138] {strides = array<i32>} : memref<15360xf32, #tpu.memory_space<vmem>>, vector<16xf32>,
        %swap3A_1140 = vector.shape_cast %swap3A_1139 : vector<16xf32> to vector<16xf32>
        %swap3A_1141 = vector.shape_cast %add3A_1137 : vector<16xf32> to vector<16xf32>
        tpu.vector_store %arg8[%swap3A_1138], %swap3A_1141 {strides = array<i32>} : memref<15360xf32, #tpu.memory_space<vmem>>, vector<16xf32>,
        %add3A_1142 = arith.constant 240 : i32
        %add3A_1143 = arith.addi %add3A_992, %add3A_1142 : i32
        %get3A_1144 = arith.index_cast %add3A_1143 : i32 to index
        %get3A_1145 = tpu.vector_load %arg6[%get3A_1144] {strides = array<i32>} : memref<15360xf32, #tpu.memory_space<vmem>>, vector<16xf32>,
        %get3A_1146 = vector.shape_cast %get3A_1145 : vector<16xf32> to vector<16xf32>
        %add3A_1147 = arith.addf %get3A_1146, %get3A_491 : vector<16xf32>
        %swap3A_1148 = arith.index_cast %add3A_1143 : i32 to index
        %swap3A_1149 = tpu.vector_load %arg8[%swap3A_1148] {strides = array<i32>} : memref<15360xf32, #tpu.memory_space<vmem>>, vector<16xf32>,
        %swap3A_1150 = vector.shape_cast %swap3A_1149 : vector<16xf32> to vector<16xf32>
        %swap3A_1151 = vector.shape_cast %add3A_1147 : vector<16xf32> to vector<16xf32>
        tpu.vector_store %arg8[%swap3A_1148], %swap3A_1151 {strides = array<i32>} : memref<15360xf32, #tpu.memory_space<vmem>>, vector<16xf32>,
      }
      %scan3A_496 = arith.constant 12 : i32
      %dma_start3A_497 = arith.constant 0 : i32
      %dma_start3A_498 = tpu.memref_slice %arg4[%add3A_42] : memref<19660800xf32, #tpu.memory_space<hbm>> -> memref<15360xf32, #tpu.memory_space<hbm>>
      %dma_start3A_499 = tpu.memref_slice %arg11[%dma_start3A_497] : memref<2x!tpu.dma_semaphore, #tpu.memory_space<semaphore_mem>> -> memref<1x!tpu.dma_semaphore, #tpu.memory_space<semaphore_mem>>
      %dma_start3A_500 = tpu.memref_squeeze %dma_start3A_499 : memref<1x!tpu.dma_semaphore, #tpu.memory_space<semaphore_mem>> -> memref<!tpu.dma_semaphore, #tpu.memory_space<semaphore_mem>>
      %dma_start3A_501 = tpu.memref_slice %arg4[%add3A_42] : memref<19660800xf32, #tpu.memory_space<hbm>> -> memref<15360xf32, #tpu.memory_space<hbm>>
      tpu.enqueue_dma source(%arg8 : memref<15360xf32, #tpu.memory_space<vmem>>) target(%dma_start3A_501 : memref<15360xf32, #tpu.memory_space<hbm>>) target_semaphore(%dma_start3A_500 : memref<!tpu.dma_semaphore, #tpu.memory_space<semaphore_mem>>)
      %add3A_502 = arith.constant 2 : i32
      %add3A_503 = arith.addi %add3A_39, %add3A_502 : i32
      %lt3A = arith.constant 40 : i32
      %lt3A_504 = arith.cmpi slt, %add3A_503, %lt3A : i32
      %convert_element_type3A_505 = arith.extui %lt3A_504 : i1 to i32
      %cond3A_506 = arith.constant 0 : i32
      %cond3A_507 = arith.cmpi ne, %convert_element_type3A_505, %cond3A_506 : i32
      scf.if %cond3A_507 {
        %mul3A_984 = arith.constant 15360 : i32
        %mul3A_985 = arith.muli %add3A_503, %mul3A_984 : i32
        %add3A_986 = arith.addi %mul3A_2, %mul3A_985 : i32
        %dma_start3A_987 = arith.constant 0 : i32
        %dma_start3A_988 = tpu.memref_slice %arg2[%add3A_986] : memref<19660800xf32, #tpu.memory_space<hbm>> -> memref<15360xf32, #tpu.memory_space<hbm>>
        %dma_start3A_989 = tpu.memref_slice %arg10[%dma_start3A_987] : memref<2x!tpu.dma_semaphore, #tpu.memory_space<semaphore_mem>> -> memref<1x!tpu.dma_semaphore, #tpu.memory_space<semaphore_mem>>
        %dma_start3A_990 = tpu.memref_squeeze %dma_start3A_989 : memref<1x!tpu.dma_semaphore, #tpu.memory_space<semaphore_mem>> -> memref<!tpu.dma_semaphore, #tpu.memory_space<semaphore_mem>>
        %dma_start3A_991 = tpu.memref_slice %arg2[%add3A_986] : memref<19660800xf32, #tpu.memory_space<hbm>> -> memref<15360xf32, #tpu.memory_space<hbm>>
        tpu.enqueue_dma source(%dma_start3A_991 : memref<15360xf32, #tpu.memory_space<hbm>>) target(%arg6 : memref<15360xf32, #tpu.memory_space<vmem>>) target_semaphore(%dma_start3A_990 : memref<!tpu.dma_semaphore, #tpu.memory_space<semaphore_mem>>)
      } else {
      }
      %add3A_508 = arith.constant 1 : i32
      %add3A_509 = arith.addi %add3A_37, %add3A_508 : i32
      %mul3A_510 = arith.constant 15360 : i32
      %mul3A_511 = arith.muli %add3A_509, %mul3A_510 : i32
      %add3A_512 = arith.addi %mul3A_2, %mul3A_511 : i32
      %dma_wait3A_513 = arith.constant 1 : i32
      %dma_wait3A_514 = tpu.memref_slice %arg2[%add3A_512] : memref<19660800xf32, #tpu.memory_space<hbm>> -> memref<15360xf32, #tpu.memory_space<hbm>>
      %dma_wait3A_515 = tpu.memref_slice %arg10[%dma_wait3A_513] : memref<2x!tpu.dma_semaphore, #tpu.memory_space<semaphore_mem>> -> memref<1x!tpu.dma_semaphore, #tpu.memory_space<semaphore_mem>>
      %dma_wait3A_516 = tpu.memref_squeeze %dma_wait3A_515 : memref<1x!tpu.dma_semaphore, #tpu.memory_space<semaphore_mem>> -> memref<!tpu.dma_semaphore, #tpu.memory_space<semaphore_mem>>
      %dma_wait3A_517 = tpu.memref_slice %arg2[%add3A_512] : memref<19660800xf32, #tpu.memory_space<hbm>> -> memref<15360xf32, #tpu.memory_space<hbm>>
      tpu.wait_dma2 semaphore(%dma_wait3A_516 : memref<!tpu.dma_semaphore, #tpu.memory_space<semaphore_mem>>) src(%dma_wait3A_517 : memref<15360xf32, #tpu.memory_space<hbm>>) dst(%arg7 : memref<15360xf32, #tpu.memory_space<vmem>>)
      %gt3A_518 = arith.constant 0 : i32
      %gt3A_519 = arith.cmpi sgt, %add3A_37, %gt3A_518 : i32
      %convert_element_type3A_520 = arith.extui %gt3A_519 : i1 to i32
      %cond3A_521 = arith.constant 0 : i32
      %cond3A_522 = arith.cmpi ne, %convert_element_type3A_520, %cond3A_521 : i32
      scf.if %cond3A_522 {
        %sub3A = arith.constant 2 : i32
        %sub3A_984 = arith.subi %add3A_509, %sub3A : i32
        %mul3A_985 = arith.constant 15360 : i32
        %mul3A_986 = arith.muli %sub3A_984, %mul3A_985 : i32
        %add3A_987 = arith.addi %mul3A_2, %mul3A_986 : i32
        %dma_wait3A_988 = arith.constant 1 : i32
        %dma_wait3A_989 = tpu.memref_slice %arg4[%add3A_987] : memref<19660800xf32, #tpu.memory_space<hbm>> -> memref<15360xf32, #tpu.memory_space<hbm>>
        %dma_wait3A_990 = tpu.memref_slice %arg11[%dma_wait3A_988] : memref<2x!tpu.dma_semaphore, #tpu.memory_space<semaphore_mem>> -> memref<1x!tpu.dma_semaphore, #tpu.memory_space<semaphore_mem>>
        %dma_wait3A_991 = tpu.memref_squeeze %dma_wait3A_990 : memref<1x!tpu.dma_semaphore, #tpu.memory_space<semaphore_mem>> -> memref<!tpu.dma_semaphore, #tpu.memory_space<semaphore_mem>>
        %dma_wait3A_992 = tpu.memref_slice %arg4[%add3A_987] : memref<19660800xf32, #tpu.memory_space<hbm>> -> memref<15360xf32, #tpu.memory_space<hbm>>
        tpu.wait_dma2 semaphore(%dma_wait3A_991 : memref<!tpu.dma_semaphore, #tpu.memory_space<semaphore_mem>>) src(%arg9 : memref<15360xf32, #tpu.memory_space<vmem>>) dst(%dma_wait3A_992 : memref<15360xf32, #tpu.memory_space<hbm>>)
      } else {
      }
      %rem3A_523 = arith.constant 10 : i32
      %rem3A_524 = arith.remsi %add3A_509, %rem3A_523 : i32
      %mul3A_525 = arith.constant 5 : i32
      %mul3A_526 = arith.muli %rem3A_524, %mul3A_525 : i32
      %add3A_527 = arith.constant 0 : i32
      %add3A_528 = arith.addi %mul3A_526, %add3A_527 : i32
      %mul3A_529 = arith.constant 256 : i32
      %mul3A_530 = arith.muli %add3A_528, %mul3A_529 : i32
      %add3A_531 = arith.constant 0 : i32
      %add3A_532 = arith.addi %mul3A_530, %add3A_531 : i32
      %get3A_533 = arith.index_cast %add3A_532 : i32 to index
      %get3A_534 = tpu.vector_load %arg5[%get3A_533] {strides = array<i32>} : memref<12800xf32, #tpu.memory_space<vmem>>, vector<16xf32>,
      %get3A_535 = vector.shape_cast %get3A_534 : vector<16xf32> to vector<16xf32>
      %add3A_536 = arith.constant 16 : i32
      %add3A_537 = arith.addi %mul3A_530, %add3A_536 : i32
      %get3A_538 = arith.index_cast %add3A_537 : i32 to index
      %get3A_539 = tpu.vector_load %arg5[%get3A_538] {strides = array<i32>} : memref<12800xf32, #tpu.memory_space<vmem>>, vector<16xf32>,
      %get3A_540 = vector.shape_cast %get3A_539 : vector<16xf32> to vector<16xf32>
      %add3A_541 = arith.constant 32 : i32
      %add3A_542 = arith.addi %mul3A_530, %add3A_541 : i32
      %get3A_543 = arith.index_cast %add3A_542 : i32 to index
      %get3A_544 = tpu.vector_load %arg5[%get3A_543] {strides = array<i32>} : memref<12800xf32, #tpu.memory_space<vmem>>, vector<16xf32>,
      %get3A_545 = vector.shape_cast %get3A_544 : vector<16xf32> to vector<16xf32>
      %add3A_546 = arith.constant 48 : i32
      %add3A_547 = arith.addi %mul3A_530, %add3A_546 : i32
      %get3A_548 = arith.index_cast %add3A_547 : i32 to index
      %get3A_549 = tpu.vector_load %arg5[%get3A_548] {strides = array<i32>} : memref<12800xf32, #tpu.memory_space<vmem>>, vector<16xf32>,
      %get3A_550 = vector.shape_cast %get3A_549 : vector<16xf32> to vector<16xf32>
      %add3A_551 = arith.constant 64 : i32
      %add3A_552 = arith.addi %mul3A_530, %add3A_551 : i32
      %get3A_553 = arith.index_cast %add3A_552 : i32 to index
      %get3A_554 = tpu.vector_load %arg5[%get3A_553] {strides = array<i32>} : memref<12800xf32, #tpu.memory_space<vmem>>, vector<16xf32>,
      %get3A_555 = vector.shape_cast %get3A_554 : vector<16xf32> to vector<16xf32>
      %add3A_556 = arith.constant 80 : i32
      %add3A_557 = arith.addi %mul3A_530, %add3A_556 : i32
      %get3A_558 = arith.index_cast %add3A_557 : i32 to index
      %get3A_559 = tpu.vector_load %arg5[%get3A_558] {strides = array<i32>} : memref<12800xf32, #tpu.memory_space<vmem>>, vector<16xf32>,
      %get3A_560 = vector.shape_cast %get3A_559 : vector<16xf32> to vector<16xf32>
      %add3A_561 = arith.constant 96 : i32
      %add3A_562 = arith.addi %mul3A_530, %add3A_561 : i32
      %get3A_563 = arith.index_cast %add3A_562 : i32 to index
      %get3A_564 = tpu.vector_load %arg5[%get3A_563] {strides = array<i32>} : memref<12800xf32, #tpu.memory_space<vmem>>, vector<16xf32>,
      %get3A_565 = vector.shape_cast %get3A_564 : vector<16xf32> to vector<16xf32>
      %add3A_566 = arith.constant 112 : i32
      %add3A_567 = arith.addi %mul3A_530, %add3A_566 : i32
      %get3A_568 = arith.index_cast %add3A_567 : i32 to index
      %get3A_569 = tpu.vector_load %arg5[%get3A_568] {strides = array<i32>} : memref<12800xf32, #tpu.memory_space<vmem>>, vector<16xf32>,
      %get3A_570 = vector.shape_cast %get3A_569 : vector<16xf32> to vector<16xf32>
      %add3A_571 = arith.constant 128 : i32
      %add3A_572 = arith.addi %mul3A_530, %add3A_571 : i32
      %get3A_573 = arith.index_cast %add3A_572 : i32 to index
      %get3A_574 = tpu.vector_load %arg5[%get3A_573] {strides = array<i32>} : memref<12800xf32, #tpu.memory_space<vmem>>, vector<16xf32>,
      %get3A_575 = vector.shape_cast %get3A_574 : vector<16xf32> to vector<16xf32>
      %add3A_576 = arith.constant 144 : i32
      %add3A_577 = arith.addi %mul3A_530, %add3A_576 : i32
      %get3A_578 = arith.index_cast %add3A_577 : i32 to index
      %get3A_579 = tpu.vector_load %arg5[%get3A_578] {strides = array<i32>} : memref<12800xf32, #tpu.memory_space<vmem>>, vector<16xf32>,
      %get3A_580 = vector.shape_cast %get3A_579 : vector<16xf32> to vector<16xf32>
      %add3A_581 = arith.constant 160 : i32
      %add3A_582 = arith.addi %mul3A_530, %add3A_581 : i32
      %get3A_583 = arith.index_cast %add3A_582 : i32 to index
      %get3A_584 = tpu.vector_load %arg5[%get3A_583] {strides = array<i32>} : memref<12800xf32, #tpu.memory_space<vmem>>, vector<16xf32>,
      %get3A_585 = vector.shape_cast %get3A_584 : vector<16xf32> to vector<16xf32>
      %add3A_586 = arith.constant 176 : i32
      %add3A_587 = arith.addi %mul3A_530, %add3A_586 : i32
      %get3A_588 = arith.index_cast %add3A_587 : i32 to index
      %get3A_589 = tpu.vector_load %arg5[%get3A_588] {strides = array<i32>} : memref<12800xf32, #tpu.memory_space<vmem>>, vector<16xf32>,
      %get3A_590 = vector.shape_cast %get3A_589 : vector<16xf32> to vector<16xf32>
      %add3A_591 = arith.constant 192 : i32
      %add3A_592 = arith.addi %mul3A_530, %add3A_591 : i32
      %get3A_593 = arith.index_cast %add3A_592 : i32 to index
      %get3A_594 = tpu.vector_load %arg5[%get3A_593] {strides = array<i32>} : memref<12800xf32, #tpu.memory_space<vmem>>, vector<16xf32>,
      %get3A_595 = vector.shape_cast %get3A_594 : vector<16xf32> to vector<16xf32>
      %add3A_596 = arith.constant 208 : i32
      %add3A_597 = arith.addi %mul3A_530, %add3A_596 : i32
      %get3A_598 = arith.index_cast %add3A_597 : i32 to index
      %get3A_599 = tpu.vector_load %arg5[%get3A_598] {strides = array<i32>} : memref<12800xf32, #tpu.memory_space<vmem>>, vector<16xf32>,
      %get3A_600 = vector.shape_cast %get3A_599 : vector<16xf32> to vector<16xf32>
      %add3A_601 = arith.constant 224 : i32
      %add3A_602 = arith.addi %mul3A_530, %add3A_601 : i32
      %get3A_603 = arith.index_cast %add3A_602 : i32 to index
      %get3A_604 = tpu.vector_load %arg5[%get3A_603] {strides = array<i32>} : memref<12800xf32, #tpu.memory_space<vmem>>, vector<16xf32>,
      %get3A_605 = vector.shape_cast %get3A_604 : vector<16xf32> to vector<16xf32>
      %add3A_606 = arith.constant 240 : i32
      %add3A_607 = arith.addi %mul3A_530, %add3A_606 : i32
      %get3A_608 = arith.index_cast %add3A_607 : i32 to index
      %get3A_609 = tpu.vector_load %arg5[%get3A_608] {strides = array<i32>} : memref<12800xf32, #tpu.memory_space<vmem>>, vector<16xf32>,
      %get3A_610 = vector.shape_cast %get3A_609 : vector<16xf32> to vector<16xf32>
      %scan3A_611 = arith.constant 0 : i32
      %scan3A_612 = arith.constant 12 : i32
      %scan3A_613 = arith.addi %scan3A_611, %scan3A_612 : i32
      %scan3A_614 = arith.constant 1 : i32
      scf.for %scan3A_984 = %scan3A_611 to %scan3A_613 step %scan3A_614  : i32 {
        %mul3A_985 = arith.constant 1 : i32
        %mul3A_986 = arith.muli %scan3A_984, %mul3A_985 : i32
        %add3A_987 = arith.constant 0 : i32
        %add3A_988 = arith.addi %add3A_987, %mul3A_986 : i32
        %mul3A_989 = arith.constant 256 : i32
        %mul3A_990 = arith.muli %add3A_988, %mul3A_989 : i32
        %add3A_991 = arith.constant 0 : i32
        %add3A_992 = arith.addi %add3A_991, %mul3A_990 : i32
        %add3A_993 = arith.constant 0 : i32
        %add3A_994 = arith.addi %add3A_992, %add3A_993 : i32
        %get3A_995 = arith.index_cast %add3A_994 : i32 to index
        %get3A_996 = tpu.vector_load %arg7[%get3A_995] {strides = array<i32>} : memref<15360xf32, #tpu.memory_space<vmem>>, vector<16xf32>,
        %get3A_997 = vector.shape_cast %get3A_996 : vector<16xf32> to vector<16xf32>
        %add3A_998 = arith.addf %get3A_997, %get3A_535 : vector<16xf32>
        %swap3A = arith.index_cast %add3A_994 : i32 to index
        %swap3A_999 = tpu.vector_load %arg9[%swap3A] {strides = array<i32>} : memref<15360xf32, #tpu.memory_space<vmem>>, vector<16xf32>,
        %swap3A_1000 = vector.shape_cast %swap3A_999 : vector<16xf32> to vector<16xf32>
        %swap3A_1001 = vector.shape_cast %add3A_998 : vector<16xf32> to vector<16xf32>
        tpu.vector_store %arg9[%swap3A], %swap3A_1001 {strides = array<i32>} : memref<15360xf32, #tpu.memory_space<vmem>>, vector<16xf32>,
        %add3A_1002 = arith.constant 16 : i32
        %add3A_1003 = arith.addi %add3A_992, %add3A_1002 : i32
        %get3A_1004 = arith.index_cast %add3A_1003 : i32 to index
        %get3A_1005 = tpu.vector_load %arg7[%get3A_1004] {strides = array<i32>} : memref<15360xf32, #tpu.memory_space<vmem>>, vector<16xf32>,
        %get3A_1006 = vector.shape_cast %get3A_1005 : vector<16xf32> to vector<16xf32>
        %add3A_1007 = arith.addf %get3A_1006, %get3A_540 : vector<16xf32>
        %swap3A_1008 = arith.index_cast %add3A_1003 : i32 to index
        %swap3A_1009 = tpu.vector_load %arg9[%swap3A_1008] {strides = array<i32>} : memref<15360xf32, #tpu.memory_space<vmem>>, vector<16xf32>,
        %swap3A_1010 = vector.shape_cast %swap3A_1009 : vector<16xf32> to vector<16xf32>
        %swap3A_1011 = vector.shape_cast %add3A_1007 : vector<16xf32> to vector<16xf32>
        tpu.vector_store %arg9[%swap3A_1008], %swap3A_1011 {strides = array<i32>} : memref<15360xf32, #tpu.memory_space<vmem>>, vector<16xf32>,
        %add3A_1012 = arith.constant 32 : i32
        %add3A_1013 = arith.addi %add3A_992, %add3A_1012 : i32
        %get3A_1014 = arith.index_cast %add3A_1013 : i32 to index
        %get3A_1015 = tpu.vector_load %arg7[%get3A_1014] {strides = array<i32>} : memref<15360xf32, #tpu.memory_space<vmem>>, vector<16xf32>,
        %get3A_1016 = vector.shape_cast %get3A_1015 : vector<16xf32> to vector<16xf32>
        %add3A_1017 = arith.addf %get3A_1016, %get3A_545 : vector<16xf32>
        %swap3A_1018 = arith.index_cast %add3A_1013 : i32 to index
        %swap3A_1019 = tpu.vector_load %arg9[%swap3A_1018] {strides = array<i32>} : memref<15360xf32, #tpu.memory_space<vmem>>, vector<16xf32>,
        %swap3A_1020 = vector.shape_cast %swap3A_1019 : vector<16xf32> to vector<16xf32>
        %swap3A_1021 = vector.shape_cast %add3A_1017 : vector<16xf32> to vector<16xf32>
        tpu.vector_store %arg9[%swap3A_1018], %swap3A_1021 {strides = array<i32>} : memref<15360xf32, #tpu.memory_space<vmem>>, vector<16xf32>,
        %add3A_1022 = arith.constant 48 : i32
        %add3A_1023 = arith.addi %add3A_992, %add3A_1022 : i32
        %get3A_1024 = arith.index_cast %add3A_1023 : i32 to index
        %get3A_1025 = tpu.vector_load %arg7[%get3A_1024] {strides = array<i32>} : memref<15360xf32, #tpu.memory_space<vmem>>, vector<16xf32>,
        %get3A_1026 = vector.shape_cast %get3A_1025 : vector<16xf32> to vector<16xf32>
        %add3A_1027 = arith.addf %get3A_1026, %get3A_550 : vector<16xf32>
        %swap3A_1028 = arith.index_cast %add3A_1023 : i32 to index
        %swap3A_1029 = tpu.vector_load %arg9[%swap3A_1028] {strides = array<i32>} : memref<15360xf32, #tpu.memory_space<vmem>>, vector<16xf32>,
        %swap3A_1030 = vector.shape_cast %swap3A_1029 : vector<16xf32> to vector<16xf32>
        %swap3A_1031 = vector.shape_cast %add3A_1027 : vector<16xf32> to vector<16xf32>
        tpu.vector_store %arg9[%swap3A_1028], %swap3A_1031 {strides = array<i32>} : memref<15360xf32, #tpu.memory_space<vmem>>, vector<16xf32>,
        %add3A_1032 = arith.constant 64 : i32
        %add3A_1033 = arith.addi %add3A_992, %add3A_1032 : i32
        %get3A_1034 = arith.index_cast %add3A_1033 : i32 to index
        %get3A_1035 = tpu.vector_load %arg7[%get3A_1034] {strides = array<i32>} : memref<15360xf32, #tpu.memory_space<vmem>>, vector<16xf32>,
        %get3A_1036 = vector.shape_cast %get3A_1035 : vector<16xf32> to vector<16xf32>
        %add3A_1037 = arith.addf %get3A_1036, %get3A_555 : vector<16xf32>
        %swap3A_1038 = arith.index_cast %add3A_1033 : i32 to index
        %swap3A_1039 = tpu.vector_load %arg9[%swap3A_1038] {strides = array<i32>} : memref<15360xf32, #tpu.memory_space<vmem>>, vector<16xf32>,
        %swap3A_1040 = vector.shape_cast %swap3A_1039 : vector<16xf32> to vector<16xf32>
        %swap3A_1041 = vector.shape_cast %add3A_1037 : vector<16xf32> to vector<16xf32>
        tpu.vector_store %arg9[%swap3A_1038], %swap3A_1041 {strides = array<i32>} : memref<15360xf32, #tpu.memory_space<vmem>>, vector<16xf32>,
        %add3A_1042 = arith.constant 80 : i32
        %add3A_1043 = arith.addi %add3A_992, %add3A_1042 : i32
        %get3A_1044 = arith.index_cast %add3A_1043 : i32 to index
        %get3A_1045 = tpu.vector_load %arg7[%get3A_1044] {strides = array<i32>} : memref<15360xf32, #tpu.memory_space<vmem>>, vector<16xf32>,
        %get3A_1046 = vector.shape_cast %get3A_1045 : vector<16xf32> to vector<16xf32>
        %add3A_1047 = arith.addf %get3A_1046, %get3A_560 : vector<16xf32>
        %swap3A_1048 = arith.index_cast %add3A_1043 : i32 to index
        %swap3A_1049 = tpu.vector_load %arg9[%swap3A_1048] {strides = array<i32>} : memref<15360xf32, #tpu.memory_space<vmem>>, vector<16xf32>,
        %swap3A_1050 = vector.shape_cast %swap3A_1049 : vector<16xf32> to vector<16xf32>
        %swap3A_1051 = vector.shape_cast %add3A_1047 : vector<16xf32> to vector<16xf32>
        tpu.vector_store %arg9[%swap3A_1048], %swap3A_1051 {strides = array<i32>} : memref<15360xf32, #tpu.memory_space<vmem>>, vector<16xf32>,
        %add3A_1052 = arith.constant 96 : i32
        %add3A_1053 = arith.addi %add3A_992, %add3A_1052 : i32
        %get3A_1054 = arith.index_cast %add3A_1053 : i32 to index
        %get3A_1055 = tpu.vector_load %arg7[%get3A_1054] {strides = array<i32>} : memref<15360xf32, #tpu.memory_space<vmem>>, vector<16xf32>,
        %get3A_1056 = vector.shape_cast %get3A_1055 : vector<16xf32> to vector<16xf32>
        %add3A_1057 = arith.addf %get3A_1056, %get3A_565 : vector<16xf32>
        %swap3A_1058 = arith.index_cast %add3A_1053 : i32 to index
        %swap3A_1059 = tpu.vector_load %arg9[%swap3A_1058] {strides = array<i32>} : memref<15360xf32, #tpu.memory_space<vmem>>, vector<16xf32>,
        %swap3A_1060 = vector.shape_cast %swap3A_1059 : vector<16xf32> to vector<16xf32>
        %swap3A_1061 = vector.shape_cast %add3A_1057 : vector<16xf32> to vector<16xf32>
        tpu.vector_store %arg9[%swap3A_1058], %swap3A_1061 {strides = array<i32>} : memref<15360xf32, #tpu.memory_space<vmem>>, vector<16xf32>,
        %add3A_1062 = arith.constant 112 : i32
        %add3A_1063 = arith.addi %add3A_992, %add3A_1062 : i32
        %get3A_1064 = arith.index_cast %add3A_1063 : i32 to index
        %get3A_1065 = tpu.vector_load %arg7[%get3A_1064] {strides = array<i32>} : memref<15360xf32, #tpu.memory_space<vmem>>, vector<16xf32>,
        %get3A_1066 = vector.shape_cast %get3A_1065 : vector<16xf32> to vector<16xf32>
        %add3A_1067 = arith.addf %get3A_1066, %get3A_570 : vector<16xf32>
        %swap3A_1068 = arith.index_cast %add3A_1063 : i32 to index
        %swap3A_1069 = tpu.vector_load %arg9[%swap3A_1068] {strides = array<i32>} : memref<15360xf32, #tpu.memory_space<vmem>>, vector<16xf32>,
        %swap3A_1070 = vector.shape_cast %swap3A_1069 : vector<16xf32> to vector<16xf32>
        %swap3A_1071 = vector.shape_cast %add3A_1067 : vector<16xf32> to vector<16xf32>
        tpu.vector_store %arg9[%swap3A_1068], %swap3A_1071 {strides = array<i32>} : memref<15360xf32, #tpu.memory_space<vmem>>, vector<16xf32>,
        %add3A_1072 = arith.constant 128 : i32
        %add3A_1073 = arith.addi %add3A_992, %add3A_1072 : i32
        %get3A_1074 = arith.index_cast %add3A_1073 : i32 to index
        %get3A_1075 = tpu.vector_load %arg7[%get3A_1074] {strides = array<i32>} : memref<15360xf32, #tpu.memory_space<vmem>>, vector<16xf32>,
        %get3A_1076 = vector.shape_cast %get3A_1075 : vector<16xf32> to vector<16xf32>
        %add3A_1077 = arith.addf %get3A_1076, %get3A_575 : vector<16xf32>
        %swap3A_1078 = arith.index_cast %add3A_1073 : i32 to index
        %swap3A_1079 = tpu.vector_load %arg9[%swap3A_1078] {strides = array<i32>} : memref<15360xf32, #tpu.memory_space<vmem>>, vector<16xf32>,
        %swap3A_1080 = vector.shape_cast %swap3A_1079 : vector<16xf32> to vector<16xf32>
        %swap3A_1081 = vector.shape_cast %add3A_1077 : vector<16xf32> to vector<16xf32>
        tpu.vector_store %arg9[%swap3A_1078], %swap3A_1081 {strides = array<i32>} : memref<15360xf32, #tpu.memory_space<vmem>>, vector<16xf32>,
        %add3A_1082 = arith.constant 144 : i32
        %add3A_1083 = arith.addi %add3A_992, %add3A_1082 : i32
        %get3A_1084 = arith.index_cast %add3A_1083 : i32 to index
        %get3A_1085 = tpu.vector_load %arg7[%get3A_1084] {strides = array<i32>} : memref<15360xf32, #tpu.memory_space<vmem>>, vector<16xf32>,
        %get3A_1086 = vector.shape_cast %get3A_1085 : vector<16xf32> to vector<16xf32>
        %add3A_1087 = arith.addf %get3A_1086, %get3A_580 : vector<16xf32>
        %swap3A_1088 = arith.index_cast %add3A_1083 : i32 to index
        %swap3A_1089 = tpu.vector_load %arg9[%swap3A_1088] {strides = array<i32>} : memref<15360xf32, #tpu.memory_space<vmem>>, vector<16xf32>,
        %swap3A_1090 = vector.shape_cast %swap3A_1089 : vector<16xf32> to vector<16xf32>
        %swap3A_1091 = vector.shape_cast %add3A_1087 : vector<16xf32> to vector<16xf32>
        tpu.vector_store %arg9[%swap3A_1088], %swap3A_1091 {strides = array<i32>} : memref<15360xf32, #tpu.memory_space<vmem>>, vector<16xf32>,
        %add3A_1092 = arith.constant 160 : i32
        %add3A_1093 = arith.addi %add3A_992, %add3A_1092 : i32
        %get3A_1094 = arith.index_cast %add3A_1093 : i32 to index
        %get3A_1095 = tpu.vector_load %arg7[%get3A_1094] {strides = array<i32>} : memref<15360xf32, #tpu.memory_space<vmem>>, vector<16xf32>,
        %get3A_1096 = vector.shape_cast %get3A_1095 : vector<16xf32> to vector<16xf32>
        %add3A_1097 = arith.addf %get3A_1096, %get3A_585 : vector<16xf32>
        %swap3A_1098 = arith.index_cast %add3A_1093 : i32 to index
        %swap3A_1099 = tpu.vector_load %arg9[%swap3A_1098] {strides = array<i32>} : memref<15360xf32, #tpu.memory_space<vmem>>, vector<16xf32>,
        %swap3A_1100 = vector.shape_cast %swap3A_1099 : vector<16xf32> to vector<16xf32>
        %swap3A_1101 = vector.shape_cast %add3A_1097 : vector<16xf32> to vector<16xf32>
        tpu.vector_store %arg9[%swap3A_1098], %swap3A_1101 {strides = array<i32>} : memref<15360xf32, #tpu.memory_space<vmem>>, vector<16xf32>,
        %add3A_1102 = arith.constant 176 : i32
        %add3A_1103 = arith.addi %add3A_992, %add3A_1102 : i32
        %get3A_1104 = arith.index_cast %add3A_1103 : i32 to index
        %get3A_1105 = tpu.vector_load %arg7[%get3A_1104] {strides = array<i32>} : memref<15360xf32, #tpu.memory_space<vmem>>, vector<16xf32>,
        %get3A_1106 = vector.shape_cast %get3A_1105 : vector<16xf32> to vector<16xf32>
        %add3A_1107 = arith.addf %get3A_1106, %get3A_590 : vector<16xf32>
        %swap3A_1108 = arith.index_cast %add3A_1103 : i32 to index
        %swap3A_1109 = tpu.vector_load %arg9[%swap3A_1108] {strides = array<i32>} : memref<15360xf32, #tpu.memory_space<vmem>>, vector<16xf32>,
        %swap3A_1110 = vector.shape_cast %swap3A_1109 : vector<16xf32> to vector<16xf32>
        %swap3A_1111 = vector.shape_cast %add3A_1107 : vector<16xf32> to vector<16xf32>
        tpu.vector_store %arg9[%swap3A_1108], %swap3A_1111 {strides = array<i32>} : memref<15360xf32, #tpu.memory_space<vmem>>, vector<16xf32>,
        %add3A_1112 = arith.constant 192 : i32
        %add3A_1113 = arith.addi %add3A_992, %add3A_1112 : i32
        %get3A_1114 = arith.index_cast %add3A_1113 : i32 to index
        %get3A_1115 = tpu.vector_load %arg7[%get3A_1114] {strides = array<i32>} : memref<15360xf32, #tpu.memory_space<vmem>>, vector<16xf32>,
        %get3A_1116 = vector.shape_cast %get3A_1115 : vector<16xf32> to vector<16xf32>
        %add3A_1117 = arith.addf %get3A_1116, %get3A_595 : vector<16xf32>
        %swap3A_1118 = arith.index_cast %add3A_1113 : i32 to index
        %swap3A_1119 = tpu.vector_load %arg9[%swap3A_1118] {strides = array<i32>} : memref<15360xf32, #tpu.memory_space<vmem>>, vector<16xf32>,
        %swap3A_1120 = vector.shape_cast %swap3A_1119 : vector<16xf32> to vector<16xf32>
        %swap3A_1121 = vector.shape_cast %add3A_1117 : vector<16xf32> to vector<16xf32>
        tpu.vector_store %arg9[%swap3A_1118], %swap3A_1121 {strides = array<i32>} : memref<15360xf32, #tpu.memory_space<vmem>>, vector<16xf32>,
        %add3A_1122 = arith.constant 208 : i32
        %add3A_1123 = arith.addi %add3A_992, %add3A_1122 : i32
        %get3A_1124 = arith.index_cast %add3A_1123 : i32 to index
        %get3A_1125 = tpu.vector_load %arg7[%get3A_1124] {strides = array<i32>} : memref<15360xf32, #tpu.memory_space<vmem>>, vector<16xf32>,
        %get3A_1126 = vector.shape_cast %get3A_1125 : vector<16xf32> to vector<16xf32>
        %add3A_1127 = arith.addf %get3A_1126, %get3A_600 : vector<16xf32>
        %swap3A_1128 = arith.index_cast %add3A_1123 : i32 to index
        %swap3A_1129 = tpu.vector_load %arg9[%swap3A_1128] {strides = array<i32>} : memref<15360xf32, #tpu.memory_space<vmem>>, vector<16xf32>,
        %swap3A_1130 = vector.shape_cast %swap3A_1129 : vector<16xf32> to vector<16xf32>
        %swap3A_1131 = vector.shape_cast %add3A_1127 : vector<16xf32> to vector<16xf32>
        tpu.vector_store %arg9[%swap3A_1128], %swap3A_1131 {strides = array<i32>} : memref<15360xf32, #tpu.memory_space<vmem>>, vector<16xf32>,
        %add3A_1132 = arith.constant 224 : i32
        %add3A_1133 = arith.addi %add3A_992, %add3A_1132 : i32
        %get3A_1134 = arith.index_cast %add3A_1133 : i32 to index
        %get3A_1135 = tpu.vector_load %arg7[%get3A_1134] {strides = array<i32>} : memref<15360xf32, #tpu.memory_space<vmem>>, vector<16xf32>,
        %get3A_1136 = vector.shape_cast %get3A_1135 : vector<16xf32> to vector<16xf32>
        %add3A_1137 = arith.addf %get3A_1136, %get3A_605 : vector<16xf32>
        %swap3A_1138 = arith.index_cast %add3A_1133 : i32 to index
        %swap3A_1139 = tpu.vector_load %arg9[%swap3A_1138] {strides = array<i32>} : memref<15360xf32, #tpu.memory_space<vmem>>, vector<16xf32>,
        %swap3A_1140 = vector.shape_cast %swap3A_1139 : vector<16xf32> to vector<16xf32>
        %swap3A_1141 = vector.shape_cast %add3A_1137 : vector<16xf32> to vector<16xf32>
        tpu.vector_store %arg9[%swap3A_1138], %swap3A_1141 {strides = array<i32>} : memref<15360xf32, #tpu.memory_space<vmem>>, vector<16xf32>,
        %add3A_1142 = arith.constant 240 : i32
        %add3A_1143 = arith.addi %add3A_992, %add3A_1142 : i32
        %get3A_1144 = arith.index_cast %add3A_1143 : i32 to index
        %get3A_1145 = tpu.vector_load %arg7[%get3A_1144] {strides = array<i32>} : memref<15360xf32, #tpu.memory_space<vmem>>, vector<16xf32>,
        %get3A_1146 = vector.shape_cast %get3A_1145 : vector<16xf32> to vector<16xf32>
        %add3A_1147 = arith.addf %get3A_1146, %get3A_610 : vector<16xf32>
        %swap3A_1148 = arith.index_cast %add3A_1143 : i32 to index
        %swap3A_1149 = tpu.vector_load %arg9[%swap3A_1148] {strides = array<i32>} : memref<15360xf32, #tpu.memory_space<vmem>>, vector<16xf32>,
        %swap3A_1150 = vector.shape_cast %swap3A_1149 : vector<16xf32> to vector<16xf32>
        %swap3A_1151 = vector.shape_cast %add3A_1147 : vector<16xf32> to vector<16xf32>
        tpu.vector_store %arg9[%swap3A_1148], %swap3A_1151 {strides = array<i32>} : memref<15360xf32, #tpu.memory_space<vmem>>, vector<16xf32>,
      }
      %scan3A_615 = arith.constant 12 : i32
      %add3A_616 = arith.constant 1 : i32
      %add3A_617 = arith.addi %mul3A_526, %add3A_616 : i32
      %mul3A_618 = arith.constant 256 : i32
      %mul3A_619 = arith.muli %add3A_617, %mul3A_618 : i32
      %add3A_620 = arith.constant 0 : i32
      %add3A_621 = arith.addi %mul3A_619, %add3A_620 : i32
      %get3A_622 = arith.index_cast %add3A_621 : i32 to index
      %get3A_623 = tpu.vector_load %arg5[%get3A_622] {strides = array<i32>} : memref<12800xf32, #tpu.memory_space<vmem>>, vector<16xf32>,
      %get3A_624 = vector.shape_cast %get3A_623 : vector<16xf32> to vector<16xf32>
      %add3A_625 = arith.constant 16 : i32
      %add3A_626 = arith.addi %mul3A_619, %add3A_625 : i32
      %get3A_627 = arith.index_cast %add3A_626 : i32 to index
      %get3A_628 = tpu.vector_load %arg5[%get3A_627] {strides = array<i32>} : memref<12800xf32, #tpu.memory_space<vmem>>, vector<16xf32>,
      %get3A_629 = vector.shape_cast %get3A_628 : vector<16xf32> to vector<16xf32>
      %add3A_630 = arith.constant 32 : i32
      %add3A_631 = arith.addi %mul3A_619, %add3A_630 : i32
      %get3A_632 = arith.index_cast %add3A_631 : i32 to index
      %get3A_633 = tpu.vector_load %arg5[%get3A_632] {strides = array<i32>} : memref<12800xf32, #tpu.memory_space<vmem>>, vector<16xf32>,
      %get3A_634 = vector.shape_cast %get3A_633 : vector<16xf32> to vector<16xf32>
      %add3A_635 = arith.constant 48 : i32
      %add3A_636 = arith.addi %mul3A_619, %add3A_635 : i32
      %get3A_637 = arith.index_cast %add3A_636 : i32 to index
      %get3A_638 = tpu.vector_load %arg5[%get3A_637] {strides = array<i32>} : memref<12800xf32, #tpu.memory_space<vmem>>, vector<16xf32>,
      %get3A_639 = vector.shape_cast %get3A_638 : vector<16xf32> to vector<16xf32>
      %add3A_640 = arith.constant 64 : i32
      %add3A_641 = arith.addi %mul3A_619, %add3A_640 : i32
      %get3A_642 = arith.index_cast %add3A_641 : i32 to index
      %get3A_643 = tpu.vector_load %arg5[%get3A_642] {strides = array<i32>} : memref<12800xf32, #tpu.memory_space<vmem>>, vector<16xf32>,
      %get3A_644 = vector.shape_cast %get3A_643 : vector<16xf32> to vector<16xf32>
      %add3A_645 = arith.constant 80 : i32
      %add3A_646 = arith.addi %mul3A_619, %add3A_645 : i32
      %get3A_647 = arith.index_cast %add3A_646 : i32 to index
      %get3A_648 = tpu.vector_load %arg5[%get3A_647] {strides = array<i32>} : memref<12800xf32, #tpu.memory_space<vmem>>, vector<16xf32>,
      %get3A_649 = vector.shape_cast %get3A_648 : vector<16xf32> to vector<16xf32>
      %add3A_650 = arith.constant 96 : i32
      %add3A_651 = arith.addi %mul3A_619, %add3A_650 : i32
      %get3A_652 = arith.index_cast %add3A_651 : i32 to index
      %get3A_653 = tpu.vector_load %arg5[%get3A_652] {strides = array<i32>} : memref<12800xf32, #tpu.memory_space<vmem>>, vector<16xf32>,
      %get3A_654 = vector.shape_cast %get3A_653 : vector<16xf32> to vector<16xf32>
      %add3A_655 = arith.constant 112 : i32
      %add3A_656 = arith.addi %mul3A_619, %add3A_655 : i32
      %get3A_657 = arith.index_cast %add3A_656 : i32 to index
      %get3A_658 = tpu.vector_load %arg5[%get3A_657] {strides = array<i32>} : memref<12800xf32, #tpu.memory_space<vmem>>, vector<16xf32>,
      %get3A_659 = vector.shape_cast %get3A_658 : vector<16xf32> to vector<16xf32>
      %add3A_660 = arith.constant 128 : i32
      %add3A_661 = arith.addi %mul3A_619, %add3A_660 : i32
      %get3A_662 = arith.index_cast %add3A_661 : i32 to index
      %get3A_663 = tpu.vector_load %arg5[%get3A_662] {strides = array<i32>} : memref<12800xf32, #tpu.memory_space<vmem>>, vector<16xf32>,
      %get3A_664 = vector.shape_cast %get3A_663 : vector<16xf32> to vector<16xf32>
      %add3A_665 = arith.constant 144 : i32
      %add3A_666 = arith.addi %mul3A_619, %add3A_665 : i32
      %get3A_667 = arith.index_cast %add3A_666 : i32 to index
      %get3A_668 = tpu.vector_load %arg5[%get3A_667] {strides = array<i32>} : memref<12800xf32, #tpu.memory_space<vmem>>, vector<16xf32>,
      %get3A_669 = vector.shape_cast %get3A_668 : vector<16xf32> to vector<16xf32>
      %add3A_670 = arith.constant 160 : i32
      %add3A_671 = arith.addi %mul3A_619, %add3A_670 : i32
      %get3A_672 = arith.index_cast %add3A_671 : i32 to index
      %get3A_673 = tpu.vector_load %arg5[%get3A_672] {strides = array<i32>} : memref<12800xf32, #tpu.memory_space<vmem>>, vector<16xf32>,
      %get3A_674 = vector.shape_cast %get3A_673 : vector<16xf32> to vector<16xf32>
      %add3A_675 = arith.constant 176 : i32
      %add3A_676 = arith.addi %mul3A_619, %add3A_675 : i32
      %get3A_677 = arith.index_cast %add3A_676 : i32 to index
      %get3A_678 = tpu.vector_load %arg5[%get3A_677] {strides = array<i32>} : memref<12800xf32, #tpu.memory_space<vmem>>, vector<16xf32>,
      %get3A_679 = vector.shape_cast %get3A_678 : vector<16xf32> to vector<16xf32>
      %add3A_680 = arith.constant 192 : i32
      %add3A_681 = arith.addi %mul3A_619, %add3A_680 : i32
      %get3A_682 = arith.index_cast %add3A_681 : i32 to index
      %get3A_683 = tpu.vector_load %arg5[%get3A_682] {strides = array<i32>} : memref<12800xf32, #tpu.memory_space<vmem>>, vector<16xf32>,
      %get3A_684 = vector.shape_cast %get3A_683 : vector<16xf32> to vector<16xf32>
      %add3A_685 = arith.constant 208 : i32
      %add3A_686 = arith.addi %mul3A_619, %add3A_685 : i32
      %get3A_687 = arith.index_cast %add3A_686 : i32 to index
      %get3A_688 = tpu.vector_load %arg5[%get3A_687] {strides = array<i32>} : memref<12800xf32, #tpu.memory_space<vmem>>, vector<16xf32>,
      %get3A_689 = vector.shape_cast %get3A_688 : vector<16xf32> to vector<16xf32>
      %add3A_690 = arith.constant 224 : i32
      %add3A_691 = arith.addi %mul3A_619, %add3A_690 : i32
      %get3A_692 = arith.index_cast %add3A_691 : i32 to index
      %get3A_693 = tpu.vector_load %arg5[%get3A_692] {strides = array<i32>} : memref<12800xf32, #tpu.memory_space<vmem>>, vector<16xf32>,
      %get3A_694 = vector.shape_cast %get3A_693 : vector<16xf32> to vector<16xf32>
      %add3A_695 = arith.constant 240 : i32
      %add3A_696 = arith.addi %mul3A_619, %add3A_695 : i32
      %get3A_697 = arith.index_cast %add3A_696 : i32 to index
      %get3A_698 = tpu.vector_load %arg5[%get3A_697] {strides = array<i32>} : memref<12800xf32, #tpu.memory_space<vmem>>, vector<16xf32>,
      %get3A_699 = vector.shape_cast %get3A_698 : vector<16xf32> to vector<16xf32>
      %scan3A_700 = arith.constant 0 : i32
      %scan3A_701 = arith.constant 12 : i32
      %scan3A_702 = arith.addi %scan3A_700, %scan3A_701 : i32
      %scan3A_703 = arith.constant 1 : i32
      scf.for %scan3A_984 = %scan3A_700 to %scan3A_702 step %scan3A_703  : i32 {
        %mul3A_985 = arith.constant 1 : i32
        %mul3A_986 = arith.muli %scan3A_984, %mul3A_985 : i32
        %add3A_987 = arith.constant 0 : i32
        %add3A_988 = arith.addi %add3A_987, %mul3A_986 : i32
        %mul3A_989 = arith.constant 256 : i32
        %mul3A_990 = arith.muli %add3A_988, %mul3A_989 : i32
        %add3A_991 = arith.constant 3072 : i32
        %add3A_992 = arith.addi %add3A_991, %mul3A_990 : i32
        %add3A_993 = arith.constant 0 : i32
        %add3A_994 = arith.addi %add3A_992, %add3A_993 : i32
        %get3A_995 = arith.index_cast %add3A_994 : i32 to index
        %get3A_996 = tpu.vector_load %arg7[%get3A_995] {strides = array<i32>} : memref<15360xf32, #tpu.memory_space<vmem>>, vector<16xf32>,
        %get3A_997 = vector.shape_cast %get3A_996 : vector<16xf32> to vector<16xf32>
        %add3A_998 = arith.addf %get3A_997, %get3A_624 : vector<16xf32>
        %swap3A = arith.index_cast %add3A_994 : i32 to index
        %swap3A_999 = tpu.vector_load %arg9[%swap3A] {strides = array<i32>} : memref<15360xf32, #tpu.memory_space<vmem>>, vector<16xf32>,
        %swap3A_1000 = vector.shape_cast %swap3A_999 : vector<16xf32> to vector<16xf32>
        %swap3A_1001 = vector.shape_cast %add3A_998 : vector<16xf32> to vector<16xf32>
        tpu.vector_store %arg9[%swap3A], %swap3A_1001 {strides = array<i32>} : memref<15360xf32, #tpu.memory_space<vmem>>, vector<16xf32>,
        %add3A_1002 = arith.constant 16 : i32
        %add3A_1003 = arith.addi %add3A_992, %add3A_1002 : i32
        %get3A_1004 = arith.index_cast %add3A_1003 : i32 to index
        %get3A_1005 = tpu.vector_load %arg7[%get3A_1004] {strides = array<i32>} : memref<15360xf32, #tpu.memory_space<vmem>>, vector<16xf32>,
        %get3A_1006 = vector.shape_cast %get3A_1005 : vector<16xf32> to vector<16xf32>
        %add3A_1007 = arith.addf %get3A_1006, %get3A_629 : vector<16xf32>
        %swap3A_1008 = arith.index_cast %add3A_1003 : i32 to index
        %swap3A_1009 = tpu.vector_load %arg9[%swap3A_1008] {strides = array<i32>} : memref<15360xf32, #tpu.memory_space<vmem>>, vector<16xf32>,
        %swap3A_1010 = vector.shape_cast %swap3A_1009 : vector<16xf32> to vector<16xf32>
        %swap3A_1011 = vector.shape_cast %add3A_1007 : vector<16xf32> to vector<16xf32>
        tpu.vector_store %arg9[%swap3A_1008], %swap3A_1011 {strides = array<i32>} : memref<15360xf32, #tpu.memory_space<vmem>>, vector<16xf32>,
        %add3A_1012 = arith.constant 32 : i32
        %add3A_1013 = arith.addi %add3A_992, %add3A_1012 : i32
        %get3A_1014 = arith.index_cast %add3A_1013 : i32 to index
        %get3A_1015 = tpu.vector_load %arg7[%get3A_1014] {strides = array<i32>} : memref<15360xf32, #tpu.memory_space<vmem>>, vector<16xf32>,
        %get3A_1016 = vector.shape_cast %get3A_1015 : vector<16xf32> to vector<16xf32>
        %add3A_1017 = arith.addf %get3A_1016, %get3A_634 : vector<16xf32>
        %swap3A_1018 = arith.index_cast %add3A_1013 : i32 to index
        %swap3A_1019 = tpu.vector_load %arg9[%swap3A_1018] {strides = array<i32>} : memref<15360xf32, #tpu.memory_space<vmem>>, vector<16xf32>,
        %swap3A_1020 = vector.shape_cast %swap3A_1019 : vector<16xf32> to vector<16xf32>
        %swap3A_1021 = vector.shape_cast %add3A_1017 : vector<16xf32> to vector<16xf32>
        tpu.vector_store %arg9[%swap3A_1018], %swap3A_1021 {strides = array<i32>} : memref<15360xf32, #tpu.memory_space<vmem>>, vector<16xf32>,
        %add3A_1022 = arith.constant 48 : i32
        %add3A_1023 = arith.addi %add3A_992, %add3A_1022 : i32
        %get3A_1024 = arith.index_cast %add3A_1023 : i32 to index
        %get3A_1025 = tpu.vector_load %arg7[%get3A_1024] {strides = array<i32>} : memref<15360xf32, #tpu.memory_space<vmem>>, vector<16xf32>,
        %get3A_1026 = vector.shape_cast %get3A_1025 : vector<16xf32> to vector<16xf32>
        %add3A_1027 = arith.addf %get3A_1026, %get3A_639 : vector<16xf32>
        %swap3A_1028 = arith.index_cast %add3A_1023 : i32 to index
        %swap3A_1029 = tpu.vector_load %arg9[%swap3A_1028] {strides = array<i32>} : memref<15360xf32, #tpu.memory_space<vmem>>, vector<16xf32>,
        %swap3A_1030 = vector.shape_cast %swap3A_1029 : vector<16xf32> to vector<16xf32>
        %swap3A_1031 = vector.shape_cast %add3A_1027 : vector<16xf32> to vector<16xf32>
        tpu.vector_store %arg9[%swap3A_1028], %swap3A_1031 {strides = array<i32>} : memref<15360xf32, #tpu.memory_space<vmem>>, vector<16xf32>,
        %add3A_1032 = arith.constant 64 : i32
        %add3A_1033 = arith.addi %add3A_992, %add3A_1032 : i32
        %get3A_1034 = arith.index_cast %add3A_1033 : i32 to index
        %get3A_1035 = tpu.vector_load %arg7[%get3A_1034] {strides = array<i32>} : memref<15360xf32, #tpu.memory_space<vmem>>, vector<16xf32>,
        %get3A_1036 = vector.shape_cast %get3A_1035 : vector<16xf32> to vector<16xf32>
        %add3A_1037 = arith.addf %get3A_1036, %get3A_644 : vector<16xf32>
        %swap3A_1038 = arith.index_cast %add3A_1033 : i32 to index
        %swap3A_1039 = tpu.vector_load %arg9[%swap3A_1038] {strides = array<i32>} : memref<15360xf32, #tpu.memory_space<vmem>>, vector<16xf32>,
        %swap3A_1040 = vector.shape_cast %swap3A_1039 : vector<16xf32> to vector<16xf32>
        %swap3A_1041 = vector.shape_cast %add3A_1037 : vector<16xf32> to vector<16xf32>
        tpu.vector_store %arg9[%swap3A_1038], %swap3A_1041 {strides = array<i32>} : memref<15360xf32, #tpu.memory_space<vmem>>, vector<16xf32>,
        %add3A_1042 = arith.constant 80 : i32
        %add3A_1043 = arith.addi %add3A_992, %add3A_1042 : i32
        %get3A_1044 = arith.index_cast %add3A_1043 : i32 to index
        %get3A_1045 = tpu.vector_load %arg7[%get3A_1044] {strides = array<i32>} : memref<15360xf32, #tpu.memory_space<vmem>>, vector<16xf32>,
        %get3A_1046 = vector.shape_cast %get3A_1045 : vector<16xf32> to vector<16xf32>
        %add3A_1047 = arith.addf %get3A_1046, %get3A_649 : vector<16xf32>
        %swap3A_1048 = arith.index_cast %add3A_1043 : i32 to index
        %swap3A_1049 = tpu.vector_load %arg9[%swap3A_1048] {strides = array<i32>} : memref<15360xf32, #tpu.memory_space<vmem>>, vector<16xf32>,
        %swap3A_1050 = vector.shape_cast %swap3A_1049 : vector<16xf32> to vector<16xf32>
        %swap3A_1051 = vector.shape_cast %add3A_1047 : vector<16xf32> to vector<16xf32>
        tpu.vector_store %arg9[%swap3A_1048], %swap3A_1051 {strides = array<i32>} : memref<15360xf32, #tpu.memory_space<vmem>>, vector<16xf32>,
        %add3A_1052 = arith.constant 96 : i32
        %add3A_1053 = arith.addi %add3A_992, %add3A_1052 : i32
        %get3A_1054 = arith.index_cast %add3A_1053 : i32 to index
        %get3A_1055 = tpu.vector_load %arg7[%get3A_1054] {strides = array<i32>} : memref<15360xf32, #tpu.memory_space<vmem>>, vector<16xf32>,
        %get3A_1056 = vector.shape_cast %get3A_1055 : vector<16xf32> to vector<16xf32>
        %add3A_1057 = arith.addf %get3A_1056, %get3A_654 : vector<16xf32>
        %swap3A_1058 = arith.index_cast %add3A_1053 : i32 to index
        %swap3A_1059 = tpu.vector_load %arg9[%swap3A_1058] {strides = array<i32>} : memref<15360xf32, #tpu.memory_space<vmem>>, vector<16xf32>,
        %swap3A_1060 = vector.shape_cast %swap3A_1059 : vector<16xf32> to vector<16xf32>
        %swap3A_1061 = vector.shape_cast %add3A_1057 : vector<16xf32> to vector<16xf32>
        tpu.vector_store %arg9[%swap3A_1058], %swap3A_1061 {strides = array<i32>} : memref<15360xf32, #tpu.memory_space<vmem>>, vector<16xf32>,
        %add3A_1062 = arith.constant 112 : i32
        %add3A_1063 = arith.addi %add3A_992, %add3A_1062 : i32
        %get3A_1064 = arith.index_cast %add3A_1063 : i32 to index
        %get3A_1065 = tpu.vector_load %arg7[%get3A_1064] {strides = array<i32>} : memref<15360xf32, #tpu.memory_space<vmem>>, vector<16xf32>,
        %get3A_1066 = vector.shape_cast %get3A_1065 : vector<16xf32> to vector<16xf32>
        %add3A_1067 = arith.addf %get3A_1066, %get3A_659 : vector<16xf32>
        %swap3A_1068 = arith.index_cast %add3A_1063 : i32 to index
        %swap3A_1069 = tpu.vector_load %arg9[%swap3A_1068] {strides = array<i32>} : memref<15360xf32, #tpu.memory_space<vmem>>, vector<16xf32>,
        %swap3A_1070 = vector.shape_cast %swap3A_1069 : vector<16xf32> to vector<16xf32>
        %swap3A_1071 = vector.shape_cast %add3A_1067 : vector<16xf32> to vector<16xf32>
        tpu.vector_store %arg9[%swap3A_1068], %swap3A_1071 {strides = array<i32>} : memref<15360xf32, #tpu.memory_space<vmem>>, vector<16xf32>,
        %add3A_1072 = arith.constant 128 : i32
        %add3A_1073 = arith.addi %add3A_992, %add3A_1072 : i32
        %get3A_1074 = arith.index_cast %add3A_1073 : i32 to index
        %get3A_1075 = tpu.vector_load %arg7[%get3A_1074] {strides = array<i32>} : memref<15360xf32, #tpu.memory_space<vmem>>, vector<16xf32>,
        %get3A_1076 = vector.shape_cast %get3A_1075 : vector<16xf32> to vector<16xf32>
        %add3A_1077 = arith.addf %get3A_1076, %get3A_664 : vector<16xf32>
        %swap3A_1078 = arith.index_cast %add3A_1073 : i32 to index
        %swap3A_1079 = tpu.vector_load %arg9[%swap3A_1078] {strides = array<i32>} : memref<15360xf32, #tpu.memory_space<vmem>>, vector<16xf32>,
        %swap3A_1080 = vector.shape_cast %swap3A_1079 : vector<16xf32> to vector<16xf32>
        %swap3A_1081 = vector.shape_cast %add3A_1077 : vector<16xf32> to vector<16xf32>
        tpu.vector_store %arg9[%swap3A_1078], %swap3A_1081 {strides = array<i32>} : memref<15360xf32, #tpu.memory_space<vmem>>, vector<16xf32>,
        %add3A_1082 = arith.constant 144 : i32
        %add3A_1083 = arith.addi %add3A_992, %add3A_1082 : i32
        %get3A_1084 = arith.index_cast %add3A_1083 : i32 to index
        %get3A_1085 = tpu.vector_load %arg7[%get3A_1084] {strides = array<i32>} : memref<15360xf32, #tpu.memory_space<vmem>>, vector<16xf32>,
        %get3A_1086 = vector.shape_cast %get3A_1085 : vector<16xf32> to vector<16xf32>
        %add3A_1087 = arith.addf %get3A_1086, %get3A_669 : vector<16xf32>
        %swap3A_1088 = arith.index_cast %add3A_1083 : i32 to index
        %swap3A_1089 = tpu.vector_load %arg9[%swap3A_1088] {strides = array<i32>} : memref<15360xf32, #tpu.memory_space<vmem>>, vector<16xf32>,
        %swap3A_1090 = vector.shape_cast %swap3A_1089 : vector<16xf32> to vector<16xf32>
        %swap3A_1091 = vector.shape_cast %add3A_1087 : vector<16xf32> to vector<16xf32>
        tpu.vector_store %arg9[%swap3A_1088], %swap3A_1091 {strides = array<i32>} : memref<15360xf32, #tpu.memory_space<vmem>>, vector<16xf32>,
        %add3A_1092 = arith.constant 160 : i32
        %add3A_1093 = arith.addi %add3A_992, %add3A_1092 : i32
        %get3A_1094 = arith.index_cast %add3A_1093 : i32 to index
        %get3A_1095 = tpu.vector_load %arg7[%get3A_1094] {strides = array<i32>} : memref<15360xf32, #tpu.memory_space<vmem>>, vector<16xf32>,
        %get3A_1096 = vector.shape_cast %get3A_1095 : vector<16xf32> to vector<16xf32>
        %add3A_1097 = arith.addf %get3A_1096, %get3A_674 : vector<16xf32>
        %swap3A_1098 = arith.index_cast %add3A_1093 : i32 to index
        %swap3A_1099 = tpu.vector_load %arg9[%swap3A_1098] {strides = array<i32>} : memref<15360xf32, #tpu.memory_space<vmem>>, vector<16xf32>,
        %swap3A_1100 = vector.shape_cast %swap3A_1099 : vector<16xf32> to vector<16xf32>
        %swap3A_1101 = vector.shape_cast %add3A_1097 : vector<16xf32> to vector<16xf32>
        tpu.vector_store %arg9[%swap3A_1098], %swap3A_1101 {strides = array<i32>} : memref<15360xf32, #tpu.memory_space<vmem>>, vector<16xf32>,
        %add3A_1102 = arith.constant 176 : i32
        %add3A_1103 = arith.addi %add3A_992, %add3A_1102 : i32
        %get3A_1104 = arith.index_cast %add3A_1103 : i32 to index
        %get3A_1105 = tpu.vector_load %arg7[%get3A_1104] {strides = array<i32>} : memref<15360xf32, #tpu.memory_space<vmem>>, vector<16xf32>,
        %get3A_1106 = vector.shape_cast %get3A_1105 : vector<16xf32> to vector<16xf32>
        %add3A_1107 = arith.addf %get3A_1106, %get3A_679 : vector<16xf32>
        %swap3A_1108 = arith.index_cast %add3A_1103 : i32 to index
        %swap3A_1109 = tpu.vector_load %arg9[%swap3A_1108] {strides = array<i32>} : memref<15360xf32, #tpu.memory_space<vmem>>, vector<16xf32>,
        %swap3A_1110 = vector.shape_cast %swap3A_1109 : vector<16xf32> to vector<16xf32>
        %swap3A_1111 = vector.shape_cast %add3A_1107 : vector<16xf32> to vector<16xf32>
        tpu.vector_store %arg9[%swap3A_1108], %swap3A_1111 {strides = array<i32>} : memref<15360xf32, #tpu.memory_space<vmem>>, vector<16xf32>,
        %add3A_1112 = arith.constant 192 : i32
        %add3A_1113 = arith.addi %add3A_992, %add3A_1112 : i32
        %get3A_1114 = arith.index_cast %add3A_1113 : i32 to index
        %get3A_1115 = tpu.vector_load %arg7[%get3A_1114] {strides = array<i32>} : memref<15360xf32, #tpu.memory_space<vmem>>, vector<16xf32>,
        %get3A_1116 = vector.shape_cast %get3A_1115 : vector<16xf32> to vector<16xf32>
        %add3A_1117 = arith.addf %get3A_1116, %get3A_684 : vector<16xf32>
        %swap3A_1118 = arith.index_cast %add3A_1113 : i32 to index
        %swap3A_1119 = tpu.vector_load %arg9[%swap3A_1118] {strides = array<i32>} : memref<15360xf32, #tpu.memory_space<vmem>>, vector<16xf32>,
        %swap3A_1120 = vector.shape_cast %swap3A_1119 : vector<16xf32> to vector<16xf32>
        %swap3A_1121 = vector.shape_cast %add3A_1117 : vector<16xf32> to vector<16xf32>
        tpu.vector_store %arg9[%swap3A_1118], %swap3A_1121 {strides = array<i32>} : memref<15360xf32, #tpu.memory_space<vmem>>, vector<16xf32>,
        %add3A_1122 = arith.constant 208 : i32
        %add3A_1123 = arith.addi %add3A_992, %add3A_1122 : i32
        %get3A_1124 = arith.index_cast %add3A_1123 : i32 to index
        %get3A_1125 = tpu.vector_load %arg7[%get3A_1124] {strides = array<i32>} : memref<15360xf32, #tpu.memory_space<vmem>>, vector<16xf32>,
        %get3A_1126 = vector.shape_cast %get3A_1125 : vector<16xf32> to vector<16xf32>
        %add3A_1127 = arith.addf %get3A_1126, %get3A_689 : vector<16xf32>
        %swap3A_1128 = arith.index_cast %add3A_1123 : i32 to index
        %swap3A_1129 = tpu.vector_load %arg9[%swap3A_1128] {strides = array<i32>} : memref<15360xf32, #tpu.memory_space<vmem>>, vector<16xf32>,
        %swap3A_1130 = vector.shape_cast %swap3A_1129 : vector<16xf32> to vector<16xf32>
        %swap3A_1131 = vector.shape_cast %add3A_1127 : vector<16xf32> to vector<16xf32>
        tpu.vector_store %arg9[%swap3A_1128], %swap3A_1131 {strides = array<i32>} : memref<15360xf32, #tpu.memory_space<vmem>>, vector<16xf32>,
        %add3A_1132 = arith.constant 224 : i32
        %add3A_1133 = arith.addi %add3A_992, %add3A_1132 : i32
        %get3A_1134 = arith.index_cast %add3A_1133 : i32 to index
        %get3A_1135 = tpu.vector_load %arg7[%get3A_1134] {strides = array<i32>} : memref<15360xf32, #tpu.memory_space<vmem>>, vector<16xf32>,
        %get3A_1136 = vector.shape_cast %get3A_1135 : vector<16xf32> to vector<16xf32>
        %add3A_1137 = arith.addf %get3A_1136, %get3A_694 : vector<16xf32>
        %swap3A_1138 = arith.index_cast %add3A_1133 : i32 to index
        %swap3A_1139 = tpu.vector_load %arg9[%swap3A_1138] {strides = array<i32>} : memref<15360xf32, #tpu.memory_space<vmem>>, vector<16xf32>,
        %swap3A_1140 = vector.shape_cast %swap3A_1139 : vector<16xf32> to vector<16xf32>
        %swap3A_1141 = vector.shape_cast %add3A_1137 : vector<16xf32> to vector<16xf32>
        tpu.vector_store %arg9[%swap3A_1138], %swap3A_1141 {strides = array<i32>} : memref<15360xf32, #tpu.memory_space<vmem>>, vector<16xf32>,
        %add3A_1142 = arith.constant 240 : i32
        %add3A_1143 = arith.addi %add3A_992, %add3A_1142 : i32
        %get3A_1144 = arith.index_cast %add3A_1143 : i32 to index
        %get3A_1145 = tpu.vector_load %arg7[%get3A_1144] {strides = array<i32>} : memref<15360xf32, #tpu.memory_space<vmem>>, vector<16xf32>,
        %get3A_1146 = vector.shape_cast %get3A_1145 : vector<16xf32> to vector<16xf32>
        %add3A_1147 = arith.addf %get3A_1146, %get3A_699 : vector<16xf32>
        %swap3A_1148 = arith.index_cast %add3A_1143 : i32 to index
        %swap3A_1149 = tpu.vector_load %arg9[%swap3A_1148] {strides = array<i32>} : memref<15360xf32, #tpu.memory_space<vmem>>, vector<16xf32>,
        %swap3A_1150 = vector.shape_cast %swap3A_1149 : vector<16xf32> to vector<16xf32>
        %swap3A_1151 = vector.shape_cast %add3A_1147 : vector<16xf32> to vector<16xf32>
        tpu.vector_store %arg9[%swap3A_1148], %swap3A_1151 {strides = array<i32>} : memref<15360xf32, #tpu.memory_space<vmem>>, vector<16xf32>,
      }
      %scan3A_704 = arith.constant 12 : i32
      %add3A_705 = arith.constant 2 : i32
      %add3A_706 = arith.addi %mul3A_526, %add3A_705 : i32
      %mul3A_707 = arith.constant 256 : i32
      %mul3A_708 = arith.muli %add3A_706, %mul3A_707 : i32
      %add3A_709 = arith.constant 0 : i32
      %add3A_710 = arith.addi %mul3A_708, %add3A_709 : i32
      %get3A_711 = arith.index_cast %add3A_710 : i32 to index
      %get3A_712 = tpu.vector_load %arg5[%get3A_711] {strides = array<i32>} : memref<12800xf32, #tpu.memory_space<vmem>>, vector<16xf32>,
      %get3A_713 = vector.shape_cast %get3A_712 : vector<16xf32> to vector<16xf32>
      %add3A_714 = arith.constant 16 : i32
      %add3A_715 = arith.addi %mul3A_708, %add3A_714 : i32
      %get3A_716 = arith.index_cast %add3A_715 : i32 to index
      %get3A_717 = tpu.vector_load %arg5[%get3A_716] {strides = array<i32>} : memref<12800xf32, #tpu.memory_space<vmem>>, vector<16xf32>,
      %get3A_718 = vector.shape_cast %get3A_717 : vector<16xf32> to vector<16xf32>
      %add3A_719 = arith.constant 32 : i32
      %add3A_720 = arith.addi %mul3A_708, %add3A_719 : i32
      %get3A_721 = arith.index_cast %add3A_720 : i32 to index
      %get3A_722 = tpu.vector_load %arg5[%get3A_721] {strides = array<i32>} : memref<12800xf32, #tpu.memory_space<vmem>>, vector<16xf32>,
      %get3A_723 = vector.shape_cast %get3A_722 : vector<16xf32> to vector<16xf32>
      %add3A_724 = arith.constant 48 : i32
      %add3A_725 = arith.addi %mul3A_708, %add3A_724 : i32
      %get3A_726 = arith.index_cast %add3A_725 : i32 to index
      %get3A_727 = tpu.vector_load %arg5[%get3A_726] {strides = array<i32>} : memref<12800xf32, #tpu.memory_space<vmem>>, vector<16xf32>,
      %get3A_728 = vector.shape_cast %get3A_727 : vector<16xf32> to vector<16xf32>
      %add3A_729 = arith.constant 64 : i32
      %add3A_730 = arith.addi %mul3A_708, %add3A_729 : i32
      %get3A_731 = arith.index_cast %add3A_730 : i32 to index
      %get3A_732 = tpu.vector_load %arg5[%get3A_731] {strides = array<i32>} : memref<12800xf32, #tpu.memory_space<vmem>>, vector<16xf32>,
      %get3A_733 = vector.shape_cast %get3A_732 : vector<16xf32> to vector<16xf32>
      %add3A_734 = arith.constant 80 : i32
      %add3A_735 = arith.addi %mul3A_708, %add3A_734 : i32
      %get3A_736 = arith.index_cast %add3A_735 : i32 to index
      %get3A_737 = tpu.vector_load %arg5[%get3A_736] {strides = array<i32>} : memref<12800xf32, #tpu.memory_space<vmem>>, vector<16xf32>,
      %get3A_738 = vector.shape_cast %get3A_737 : vector<16xf32> to vector<16xf32>
      %add3A_739 = arith.constant 96 : i32
      %add3A_740 = arith.addi %mul3A_708, %add3A_739 : i32
      %get3A_741 = arith.index_cast %add3A_740 : i32 to index
      %get3A_742 = tpu.vector_load %arg5[%get3A_741] {strides = array<i32>} : memref<12800xf32, #tpu.memory_space<vmem>>, vector<16xf32>,
      %get3A_743 = vector.shape_cast %get3A_742 : vector<16xf32> to vector<16xf32>
      %add3A_744 = arith.constant 112 : i32
      %add3A_745 = arith.addi %mul3A_708, %add3A_744 : i32
      %get3A_746 = arith.index_cast %add3A_745 : i32 to index
      %get3A_747 = tpu.vector_load %arg5[%get3A_746] {strides = array<i32>} : memref<12800xf32, #tpu.memory_space<vmem>>, vector<16xf32>,
      %get3A_748 = vector.shape_cast %get3A_747 : vector<16xf32> to vector<16xf32>
      %add3A_749 = arith.constant 128 : i32
      %add3A_750 = arith.addi %mul3A_708, %add3A_749 : i32
      %get3A_751 = arith.index_cast %add3A_750 : i32 to index
      %get3A_752 = tpu.vector_load %arg5[%get3A_751] {strides = array<i32>} : memref<12800xf32, #tpu.memory_space<vmem>>, vector<16xf32>,
      %get3A_753 = vector.shape_cast %get3A_752 : vector<16xf32> to vector<16xf32>
      %add3A_754 = arith.constant 144 : i32
      %add3A_755 = arith.addi %mul3A_708, %add3A_754 : i32
      %get3A_756 = arith.index_cast %add3A_755 : i32 to index
      %get3A_757 = tpu.vector_load %arg5[%get3A_756] {strides = array<i32>} : memref<12800xf32, #tpu.memory_space<vmem>>, vector<16xf32>,
      %get3A_758 = vector.shape_cast %get3A_757 : vector<16xf32> to vector<16xf32>
      %add3A_759 = arith.constant 160 : i32
      %add3A_760 = arith.addi %mul3A_708, %add3A_759 : i32
      %get3A_761 = arith.index_cast %add3A_760 : i32 to index
      %get3A_762 = tpu.vector_load %arg5[%get3A_761] {strides = array<i32>} : memref<12800xf32, #tpu.memory_space<vmem>>, vector<16xf32>,
      %get3A_763 = vector.shape_cast %get3A_762 : vector<16xf32> to vector<16xf32>
      %add3A_764 = arith.constant 176 : i32
      %add3A_765 = arith.addi %mul3A_708, %add3A_764 : i32
      %get3A_766 = arith.index_cast %add3A_765 : i32 to index
      %get3A_767 = tpu.vector_load %arg5[%get3A_766] {strides = array<i32>} : memref<12800xf32, #tpu.memory_space<vmem>>, vector<16xf32>,
      %get3A_768 = vector.shape_cast %get3A_767 : vector<16xf32> to vector<16xf32>
      %add3A_769 = arith.constant 192 : i32
      %add3A_770 = arith.addi %mul3A_708, %add3A_769 : i32
      %get3A_771 = arith.index_cast %add3A_770 : i32 to index
      %get3A_772 = tpu.vector_load %arg5[%get3A_771] {strides = array<i32>} : memref<12800xf32, #tpu.memory_space<vmem>>, vector<16xf32>,
      %get3A_773 = vector.shape_cast %get3A_772 : vector<16xf32> to vector<16xf32>
      %add3A_774 = arith.constant 208 : i32
      %add3A_775 = arith.addi %mul3A_708, %add3A_774 : i32
      %get3A_776 = arith.index_cast %add3A_775 : i32 to index
      %get3A_777 = tpu.vector_load %arg5[%get3A_776] {strides = array<i32>} : memref<12800xf32, #tpu.memory_space<vmem>>, vector<16xf32>,
      %get3A_778 = vector.shape_cast %get3A_777 : vector<16xf32> to vector<16xf32>
      %add3A_779 = arith.constant 224 : i32
      %add3A_780 = arith.addi %mul3A_708, %add3A_779 : i32
      %get3A_781 = arith.index_cast %add3A_780 : i32 to index
      %get3A_782 = tpu.vector_load %arg5[%get3A_781] {strides = array<i32>} : memref<12800xf32, #tpu.memory_space<vmem>>, vector<16xf32>,
      %get3A_783 = vector.shape_cast %get3A_782 : vector<16xf32> to vector<16xf32>
      %add3A_784 = arith.constant 240 : i32
      %add3A_785 = arith.addi %mul3A_708, %add3A_784 : i32
      %get3A_786 = arith.index_cast %add3A_785 : i32 to index
      %get3A_787 = tpu.vector_load %arg5[%get3A_786] {strides = array<i32>} : memref<12800xf32, #tpu.memory_space<vmem>>, vector<16xf32>,
      %get3A_788 = vector.shape_cast %get3A_787 : vector<16xf32> to vector<16xf32>
      %scan3A_789 = arith.constant 0 : i32
      %scan3A_790 = arith.constant 12 : i32
      %scan3A_791 = arith.addi %scan3A_789, %scan3A_790 : i32
      %scan3A_792 = arith.constant 1 : i32
      scf.for %scan3A_984 = %scan3A_789 to %scan3A_791 step %scan3A_792  : i32 {
        %mul3A_985 = arith.constant 1 : i32
        %mul3A_986 = arith.muli %scan3A_984, %mul3A_985 : i32
        %add3A_987 = arith.constant 0 : i32
        %add3A_988 = arith.addi %add3A_987, %mul3A_986 : i32
        %mul3A_989 = arith.constant 256 : i32
        %mul3A_990 = arith.muli %add3A_988, %mul3A_989 : i32
        %add3A_991 = arith.constant 6144 : i32
        %add3A_992 = arith.addi %add3A_991, %mul3A_990 : i32
        %add3A_993 = arith.constant 0 : i32
        %add3A_994 = arith.addi %add3A_992, %add3A_993 : i32
        %get3A_995 = arith.index_cast %add3A_994 : i32 to index
        %get3A_996 = tpu.vector_load %arg7[%get3A_995] {strides = array<i32>} : memref<15360xf32, #tpu.memory_space<vmem>>, vector<16xf32>,
        %get3A_997 = vector.shape_cast %get3A_996 : vector<16xf32> to vector<16xf32>
        %add3A_998 = arith.addf %get3A_997, %get3A_713 : vector<16xf32>
        %swap3A = arith.index_cast %add3A_994 : i32 to index
        %swap3A_999 = tpu.vector_load %arg9[%swap3A] {strides = array<i32>} : memref<15360xf32, #tpu.memory_space<vmem>>, vector<16xf32>,
        %swap3A_1000 = vector.shape_cast %swap3A_999 : vector<16xf32> to vector<16xf32>
        %swap3A_1001 = vector.shape_cast %add3A_998 : vector<16xf32> to vector<16xf32>
        tpu.vector_store %arg9[%swap3A], %swap3A_1001 {strides = array<i32>} : memref<15360xf32, #tpu.memory_space<vmem>>, vector<16xf32>,
        %add3A_1002 = arith.constant 16 : i32
        %add3A_1003 = arith.addi %add3A_992, %add3A_1002 : i32
        %get3A_1004 = arith.index_cast %add3A_1003 : i32 to index
        %get3A_1005 = tpu.vector_load %arg7[%get3A_1004] {strides = array<i32>} : memref<15360xf32, #tpu.memory_space<vmem>>, vector<16xf32>,
        %get3A_1006 = vector.shape_cast %get3A_1005 : vector<16xf32> to vector<16xf32>
        %add3A_1007 = arith.addf %get3A_1006, %get3A_718 : vector<16xf32>
        %swap3A_1008 = arith.index_cast %add3A_1003 : i32 to index
        %swap3A_1009 = tpu.vector_load %arg9[%swap3A_1008] {strides = array<i32>} : memref<15360xf32, #tpu.memory_space<vmem>>, vector<16xf32>,
        %swap3A_1010 = vector.shape_cast %swap3A_1009 : vector<16xf32> to vector<16xf32>
        %swap3A_1011 = vector.shape_cast %add3A_1007 : vector<16xf32> to vector<16xf32>
        tpu.vector_store %arg9[%swap3A_1008], %swap3A_1011 {strides = array<i32>} : memref<15360xf32, #tpu.memory_space<vmem>>, vector<16xf32>,
        %add3A_1012 = arith.constant 32 : i32
        %add3A_1013 = arith.addi %add3A_992, %add3A_1012 : i32
        %get3A_1014 = arith.index_cast %add3A_1013 : i32 to index
        %get3A_1015 = tpu.vector_load %arg7[%get3A_1014] {strides = array<i32>} : memref<15360xf32, #tpu.memory_space<vmem>>, vector<16xf32>,
        %get3A_1016 = vector.shape_cast %get3A_1015 : vector<16xf32> to vector<16xf32>
        %add3A_1017 = arith.addf %get3A_1016, %get3A_723 : vector<16xf32>
        %swap3A_1018 = arith.index_cast %add3A_1013 : i32 to index
        %swap3A_1019 = tpu.vector_load %arg9[%swap3A_1018] {strides = array<i32>} : memref<15360xf32, #tpu.memory_space<vmem>>, vector<16xf32>,
        %swap3A_1020 = vector.shape_cast %swap3A_1019 : vector<16xf32> to vector<16xf32>
        %swap3A_1021 = vector.shape_cast %add3A_1017 : vector<16xf32> to vector<16xf32>
        tpu.vector_store %arg9[%swap3A_1018], %swap3A_1021 {strides = array<i32>} : memref<15360xf32, #tpu.memory_space<vmem>>, vector<16xf32>,
        %add3A_1022 = arith.constant 48 : i32
        %add3A_1023 = arith.addi %add3A_992, %add3A_1022 : i32
        %get3A_1024 = arith.index_cast %add3A_1023 : i32 to index
        %get3A_1025 = tpu.vector_load %arg7[%get3A_1024] {strides = array<i32>} : memref<15360xf32, #tpu.memory_space<vmem>>, vector<16xf32>,
        %get3A_1026 = vector.shape_cast %get3A_1025 : vector<16xf32> to vector<16xf32>
        %add3A_1027 = arith.addf %get3A_1026, %get3A_728 : vector<16xf32>
        %swap3A_1028 = arith.index_cast %add3A_1023 : i32 to index
        %swap3A_1029 = tpu.vector_load %arg9[%swap3A_1028] {strides = array<i32>} : memref<15360xf32, #tpu.memory_space<vmem>>, vector<16xf32>,
        %swap3A_1030 = vector.shape_cast %swap3A_1029 : vector<16xf32> to vector<16xf32>
        %swap3A_1031 = vector.shape_cast %add3A_1027 : vector<16xf32> to vector<16xf32>
        tpu.vector_store %arg9[%swap3A_1028], %swap3A_1031 {strides = array<i32>} : memref<15360xf32, #tpu.memory_space<vmem>>, vector<16xf32>,
        %add3A_1032 = arith.constant 64 : i32
        %add3A_1033 = arith.addi %add3A_992, %add3A_1032 : i32
        %get3A_1034 = arith.index_cast %add3A_1033 : i32 to index
        %get3A_1035 = tpu.vector_load %arg7[%get3A_1034] {strides = array<i32>} : memref<15360xf32, #tpu.memory_space<vmem>>, vector<16xf32>,
        %get3A_1036 = vector.shape_cast %get3A_1035 : vector<16xf32> to vector<16xf32>
        %add3A_1037 = arith.addf %get3A_1036, %get3A_733 : vector<16xf32>
        %swap3A_1038 = arith.index_cast %add3A_1033 : i32 to index
        %swap3A_1039 = tpu.vector_load %arg9[%swap3A_1038] {strides = array<i32>} : memref<15360xf32, #tpu.memory_space<vmem>>, vector<16xf32>,
        %swap3A_1040 = vector.shape_cast %swap3A_1039 : vector<16xf32> to vector<16xf32>
        %swap3A_1041 = vector.shape_cast %add3A_1037 : vector<16xf32> to vector<16xf32>
        tpu.vector_store %arg9[%swap3A_1038], %swap3A_1041 {strides = array<i32>} : memref<15360xf32, #tpu.memory_space<vmem>>, vector<16xf32>,
        %add3A_1042 = arith.constant 80 : i32
        %add3A_1043 = arith.addi %add3A_992, %add3A_1042 : i32
        %get3A_1044 = arith.index_cast %add3A_1043 : i32 to index
        %get3A_1045 = tpu.vector_load %arg7[%get3A_1044] {strides = array<i32>} : memref<15360xf32, #tpu.memory_space<vmem>>, vector<16xf32>,
        %get3A_1046 = vector.shape_cast %get3A_1045 : vector<16xf32> to vector<16xf32>
        %add3A_1047 = arith.addf %get3A_1046, %get3A_738 : vector<16xf32>
        %swap3A_1048 = arith.index_cast %add3A_1043 : i32 to index
        %swap3A_1049 = tpu.vector_load %arg9[%swap3A_1048] {strides = array<i32>} : memref<15360xf32, #tpu.memory_space<vmem>>, vector<16xf32>,
        %swap3A_1050 = vector.shape_cast %swap3A_1049 : vector<16xf32> to vector<16xf32>
        %swap3A_1051 = vector.shape_cast %add3A_1047 : vector<16xf32> to vector<16xf32>
        tpu.vector_store %arg9[%swap3A_1048], %swap3A_1051 {strides = array<i32>} : memref<15360xf32, #tpu.memory_space<vmem>>, vector<16xf32>,
        %add3A_1052 = arith.constant 96 : i32
        %add3A_1053 = arith.addi %add3A_992, %add3A_1052 : i32
        %get3A_1054 = arith.index_cast %add3A_1053 : i32 to index
        %get3A_1055 = tpu.vector_load %arg7[%get3A_1054] {strides = array<i32>} : memref<15360xf32, #tpu.memory_space<vmem>>, vector<16xf32>,
        %get3A_1056 = vector.shape_cast %get3A_1055 : vector<16xf32> to vector<16xf32>
        %add3A_1057 = arith.addf %get3A_1056, %get3A_743 : vector<16xf32>
        %swap3A_1058 = arith.index_cast %add3A_1053 : i32 to index
        %swap3A_1059 = tpu.vector_load %arg9[%swap3A_1058] {strides = array<i32>} : memref<15360xf32, #tpu.memory_space<vmem>>, vector<16xf32>,
        %swap3A_1060 = vector.shape_cast %swap3A_1059 : vector<16xf32> to vector<16xf32>
        %swap3A_1061 = vector.shape_cast %add3A_1057 : vector<16xf32> to vector<16xf32>
        tpu.vector_store %arg9[%swap3A_1058], %swap3A_1061 {strides = array<i32>} : memref<15360xf32, #tpu.memory_space<vmem>>, vector<16xf32>,
        %add3A_1062 = arith.constant 112 : i32
        %add3A_1063 = arith.addi %add3A_992, %add3A_1062 : i32
        %get3A_1064 = arith.index_cast %add3A_1063 : i32 to index
        %get3A_1065 = tpu.vector_load %arg7[%get3A_1064] {strides = array<i32>} : memref<15360xf32, #tpu.memory_space<vmem>>, vector<16xf32>,
        %get3A_1066 = vector.shape_cast %get3A_1065 : vector<16xf32> to vector<16xf32>
        %add3A_1067 = arith.addf %get3A_1066, %get3A_748 : vector<16xf32>
        %swap3A_1068 = arith.index_cast %add3A_1063 : i32 to index
        %swap3A_1069 = tpu.vector_load %arg9[%swap3A_1068] {strides = array<i32>} : memref<15360xf32, #tpu.memory_space<vmem>>, vector<16xf32>,
        %swap3A_1070 = vector.shape_cast %swap3A_1069 : vector<16xf32> to vector<16xf32>
        %swap3A_1071 = vector.shape_cast %add3A_1067 : vector<16xf32> to vector<16xf32>
        tpu.vector_store %arg9[%swap3A_1068], %swap3A_1071 {strides = array<i32>} : memref<15360xf32, #tpu.memory_space<vmem>>, vector<16xf32>,
        %add3A_1072 = arith.constant 128 : i32
        %add3A_1073 = arith.addi %add3A_992, %add3A_1072 : i32
        %get3A_1074 = arith.index_cast %add3A_1073 : i32 to index
        %get3A_1075 = tpu.vector_load %arg7[%get3A_1074] {strides = array<i32>} : memref<15360xf32, #tpu.memory_space<vmem>>, vector<16xf32>,
        %get3A_1076 = vector.shape_cast %get3A_1075 : vector<16xf32> to vector<16xf32>
        %add3A_1077 = arith.addf %get3A_1076, %get3A_753 : vector<16xf32>
        %swap3A_1078 = arith.index_cast %add3A_1073 : i32 to index
        %swap3A_1079 = tpu.vector_load %arg9[%swap3A_1078] {strides = array<i32>} : memref<15360xf32, #tpu.memory_space<vmem>>, vector<16xf32>,
        %swap3A_1080 = vector.shape_cast %swap3A_1079 : vector<16xf32> to vector<16xf32>
        %swap3A_1081 = vector.shape_cast %add3A_1077 : vector<16xf32> to vector<16xf32>
        tpu.vector_store %arg9[%swap3A_1078], %swap3A_1081 {strides = array<i32>} : memref<15360xf32, #tpu.memory_space<vmem>>, vector<16xf32>,
        %add3A_1082 = arith.constant 144 : i32
        %add3A_1083 = arith.addi %add3A_992, %add3A_1082 : i32
        %get3A_1084 = arith.index_cast %add3A_1083 : i32 to index
        %get3A_1085 = tpu.vector_load %arg7[%get3A_1084] {strides = array<i32>} : memref<15360xf32, #tpu.memory_space<vmem>>, vector<16xf32>,
        %get3A_1086 = vector.shape_cast %get3A_1085 : vector<16xf32> to vector<16xf32>
        %add3A_1087 = arith.addf %get3A_1086, %get3A_758 : vector<16xf32>
        %swap3A_1088 = arith.index_cast %add3A_1083 : i32 to index
        %swap3A_1089 = tpu.vector_load %arg9[%swap3A_1088] {strides = array<i32>} : memref<15360xf32, #tpu.memory_space<vmem>>, vector<16xf32>,
        %swap3A_1090 = vector.shape_cast %swap3A_1089 : vector<16xf32> to vector<16xf32>
        %swap3A_1091 = vector.shape_cast %add3A_1087 : vector<16xf32> to vector<16xf32>
        tpu.vector_store %arg9[%swap3A_1088], %swap3A_1091 {strides = array<i32>} : memref<15360xf32, #tpu.memory_space<vmem>>, vector<16xf32>,
        %add3A_1092 = arith.constant 160 : i32
        %add3A_1093 = arith.addi %add3A_992, %add3A_1092 : i32
        %get3A_1094 = arith.index_cast %add3A_1093 : i32 to index
        %get3A_1095 = tpu.vector_load %arg7[%get3A_1094] {strides = array<i32>} : memref<15360xf32, #tpu.memory_space<vmem>>, vector<16xf32>,
        %get3A_1096 = vector.shape_cast %get3A_1095 : vector<16xf32> to vector<16xf32>
        %add3A_1097 = arith.addf %get3A_1096, %get3A_763 : vector<16xf32>
        %swap3A_1098 = arith.index_cast %add3A_1093 : i32 to index
        %swap3A_1099 = tpu.vector_load %arg9[%swap3A_1098] {strides = array<i32>} : memref<15360xf32, #tpu.memory_space<vmem>>, vector<16xf32>,
        %swap3A_1100 = vector.shape_cast %swap3A_1099 : vector<16xf32> to vector<16xf32>
        %swap3A_1101 = vector.shape_cast %add3A_1097 : vector<16xf32> to vector<16xf32>
        tpu.vector_store %arg9[%swap3A_1098], %swap3A_1101 {strides = array<i32>} : memref<15360xf32, #tpu.memory_space<vmem>>, vector<16xf32>,
        %add3A_1102 = arith.constant 176 : i32
        %add3A_1103 = arith.addi %add3A_992, %add3A_1102 : i32
        %get3A_1104 = arith.index_cast %add3A_1103 : i32 to index
        %get3A_1105 = tpu.vector_load %arg7[%get3A_1104] {strides = array<i32>} : memref<15360xf32, #tpu.memory_space<vmem>>, vector<16xf32>,
        %get3A_1106 = vector.shape_cast %get3A_1105 : vector<16xf32> to vector<16xf32>
        %add3A_1107 = arith.addf %get3A_1106, %get3A_768 : vector<16xf32>
        %swap3A_1108 = arith.index_cast %add3A_1103 : i32 to index
        %swap3A_1109 = tpu.vector_load %arg9[%swap3A_1108] {strides = array<i32>} : memref<15360xf32, #tpu.memory_space<vmem>>, vector<16xf32>,
        %swap3A_1110 = vector.shape_cast %swap3A_1109 : vector<16xf32> to vector<16xf32>
        %swap3A_1111 = vector.shape_cast %add3A_1107 : vector<16xf32> to vector<16xf32>
        tpu.vector_store %arg9[%swap3A_1108], %swap3A_1111 {strides = array<i32>} : memref<15360xf32, #tpu.memory_space<vmem>>, vector<16xf32>,
        %add3A_1112 = arith.constant 192 : i32
        %add3A_1113 = arith.addi %add3A_992, %add3A_1112 : i32
        %get3A_1114 = arith.index_cast %add3A_1113 : i32 to index
        %get3A_1115 = tpu.vector_load %arg7[%get3A_1114] {strides = array<i32>} : memref<15360xf32, #tpu.memory_space<vmem>>, vector<16xf32>,
        %get3A_1116 = vector.shape_cast %get3A_1115 : vector<16xf32> to vector<16xf32>
        %add3A_1117 = arith.addf %get3A_1116, %get3A_773 : vector<16xf32>
        %swap3A_1118 = arith.index_cast %add3A_1113 : i32 to index
        %swap3A_1119 = tpu.vector_load %arg9[%swap3A_1118] {strides = array<i32>} : memref<15360xf32, #tpu.memory_space<vmem>>, vector<16xf32>,
        %swap3A_1120 = vector.shape_cast %swap3A_1119 : vector<16xf32> to vector<16xf32>
        %swap3A_1121 = vector.shape_cast %add3A_1117 : vector<16xf32> to vector<16xf32>
        tpu.vector_store %arg9[%swap3A_1118], %swap3A_1121 {strides = array<i32>} : memref<15360xf32, #tpu.memory_space<vmem>>, vector<16xf32>,
        %add3A_1122 = arith.constant 208 : i32
        %add3A_1123 = arith.addi %add3A_992, %add3A_1122 : i32
        %get3A_1124 = arith.index_cast %add3A_1123 : i32 to index
        %get3A_1125 = tpu.vector_load %arg7[%get3A_1124] {strides = array<i32>} : memref<15360xf32, #tpu.memory_space<vmem>>, vector<16xf32>,
        %get3A_1126 = vector.shape_cast %get3A_1125 : vector<16xf32> to vector<16xf32>
        %add3A_1127 = arith.addf %get3A_1126, %get3A_778 : vector<16xf32>
        %swap3A_1128 = arith.index_cast %add3A_1123 : i32 to index
        %swap3A_1129 = tpu.vector_load %arg9[%swap3A_1128] {strides = array<i32>} : memref<15360xf32, #tpu.memory_space<vmem>>, vector<16xf32>,
        %swap3A_1130 = vector.shape_cast %swap3A_1129 : vector<16xf32> to vector<16xf32>
        %swap3A_1131 = vector.shape_cast %add3A_1127 : vector<16xf32> to vector<16xf32>
        tpu.vector_store %arg9[%swap3A_1128], %swap3A_1131 {strides = array<i32>} : memref<15360xf32, #tpu.memory_space<vmem>>, vector<16xf32>,
        %add3A_1132 = arith.constant 224 : i32
        %add3A_1133 = arith.addi %add3A_992, %add3A_1132 : i32
        %get3A_1134 = arith.index_cast %add3A_1133 : i32 to index
        %get3A_1135 = tpu.vector_load %arg7[%get3A_1134] {strides = array<i32>} : memref<15360xf32, #tpu.memory_space<vmem>>, vector<16xf32>,
        %get3A_1136 = vector.shape_cast %get3A_1135 : vector<16xf32> to vector<16xf32>
        %add3A_1137 = arith.addf %get3A_1136, %get3A_783 : vector<16xf32>
        %swap3A_1138 = arith.index_cast %add3A_1133 : i32 to index
        %swap3A_1139 = tpu.vector_load %arg9[%swap3A_1138] {strides = array<i32>} : memref<15360xf32, #tpu.memory_space<vmem>>, vector<16xf32>,
        %swap3A_1140 = vector.shape_cast %swap3A_1139 : vector<16xf32> to vector<16xf32>
        %swap3A_1141 = vector.shape_cast %add3A_1137 : vector<16xf32> to vector<16xf32>
        tpu.vector_store %arg9[%swap3A_1138], %swap3A_1141 {strides = array<i32>} : memref<15360xf32, #tpu.memory_space<vmem>>, vector<16xf32>,
        %add3A_1142 = arith.constant 240 : i32
        %add3A_1143 = arith.addi %add3A_992, %add3A_1142 : i32
        %get3A_1144 = arith.index_cast %add3A_1143 : i32 to index
        %get3A_1145 = tpu.vector_load %arg7[%get3A_1144] {strides = array<i32>} : memref<15360xf32, #tpu.memory_space<vmem>>, vector<16xf32>,
        %get3A_1146 = vector.shape_cast %get3A_1145 : vector<16xf32> to vector<16xf32>
        %add3A_1147 = arith.addf %get3A_1146, %get3A_788 : vector<16xf32>
        %swap3A_1148 = arith.index_cast %add3A_1143 : i32 to index
        %swap3A_1149 = tpu.vector_load %arg9[%swap3A_1148] {strides = array<i32>} : memref<15360xf32, #tpu.memory_space<vmem>>, vector<16xf32>,
        %swap3A_1150 = vector.shape_cast %swap3A_1149 : vector<16xf32> to vector<16xf32>
        %swap3A_1151 = vector.shape_cast %add3A_1147 : vector<16xf32> to vector<16xf32>
        tpu.vector_store %arg9[%swap3A_1148], %swap3A_1151 {strides = array<i32>} : memref<15360xf32, #tpu.memory_space<vmem>>, vector<16xf32>,
      }
      %scan3A_793 = arith.constant 12 : i32
      %add3A_794 = arith.constant 3 : i32
      %add3A_795 = arith.addi %mul3A_526, %add3A_794 : i32
      %mul3A_796 = arith.constant 256 : i32
      %mul3A_797 = arith.muli %add3A_795, %mul3A_796 : i32
      %add3A_798 = arith.constant 0 : i32
      %add3A_799 = arith.addi %mul3A_797, %add3A_798 : i32
      %get3A_800 = arith.index_cast %add3A_799 : i32 to index
      %get3A_801 = tpu.vector_load %arg5[%get3A_800] {strides = array<i32>} : memref<12800xf32, #tpu.memory_space<vmem>>, vector<16xf32>,
      %get3A_802 = vector.shape_cast %get3A_801 : vector<16xf32> to vector<16xf32>
      %add3A_803 = arith.constant 16 : i32
      %add3A_804 = arith.addi %mul3A_797, %add3A_803 : i32
      %get3A_805 = arith.index_cast %add3A_804 : i32 to index
      %get3A_806 = tpu.vector_load %arg5[%get3A_805] {strides = array<i32>} : memref<12800xf32, #tpu.memory_space<vmem>>, vector<16xf32>,
      %get3A_807 = vector.shape_cast %get3A_806 : vector<16xf32> to vector<16xf32>
      %add3A_808 = arith.constant 32 : i32
      %add3A_809 = arith.addi %mul3A_797, %add3A_808 : i32
      %get3A_810 = arith.index_cast %add3A_809 : i32 to index
      %get3A_811 = tpu.vector_load %arg5[%get3A_810] {strides = array<i32>} : memref<12800xf32, #tpu.memory_space<vmem>>, vector<16xf32>,
      %get3A_812 = vector.shape_cast %get3A_811 : vector<16xf32> to vector<16xf32>
      %add3A_813 = arith.constant 48 : i32
      %add3A_814 = arith.addi %mul3A_797, %add3A_813 : i32
      %get3A_815 = arith.index_cast %add3A_814 : i32 to index
      %get3A_816 = tpu.vector_load %arg5[%get3A_815] {strides = array<i32>} : memref<12800xf32, #tpu.memory_space<vmem>>, vector<16xf32>,
      %get3A_817 = vector.shape_cast %get3A_816 : vector<16xf32> to vector<16xf32>
      %add3A_818 = arith.constant 64 : i32
      %add3A_819 = arith.addi %mul3A_797, %add3A_818 : i32
      %get3A_820 = arith.index_cast %add3A_819 : i32 to index
      %get3A_821 = tpu.vector_load %arg5[%get3A_820] {strides = array<i32>} : memref<12800xf32, #tpu.memory_space<vmem>>, vector<16xf32>,
      %get3A_822 = vector.shape_cast %get3A_821 : vector<16xf32> to vector<16xf32>
      %add3A_823 = arith.constant 80 : i32
      %add3A_824 = arith.addi %mul3A_797, %add3A_823 : i32
      %get3A_825 = arith.index_cast %add3A_824 : i32 to index
      %get3A_826 = tpu.vector_load %arg5[%get3A_825] {strides = array<i32>} : memref<12800xf32, #tpu.memory_space<vmem>>, vector<16xf32>,
      %get3A_827 = vector.shape_cast %get3A_826 : vector<16xf32> to vector<16xf32>
      %add3A_828 = arith.constant 96 : i32
      %add3A_829 = arith.addi %mul3A_797, %add3A_828 : i32
      %get3A_830 = arith.index_cast %add3A_829 : i32 to index
      %get3A_831 = tpu.vector_load %arg5[%get3A_830] {strides = array<i32>} : memref<12800xf32, #tpu.memory_space<vmem>>, vector<16xf32>,
      %get3A_832 = vector.shape_cast %get3A_831 : vector<16xf32> to vector<16xf32>
      %add3A_833 = arith.constant 112 : i32
      %add3A_834 = arith.addi %mul3A_797, %add3A_833 : i32
      %get3A_835 = arith.index_cast %add3A_834 : i32 to index
      %get3A_836 = tpu.vector_load %arg5[%get3A_835] {strides = array<i32>} : memref<12800xf32, #tpu.memory_space<vmem>>, vector<16xf32>,
      %get3A_837 = vector.shape_cast %get3A_836 : vector<16xf32> to vector<16xf32>
      %add3A_838 = arith.constant 128 : i32
      %add3A_839 = arith.addi %mul3A_797, %add3A_838 : i32
      %get3A_840 = arith.index_cast %add3A_839 : i32 to index
      %get3A_841 = tpu.vector_load %arg5[%get3A_840] {strides = array<i32>} : memref<12800xf32, #tpu.memory_space<vmem>>, vector<16xf32>,
      %get3A_842 = vector.shape_cast %get3A_841 : vector<16xf32> to vector<16xf32>
      %add3A_843 = arith.constant 144 : i32
      %add3A_844 = arith.addi %mul3A_797, %add3A_843 : i32
      %get3A_845 = arith.index_cast %add3A_844 : i32 to index
      %get3A_846 = tpu.vector_load %arg5[%get3A_845] {strides = array<i32>} : memref<12800xf32, #tpu.memory_space<vmem>>, vector<16xf32>,
      %get3A_847 = vector.shape_cast %get3A_846 : vector<16xf32> to vector<16xf32>
      %add3A_848 = arith.constant 160 : i32
      %add3A_849 = arith.addi %mul3A_797, %add3A_848 : i32
      %get3A_850 = arith.index_cast %add3A_849 : i32 to index
      %get3A_851 = tpu.vector_load %arg5[%get3A_850] {strides = array<i32>} : memref<12800xf32, #tpu.memory_space<vmem>>, vector<16xf32>,
      %get3A_852 = vector.shape_cast %get3A_851 : vector<16xf32> to vector<16xf32>
      %add3A_853 = arith.constant 176 : i32
      %add3A_854 = arith.addi %mul3A_797, %add3A_853 : i32
      %get3A_855 = arith.index_cast %add3A_854 : i32 to index
      %get3A_856 = tpu.vector_load %arg5[%get3A_855] {strides = array<i32>} : memref<12800xf32, #tpu.memory_space<vmem>>, vector<16xf32>,
      %get3A_857 = vector.shape_cast %get3A_856 : vector<16xf32> to vector<16xf32>
      %add3A_858 = arith.constant 192 : i32
      %add3A_859 = arith.addi %mul3A_797, %add3A_858 : i32
      %get3A_860 = arith.index_cast %add3A_859 : i32 to index
      %get3A_861 = tpu.vector_load %arg5[%get3A_860] {strides = array<i32>} : memref<12800xf32, #tpu.memory_space<vmem>>, vector<16xf32>,
      %get3A_862 = vector.shape_cast %get3A_861 : vector<16xf32> to vector<16xf32>
      %add3A_863 = arith.constant 208 : i32
      %add3A_864 = arith.addi %mul3A_797, %add3A_863 : i32
      %get3A_865 = arith.index_cast %add3A_864 : i32 to index
      %get3A_866 = tpu.vector_load %arg5[%get3A_865] {strides = array<i32>} : memref<12800xf32, #tpu.memory_space<vmem>>, vector<16xf32>,
      %get3A_867 = vector.shape_cast %get3A_866 : vector<16xf32> to vector<16xf32>
      %add3A_868 = arith.constant 224 : i32
      %add3A_869 = arith.addi %mul3A_797, %add3A_868 : i32
      %get3A_870 = arith.index_cast %add3A_869 : i32 to index
      %get3A_871 = tpu.vector_load %arg5[%get3A_870] {strides = array<i32>} : memref<12800xf32, #tpu.memory_space<vmem>>, vector<16xf32>,
      %get3A_872 = vector.shape_cast %get3A_871 : vector<16xf32> to vector<16xf32>
      %add3A_873 = arith.constant 240 : i32
      %add3A_874 = arith.addi %mul3A_797, %add3A_873 : i32
      %get3A_875 = arith.index_cast %add3A_874 : i32 to index
      %get3A_876 = tpu.vector_load %arg5[%get3A_875] {strides = array<i32>} : memref<12800xf32, #tpu.memory_space<vmem>>, vector<16xf32>,
      %get3A_877 = vector.shape_cast %get3A_876 : vector<16xf32> to vector<16xf32>
      %scan3A_878 = arith.constant 0 : i32
      %scan3A_879 = arith.constant 12 : i32
      %scan3A_880 = arith.addi %scan3A_878, %scan3A_879 : i32
      %scan3A_881 = arith.constant 1 : i32
      scf.for %scan3A_984 = %scan3A_878 to %scan3A_880 step %scan3A_881  : i32 {
        %mul3A_985 = arith.constant 1 : i32
        %mul3A_986 = arith.muli %scan3A_984, %mul3A_985 : i32
        %add3A_987 = arith.constant 0 : i32
        %add3A_988 = arith.addi %add3A_987, %mul3A_986 : i32
        %mul3A_989 = arith.constant 256 : i32
        %mul3A_990 = arith.muli %add3A_988, %mul3A_989 : i32
        %add3A_991 = arith.constant 9216 : i32
        %add3A_992 = arith.addi %add3A_991, %mul3A_990 : i32
        %add3A_993 = arith.constant 0 : i32
        %add3A_994 = arith.addi %add3A_992, %add3A_993 : i32
        %get3A_995 = arith.index_cast %add3A_994 : i32 to index
        %get3A_996 = tpu.vector_load %arg7[%get3A_995] {strides = array<i32>} : memref<15360xf32, #tpu.memory_space<vmem>>, vector<16xf32>,
        %get3A_997 = vector.shape_cast %get3A_996 : vector<16xf32> to vector<16xf32>
        %add3A_998 = arith.addf %get3A_997, %get3A_802 : vector<16xf32>
        %swap3A = arith.index_cast %add3A_994 : i32 to index
        %swap3A_999 = tpu.vector_load %arg9[%swap3A] {strides = array<i32>} : memref<15360xf32, #tpu.memory_space<vmem>>, vector<16xf32>,
        %swap3A_1000 = vector.shape_cast %swap3A_999 : vector<16xf32> to vector<16xf32>
        %swap3A_1001 = vector.shape_cast %add3A_998 : vector<16xf32> to vector<16xf32>
        tpu.vector_store %arg9[%swap3A], %swap3A_1001 {strides = array<i32>} : memref<15360xf32, #tpu.memory_space<vmem>>, vector<16xf32>,
        %add3A_1002 = arith.constant 16 : i32
        %add3A_1003 = arith.addi %add3A_992, %add3A_1002 : i32
        %get3A_1004 = arith.index_cast %add3A_1003 : i32 to index
        %get3A_1005 = tpu.vector_load %arg7[%get3A_1004] {strides = array<i32>} : memref<15360xf32, #tpu.memory_space<vmem>>, vector<16xf32>,
        %get3A_1006 = vector.shape_cast %get3A_1005 : vector<16xf32> to vector<16xf32>
        %add3A_1007 = arith.addf %get3A_1006, %get3A_807 : vector<16xf32>
        %swap3A_1008 = arith.index_cast %add3A_1003 : i32 to index
        %swap3A_1009 = tpu.vector_load %arg9[%swap3A_1008] {strides = array<i32>} : memref<15360xf32, #tpu.memory_space<vmem>>, vector<16xf32>,
        %swap3A_1010 = vector.shape_cast %swap3A_1009 : vector<16xf32> to vector<16xf32>
        %swap3A_1011 = vector.shape_cast %add3A_1007 : vector<16xf32> to vector<16xf32>
        tpu.vector_store %arg9[%swap3A_1008], %swap3A_1011 {strides = array<i32>} : memref<15360xf32, #tpu.memory_space<vmem>>, vector<16xf32>,
        %add3A_1012 = arith.constant 32 : i32
        %add3A_1013 = arith.addi %add3A_992, %add3A_1012 : i32
        %get3A_1014 = arith.index_cast %add3A_1013 : i32 to index
        %get3A_1015 = tpu.vector_load %arg7[%get3A_1014] {strides = array<i32>} : memref<15360xf32, #tpu.memory_space<vmem>>, vector<16xf32>,
        %get3A_1016 = vector.shape_cast %get3A_1015 : vector<16xf32> to vector<16xf32>
        %add3A_1017 = arith.addf %get3A_1016, %get3A_812 : vector<16xf32>
        %swap3A_1018 = arith.index_cast %add3A_1013 : i32 to index
        %swap3A_1019 = tpu.vector_load %arg9[%swap3A_1018] {strides = array<i32>} : memref<15360xf32, #tpu.memory_space<vmem>>, vector<16xf32>,
        %swap3A_1020 = vector.shape_cast %swap3A_1019 : vector<16xf32> to vector<16xf32>
        %swap3A_1021 = vector.shape_cast %add3A_1017 : vector<16xf32> to vector<16xf32>
        tpu.vector_store %arg9[%swap3A_1018], %swap3A_1021 {strides = array<i32>} : memref<15360xf32, #tpu.memory_space<vmem>>, vector<16xf32>,
        %add3A_1022 = arith.constant 48 : i32
        %add3A_1023 = arith.addi %add3A_992, %add3A_1022 : i32
        %get3A_1024 = arith.index_cast %add3A_1023 : i32 to index
        %get3A_1025 = tpu.vector_load %arg7[%get3A_1024] {strides = array<i32>} : memref<15360xf32, #tpu.memory_space<vmem>>, vector<16xf32>,
        %get3A_1026 = vector.shape_cast %get3A_1025 : vector<16xf32> to vector<16xf32>
        %add3A_1027 = arith.addf %get3A_1026, %get3A_817 : vector<16xf32>
        %swap3A_1028 = arith.index_cast %add3A_1023 : i32 to index
        %swap3A_1029 = tpu.vector_load %arg9[%swap3A_1028] {strides = array<i32>} : memref<15360xf32, #tpu.memory_space<vmem>>, vector<16xf32>,
        %swap3A_1030 = vector.shape_cast %swap3A_1029 : vector<16xf32> to vector<16xf32>
        %swap3A_1031 = vector.shape_cast %add3A_1027 : vector<16xf32> to vector<16xf32>
        tpu.vector_store %arg9[%swap3A_1028], %swap3A_1031 {strides = array<i32>} : memref<15360xf32, #tpu.memory_space<vmem>>, vector<16xf32>,
        %add3A_1032 = arith.constant 64 : i32
        %add3A_1033 = arith.addi %add3A_992, %add3A_1032 : i32
        %get3A_1034 = arith.index_cast %add3A_1033 : i32 to index
        %get3A_1035 = tpu.vector_load %arg7[%get3A_1034] {strides = array<i32>} : memref<15360xf32, #tpu.memory_space<vmem>>, vector<16xf32>,
        %get3A_1036 = vector.shape_cast %get3A_1035 : vector<16xf32> to vector<16xf32>
        %add3A_1037 = arith.addf %get3A_1036, %get3A_822 : vector<16xf32>
        %swap3A_1038 = arith.index_cast %add3A_1033 : i32 to index
        %swap3A_1039 = tpu.vector_load %arg9[%swap3A_1038] {strides = array<i32>} : memref<15360xf32, #tpu.memory_space<vmem>>, vector<16xf32>,
        %swap3A_1040 = vector.shape_cast %swap3A_1039 : vector<16xf32> to vector<16xf32>
        %swap3A_1041 = vector.shape_cast %add3A_1037 : vector<16xf32> to vector<16xf32>
        tpu.vector_store %arg9[%swap3A_1038], %swap3A_1041 {strides = array<i32>} : memref<15360xf32, #tpu.memory_space<vmem>>, vector<16xf32>,
        %add3A_1042 = arith.constant 80 : i32
        %add3A_1043 = arith.addi %add3A_992, %add3A_1042 : i32
        %get3A_1044 = arith.index_cast %add3A_1043 : i32 to index
        %get3A_1045 = tpu.vector_load %arg7[%get3A_1044] {strides = array<i32>} : memref<15360xf32, #tpu.memory_space<vmem>>, vector<16xf32>,
        %get3A_1046 = vector.shape_cast %get3A_1045 : vector<16xf32> to vector<16xf32>
        %add3A_1047 = arith.addf %get3A_1046, %get3A_827 : vector<16xf32>
        %swap3A_1048 = arith.index_cast %add3A_1043 : i32 to index
        %swap3A_1049 = tpu.vector_load %arg9[%swap3A_1048] {strides = array<i32>} : memref<15360xf32, #tpu.memory_space<vmem>>, vector<16xf32>,
        %swap3A_1050 = vector.shape_cast %swap3A_1049 : vector<16xf32> to vector<16xf32>
        %swap3A_1051 = vector.shape_cast %add3A_1047 : vector<16xf32> to vector<16xf32>
        tpu.vector_store %arg9[%swap3A_1048], %swap3A_1051 {strides = array<i32>} : memref<15360xf32, #tpu.memory_space<vmem>>, vector<16xf32>,
        %add3A_1052 = arith.constant 96 : i32
        %add3A_1053 = arith.addi %add3A_992, %add3A_1052 : i32
        %get3A_1054 = arith.index_cast %add3A_1053 : i32 to index
        %get3A_1055 = tpu.vector_load %arg7[%get3A_1054] {strides = array<i32>} : memref<15360xf32, #tpu.memory_space<vmem>>, vector<16xf32>,
        %get3A_1056 = vector.shape_cast %get3A_1055 : vector<16xf32> to vector<16xf32>
        %add3A_1057 = arith.addf %get3A_1056, %get3A_832 : vector<16xf32>
        %swap3A_1058 = arith.index_cast %add3A_1053 : i32 to index
        %swap3A_1059 = tpu.vector_load %arg9[%swap3A_1058] {strides = array<i32>} : memref<15360xf32, #tpu.memory_space<vmem>>, vector<16xf32>,
        %swap3A_1060 = vector.shape_cast %swap3A_1059 : vector<16xf32> to vector<16xf32>
        %swap3A_1061 = vector.shape_cast %add3A_1057 : vector<16xf32> to vector<16xf32>
        tpu.vector_store %arg9[%swap3A_1058], %swap3A_1061 {strides = array<i32>} : memref<15360xf32, #tpu.memory_space<vmem>>, vector<16xf32>,
        %add3A_1062 = arith.constant 112 : i32
        %add3A_1063 = arith.addi %add3A_992, %add3A_1062 : i32
        %get3A_1064 = arith.index_cast %add3A_1063 : i32 to index
        %get3A_1065 = tpu.vector_load %arg7[%get3A_1064] {strides = array<i32>} : memref<15360xf32, #tpu.memory_space<vmem>>, vector<16xf32>,
        %get3A_1066 = vector.shape_cast %get3A_1065 : vector<16xf32> to vector<16xf32>
        %add3A_1067 = arith.addf %get3A_1066, %get3A_837 : vector<16xf32>
        %swap3A_1068 = arith.index_cast %add3A_1063 : i32 to index
        %swap3A_1069 = tpu.vector_load %arg9[%swap3A_1068] {strides = array<i32>} : memref<15360xf32, #tpu.memory_space<vmem>>, vector<16xf32>,
        %swap3A_1070 = vector.shape_cast %swap3A_1069 : vector<16xf32> to vector<16xf32>
        %swap3A_1071 = vector.shape_cast %add3A_1067 : vector<16xf32> to vector<16xf32>
        tpu.vector_store %arg9[%swap3A_1068], %swap3A_1071 {strides = array<i32>} : memref<15360xf32, #tpu.memory_space<vmem>>, vector<16xf32>,
        %add3A_1072 = arith.constant 128 : i32
        %add3A_1073 = arith.addi %add3A_992, %add3A_1072 : i32
        %get3A_1074 = arith.index_cast %add3A_1073 : i32 to index
        %get3A_1075 = tpu.vector_load %arg7[%get3A_1074] {strides = array<i32>} : memref<15360xf32, #tpu.memory_space<vmem>>, vector<16xf32>,
        %get3A_1076 = vector.shape_cast %get3A_1075 : vector<16xf32> to vector<16xf32>
        %add3A_1077 = arith.addf %get3A_1076, %get3A_842 : vector<16xf32>
        %swap3A_1078 = arith.index_cast %add3A_1073 : i32 to index
        %swap3A_1079 = tpu.vector_load %arg9[%swap3A_1078] {strides = array<i32>} : memref<15360xf32, #tpu.memory_space<vmem>>, vector<16xf32>,
        %swap3A_1080 = vector.shape_cast %swap3A_1079 : vector<16xf32> to vector<16xf32>
        %swap3A_1081 = vector.shape_cast %add3A_1077 : vector<16xf32> to vector<16xf32>
        tpu.vector_store %arg9[%swap3A_1078], %swap3A_1081 {strides = array<i32>} : memref<15360xf32, #tpu.memory_space<vmem>>, vector<16xf32>,
        %add3A_1082 = arith.constant 144 : i32
        %add3A_1083 = arith.addi %add3A_992, %add3A_1082 : i32
        %get3A_1084 = arith.index_cast %add3A_1083 : i32 to index
        %get3A_1085 = tpu.vector_load %arg7[%get3A_1084] {strides = array<i32>} : memref<15360xf32, #tpu.memory_space<vmem>>, vector<16xf32>,
        %get3A_1086 = vector.shape_cast %get3A_1085 : vector<16xf32> to vector<16xf32>
        %add3A_1087 = arith.addf %get3A_1086, %get3A_847 : vector<16xf32>
        %swap3A_1088 = arith.index_cast %add3A_1083 : i32 to index
        %swap3A_1089 = tpu.vector_load %arg9[%swap3A_1088] {strides = array<i32>} : memref<15360xf32, #tpu.memory_space<vmem>>, vector<16xf32>,
        %swap3A_1090 = vector.shape_cast %swap3A_1089 : vector<16xf32> to vector<16xf32>
        %swap3A_1091 = vector.shape_cast %add3A_1087 : vector<16xf32> to vector<16xf32>
        tpu.vector_store %arg9[%swap3A_1088], %swap3A_1091 {strides = array<i32>} : memref<15360xf32, #tpu.memory_space<vmem>>, vector<16xf32>,
        %add3A_1092 = arith.constant 160 : i32
        %add3A_1093 = arith.addi %add3A_992, %add3A_1092 : i32
        %get3A_1094 = arith.index_cast %add3A_1093 : i32 to index
        %get3A_1095 = tpu.vector_load %arg7[%get3A_1094] {strides = array<i32>} : memref<15360xf32, #tpu.memory_space<vmem>>, vector<16xf32>,
        %get3A_1096 = vector.shape_cast %get3A_1095 : vector<16xf32> to vector<16xf32>
        %add3A_1097 = arith.addf %get3A_1096, %get3A_852 : vector<16xf32>
        %swap3A_1098 = arith.index_cast %add3A_1093 : i32 to index
        %swap3A_1099 = tpu.vector_load %arg9[%swap3A_1098] {strides = array<i32>} : memref<15360xf32, #tpu.memory_space<vmem>>, vector<16xf32>,
        %swap3A_1100 = vector.shape_cast %swap3A_1099 : vector<16xf32> to vector<16xf32>
        %swap3A_1101 = vector.shape_cast %add3A_1097 : vector<16xf32> to vector<16xf32>
        tpu.vector_store %arg9[%swap3A_1098], %swap3A_1101 {strides = array<i32>} : memref<15360xf32, #tpu.memory_space<vmem>>, vector<16xf32>,
        %add3A_1102 = arith.constant 176 : i32
        %add3A_1103 = arith.addi %add3A_992, %add3A_1102 : i32
        %get3A_1104 = arith.index_cast %add3A_1103 : i32 to index
        %get3A_1105 = tpu.vector_load %arg7[%get3A_1104] {strides = array<i32>} : memref<15360xf32, #tpu.memory_space<vmem>>, vector<16xf32>,
        %get3A_1106 = vector.shape_cast %get3A_1105 : vector<16xf32> to vector<16xf32>
        %add3A_1107 = arith.addf %get3A_1106, %get3A_857 : vector<16xf32>
        %swap3A_1108 = arith.index_cast %add3A_1103 : i32 to index
        %swap3A_1109 = tpu.vector_load %arg9[%swap3A_1108] {strides = array<i32>} : memref<15360xf32, #tpu.memory_space<vmem>>, vector<16xf32>,
        %swap3A_1110 = vector.shape_cast %swap3A_1109 : vector<16xf32> to vector<16xf32>
        %swap3A_1111 = vector.shape_cast %add3A_1107 : vector<16xf32> to vector<16xf32>
        tpu.vector_store %arg9[%swap3A_1108], %swap3A_1111 {strides = array<i32>} : memref<15360xf32, #tpu.memory_space<vmem>>, vector<16xf32>,
        %add3A_1112 = arith.constant 192 : i32
        %add3A_1113 = arith.addi %add3A_992, %add3A_1112 : i32
        %get3A_1114 = arith.index_cast %add3A_1113 : i32 to index
        %get3A_1115 = tpu.vector_load %arg7[%get3A_1114] {strides = array<i32>} : memref<15360xf32, #tpu.memory_space<vmem>>, vector<16xf32>,
        %get3A_1116 = vector.shape_cast %get3A_1115 : vector<16xf32> to vector<16xf32>
        %add3A_1117 = arith.addf %get3A_1116, %get3A_862 : vector<16xf32>
        %swap3A_1118 = arith.index_cast %add3A_1113 : i32 to index
        %swap3A_1119 = tpu.vector_load %arg9[%swap3A_1118] {strides = array<i32>} : memref<15360xf32, #tpu.memory_space<vmem>>, vector<16xf32>,
        %swap3A_1120 = vector.shape_cast %swap3A_1119 : vector<16xf32> to vector<16xf32>
        %swap3A_1121 = vector.shape_cast %add3A_1117 : vector<16xf32> to vector<16xf32>
        tpu.vector_store %arg9[%swap3A_1118], %swap3A_1121 {strides = array<i32>} : memref<15360xf32, #tpu.memory_space<vmem>>, vector<16xf32>,
        %add3A_1122 = arith.constant 208 : i32
        %add3A_1123 = arith.addi %add3A_992, %add3A_1122 : i32
        %get3A_1124 = arith.index_cast %add3A_1123 : i32 to index
        %get3A_1125 = tpu.vector_load %arg7[%get3A_1124] {strides = array<i32>} : memref<15360xf32, #tpu.memory_space<vmem>>, vector<16xf32>,
        %get3A_1126 = vector.shape_cast %get3A_1125 : vector<16xf32> to vector<16xf32>
        %add3A_1127 = arith.addf %get3A_1126, %get3A_867 : vector<16xf32>
        %swap3A_1128 = arith.index_cast %add3A_1123 : i32 to index
        %swap3A_1129 = tpu.vector_load %arg9[%swap3A_1128] {strides = array<i32>} : memref<15360xf32, #tpu.memory_space<vmem>>, vector<16xf32>,
        %swap3A_1130 = vector.shape_cast %swap3A_1129 : vector<16xf32> to vector<16xf32>
        %swap3A_1131 = vector.shape_cast %add3A_1127 : vector<16xf32> to vector<16xf32>
        tpu.vector_store %arg9[%swap3A_1128], %swap3A_1131 {strides = array<i32>} : memref<15360xf32, #tpu.memory_space<vmem>>, vector<16xf32>,
        %add3A_1132 = arith.constant 224 : i32
        %add3A_1133 = arith.addi %add3A_992, %add3A_1132 : i32
        %get3A_1134 = arith.index_cast %add3A_1133 : i32 to index
        %get3A_1135 = tpu.vector_load %arg7[%get3A_1134] {strides = array<i32>} : memref<15360xf32, #tpu.memory_space<vmem>>, vector<16xf32>,
        %get3A_1136 = vector.shape_cast %get3A_1135 : vector<16xf32> to vector<16xf32>
        %add3A_1137 = arith.addf %get3A_1136, %get3A_872 : vector<16xf32>
        %swap3A_1138 = arith.index_cast %add3A_1133 : i32 to index
        %swap3A_1139 = tpu.vector_load %arg9[%swap3A_1138] {strides = array<i32>} : memref<15360xf32, #tpu.memory_space<vmem>>, vector<16xf32>,
        %swap3A_1140 = vector.shape_cast %swap3A_1139 : vector<16xf32> to vector<16xf32>
        %swap3A_1141 = vector.shape_cast %add3A_1137 : vector<16xf32> to vector<16xf32>
        tpu.vector_store %arg9[%swap3A_1138], %swap3A_1141 {strides = array<i32>} : memref<15360xf32, #tpu.memory_space<vmem>>, vector<16xf32>,
        %add3A_1142 = arith.constant 240 : i32
        %add3A_1143 = arith.addi %add3A_992, %add3A_1142 : i32
        %get3A_1144 = arith.index_cast %add3A_1143 : i32 to index
        %get3A_1145 = tpu.vector_load %arg7[%get3A_1144] {strides = array<i32>} : memref<15360xf32, #tpu.memory_space<vmem>>, vector<16xf32>,
        %get3A_1146 = vector.shape_cast %get3A_1145 : vector<16xf32> to vector<16xf32>
        %add3A_1147 = arith.addf %get3A_1146, %get3A_877 : vector<16xf32>
        %swap3A_1148 = arith.index_cast %add3A_1143 : i32 to index
        %swap3A_1149 = tpu.vector_load %arg9[%swap3A_1148] {strides = array<i32>} : memref<15360xf32, #tpu.memory_space<vmem>>, vector<16xf32>,
        %swap3A_1150 = vector.shape_cast %swap3A_1149 : vector<16xf32> to vector<16xf32>
        %swap3A_1151 = vector.shape_cast %add3A_1147 : vector<16xf32> to vector<16xf32>
        tpu.vector_store %arg9[%swap3A_1148], %swap3A_1151 {strides = array<i32>} : memref<15360xf32, #tpu.memory_space<vmem>>, vector<16xf32>,
      }
      %scan3A_882 = arith.constant 12 : i32
      %add3A_883 = arith.constant 4 : i32
      %add3A_884 = arith.addi %mul3A_526, %add3A_883 : i32
      %mul3A_885 = arith.constant 256 : i32
      %mul3A_886 = arith.muli %add3A_884, %mul3A_885 : i32
      %add3A_887 = arith.constant 0 : i32
      %add3A_888 = arith.addi %mul3A_886, %add3A_887 : i32
      %get3A_889 = arith.index_cast %add3A_888 : i32 to index
      %get3A_890 = tpu.vector_load %arg5[%get3A_889] {strides = array<i32>} : memref<12800xf32, #tpu.memory_space<vmem>>, vector<16xf32>,
      %get3A_891 = vector.shape_cast %get3A_890 : vector<16xf32> to vector<16xf32>
      %add3A_892 = arith.constant 16 : i32
      %add3A_893 = arith.addi %mul3A_886, %add3A_892 : i32
      %get3A_894 = arith.index_cast %add3A_893 : i32 to index
      %get3A_895 = tpu.vector_load %arg5[%get3A_894] {strides = array<i32>} : memref<12800xf32, #tpu.memory_space<vmem>>, vector<16xf32>,
      %get3A_896 = vector.shape_cast %get3A_895 : vector<16xf32> to vector<16xf32>
      %add3A_897 = arith.constant 32 : i32
      %add3A_898 = arith.addi %mul3A_886, %add3A_897 : i32
      %get3A_899 = arith.index_cast %add3A_898 : i32 to index
      %get3A_900 = tpu.vector_load %arg5[%get3A_899] {strides = array<i32>} : memref<12800xf32, #tpu.memory_space<vmem>>, vector<16xf32>,
      %get3A_901 = vector.shape_cast %get3A_900 : vector<16xf32> to vector<16xf32>
      %add3A_902 = arith.constant 48 : i32
      %add3A_903 = arith.addi %mul3A_886, %add3A_902 : i32
      %get3A_904 = arith.index_cast %add3A_903 : i32 to index
      %get3A_905 = tpu.vector_load %arg5[%get3A_904] {strides = array<i32>} : memref<12800xf32, #tpu.memory_space<vmem>>, vector<16xf32>,
      %get3A_906 = vector.shape_cast %get3A_905 : vector<16xf32> to vector<16xf32>
      %add3A_907 = arith.constant 64 : i32
      %add3A_908 = arith.addi %mul3A_886, %add3A_907 : i32
      %get3A_909 = arith.index_cast %add3A_908 : i32 to index
      %get3A_910 = tpu.vector_load %arg5[%get3A_909] {strides = array<i32>} : memref<12800xf32, #tpu.memory_space<vmem>>, vector<16xf32>,
      %get3A_911 = vector.shape_cast %get3A_910 : vector<16xf32> to vector<16xf32>
      %add3A_912 = arith.constant 80 : i32
      %add3A_913 = arith.addi %mul3A_886, %add3A_912 : i32
      %get3A_914 = arith.index_cast %add3A_913 : i32 to index
      %get3A_915 = tpu.vector_load %arg5[%get3A_914] {strides = array<i32>} : memref<12800xf32, #tpu.memory_space<vmem>>, vector<16xf32>,
      %get3A_916 = vector.shape_cast %get3A_915 : vector<16xf32> to vector<16xf32>
      %add3A_917 = arith.constant 96 : i32
      %add3A_918 = arith.addi %mul3A_886, %add3A_917 : i32
      %get3A_919 = arith.index_cast %add3A_918 : i32 to index
      %get3A_920 = tpu.vector_load %arg5[%get3A_919] {strides = array<i32>} : memref<12800xf32, #tpu.memory_space<vmem>>, vector<16xf32>,
      %get3A_921 = vector.shape_cast %get3A_920 : vector<16xf32> to vector<16xf32>
      %add3A_922 = arith.constant 112 : i32
      %add3A_923 = arith.addi %mul3A_886, %add3A_922 : i32
      %get3A_924 = arith.index_cast %add3A_923 : i32 to index
      %get3A_925 = tpu.vector_load %arg5[%get3A_924] {strides = array<i32>} : memref<12800xf32, #tpu.memory_space<vmem>>, vector<16xf32>,
      %get3A_926 = vector.shape_cast %get3A_925 : vector<16xf32> to vector<16xf32>
      %add3A_927 = arith.constant 128 : i32
      %add3A_928 = arith.addi %mul3A_886, %add3A_927 : i32
      %get3A_929 = arith.index_cast %add3A_928 : i32 to index
      %get3A_930 = tpu.vector_load %arg5[%get3A_929] {strides = array<i32>} : memref<12800xf32, #tpu.memory_space<vmem>>, vector<16xf32>,
      %get3A_931 = vector.shape_cast %get3A_930 : vector<16xf32> to vector<16xf32>
      %add3A_932 = arith.constant 144 : i32
      %add3A_933 = arith.addi %mul3A_886, %add3A_932 : i32
      %get3A_934 = arith.index_cast %add3A_933 : i32 to index
      %get3A_935 = tpu.vector_load %arg5[%get3A_934] {strides = array<i32>} : memref<12800xf32, #tpu.memory_space<vmem>>, vector<16xf32>,
      %get3A_936 = vector.shape_cast %get3A_935 : vector<16xf32> to vector<16xf32>
      %add3A_937 = arith.constant 160 : i32
      %add3A_938 = arith.addi %mul3A_886, %add3A_937 : i32
      %get3A_939 = arith.index_cast %add3A_938 : i32 to index
      %get3A_940 = tpu.vector_load %arg5[%get3A_939] {strides = array<i32>} : memref<12800xf32, #tpu.memory_space<vmem>>, vector<16xf32>,
      %get3A_941 = vector.shape_cast %get3A_940 : vector<16xf32> to vector<16xf32>
      %add3A_942 = arith.constant 176 : i32
      %add3A_943 = arith.addi %mul3A_886, %add3A_942 : i32
      %get3A_944 = arith.index_cast %add3A_943 : i32 to index
      %get3A_945 = tpu.vector_load %arg5[%get3A_944] {strides = array<i32>} : memref<12800xf32, #tpu.memory_space<vmem>>, vector<16xf32>,
      %get3A_946 = vector.shape_cast %get3A_945 : vector<16xf32> to vector<16xf32>
      %add3A_947 = arith.constant 192 : i32
      %add3A_948 = arith.addi %mul3A_886, %add3A_947 : i32
      %get3A_949 = arith.index_cast %add3A_948 : i32 to index
      %get3A_950 = tpu.vector_load %arg5[%get3A_949] {strides = array<i32>} : memref<12800xf32, #tpu.memory_space<vmem>>, vector<16xf32>,
      %get3A_951 = vector.shape_cast %get3A_950 : vector<16xf32> to vector<16xf32>
      %add3A_952 = arith.constant 208 : i32
      %add3A_953 = arith.addi %mul3A_886, %add3A_952 : i32
      %get3A_954 = arith.index_cast %add3A_953 : i32 to index
      %get3A_955 = tpu.vector_load %arg5[%get3A_954] {strides = array<i32>} : memref<12800xf32, #tpu.memory_space<vmem>>, vector<16xf32>,
      %get3A_956 = vector.shape_cast %get3A_955 : vector<16xf32> to vector<16xf32>
      %add3A_957 = arith.constant 224 : i32
      %add3A_958 = arith.addi %mul3A_886, %add3A_957 : i32
      %get3A_959 = arith.index_cast %add3A_958 : i32 to index
      %get3A_960 = tpu.vector_load %arg5[%get3A_959] {strides = array<i32>} : memref<12800xf32, #tpu.memory_space<vmem>>, vector<16xf32>,
      %get3A_961 = vector.shape_cast %get3A_960 : vector<16xf32> to vector<16xf32>
      %add3A_962 = arith.constant 240 : i32
      %add3A_963 = arith.addi %mul3A_886, %add3A_962 : i32
      %get3A_964 = arith.index_cast %add3A_963 : i32 to index
      %get3A_965 = tpu.vector_load %arg5[%get3A_964] {strides = array<i32>} : memref<12800xf32, #tpu.memory_space<vmem>>, vector<16xf32>,
      %get3A_966 = vector.shape_cast %get3A_965 : vector<16xf32> to vector<16xf32>
      %scan3A_967 = arith.constant 0 : i32
      %scan3A_968 = arith.constant 12 : i32
      %scan3A_969 = arith.addi %scan3A_967, %scan3A_968 : i32
      %scan3A_970 = arith.constant 1 : i32
      scf.for %scan3A_984 = %scan3A_967 to %scan3A_969 step %scan3A_970  : i32 {
        %mul3A_985 = arith.constant 1 : i32
        %mul3A_986 = arith.muli %scan3A_984, %mul3A_985 : i32
        %add3A_987 = arith.constant 0 : i32
        %add3A_988 = arith.addi %add3A_987, %mul3A_986 : i32
        %mul3A_989 = arith.constant 256 : i32
        %mul3A_990 = arith.muli %add3A_988, %mul3A_989 : i32
        %add3A_991 = arith.constant 12288 : i32
        %add3A_992 = arith.addi %add3A_991, %mul3A_990 : i32
        %add3A_993 = arith.constant 0 : i32
        %add3A_994 = arith.addi %add3A_992, %add3A_993 : i32
        %get3A_995 = arith.index_cast %add3A_994 : i32 to index
        %get3A_996 = tpu.vector_load %arg7[%get3A_995] {strides = array<i32>} : memref<15360xf32, #tpu.memory_space<vmem>>, vector<16xf32>,
        %get3A_997 = vector.shape_cast %get3A_996 : vector<16xf32> to vector<16xf32>
        %add3A_998 = arith.addf %get3A_997, %get3A_891 : vector<16xf32>
        %swap3A = arith.index_cast %add3A_994 : i32 to index
        %swap3A_999 = tpu.vector_load %arg9[%swap3A] {strides = array<i32>} : memref<15360xf32, #tpu.memory_space<vmem>>, vector<16xf32>,
        %swap3A_1000 = vector.shape_cast %swap3A_999 : vector<16xf32> to vector<16xf32>
        %swap3A_1001 = vector.shape_cast %add3A_998 : vector<16xf32> to vector<16xf32>
        tpu.vector_store %arg9[%swap3A], %swap3A_1001 {strides = array<i32>} : memref<15360xf32, #tpu.memory_space<vmem>>, vector<16xf32>,
        %add3A_1002 = arith.constant 16 : i32
        %add3A_1003 = arith.addi %add3A_992, %add3A_1002 : i32
        %get3A_1004 = arith.index_cast %add3A_1003 : i32 to index
        %get3A_1005 = tpu.vector_load %arg7[%get3A_1004] {strides = array<i32>} : memref<15360xf32, #tpu.memory_space<vmem>>, vector<16xf32>,
        %get3A_1006 = vector.shape_cast %get3A_1005 : vector<16xf32> to vector<16xf32>
        %add3A_1007 = arith.addf %get3A_1006, %get3A_896 : vector<16xf32>
        %swap3A_1008 = arith.index_cast %add3A_1003 : i32 to index
        %swap3A_1009 = tpu.vector_load %arg9[%swap3A_1008] {strides = array<i32>} : memref<15360xf32, #tpu.memory_space<vmem>>, vector<16xf32>,
        %swap3A_1010 = vector.shape_cast %swap3A_1009 : vector<16xf32> to vector<16xf32>
        %swap3A_1011 = vector.shape_cast %add3A_1007 : vector<16xf32> to vector<16xf32>
        tpu.vector_store %arg9[%swap3A_1008], %swap3A_1011 {strides = array<i32>} : memref<15360xf32, #tpu.memory_space<vmem>>, vector<16xf32>,
        %add3A_1012 = arith.constant 32 : i32
        %add3A_1013 = arith.addi %add3A_992, %add3A_1012 : i32
        %get3A_1014 = arith.index_cast %add3A_1013 : i32 to index
        %get3A_1015 = tpu.vector_load %arg7[%get3A_1014] {strides = array<i32>} : memref<15360xf32, #tpu.memory_space<vmem>>, vector<16xf32>,
        %get3A_1016 = vector.shape_cast %get3A_1015 : vector<16xf32> to vector<16xf32>
        %add3A_1017 = arith.addf %get3A_1016, %get3A_901 : vector<16xf32>
        %swap3A_1018 = arith.index_cast %add3A_1013 : i32 to index
        %swap3A_1019 = tpu.vector_load %arg9[%swap3A_1018] {strides = array<i32>} : memref<15360xf32, #tpu.memory_space<vmem>>, vector<16xf32>,
        %swap3A_1020 = vector.shape_cast %swap3A_1019 : vector<16xf32> to vector<16xf32>
        %swap3A_1021 = vector.shape_cast %add3A_1017 : vector<16xf32> to vector<16xf32>
        tpu.vector_store %arg9[%swap3A_1018], %swap3A_1021 {strides = array<i32>} : memref<15360xf32, #tpu.memory_space<vmem>>, vector<16xf32>,
        %add3A_1022 = arith.constant 48 : i32
        %add3A_1023 = arith.addi %add3A_992, %add3A_1022 : i32
        %get3A_1024 = arith.index_cast %add3A_1023 : i32 to index
        %get3A_1025 = tpu.vector_load %arg7[%get3A_1024] {strides = array<i32>} : memref<15360xf32, #tpu.memory_space<vmem>>, vector<16xf32>,
        %get3A_1026 = vector.shape_cast %get3A_1025 : vector<16xf32> to vector<16xf32>
        %add3A_1027 = arith.addf %get3A_1026, %get3A_906 : vector<16xf32>
        %swap3A_1028 = arith.index_cast %add3A_1023 : i32 to index
        %swap3A_1029 = tpu.vector_load %arg9[%swap3A_1028] {strides = array<i32>} : memref<15360xf32, #tpu.memory_space<vmem>>, vector<16xf32>,
        %swap3A_1030 = vector.shape_cast %swap3A_1029 : vector<16xf32> to vector<16xf32>
        %swap3A_1031 = vector.shape_cast %add3A_1027 : vector<16xf32> to vector<16xf32>
        tpu.vector_store %arg9[%swap3A_1028], %swap3A_1031 {strides = array<i32>} : memref<15360xf32, #tpu.memory_space<vmem>>, vector<16xf32>,
        %add3A_1032 = arith.constant 64 : i32
        %add3A_1033 = arith.addi %add3A_992, %add3A_1032 : i32
        %get3A_1034 = arith.index_cast %add3A_1033 : i32 to index
        %get3A_1035 = tpu.vector_load %arg7[%get3A_1034] {strides = array<i32>} : memref<15360xf32, #tpu.memory_space<vmem>>, vector<16xf32>,
        %get3A_1036 = vector.shape_cast %get3A_1035 : vector<16xf32> to vector<16xf32>
        %add3A_1037 = arith.addf %get3A_1036, %get3A_911 : vector<16xf32>
        %swap3A_1038 = arith.index_cast %add3A_1033 : i32 to index
        %swap3A_1039 = tpu.vector_load %arg9[%swap3A_1038] {strides = array<i32>} : memref<15360xf32, #tpu.memory_space<vmem>>, vector<16xf32>,
        %swap3A_1040 = vector.shape_cast %swap3A_1039 : vector<16xf32> to vector<16xf32>
        %swap3A_1041 = vector.shape_cast %add3A_1037 : vector<16xf32> to vector<16xf32>
        tpu.vector_store %arg9[%swap3A_1038], %swap3A_1041 {strides = array<i32>} : memref<15360xf32, #tpu.memory_space<vmem>>, vector<16xf32>,
        %add3A_1042 = arith.constant 80 : i32
        %add3A_1043 = arith.addi %add3A_992, %add3A_1042 : i32
        %get3A_1044 = arith.index_cast %add3A_1043 : i32 to index
        %get3A_1045 = tpu.vector_load %arg7[%get3A_1044] {strides = array<i32>} : memref<15360xf32, #tpu.memory_space<vmem>>, vector<16xf32>,
        %get3A_1046 = vector.shape_cast %get3A_1045 : vector<16xf32> to vector<16xf32>
        %add3A_1047 = arith.addf %get3A_1046, %get3A_916 : vector<16xf32>
        %swap3A_1048 = arith.index_cast %add3A_1043 : i32 to index
        %swap3A_1049 = tpu.vector_load %arg9[%swap3A_1048] {strides = array<i32>} : memref<15360xf32, #tpu.memory_space<vmem>>, vector<16xf32>,
        %swap3A_1050 = vector.shape_cast %swap3A_1049 : vector<16xf32> to vector<16xf32>
        %swap3A_1051 = vector.shape_cast %add3A_1047 : vector<16xf32> to vector<16xf32>
        tpu.vector_store %arg9[%swap3A_1048], %swap3A_1051 {strides = array<i32>} : memref<15360xf32, #tpu.memory_space<vmem>>, vector<16xf32>,
        %add3A_1052 = arith.constant 96 : i32
        %add3A_1053 = arith.addi %add3A_992, %add3A_1052 : i32
        %get3A_1054 = arith.index_cast %add3A_1053 : i32 to index
        %get3A_1055 = tpu.vector_load %arg7[%get3A_1054] {strides = array<i32>} : memref<15360xf32, #tpu.memory_space<vmem>>, vector<16xf32>,
        %get3A_1056 = vector.shape_cast %get3A_1055 : vector<16xf32> to vector<16xf32>
        %add3A_1057 = arith.addf %get3A_1056, %get3A_921 : vector<16xf32>
        %swap3A_1058 = arith.index_cast %add3A_1053 : i32 to index
        %swap3A_1059 = tpu.vector_load %arg9[%swap3A_1058] {strides = array<i32>} : memref<15360xf32, #tpu.memory_space<vmem>>, vector<16xf32>,
        %swap3A_1060 = vector.shape_cast %swap3A_1059 : vector<16xf32> to vector<16xf32>
        %swap3A_1061 = vector.shape_cast %add3A_1057 : vector<16xf32> to vector<16xf32>
        tpu.vector_store %arg9[%swap3A_1058], %swap3A_1061 {strides = array<i32>} : memref<15360xf32, #tpu.memory_space<vmem>>, vector<16xf32>,
        %add3A_1062 = arith.constant 112 : i32
        %add3A_1063 = arith.addi %add3A_992, %add3A_1062 : i32
        %get3A_1064 = arith.index_cast %add3A_1063 : i32 to index
        %get3A_1065 = tpu.vector_load %arg7[%get3A_1064] {strides = array<i32>} : memref<15360xf32, #tpu.memory_space<vmem>>, vector<16xf32>,
        %get3A_1066 = vector.shape_cast %get3A_1065 : vector<16xf32> to vector<16xf32>
        %add3A_1067 = arith.addf %get3A_1066, %get3A_926 : vector<16xf32>
        %swap3A_1068 = arith.index_cast %add3A_1063 : i32 to index
        %swap3A_1069 = tpu.vector_load %arg9[%swap3A_1068] {strides = array<i32>} : memref<15360xf32, #tpu.memory_space<vmem>>, vector<16xf32>,
        %swap3A_1070 = vector.shape_cast %swap3A_1069 : vector<16xf32> to vector<16xf32>
        %swap3A_1071 = vector.shape_cast %add3A_1067 : vector<16xf32> to vector<16xf32>
        tpu.vector_store %arg9[%swap3A_1068], %swap3A_1071 {strides = array<i32>} : memref<15360xf32, #tpu.memory_space<vmem>>, vector<16xf32>,
        %add3A_1072 = arith.constant 128 : i32
        %add3A_1073 = arith.addi %add3A_992, %add3A_1072 : i32
        %get3A_1074 = arith.index_cast %add3A_1073 : i32 to index
        %get3A_1075 = tpu.vector_load %arg7[%get3A_1074] {strides = array<i32>} : memref<15360xf32, #tpu.memory_space<vmem>>, vector<16xf32>,
        %get3A_1076 = vector.shape_cast %get3A_1075 : vector<16xf32> to vector<16xf32>
        %add3A_1077 = arith.addf %get3A_1076, %get3A_931 : vector<16xf32>
        %swap3A_1078 = arith.index_cast %add3A_1073 : i32 to index
        %swap3A_1079 = tpu.vector_load %arg9[%swap3A_1078] {strides = array<i32>} : memref<15360xf32, #tpu.memory_space<vmem>>, vector<16xf32>,
        %swap3A_1080 = vector.shape_cast %swap3A_1079 : vector<16xf32> to vector<16xf32>
        %swap3A_1081 = vector.shape_cast %add3A_1077 : vector<16xf32> to vector<16xf32>
        tpu.vector_store %arg9[%swap3A_1078], %swap3A_1081 {strides = array<i32>} : memref<15360xf32, #tpu.memory_space<vmem>>, vector<16xf32>,
        %add3A_1082 = arith.constant 144 : i32
        %add3A_1083 = arith.addi %add3A_992, %add3A_1082 : i32
        %get3A_1084 = arith.index_cast %add3A_1083 : i32 to index
        %get3A_1085 = tpu.vector_load %arg7[%get3A_1084] {strides = array<i32>} : memref<15360xf32, #tpu.memory_space<vmem>>, vector<16xf32>,
        %get3A_1086 = vector.shape_cast %get3A_1085 : vector<16xf32> to vector<16xf32>
        %add3A_1087 = arith.addf %get3A_1086, %get3A_936 : vector<16xf32>
        %swap3A_1088 = arith.index_cast %add3A_1083 : i32 to index
        %swap3A_1089 = tpu.vector_load %arg9[%swap3A_1088] {strides = array<i32>} : memref<15360xf32, #tpu.memory_space<vmem>>, vector<16xf32>,
        %swap3A_1090 = vector.shape_cast %swap3A_1089 : vector<16xf32> to vector<16xf32>
        %swap3A_1091 = vector.shape_cast %add3A_1087 : vector<16xf32> to vector<16xf32>
        tpu.vector_store %arg9[%swap3A_1088], %swap3A_1091 {strides = array<i32>} : memref<15360xf32, #tpu.memory_space<vmem>>, vector<16xf32>,
        %add3A_1092 = arith.constant 160 : i32
        %add3A_1093 = arith.addi %add3A_992, %add3A_1092 : i32
        %get3A_1094 = arith.index_cast %add3A_1093 : i32 to index
        %get3A_1095 = tpu.vector_load %arg7[%get3A_1094] {strides = array<i32>} : memref<15360xf32, #tpu.memory_space<vmem>>, vector<16xf32>,
        %get3A_1096 = vector.shape_cast %get3A_1095 : vector<16xf32> to vector<16xf32>
        %add3A_1097 = arith.addf %get3A_1096, %get3A_941 : vector<16xf32>
        %swap3A_1098 = arith.index_cast %add3A_1093 : i32 to index
        %swap3A_1099 = tpu.vector_load %arg9[%swap3A_1098] {strides = array<i32>} : memref<15360xf32, #tpu.memory_space<vmem>>, vector<16xf32>,
        %swap3A_1100 = vector.shape_cast %swap3A_1099 : vector<16xf32> to vector<16xf32>
        %swap3A_1101 = vector.shape_cast %add3A_1097 : vector<16xf32> to vector<16xf32>
        tpu.vector_store %arg9[%swap3A_1098], %swap3A_1101 {strides = array<i32>} : memref<15360xf32, #tpu.memory_space<vmem>>, vector<16xf32>,
        %add3A_1102 = arith.constant 176 : i32
        %add3A_1103 = arith.addi %add3A_992, %add3A_1102 : i32
        %get3A_1104 = arith.index_cast %add3A_1103 : i32 to index
        %get3A_1105 = tpu.vector_load %arg7[%get3A_1104] {strides = array<i32>} : memref<15360xf32, #tpu.memory_space<vmem>>, vector<16xf32>,
        %get3A_1106 = vector.shape_cast %get3A_1105 : vector<16xf32> to vector<16xf32>
        %add3A_1107 = arith.addf %get3A_1106, %get3A_946 : vector<16xf32>
        %swap3A_1108 = arith.index_cast %add3A_1103 : i32 to index
        %swap3A_1109 = tpu.vector_load %arg9[%swap3A_1108] {strides = array<i32>} : memref<15360xf32, #tpu.memory_space<vmem>>, vector<16xf32>,
        %swap3A_1110 = vector.shape_cast %swap3A_1109 : vector<16xf32> to vector<16xf32>
        %swap3A_1111 = vector.shape_cast %add3A_1107 : vector<16xf32> to vector<16xf32>
        tpu.vector_store %arg9[%swap3A_1108], %swap3A_1111 {strides = array<i32>} : memref<15360xf32, #tpu.memory_space<vmem>>, vector<16xf32>,
        %add3A_1112 = arith.constant 192 : i32
        %add3A_1113 = arith.addi %add3A_992, %add3A_1112 : i32
        %get3A_1114 = arith.index_cast %add3A_1113 : i32 to index
        %get3A_1115 = tpu.vector_load %arg7[%get3A_1114] {strides = array<i32>} : memref<15360xf32, #tpu.memory_space<vmem>>, vector<16xf32>,
        %get3A_1116 = vector.shape_cast %get3A_1115 : vector<16xf32> to vector<16xf32>
        %add3A_1117 = arith.addf %get3A_1116, %get3A_951 : vector<16xf32>
        %swap3A_1118 = arith.index_cast %add3A_1113 : i32 to index
        %swap3A_1119 = tpu.vector_load %arg9[%swap3A_1118] {strides = array<i32>} : memref<15360xf32, #tpu.memory_space<vmem>>, vector<16xf32>,
        %swap3A_1120 = vector.shape_cast %swap3A_1119 : vector<16xf32> to vector<16xf32>
        %swap3A_1121 = vector.shape_cast %add3A_1117 : vector<16xf32> to vector<16xf32>
        tpu.vector_store %arg9[%swap3A_1118], %swap3A_1121 {strides = array<i32>} : memref<15360xf32, #tpu.memory_space<vmem>>, vector<16xf32>,
        %add3A_1122 = arith.constant 208 : i32
        %add3A_1123 = arith.addi %add3A_992, %add3A_1122 : i32
        %get3A_1124 = arith.index_cast %add3A_1123 : i32 to index
        %get3A_1125 = tpu.vector_load %arg7[%get3A_1124] {strides = array<i32>} : memref<15360xf32, #tpu.memory_space<vmem>>, vector<16xf32>,
        %get3A_1126 = vector.shape_cast %get3A_1125 : vector<16xf32> to vector<16xf32>
        %add3A_1127 = arith.addf %get3A_1126, %get3A_956 : vector<16xf32>
        %swap3A_1128 = arith.index_cast %add3A_1123 : i32 to index
        %swap3A_1129 = tpu.vector_load %arg9[%swap3A_1128] {strides = array<i32>} : memref<15360xf32, #tpu.memory_space<vmem>>, vector<16xf32>,
        %swap3A_1130 = vector.shape_cast %swap3A_1129 : vector<16xf32> to vector<16xf32>
        %swap3A_1131 = vector.shape_cast %add3A_1127 : vector<16xf32> to vector<16xf32>
        tpu.vector_store %arg9[%swap3A_1128], %swap3A_1131 {strides = array<i32>} : memref<15360xf32, #tpu.memory_space<vmem>>, vector<16xf32>,
        %add3A_1132 = arith.constant 224 : i32
        %add3A_1133 = arith.addi %add3A_992, %add3A_1132 : i32
        %get3A_1134 = arith.index_cast %add3A_1133 : i32 to index
        %get3A_1135 = tpu.vector_load %arg7[%get3A_1134] {strides = array<i32>} : memref<15360xf32, #tpu.memory_space<vmem>>, vector<16xf32>,
        %get3A_1136 = vector.shape_cast %get3A_1135 : vector<16xf32> to vector<16xf32>
        %add3A_1137 = arith.addf %get3A_1136, %get3A_961 : vector<16xf32>
        %swap3A_1138 = arith.index_cast %add3A_1133 : i32 to index
        %swap3A_1139 = tpu.vector_load %arg9[%swap3A_1138] {strides = array<i32>} : memref<15360xf32, #tpu.memory_space<vmem>>, vector<16xf32>,
        %swap3A_1140 = vector.shape_cast %swap3A_1139 : vector<16xf32> to vector<16xf32>
        %swap3A_1141 = vector.shape_cast %add3A_1137 : vector<16xf32> to vector<16xf32>
        tpu.vector_store %arg9[%swap3A_1138], %swap3A_1141 {strides = array<i32>} : memref<15360xf32, #tpu.memory_space<vmem>>, vector<16xf32>,
        %add3A_1142 = arith.constant 240 : i32
        %add3A_1143 = arith.addi %add3A_992, %add3A_1142 : i32
        %get3A_1144 = arith.index_cast %add3A_1143 : i32 to index
        %get3A_1145 = tpu.vector_load %arg7[%get3A_1144] {strides = array<i32>} : memref<15360xf32, #tpu.memory_space<vmem>>, vector<16xf32>,
        %get3A_1146 = vector.shape_cast %get3A_1145 : vector<16xf32> to vector<16xf32>
        %add3A_1147 = arith.addf %get3A_1146, %get3A_966 : vector<16xf32>
        %swap3A_1148 = arith.index_cast %add3A_1143 : i32 to index
        %swap3A_1149 = tpu.vector_load %arg9[%swap3A_1148] {strides = array<i32>} : memref<15360xf32, #tpu.memory_space<vmem>>, vector<16xf32>,
        %swap3A_1150 = vector.shape_cast %swap3A_1149 : vector<16xf32> to vector<16xf32>
        %swap3A_1151 = vector.shape_cast %add3A_1147 : vector<16xf32> to vector<16xf32>
        tpu.vector_store %arg9[%swap3A_1148], %swap3A_1151 {strides = array<i32>} : memref<15360xf32, #tpu.memory_space<vmem>>, vector<16xf32>,
      }
      %scan3A_971 = arith.constant 12 : i32
      %dma_start3A_972 = arith.constant 1 : i32
      %dma_start3A_973 = tpu.memref_slice %arg4[%add3A_512] : memref<19660800xf32, #tpu.memory_space<hbm>> -> memref<15360xf32, #tpu.memory_space<hbm>>
      %dma_start3A_974 = tpu.memref_slice %arg11[%dma_start3A_972] : memref<2x!tpu.dma_semaphore, #tpu.memory_space<semaphore_mem>> -> memref<1x!tpu.dma_semaphore, #tpu.memory_space<semaphore_mem>>
      %dma_start3A_975 = tpu.memref_squeeze %dma_start3A_974 : memref<1x!tpu.dma_semaphore, #tpu.memory_space<semaphore_mem>> -> memref<!tpu.dma_semaphore, #tpu.memory_space<semaphore_mem>>
      %dma_start3A_976 = tpu.memref_slice %arg4[%add3A_512] : memref<19660800xf32, #tpu.memory_space<hbm>> -> memref<15360xf32, #tpu.memory_space<hbm>>
      tpu.enqueue_dma source(%arg9 : memref<15360xf32, #tpu.memory_space<vmem>>) target(%dma_start3A_976 : memref<15360xf32, #tpu.memory_space<hbm>>) target_semaphore(%dma_start3A_975 : memref<!tpu.dma_semaphore, #tpu.memory_space<semaphore_mem>>)
      %add3A_977 = arith.constant 2 : i32
      %add3A_978 = arith.addi %add3A_509, %add3A_977 : i32
      %lt3A_979 = arith.constant 40 : i32
      %lt3A_980 = arith.cmpi slt, %add3A_978, %lt3A_979 : i32
      %convert_element_type3A_981 = arith.extui %lt3A_980 : i1 to i32
      %cond3A_982 = arith.constant 0 : i32
      %cond3A_983 = arith.cmpi ne, %convert_element_type3A_981, %cond3A_982 : i32
      scf.if %cond3A_983 {
        %mul3A_984 = arith.constant 15360 : i32
        %mul3A_985 = arith.muli %add3A_978, %mul3A_984 : i32
        %add3A_986 = arith.addi %mul3A_2, %mul3A_985 : i32
        %dma_start3A_987 = arith.constant 1 : i32
        %dma_start3A_988 = tpu.memref_slice %arg2[%add3A_986] : memref<19660800xf32, #tpu.memory_space<hbm>> -> memref<15360xf32, #tpu.memory_space<hbm>>
        %dma_start3A_989 = tpu.memref_slice %arg10[%dma_start3A_987] : memref<2x!tpu.dma_semaphore, #tpu.memory_space<semaphore_mem>> -> memref<1x!tpu.dma_semaphore, #tpu.memory_space<semaphore_mem>>
        %dma_start3A_990 = tpu.memref_squeeze %dma_start3A_989 : memref<1x!tpu.dma_semaphore, #tpu.memory_space<semaphore_mem>> -> memref<!tpu.dma_semaphore, #tpu.memory_space<semaphore_mem>>
        %dma_start3A_991 = tpu.memref_slice %arg2[%add3A_986] : memref<19660800xf32, #tpu.memory_space<hbm>> -> memref<15360xf32, #tpu.memory_space<hbm>>
        tpu.enqueue_dma source(%dma_start3A_991 : memref<15360xf32, #tpu.memory_space<hbm>>) target(%arg7 : memref<15360xf32, #tpu.memory_space<vmem>>) target_semaphore(%dma_start3A_990 : memref<!tpu.dma_semaphore, #tpu.memory_space<semaphore_mem>>)
      } else {
      }
    }
    %scan3A_19 = arith.constant 20 : i32
    %add3A_20 = arith.constant 583680 : i32
    %add3A_21 = arith.addi %mul3A_2, %add3A_20 : i32
    %dma_wait3A = arith.constant 0 : i32
    %dma_wait3A_22 = tpu.memref_slice %arg4[%add3A_21] : memref<19660800xf32, #tpu.memory_space<hbm>> -> memref<15360xf32, #tpu.memory_space<hbm>>
    %dma_wait3A_23 = tpu.memref_slice %arg11[%dma_wait3A] : memref<2x!tpu.dma_semaphore, #tpu.memory_space<semaphore_mem>> -> memref<1x!tpu.dma_semaphore, #tpu.memory_space<semaphore_mem>>
    %dma_wait3A_24 = tpu.memref_squeeze %dma_wait3A_23 : memref<1x!tpu.dma_semaphore, #tpu.memory_space<semaphore_mem>> -> memref<!tpu.dma_semaphore, #tpu.memory_space<semaphore_mem>>
    %dma_wait3A_25 = tpu.memref_slice %arg4[%add3A_21] : memref<19660800xf32, #tpu.memory_space<hbm>> -> memref<15360xf32, #tpu.memory_space<hbm>>
    tpu.wait_dma2 semaphore(%dma_wait3A_24 : memref<!tpu.dma_semaphore, #tpu.memory_space<semaphore_mem>>) src(%arg8 : memref<15360xf32, #tpu.memory_space<vmem>>) dst(%dma_wait3A_25 : memref<15360xf32, #tpu.memory_space<hbm>>)
    %add3A_26 = arith.constant 599040 : i32
    %add3A_27 = arith.addi %mul3A_2, %add3A_26 : i32
    %dma_wait3A_28 = arith.constant 1 : i32
    %dma_wait3A_29 = tpu.memref_slice %arg4[%add3A_27] : memref<19660800xf32, #tpu.memory_space<hbm>> -> memref<15360xf32, #tpu.memory_space<hbm>>
    %dma_wait3A_30 = tpu.memref_slice %arg11[%dma_wait3A_28] : memref<2x!tpu.dma_semaphore, #tpu.memory_space<semaphore_mem>> -> memref<1x!tpu.dma_semaphore, #tpu.memory_space<semaphore_mem>>
    %dma_wait3A_31 = tpu.memref_squeeze %dma_wait3A_30 : memref<1x!tpu.dma_semaphore, #tpu.memory_space<semaphore_mem>> -> memref<!tpu.dma_semaphore, #tpu.memory_space<semaphore_mem>>
    %dma_wait3A_32 = tpu.memref_slice %arg4[%add3A_27] : memref<19660800xf32, #tpu.memory_space<hbm>> -> memref<15360xf32, #tpu.memory_space<hbm>>
    tpu.wait_dma2 semaphore(%dma_wait3A_31 : memref<!tpu.dma_semaphore, #tpu.memory_space<semaphore_mem>>) src(%arg9 : memref<15360xf32, #tpu.memory_space<vmem>>) dst(%dma_wait3A_32 : memref<15360xf32, #tpu.memory_space<hbm>>)
    return
  }
}

module attributes {stable_mosaic.version = 14 : i64} {
  func.func @_emb_kernel(%arg0: memref<200x256xf32, #tpu.memory_space<vmem>>, %arg1: memref<50x256xf32, #tpu.memory_space<vmem>>) attributes {dimension_semantics = [], scalar_prefetch = 0 : i64, scratch_operands = 0 : i64, tpu.core_type = #tpu.core_type<tc>} {
    %get3A = arith.constant 0 : index
    %get3A_0 = arith.constant 0 : index
    %get3A_1 = vector.load %arg0[%get3A, %get3A_0] : memref<200x256xf32, #tpu.memory_space<vmem>>, vector<50x256xf32>
    %mul3A = arith.mulf %get3A_1, %get3A_1 : vector<50x256xf32>
    %reduce_sum3A = arith.constant dense<0.000000e+00> : vector<50xf32>
    %reduce_sum3A_2 = vector.multi_reduction <add>, %mul3A, %reduce_sum3A [1] : vector<50x256xf32> to vector<50xf32>
    %broadcast_in_dim3A = vector.shape_cast %reduce_sum3A_2 : vector<50xf32> to vector<50x1xf32>
    %sqrt3A = math.sqrt %broadcast_in_dim3A : vector<50x1xf32>
    %gt3A = arith.constant 1.000000e+00 : f32
    %gt3A_3 = vector.broadcast %gt3A : f32 to vector<50x1xf32>
    %gt3A_4 = arith.cmpf ogt, %sqrt3A, %gt3A_3 : vector<50x1xf32>
    %max3A = arith.constant 9.99999996E-13 : f32
    %max3A_5 = vector.broadcast %max3A : f32 to vector<50x1xf32>
    %max3A_6 = arith.maximumf %sqrt3A, %max3A_5 : vector<50x1xf32>
    %div3A = arith.constant 1.000000e+00 : f32
    %div3A_7 = vector.broadcast %div3A : f32 to vector<50x1xf32>
    %div3A_8 = arith.divf %div3A_7, %max3A_6 : vector<50x1xf32>
    %jit3A = arith.constant 1.000000e+00 : f32
    %broadcast_in_dim3A_9 = vector.broadcast %jit3A : f32 to vector<50x1xf32>
    %select_n3A = arith.select %gt3A_4, %div3A_8, %broadcast_in_dim3A_9 : vector<50x1xi1>, vector<50x1xf32>
    %mul3A_10 = vector.broadcast %select_n3A : vector<50x1xf32> to vector<50x256xf32>
    %mul3A_11 = arith.mulf %get3A_1, %mul3A_10 : vector<50x256xf32>
    %iota3A = tpu.iota {dimensions = array<i32: 0>} : vector<50x50xi32>
    %iota3A_12 = tpu.iota {dimensions = array<i32: 1>} : vector<50x50xi32>
    %sub3A = arith.constant 49 : i32
    %sub3A_13 = vector.broadcast %sub3A : i32 to vector<50x50xi32>
    %sub3A_14 = arith.subi %sub3A_13, %iota3A : vector<50x50xi32>
    %eq3A = arith.cmpi eq, %iota3A_12, %sub3A_14 : vector<50x50xi32>
    %convert_element_type3A = arith.extui %eq3A : vector<50x50xi1> to vector<50x50xi32>
    %convert_element_type3A_15 = arith.sitofp %convert_element_type3A : vector<50x50xi32> to vector<50x50xf32>
    %dot_general3A = arith.constant dense<0.000000e+00> : vector<50x256xf32>
    %dot_general3A_16 = tpu.matmul %convert_element_type3A_15, %mul3A_11, %dot_general3A {dimension_numbers = #tpu.dot_dimension_numbers<[1], [0], [0], [1], [0, 0, 1, 1], [], []>, transpose_lhs_hint = false} : vector<50x50xf32>, vector<50x256xf32>, vector<50x256xf32> -> vector<50x256xf32>
    %swap3A = arith.constant 0 : index
    %swap3A_17 = arith.constant 0 : index
    %swap3A_18 = vector.load %arg1[%swap3A, %swap3A_17] : memref<50x256xf32, #tpu.memory_space<vmem>>, vector<50x256xf32>
    tpu.vector_store %arg1[%swap3A, %swap3A_17], %dot_general3A_16 {strides = array<i32>} : memref<50x256xf32, #tpu.memory_space<vmem>>, vector<50x256xf32>,
    return
  }
}

</mosaic_0001>

<sc_bundles>
// kernel: kernel.4.cloned.1.call-start
scs
__scs_entry_jumppad:
0x0: {  	(pc) =	sbr.rel $0x88, $3  }
0x1: {  	(tag) =	ssettag $0x0;
	lr =	simm.s32 $0x1  }
0x2: {  	[smem:$0x3F9F] =	sst lr;
	_ =	strace $0xD0000000  }
0x3: {  	_ = 	snop  }
0x4: {  	_ = 	snop  }
0x5: {  	_ = 	snop  }
0x6: {  	_ = 	snop  }
0x7: {  	_ = 	snop  }
__scs_overlays_trampoline_lowered:
0x8: {  	[smem:$0x3FAE] =	sst s0  }
0x9: {  	[smem:$0x3FAF] =	sst s1  }
0xa: {  	[smem:$0x3FB0] =	sst s2  }
0xb: {  	[smem:$0x3FB1] =	sst s3  }
0xc: {  	[smem:$0x3FB2] =	sst s4  }
0xd: {  	[smem:$0x3FB3] =	sst s5  }
0xe: {  	[smem:$0x3FB4] =	sst s6  }
0xf: {  	[smem:$0x3FB5] =	sst s7  }
0x10: {  	[smem:$0x3FB6] =	sst s8  }
0x11: {  	[smem:$0x3FB7] =	sst s9;
	s0 =	simm.s32 @!p0 $0x0  }
0x12: {  	s1 =	sld [smem:$0x3F9D];
	s0 =	simm.s32 @p0 $0x1  }
0x13: {  	[smem:$0x3FB8] =	sst s0;
	s0 =	simm.s32 @!p1 $0x0  }
0x14: {  	s2 =	sld [smem:$0x3F9C];
	s0 =	simm.s32 @p1 $0x1  }
0x15: {  	[smem:$0x3FB9] =	sst s0;
	s0 =	simm.s32 @!p2 $0x0  }
0x16: {  	s3 =	sld [smem:$0x3FDB];
	s0 =	simm.s32 @p2 $0x1  }
0x17: {  	s4 =	simm.s32 $0x1BF5;
	[smem:$0x3FBB] =	sst s0  }
0x18: {  	s0 =	sld [smem:$0x3F9E];
	_ =	swait.ge [sflag:s4], $0x0  }
0x19: {  	s7 =	sld [smem:$0x3F9F]  }
0x1a: {  	s8 =	sadd.s32 $0xFFFFE003, lr  }
0x1b: {  	s9 =	sadd.s32 $0xFFFFFEF7, lr;
	s5 =	simm.s32 $0xFFFFFFFF;
	p2 =	slt.u32 s8, $0xFFFFF086  }
0x1c: {  	p1 =	slt.u32 s9, $0xF7A;
	s5 =	simm.s32 @!p2 $0x0  }
0x1d: {  	s5 =	simm.s32 @p1 $0x1;
	p0 =	seq.s32 s7, s2  }
0x1e: {  	s7 =	smul.u32 @!p0 $0xF7A, s2;
	p2 =	seq.s32 @!p0 s5, $0x0  }
0x1f: {  	s9 =	smul.u32 $0xF7A, s1;
	s8 =	simm.s32 @!p0 $0x1BF5;
	p2 =	por !p2, p0  }
0x20: {  	[sflag:s8] =	ssyncset.s32 @!p0 $0xFFFFF086;
	s6 =	sadd.s32 @!p0 s3, s7;
	s7 =	simm.s32 @!p0 $0x108  }
0x21: {  	s3 =	sadd.s32 s3, s9;
	s6 =	sadd.s32 @!p0 $0x88, s6;
	s7 =	simm.s32 @p2 $0x1082  }
0x22: {  	[simem:s7], [sflag:s8] =	dma.local @!p0 [hbm:s6], $0xF7A  }
0x23: {  	s9 =	sor.u32 $0xD0000000, s2;
	s6 =	simm.s32 $0x108;
	_ =	swait.ge @!p0 [sflag:s8], $0x0  }
0x24: {  	s3 =	sadd.s32 $0x88, s3;
	s6 =	simm.s32 @!p1 $0x1082;
	[sflag:s4] =	ssyncset.s32 $0xFFFFF086  }
0x25: {  	[simem:s6], [sflag:s4] =	dma.local [hbm:s3], $0xF7A  }
0x26: {  	[smem:$0x3F9F] =	sst s1;
	(tag) =	ssettag s2;
	_ =	strace s9  }
0x27: {  	s1 =	sld [smem:$0x3FAF]  }
0x28: {  	s2 =	sld [smem:$0x3FB0]  }
0x29: {  	s4 =	sld [smem:$0x3FB2]  }
0x2a: {  	p0 =	seq.s32 s5, $0x0;
	s5 =	sld [smem:$0x3FB3]  }
0x2b: {  	s6 =	sld [smem:$0x3FB4]  }
0x2c: {  	s7 =	sld [smem:$0x3FB5]  }
0x2d: {  	s3 =	simm.s32 $0x108;
	s8 =	sld [smem:$0x3FB6]  }
0x2e: {  	s3 =	simm.s32 @!p0 $0x1082;
	s9 =	sld [smem:$0x3FB7]  }
0x2f: {  	lr =	sadd.s32 s0, s3;
	s0 =	sld [smem:$0x3FAE]  }
0x30: {  	s3 =	sld [smem:$0x3FB1]  }
0x31: {  	[smem:$0x3FBA] =	sst s10  }
0x32: {  	s10 =	sld [smem:$0x3FB8];
	_ =	sdelay $0x3  }
0x33: {  	p0 =	seq.s32 s10, $0x1;
	s10 =	sld [smem:$0x3FBA];
	_ =	sdelay $0x3  }
0x34: {  	[smem:$0x3FBA] =	sst s10  }
0x35: {  	s10 =	sld [smem:$0x3FB9];
	_ =	sdelay $0x3  }
0x36: {  	p1 =	seq.s32 s10, $0x1;
	s10 =	sld [smem:$0x3FBA];
	_ =	sdelay $0x3  }
0x37: {  	[smem:$0x3FBA] =	sst s10  }
0x38: {  	s10 =	sld [smem:$0x3FBB]  }
0x39: {  	_ = 	snop;
	(pc) =	sbr.ind lr, $3  }
0x3a: {  	_ = 	snop  }
0x3b: {  	_ = 	snop  }
0x3c: {  	p2 =	seq.s32 s10, $0x1;
	s10 =	sld [smem:$0x3FBA]  }
0x3d: {  	_ =	shalt  }
0x3e: {  	_ =	shalt  }
0x3f: {  	_ =	shalt  }
0x40: {  	_ =	shalt  }
0x41: {  	_ =	shalt  }
0x42: {  	_ =	shalt  }
0x43: {  	_ =	shalt  }
0x44: {  	_ =	shalt  }
0x45: {  	_ =	shalt  }
0x46: {  	_ =	shalt  }
0x47: {  	_ =	shalt  }
0x48: {  	_ =	shalt  }
0x49: {  	_ =	shalt  }
0x4a: {  	_ =	shalt  }
0x4b: {  	_ =	shalt  }
0x4c: {  	_ =	shalt  }
0x4d: {  	_ =	shalt  }
0x4e: {  	_ =	shalt  }
0x4f: {  	_ =	shalt  }
0x50: {  	_ =	shalt  }
0x51: {  	_ =	shalt  }
0x52: {  	_ =	shalt  }
0x53: {  	_ =	shalt  }
0x54: {  	_ =	shalt  }
0x55: {  	_ =	shalt  }
0x56: {  	_ =	shalt  }
0x57: {  	_ =	shalt  }
0x58: {  	_ =	shalt  }
0x59: {  	_ =	shalt  }
0x5a: {  	_ =	shalt  }
0x5b: {  	_ =	shalt  }
0x5c: {  	_ =	shalt  }
0x5d: {  	_ =	shalt  }
0x5e: {  	_ =	shalt  }
0x5f: {  	_ =	shalt  }
0x60: {  	_ =	shalt  }
0x61: {  	_ =	shalt  }
0x62: {  	_ =	shalt  }
0x63: {  	_ =	shalt  }
0x64: {  	_ =	shalt  }
0x65: {  	_ =	shalt  }
0x66: {  	_ =	shalt  }
0x67: {  	_ =	shalt  }
0x68: {  	_ =	shalt  }
0x69: {  	_ =	shalt  }
0x6a: {  	_ =	shalt  }
0x6b: {  	_ =	shalt  }
0x6c: {  	_ =	shalt  }
0x6d: {  	_ =	shalt  }
0x6e: {  	_ =	shalt  }
0x6f: {  	_ =	shalt  }
0x70: {  	_ =	shalt  }
0x71: {  	_ =	shalt  }
0x72: {  	_ =	shalt  }
0x73: {  	_ =	shalt  }
0x74: {  	_ =	shalt  }
0x75: {  	_ =	shalt  }
0x76: {  	_ =	shalt  }
0x77: {  	_ =	shalt  }
0x78: {  	_ =	shalt  }
0x79: {  	_ =	shalt  }
0x7a: {  	_ =	shalt  }
0x7b: {  	_ =	shalt  }
0x7c: {  	_ =	shalt  }
0x7d: {  	_ =	shalt  }
0x7e: {  	_ =	shalt  }
0x7f: {  	_ =	shalt  }
0x80: {  	_ =	shalt  }
0x81: {  	_ =	shalt  }
0x82: {  	_ =	shalt  }
0x83: {  	_ =	shalt  }
0x84: {  	_ =	shalt  }
0x85: {  	_ =	shalt  }
0x86: {  	_ =	shalt  }
0x87: {  	_ =	shalt  }
.Lfunc_end0:
.L_simem_size_0:
called_computation.1_lowered:
.L_overlay_start_0:
0x88: {  	s2 =	sld [smem:$0x3FD9]  }
0x89: {  	s3 =	sld [smem:$0x3FFE];
	_ =	sdelay $0x1  }
0x8a: {  	s1 =	srdreg.scid  }
0x8b: {  	s0 =	sand.u32 $0x1, s1  }
0x8c: {  	s17 =	sshll.u32 s0, $0xA;
	s2 =	sadd.s32 s3, s2  }
0x8d: {  	s2 =	sadd.s32 s2, s17  }
0x8e: {  	[smem:$0x3FC6] =	sst s2  }
0x8f: {  	_ = 	snop  }
0x90: {  	s2 =	sld [smem:$0x3FD0];
	(tm) =	ssettm $0x1  }
0x91: {  	s18 =	sld [smem:$0x3FFB];
	_ =	sdelay $0x3  }
0x92: {  	_ =	strace s18  }
0x93: {  	s3 =	sld [smem:$0x3FFC];
	_ =	sdelay $0x3  }
0x94: {  	_ =	strace s3  }
0x95: {  	s3 =	sld [smem:$0x3FFD];
	_ =	sdelay $0x3  }
0x96: {  	_ =	strace s3  }
0x97: {  	_ =	strace $0x8FFFFFFF  }
0x98: {  	s19 =	sld [smem:$0x3FDB];
	_ =	sdelay $0x1  }
0x99: {  	s4 =	simm.s32 $_scs_section_size  }
0x9a: {  	s5 =	simm.s32 $_size__tile_overlayer_lowered;
	s6 =	simm.s32 $_tile_overlayer_lowered  }
0x9b: {  	s22 =	simm.s32 $0x1BFF;
	s21 =	sshll.u32 s6, $0x1;
	s3 =	sadd.s32 s4, s19  }
0x9c: {  	s7 =	simm.s32 $0x0;
	s20 =	sshll.u32 s5, $0x1;
	s5 =	sadd.s32 s21, s3  }
0x9d: {  	[timem:s7], [sflag:s22] =	dma.local [hbm:s5], s20  }
0x9e: {  	_ =	swait.ge [sflag:s22], s20  }
0x9f: {  	s4 =	ssub.s32 $0x0, s20;
	[sflag:s22] =	ssyncset.done $0x0  }
0xa0: {  	[sflag:s22] =	ssyncadd.s32 s4;
	_ =	sdelay $0x1  }
0xa1: {  	s23 =	simm.s32 $0x1B8B  }
0xa2: {  	_ =	swait.ge [sflag:s23], $0x1  }
0xa3: {  	[sflag:s23] =	ssyncset.done $0x0  }
0xa4: {  	s25 =	simm.s32 $0x1B8E;
	s24 =	sld [smem:$0x3FFE];
	[sflag:s23] =	ssyncadd.s32 $0xFFFFFFFF  }
0xa5: {  	s26 =	simm.s32 $execute0_lowered;
	[smem:$0x3FD2] =	sst s25  }
0xa6: {  	s5 =	sshll.u32 s26, $0x1;
	_ =	strace $0x80000046;
	[dreg:$0x1] =	wrdreg $0xFFFFFFFF  }
0xa7: {  	s28 =	simm.s32 $_size_execute0_lowered;
	s3 =	sadd.s32 s3, s5;
	[dreg:$0x0] =	wrdreg $0x0  }
0xa8: {  	s5 =	sshll.u32 s28, $0x1;
	[dreg:$0x2] =	wrdreg s3  }
0xa9: {  	[dreg:$0x3] =	wrdreg s5  }
0xaa: {  	[dreg:$0x4] =	wrdreg $0xC0  }
0xab: {  	_ =	task [dreg:s7], $0x5FFFF  }
0xac: {  	[dreg:$0x1] =	wrdreg $0xFFFFFFFF  }
0xad: {  	[dreg:$0x0] =	wrdreg $0x60  }
0xae: {  	[dreg:$0x2] =	wrdreg s2  }
0xaf: {  	[dreg:$0x3] =	wrdreg s24  }
0xb0: {  	[dreg:$0x4] =	wrdreg $0x9  }
0xb1: {  	_ =	task.clear_ibuf [dreg:s7], $0x5FFFF;
	_ =	strace $0x90000046  }
0xb2: {  	s29 =	simm.s32 $0x9;
	_ =	strace $0x80000048  }
0xb3: {  	_ =	swait.ge [sflag:s29], $0x1  }
0xb4: {  	[sflag:s29] =	ssyncadd.s32 $0xFFFFFFFF  }
0xb5: {  	_ =	strace $0x90000048  }
0xb6: {  	_ =	sfence  }
0xb7: {  	s30 =	sld [smem:$0x0];
	_ =	sdelay $0x2  }
0xb8: {  	s31 =	sshll.u32 s1, $0xD;
	s1 =	sshrl.u32 s1, $0x2  }
0xb9: {  	s3 =	sand.u32 $0x4000, s31;
	s1 =	sadd.s32 s1, s30  }
0xba: {  	s0 =	sor.u32 s3, s0;
	s1 =	sshll.u32 s1, $0x11  }
0xbb: {  	s0 =	sor.u32 s1, s0  }
0xbc: {  	s0 =	sadd.s32 $0x8F2B, s0  }
0xbd: {  	[sflag:s0] =	ssyncadd.remote.s32 $0x1  }
0xbe: {  	_ =	sfence.sel $0xFFFF  }
0xbf: {  	[dreg:$0x0] =	wrdreg $0xFFFFFFFF;
	(pc) =	sbr.abs _section_cstart, $3  }
0xc0: {  	[dreg:$0x1] =	wrdreg $0xFFFFFFFF  }
0xc1: {  	_ =	task.clear_ibuf [dreg:s7], $0x2FFFF;
	_ =	strace $0x9FFFFFFF  }
0xc2: {  	(tm) =	ssettm $0x7FFFFFFF  }
0xc3: {  	_ =	shalt  }
tec
execute0_lowered:
.L_overlay_start_1:
0x0: {  	(tag) =	ssettag $0x1  }
0x1: {  	s2 =	rddreg [dreg:$0x0];
	s1 =	srdreg.scid  }
0x2: {  	s0 =	stileid.u32;
	s6 =	rddreg [dreg:$0x1]  }
0x3: {  	s3 =	simm.s32 $0x0;
	s12 =	simm.s32 $0x5;
	s13 =	simm.s32 $0x3200  }
0x4: {  	s14 =	simm.s32 $0x6E00;
	s15 =	simm.s32 $0x1;
	s16 =	simm.s32 $0xAA00  }
0x5: {  	s17 =	simm.s32 $0x2;
	s7 =	sand.u32 $0x1, s1;
	s4 =	sshll.u32 s0, $0x1  }
0x6: {  	s18 =	simm.s32 $0xE600;
	s19 =	simm.s32 $0x3;
	s4 =	sor.u32 s7, s4  }
0x7: {  	s20 =	simm.s32 $0x4;
	s1 =	rddreg [dreg:$0x2];
	s4 =	smul.u32 $0x96000, s4  }
.Ltmp0:
0x8: {  	s21 =	simm.s32 $0x0;
	[smem:$0x7FF] =	sst s3;
	(pc) =	sbr.rel .LBB2_1-.Ltmp0, $4  }
0x9: {  	s5 =	sadd.s32 $0xA00, s6;
	s6 =	sadd.s32 $0x1200, s6;
	s8 =	ssub.s32 $0x2, s7  }
0xa: {  	_ =	strace $0x80000047;
	s9 =	sshrl.u32 s8, $0x1;
	s31 =	sshrl.u32 s4, $0x3  }
0xb: {  	s11 =	ssub.s32 s8, s9;
	s9 =	sadd.s32 $0x7800, s4;
	s7 =	sadd.s32 s2, s31  }
0xc: {  	s10 =	sadd.s32 $0xB400, s4;
	s11 =	smax.u32 s11, $0x1;
	s8 =	sadd.s32 $0x780, s7  }
.LBB2_24:
0xd: {  	s21 =	sadd.s32 $0x1, s21  }
0xe: {  	_ =	swait.ge [sflag:s19], $0x3C00;
	p0 =	sne.s32 s21, s11  }
.Ltmp1:
0xf: {  	[sflag:s19] =	ssyncset.done $0x0;
	(pc) =	sbr.rel @!p0 .LBB2_25-.Ltmp1, $4  }
0x10: {  	[sflag:s19] =	ssyncadd.s32 $0xFFFFC400  }
0x11: {  	_ =	swait.ge [sflag:s20], $0x3C00  }
0x12: {  	[sflag:s20] =	ssyncset.done $0x0  }
0x13: {  	[sflag:s20] =	ssyncadd.s32 $0xFFFFC400  }
.LBB2_1:
0x14: {  	[tilespmem:s3], [sflag:$0x5] =	stream.linear.gather [hbm4b:s5+s3], $0x3200, $0x38;
	[tilespmem:$0x12200] =	vst v63  }
0x15: {  	_ =	swait.ge [sflag:s12], $0x3200  }
0x16: {  	[sflag:s12] =	ssyncset.done $0x0  }
0x17: {  	[sflag:s12] =	ssyncadd.s32 $0xFFFFCE00  }
0x18: {  	[tilespmem:s13], [sflag:$0x1] =	stream.linear.gather [hbm4b:s7+s3], $0x3C00, $0x38;
	[tilespmem:$0x12200] =	vst v63  }
0x19: {  	s22 =	simm.s32 $0x0  }
0x1a: {  	[tilespmem:s14], [sflag:$0x2] =	stream.linear.gather [hbm4b:s8+s3], $0x3C00, $0x38;
	[tilespmem:$0x12200] =	vst v63  }
.LBB2_2:
0x1b: {  	_ =	swait.ge [sflag:s15], $0x3C00  }
0x1c: {  	p0 =	seq.s32 s22, $0x0;
	[sflag:s15] =	ssyncset.done $0x0  }
0x1d: {  	s24 =	sshll.u32 s22, $0x1;
	s25 =	simm.s32 @!p0 $0x3;
	[sflag:s15] =	ssyncadd.s32 $0xFFFFC400  }
0x1e: {  	s23 =	smul.u32 $0xCD, s24;
	_ =	swait.ge @!p0 [sflag:s25], $0x3C00  }
0x1f: {  	[sflag:s25] =	ssyncset.done @!p0 $0x0  }
0x20: {  	s28 =	simm.s32 $0x0;
	s23 =	sshrl.u32 s23, $0xB;
	[sflag:s25] =	ssyncadd.s32 @!p0 $0xFFFFC400  }
0x21: {  	s23 =	sand.u32 $0x1F, s23;
	v16 =	vld [tilespmem:s28+$0x32F0]  }
0x22: {  	s23 =	smul.u32 $0xA, s23;
	v17 =	vld [tilespmem:s28+$0x3200]  }
0x23: {  	v18 =	vld [tilespmem:s28+$0x3210]  }
0x24: {  	v19 =	vld [tilespmem:s28+$0x3220];
	s23 =	ssub.s32 s24, s23  }
0x25: {  	v20 =	vld [tilespmem:s28+$0x3230];
	s23 =	sand.u32 $0xFF, s23  }
0x26: {  	v21 =	vld [tilespmem:s28+$0x3240];
	s23 =	smul.u32 $0x1400, s23  }
0x27: {  	v22 =	vld [tilespmem:s28+$0x3250]  }
0x28: {  	v23 =	vld [tilespmem:s28+$0x3260];
	s26 =	sshrl.u32 s23, $0x2  }
0x29: {  	v14 =	vld [tilespmem:s26+$0x0]  }
0x2a: {  	v13 =	vld [tilespmem:s26+$0x10]  }
0x2b: {  	v12 =	vld [tilespmem:s26+$0x20]  }
0x2c: {  	v11 =	vld [tilespmem:s26+$0x30]  }
0x2d: {  	v10 =	vld [tilespmem:s26+$0x40]  }
0x2e: {  	v9 =	vld [tilespmem:s26+$0x50]  }
0x2f: {  	v8 =	vld [tilespmem:s26+$0x60]  }
0x30: {  	v7 =	vld [tilespmem:s26+$0x70]  }
0x31: {  	v15 =	vld [tilespmem:s26+$0xF0]  }
0x32: {  	v6 =	vld [tilespmem:s26+$0x80]  }
0x33: {  	v5 =	vld [tilespmem:s26+$0x90]  }
0x34: {  	v4 =	vld [tilespmem:s26+$0xA0]  }
0x35: {  	v3 =	vld [tilespmem:s26+$0xB0]  }
0x36: {  	v2 =	vld [tilespmem:s26+$0xC0];
	v16 =	vadd.f32 v16, v15  }
0x37: {  	v1 =	vld [tilespmem:s26+$0xD0];
	v17 =	vadd.f32 v17, v14  }
0x38: {  	v0 =	vld [tilespmem:s26+$0xE0];
	[tilespmem:s28+$0xAAF0] =	vst v16;
	v16 =	vadd.f32 v18, v13  }
0x39: {  	v24 =	vld [tilespmem:s28+$0x3270];
	[tilespmem:s28+$0xAA00] =	vst v17;
	v17 =	vadd.f32 v19, v12  }
0x3a: {  	v18 =	vadd.f32 v22, v9;
	[tilespmem:s28+$0xAA10] =	vst v16  }
0x3b: {  	v25 =	vld [tilespmem:s28+$0x3280];
	v16 =	vadd.f32 v20, v11;
	[tilespmem:s28+$0xAA20] =	vst v17  }
0x3c: {  	v20 =	vld [tilespmem:s28+$0x3290];
	v17 =	vadd.f32 v21, v10;
	[tilespmem:s28+$0xAA50] =	vst v18  }
0x3d: {  	v19 =	vadd.f32 v23, v8;
	[tilespmem:s28+$0xAA30] =	vst v16;
	v16 =	vld [tilespmem:s28+$0x32A0]  }
0x3e: {  	v21 =	vadd.f32 v24, v7;
	[tilespmem:s28+$0xAA40] =	vst v17;
	v17 =	vld [tilespmem:s28+$0x32B0]  }
0x3f: {  	s23 =	smul.u32 $0x7800, s22;
	v18 =	vld [tilespmem:s28+$0x32C0];
	[tilespmem:s28+$0xAA60] =	vst v19  }
0x40: {  	v19 =	vld [tilespmem:s28+$0x32D0];
	[tilespmem:s28+$0xAA70] =	vst v21;
	v21 =	vadd.f32 v25, v6  }
0x41: {  	s29 =	simm.s32 $0x100;
	s30 =	simm.s32 $0x800;
	s25 =	sadd.s32 s4, s23;
	v22 =	vadd.f32 v20, v5;
	v20 =	vld [tilespmem:s28+$0x32E0]  }
.LBB2_3:
0x42: {  	p1 =	sne.s32 s30, $0x2C00;
	v23 =	vld [tilespmem:s29+$0x32F0];
	[tilespmem:s28+$0xAA80] =	vst v21;
	v16 =	vadd.f32 v16, v4  }
0x43: {  	v21 =	vld [tilespmem:s29+$0x3200];
	[tilespmem:s28+$0xAA90] =	vst v22;
	v17 =	vadd.f32 v17, v3  }
0x44: {  	v22 =	vld [tilespmem:s29+$0x3210];
	[tilespmem:s28+$0xAAA0] =	vst v16;
	v16 =	vadd.f32 v18, v2  }
0x45: {  	v18 =	vld [tilespmem:s29+$0x3220];
	[tilespmem:s28+$0xAAB0] =	vst v17;
	v17 =	vadd.f32 v19, v1  }
0x46: {  	v19 =	vld [tilespmem:s29+$0x3230];
	[tilespmem:s28+$0xAAC0] =	vst v16;
	v16 =	vadd.f32 v20, v0  }
0x47: {  	v20 =	vld [tilespmem:s29+$0x3240];
	v23 =	vadd.f32 v23, v15;
	[tilespmem:s28+$0xAAD0] =	vst v17  }
0x48: {  	v17 =	vadd.f32 v21, v14;
	v21 =	vld [tilespmem:s29+$0x3250];
	[tilespmem:s28+$0xAAE0] =	vst v16;
	s28 =	smov.u32 s29  }
0x49: {  	v16 =	vadd.f32 v22, v13;
	v22 =	vld [tilespmem:s28+$0x3260];
	[tilespmem:s28+$0xAAF0] =	vst v23  }
0x4a: {  	[tilespmem:s28+$0xAA00] =	vst v17;
	v17 =	vadd.f32 v18, v12;
	v18 =	vld [tilespmem:s28+$0x3270]  }
0x4b: {  	[tilespmem:s28+$0xAA10] =	vst v16;
	v16 =	vadd.f32 v19, v11;
	v19 =	vld [tilespmem:s28+$0x3280]  }
0x4c: {  	[tilespmem:s28+$0xAA20] =	vst v17;
	v17 =	vadd.f32 v20, v10;
	v20 =	vld [tilespmem:s28+$0x3290]  }
.Ltmp2:
0x4d: {  	[tilespmem:s28+$0xAA30] =	vst v16;
	v21 =	vadd.f32 v21, v9;
	v16 =	vld [tilespmem:s28+$0x32A0];
	(pc) =	sbr.rel @p1 .LBB2_3-.Ltmp2, $4  }
0x4e: {  	[tilespmem:s28+$0xAA40] =	vst v17;
	v22 =	vadd.f32 v22, v8;
	v17 =	vld [tilespmem:s28+$0x32B0]  }
0x4f: {  	[tilespmem:s28+$0xAA50] =	vst v21;
	v23 =	vadd.f32 v18, v7;
	v18 =	vld [tilespmem:s28+$0x32C0]  }
0x50: {  	[tilespmem:s28+$0xAA60] =	vst v22;
	v21 =	vadd.f32 v19, v6;
	v19 =	vld [tilespmem:s28+$0x32D0]  }
0x51: {  	s29 =	sshra.s32 s30, $0x2;
	s30 =	sadd.s32 $0x400, s30;
	[tilespmem:s28+$0xAA70] =	vst v23;
	v22 =	vadd.f32 v20, v5;
	v20 =	vld [tilespmem:s28+$0x32E0]  }
0x52: {  	v23 =	vld [tilespmem:s29+$0x32F0];
	[tilespmem:s28+$0xAA80] =	vst v21;
	v16 =	vadd.f32 v16, v4  }
0x53: {  	v21 =	vld [tilespmem:s29+$0x3200];
	[tilespmem:s28+$0xAA90] =	vst v22;
	v17 =	vadd.f32 v17, v3  }
0x54: {  	v22 =	vld [tilespmem:s29+$0x3210];
	[tilespmem:s28+$0xAAA0] =	vst v16;
	v18 =	vadd.f32 v18, v2  }
0x55: {  	v16 =	vld [tilespmem:s29+$0x3220];
	[tilespmem:s28+$0xAAB0] =	vst v17;
	v19 =	vadd.f32 v19, v1  }
0x56: {  	v17 =	vld [tilespmem:s29+$0x3230];
	[tilespmem:s28+$0xAAC0] =	vst v18;
	v20 =	vadd.f32 v20, v0  }
0x57: {  	v18 =	vld [tilespmem:s29+$0x3240];
	[tilespmem:s28+$0xAAD0] =	vst v19;
	v15 =	vadd.f32 v23, v15  }
0x58: {  	v19 =	vld [tilespmem:s29+$0x3250];
	[tilespmem:s28+$0xAAE0] =	vst v20;
	v14 =	vadd.f32 v21, v14  }
0x59: {  	v20 =	vld [tilespmem:s29+$0x3260];
	[tilespmem:s29+$0xAAF0] =	vst v15;
	v13 =	vadd.f32 v22, v13  }
0x5a: {  	[tilespmem:s29+$0xAA00] =	vst v14;
	v14 =	vld [tilespmem:s29+$0x3270];
	v12 =	vadd.f32 v16, v12  }
0x5b: {  	[tilespmem:s29+$0xAA10] =	vst v13;
	v13 =	vld [tilespmem:s29+$0x3280];
	v11 =	vadd.f32 v17, v11  }
0x5c: {  	[tilespmem:s29+$0xAA20] =	vst v12;
	v12 =	vld [tilespmem:s29+$0x3290];
	v10 =	vadd.f32 v18, v10  }
0x5d: {  	[tilespmem:s29+$0xAA30] =	vst v11;
	v11 =	vld [tilespmem:s29+$0x32A0];
	v9 =	vadd.f32 v19, v9  }
0x5e: {  	[tilespmem:s29+$0xAA40] =	vst v10;
	v10 =	vld [tilespmem:s29+$0x32B0];
	v8 =	vadd.f32 v20, v8  }
0x5f: {  	[tilespmem:s29+$0xAA50] =	vst v9;
	v9 =	vld [tilespmem:s29+$0x32C0];
	v7 =	vadd.f32 v14, v7  }
0x60: {  	[tilespmem:s29+$0xAA60] =	vst v8;
	v8 =	vld [tilespmem:s29+$0x32D0];
	v6 =	vadd.f32 v13, v6  }
0x61: {  	[tilespmem:s29+$0xAA70] =	vst v7;
	v5 =	vadd.f32 v12, v5;
	v7 =	vld [tilespmem:s29+$0x32E0]  }
0x62: {  	[tilespmem:s29+$0xAA80] =	vst v6;
	v4 =	vadd.f32 v11, v4  }
0x63: {  	[tilespmem:s29+$0xAA90] =	vst v5;
	v3 =	vadd.f32 v10, v3  }
0x64: {  	[tilespmem:s29+$0xAAA0] =	vst v4;
	v2 =	vadd.f32 v9, v2  }
0x65: {  	[tilespmem:s29+$0xAAB0] =	vst v3;
	v1 =	vadd.f32 v8, v1  }
0x66: {  	[tilespmem:s29+$0xAAC0] =	vst v2;
	v0 =	vadd.f32 v7, v0  }
0x67: {  	[tilespmem:s29+$0xAAD0] =	vst v1  }
0x68: {  	[tilespmem:s29+$0xAAE0] =	vst v0  }
0x69: {  	v14 =	vld [tilespmem:s26+$0x100]  }
0x6a: {  	v13 =	vld [tilespmem:s26+$0x110]  }
0x6b: {  	v12 =	vld [tilespmem:s26+$0x120]  }
0x6c: {  	v11 =	vld [tilespmem:s26+$0x130]  }
0x6d: {  	v10 =	vld [tilespmem:s26+$0x140]  }
0x6e: {  	v9 =	vld [tilespmem:s26+$0x150]  }
0x6f: {  	v8 =	vld [tilespmem:s26+$0x160]  }
0x70: {  	v7 =	vld [tilespmem:s26+$0x170]  }
0x71: {  	v6 =	vld [tilespmem:s26+$0x180]  }
0x72: {  	v5 =	vld [tilespmem:s26+$0x190]  }
0x73: {  	v4 =	vld [tilespmem:s26+$0x1A0]  }
0x74: {  	v3 =	vld [tilespmem:s26+$0x1B0]  }
0x75: {  	v2 =	vld [tilespmem:s26+$0x1C0]  }
0x76: {  	v1 =	vld [tilespmem:s26+$0x1D0]  }
0x77: {  	v0 =	vld [tilespmem:s26+$0x1E0]  }
0x78: {  	s28 =	simm.s32 $0x0;
	v15 =	vld [tilespmem:s26+$0x1F0]  }
0x79: {  	v16 =	vld [tilespmem:s28+$0x3EF0]  }
0x7a: {  	v17 =	vld [tilespmem:s28+$0x3E00]  }
0x7b: {  	v18 =	vld [tilespmem:s28+$0x3E10]  }
0x7c: {  	v19 =	vld [tilespmem:s28+$0x3E20]  }
0x7d: {  	v22 =	vld [tilespmem:s28+$0x3E50]  }
0x7e: {  	v20 =	vld [tilespmem:s28+$0x3E30];
	v16 =	vadd.f32 v16, v15  }
0x7f: {  	v21 =	vld [tilespmem:s28+$0x3E40];
	v17 =	vadd.f32 v17, v14  }
0x80: {  	v23 =	vld [tilespmem:s28+$0x3E60];
	[tilespmem:s28+$0xB6F0] =	vst v16;
	v16 =	vadd.f32 v18, v13  }
0x81: {  	v24 =	vld [tilespmem:s28+$0x3E70];
	[tilespmem:s28+$0xB600] =	vst v17;
	v17 =	vadd.f32 v19, v12  }
0x82: {  	v18 =	vadd.f32 v22, v9;
	[tilespmem:s28+$0xB610] =	vst v16  }
0x83: {  	v25 =	vld [tilespmem:s28+$0x3E80];
	v16 =	vadd.f32 v20, v11;
	[tilespmem:s28+$0xB620] =	vst v17  }
0x84: {  	v20 =	vld [tilespmem:s28+$0x3E90];
	v17 =	vadd.f32 v21, v10;
	[tilespmem:s28+$0xB650] =	vst v18  }
0x85: {  	v19 =	vadd.f32 v23, v8;
	[tilespmem:s28+$0xB630] =	vst v16;
	v16 =	vld [tilespmem:s28+$0x3EA0]  }
0x86: {  	v21 =	vadd.f32 v24, v7;
	[tilespmem:s28+$0xB640] =	vst v17;
	v17 =	vld [tilespmem:s28+$0x3EB0]  }
0x87: {  	v18 =	vld [tilespmem:s28+$0x3EC0];
	[tilespmem:s28+$0xB660] =	vst v19  }
0x88: {  	v19 =	vld [tilespmem:s28+$0x3ED0];
	[tilespmem:s28+$0xB670] =	vst v21;
	v21 =	vadd.f32 v25, v6  }
0x89: {  	s30 =	simm.s32 $0x800;
	s29 =	simm.s32 $0x100;
	v22 =	vadd.f32 v20, v5;
	v20 =	vld [tilespmem:s28+$0x3EE0]  }
.LBB2_5:
0x8a: {  	p1 =	sne.s32 s30, $0x2C00;
	v23 =	vld [tilespmem:s29+$0x3EF0];
	[tilespmem:s28+$0xB680] =	vst v21;
	v16 =	vadd.f32 v16, v4  }
0x8b: {  	v21 =	vld [tilespmem:s29+$0x3E00];
	[tilespmem:s28+$0xB690] =	vst v22;
	v17 =	vadd.f32 v17, v3  }
0x8c: {  	v22 =	vld [tilespmem:s29+$0x3E10];
	[tilespmem:s28+$0xB6A0] =	vst v16;
	v16 =	vadd.f32 v18, v2  }
0x8d: {  	v18 =	vld [tilespmem:s29+$0x3E20];
	[tilespmem:s28+$0xB6B0] =	vst v17;
	v17 =	vadd.f32 v19, v1  }
0x8e: {  	v19 =	vld [tilespmem:s29+$0x3E30];
	[tilespmem:s28+$0xB6C0] =	vst v16;
	v16 =	vadd.f32 v20, v0  }
0x8f: {  	v20 =	vld [tilespmem:s29+$0x3E40];
	v23 =	vadd.f32 v23, v15;
	[tilespmem:s28+$0xB6D0] =	vst v17  }
0x90: {  	v17 =	vadd.f32 v21, v14;
	v21 =	vld [tilespmem:s29+$0x3E50];
	[tilespmem:s28+$0xB6E0] =	vst v16;
	s28 =	smov.u32 s29  }
0x91: {  	v16 =	vadd.f32 v22, v13;
	v22 =	vld [tilespmem:s28+$0x3E60];
	[tilespmem:s28+$0xB6F0] =	vst v23  }
0x92: {  	[tilespmem:s28+$0xB600] =	vst v17;
	v17 =	vadd.f32 v18, v12;
	v18 =	vld [tilespmem:s28+$0x3E70]  }
0x93: {  	[tilespmem:s28+$0xB610] =	vst v16;
	v16 =	vadd.f32 v19, v11;
	v19 =	vld [tilespmem:s28+$0x3E80]  }
0x94: {  	[tilespmem:s28+$0xB620] =	vst v17;
	v17 =	vadd.f32 v20, v10;
	v20 =	vld [tilespmem:s28+$0x3E90]  }
.Ltmp3:
0x95: {  	[tilespmem:s28+$0xB630] =	vst v16;
	v21 =	vadd.f32 v21, v9;
	v16 =	vld [tilespmem:s28+$0x3EA0];
	(pc) =	sbr.rel @p1 .LBB2_5-.Ltmp3, $4  }
0x96: {  	[tilespmem:s28+$0xB640] =	vst v17;
	v22 =	vadd.f32 v22, v8;
	v17 =	vld [tilespmem:s28+$0x3EB0]  }
0x97: {  	[tilespmem:s28+$0xB650] =	vst v21;
	v23 =	vadd.f32 v18, v7;
	v18 =	vld [tilespmem:s28+$0x3EC0]  }
0x98: {  	[tilespmem:s28+$0xB660] =	vst v22;
	v21 =	vadd.f32 v19, v6;
	v19 =	vld [tilespmem:s28+$0x3ED0]  }
0x99: {  	s29 =	sshra.s32 s30, $0x2;
	s30 =	sadd.s32 $0x400, s30;
	[tilespmem:s28+$0xB670] =	vst v23;
	v22 =	vadd.f32 v20, v5;
	v20 =	vld [tilespmem:s28+$0x3EE0]  }
0x9a: {  	v23 =	vld [tilespmem:s29+$0x3EF0];
	[tilespmem:s28+$0xB680] =	vst v21;
	v16 =	vadd.f32 v16, v4  }
0x9b: {  	v21 =	vld [tilespmem:s29+$0x3E00];
	[tilespmem:s28+$0xB690] =	vst v22;
	v17 =	vadd.f32 v17, v3  }
0x9c: {  	v22 =	vld [tilespmem:s29+$0x3E10];
	[tilespmem:s28+$0xB6A0] =	vst v16;
	v18 =	vadd.f32 v18, v2  }
0x9d: {  	v16 =	vld [tilespmem:s29+$0x3E20];
	[tilespmem:s28+$0xB6B0] =	vst v17;
	v19 =	vadd.f32 v19, v1  }
0x9e: {  	v17 =	vld [tilespmem:s29+$0x3E30];
	[tilespmem:s28+$0xB6C0] =	vst v18;
	v20 =	vadd.f32 v20, v0  }
0x9f: {  	v18 =	vld [tilespmem:s29+$0x3E40];
	[tilespmem:s28+$0xB6D0] =	vst v19;
	v15 =	vadd.f32 v23, v15  }
0xa0: {  	v19 =	vld [tilespmem:s29+$0x3E50];
	[tilespmem:s28+$0xB6E0] =	vst v20;
	v14 =	vadd.f32 v21, v14  }
0xa1: {  	v20 =	vld [tilespmem:s29+$0x3E60];
	[tilespmem:s29+$0xB6F0] =	vst v15;
	v13 =	vadd.f32 v22, v13  }
0xa2: {  	[tilespmem:s29+$0xB600] =	vst v14;
	v14 =	vld [tilespmem:s29+$0x3E70];
	v12 =	vadd.f32 v16, v12  }
0xa3: {  	[tilespmem:s29+$0xB610] =	vst v13;
	v13 =	vld [tilespmem:s29+$0x3E80];
	v11 =	vadd.f32 v17, v11  }
0xa4: {  	[tilespmem:s29+$0xB620] =	vst v12;
	v12 =	vld [tilespmem:s29+$0x3E90];
	v10 =	vadd.f32 v18, v10  }
0xa5: {  	[tilespmem:s29+$0xB630] =	vst v11;
	v11 =	vld [tilespmem:s29+$0x3EA0];
	v9 =	vadd.f32 v19, v9  }
0xa6: {  	[tilespmem:s29+$0xB640] =	vst v10;
	v10 =	vld [tilespmem:s29+$0x3EB0];
	v8 =	vadd.f32 v20, v8  }
0xa7: {  	[tilespmem:s29+$0xB650] =	vst v9;
	v9 =	vld [tilespmem:s29+$0x3EC0];
	v7 =	vadd.f32 v14, v7  }
0xa8: {  	[tilespmem:s29+$0xB660] =	vst v8;
	v8 =	vld [tilespmem:s29+$0x3ED0];
	v6 =	vadd.f32 v13, v6  }
0xa9: {  	[tilespmem:s29+$0xB670] =	vst v7;
	v5 =	vadd.f32 v12, v5;
	v7 =	vld [tilespmem:s29+$0x3EE0]  }
0xaa: {  	[tilespmem:s29+$0xB680] =	vst v6;
	v4 =	vadd.f32 v11, v4  }
0xab: {  	[tilespmem:s29+$0xB690] =	vst v5;
	v3 =	vadd.f32 v10, v3  }
0xac: {  	[tilespmem:s29+$0xB6A0] =	vst v4;
	v2 =	vadd.f32 v9, v2  }
0xad: {  	[tilespmem:s29+$0xB6B0] =	vst v3;
	v1 =	vadd.f32 v8, v1  }
0xae: {  	[tilespmem:s29+$0xB6C0] =	vst v2;
	v0 =	vadd.f32 v7, v0  }
0xaf: {  	[tilespmem:s29+$0xB6D0] =	vst v1  }
0xb0: {  	[tilespmem:s29+$0xB6E0] =	vst v0  }
0xb1: {  	v14 =	vld [tilespmem:s26+$0x200]  }
0xb2: {  	v13 =	vld [tilespmem:s26+$0x210]  }
0xb3: {  	v12 =	vld [tilespmem:s26+$0x220]  }
0xb4: {  	v11 =	vld [tilespmem:s26+$0x230]  }
0xb5: {  	v10 =	vld [tilespmem:s26+$0x240]  }
0xb6: {  	v9 =	vld [tilespmem:s26+$0x250]  }
0xb7: {  	v8 =	vld [tilespmem:s26+$0x260]  }
0xb8: {  	v7 =	vld [tilespmem:s26+$0x270]  }
0xb9: {  	v6 =	vld [tilespmem:s26+$0x280]  }
0xba: {  	v5 =	vld [tilespmem:s26+$0x290]  }
0xbb: {  	v4 =	vld [tilespmem:s26+$0x2A0]  }
0xbc: {  	v3 =	vld [tilespmem:s26+$0x2B0]  }
0xbd: {  	v2 =	vld [tilespmem:s26+$0x2C0]  }
0xbe: {  	v1 =	vld [tilespmem:s26+$0x2D0]  }
0xbf: {  	v0 =	vld [tilespmem:s26+$0x2E0]  }
0xc0: {  	s28 =	simm.s32 $0x0;
	v15 =	vld [tilespmem:s26+$0x2F0]  }
0xc1: {  	v16 =	vld [tilespmem:s28+$0x4AF0]  }
0xc2: {  	v17 =	vld [tilespmem:s28+$0x4A00]  }
0xc3: {  	v18 =	vld [tilespmem:s28+$0x4A10]  }
0xc4: {  	v19 =	vld [tilespmem:s28+$0x4A20]  }
0xc5: {  	v22 =	vld [tilespmem:s28+$0x4A50]  }
0xc6: {  	v20 =	vld [tilespmem:s28+$0x4A30];
	v16 =	vadd.f32 v16, v15  }
0xc7: {  	v21 =	vld [tilespmem:s28+$0x4A40];
	v17 =	vadd.f32 v17, v14  }
0xc8: {  	v23 =	vld [tilespmem:s28+$0x4A60];
	[tilespmem:s28+$0xC2F0] =	vst v16;
	v16 =	vadd.f32 v18, v13  }
0xc9: {  	v24 =	vld [tilespmem:s28+$0x4A70];
	[tilespmem:s28+$0xC200] =	vst v17;
	v17 =	vadd.f32 v19, v12  }
0xca: {  	v18 =	vadd.f32 v22, v9;
	[tilespmem:s28+$0xC210] =	vst v16  }
0xcb: {  	v25 =	vld [tilespmem:s28+$0x4A80];
	v16 =	vadd.f32 v20, v11;
	[tilespmem:s28+$0xC220] =	vst v17  }
0xcc: {  	v20 =	vld [tilespmem:s28+$0x4A90];
	v17 =	vadd.f32 v21, v10;
	[tilespmem:s28+$0xC250] =	vst v18  }
0xcd: {  	v19 =	vadd.f32 v23, v8;
	[tilespmem:s28+$0xC230] =	vst v16;
	v16 =	vld [tilespmem:s28+$0x4AA0]  }
0xce: {  	v21 =	vadd.f32 v24, v7;
	[tilespmem:s28+$0xC240] =	vst v17;
	v17 =	vld [tilespmem:s28+$0x4AB0]  }
0xcf: {  	v18 =	vld [tilespmem:s28+$0x4AC0];
	[tilespmem:s28+$0xC260] =	vst v19  }
0xd0: {  	v19 =	vld [tilespmem:s28+$0x4AD0];
	[tilespmem:s28+$0xC270] =	vst v21;
	v21 =	vadd.f32 v25, v6  }
0xd1: {  	s30 =	simm.s32 $0x800;
	s29 =	simm.s32 $0x100;
	v22 =	vadd.f32 v20, v5;
	v20 =	vld [tilespmem:s28+$0x4AE0]  }
.LBB2_7:
0xd2: {  	p1 =	sne.s32 s30, $0x2C00;
	v23 =	vld [tilespmem:s29+$0x4AF0];
	[tilespmem:s28+$0xC280] =	vst v21;
	v16 =	vadd.f32 v16, v4  }
0xd3: {  	v21 =	vld [tilespmem:s29+$0x4A00];
	[tilespmem:s28+$0xC290] =	vst v22;
	v17 =	vadd.f32 v17, v3  }
0xd4: {  	v22 =	vld [tilespmem:s29+$0x4A10];
	[tilespmem:s28+$0xC2A0] =	vst v16;
	v16 =	vadd.f32 v18, v2  }
0xd5: {  	v18 =	vld [tilespmem:s29+$0x4A20];
	[tilespmem:s28+$0xC2B0] =	vst v17;
	v17 =	vadd.f32 v19, v1  }
0xd6: {  	v19 =	vld [tilespmem:s29+$0x4A30];
	[tilespmem:s28+$0xC2C0] =	vst v16;
	v16 =	vadd.f32 v20, v0  }
0xd7: {  	v20 =	vld [tilespmem:s29+$0x4A40];
	v23 =	vadd.f32 v23, v15;
	[tilespmem:s28+$0xC2D0] =	vst v17  }
0xd8: {  	v17 =	vadd.f32 v21, v14;
	v21 =	vld [tilespmem:s29+$0x4A50];
	[tilespmem:s28+$0xC2E0] =	vst v16;
	s28 =	smov.u32 s29  }
0xd9: {  	v16 =	vadd.f32 v22, v13;
	v22 =	vld [tilespmem:s28+$0x4A60];
	[tilespmem:s28+$0xC2F0] =	vst v23  }
0xda: {  	[tilespmem:s28+$0xC200] =	vst v17;
	v17 =	vadd.f32 v18, v12;
	v18 =	vld [tilespmem:s28+$0x4A70]  }
0xdb: {  	[tilespmem:s28+$0xC210] =	vst v16;
	v16 =	vadd.f32 v19, v11;
	v19 =	vld [tilespmem:s28+$0x4A80]  }
0xdc: {  	[tilespmem:s28+$0xC220] =	vst v17;
	v17 =	vadd.f32 v20, v10;
	v20 =	vld [tilespmem:s28+$0x4A90]  }
.Ltmp4:
0xdd: {  	[tilespmem:s28+$0xC230] =	vst v16;
	v21 =	vadd.f32 v21, v9;
	v16 =	vld [tilespmem:s28+$0x4AA0];
	(pc) =	sbr.rel @p1 .LBB2_7-.Ltmp4, $4  }
0xde: {  	[tilespmem:s28+$0xC240] =	vst v17;
	v22 =	vadd.f32 v22, v8;
	v17 =	vld [tilespmem:s28+$0x4AB0]  }
0xdf: {  	[tilespmem:s28+$0xC250] =	vst v21;
	v23 =	vadd.f32 v18, v7;
	v18 =	vld [tilespmem:s28+$0x4AC0]  }
0xe0: {  	[tilespmem:s28+$0xC260] =	vst v22;
	v21 =	vadd.f32 v19, v6;
	v19 =	vld [tilespmem:s28+$0x4AD0]  }
0xe1: {  	s29 =	sshra.s32 s30, $0x2;
	s30 =	sadd.s32 $0x400, s30;
	[tilespmem:s28+$0xC270] =	vst v23;
	v22 =	vadd.f32 v20, v5;
	v20 =	vld [tilespmem:s28+$0x4AE0]  }
0xe2: {  	v23 =	vld [tilespmem:s29+$0x4AF0];
	[tilespmem:s28+$0xC280] =	vst v21;
	v16 =	vadd.f32 v16, v4  }
0xe3: {  	v21 =	vld [tilespmem:s29+$0x4A00];
	[tilespmem:s28+$0xC290] =	vst v22;
	v17 =	vadd.f32 v17, v3  }
0xe4: {  	v22 =	vld [tilespmem:s29+$0x4A10];
	[tilespmem:s28+$0xC2A0] =	vst v16;
	v18 =	vadd.f32 v18, v2  }
0xe5: {  	v16 =	vld [tilespmem:s29+$0x4A20];
	[tilespmem:s28+$0xC2B0] =	vst v17;
	v19 =	vadd.f32 v19, v1  }
0xe6: {  	v17 =	vld [tilespmem:s29+$0x4A30];
	[tilespmem:s28+$0xC2C0] =	vst v18;
	v20 =	vadd.f32 v20, v0  }
0xe7: {  	v18 =	vld [tilespmem:s29+$0x4A40];
	[tilespmem:s28+$0xC2D0] =	vst v19;
	v15 =	vadd.f32 v23, v15  }
0xe8: {  	v19 =	vld [tilespmem:s29+$0x4A50];
	[tilespmem:s28+$0xC2E0] =	vst v20;
	v14 =	vadd.f32 v21, v14  }
0xe9: {  	v20 =	vld [tilespmem:s29+$0x4A60];
	[tilespmem:s29+$0xC2F0] =	vst v15;
	v13 =	vadd.f32 v22, v13  }
0xea: {  	[tilespmem:s29+$0xC200] =	vst v14;
	v14 =	vld [tilespmem:s29+$0x4A70];
	v12 =	vadd.f32 v16, v12  }
0xeb: {  	[tilespmem:s29+$0xC210] =	vst v13;
	v13 =	vld [tilespmem:s29+$0x4A80];
	v11 =	vadd.f32 v17, v11  }
0xec: {  	[tilespmem:s29+$0xC220] =	vst v12;
	v12 =	vld [tilespmem:s29+$0x4A90];
	v10 =	vadd.f32 v18, v10  }
0xed: {  	[tilespmem:s29+$0xC230] =	vst v11;
	v11 =	vld [tilespmem:s29+$0x4AA0];
	v9 =	vadd.f32 v19, v9  }
0xee: {  	[tilespmem:s29+$0xC240] =	vst v10;
	v10 =	vld [tilespmem:s29+$0x4AB0];
	v8 =	vadd.f32 v20, v8  }
0xef: {  	[tilespmem:s29+$0xC250] =	vst v9;
	v9 =	vld [tilespmem:s29+$0x4AC0];
	v7 =	vadd.f32 v14, v7  }
0xf0: {  	[tilespmem:s29+$0xC260] =	vst v8;
	v8 =	vld [tilespmem:s29+$0x4AD0];
	v6 =	vadd.f32 v13, v6  }
0xf1: {  	[tilespmem:s29+$0xC270] =	vst v7;
	v5 =	vadd.f32 v12, v5;
	v7 =	vld [tilespmem:s29+$0x4AE0]  }
0xf2: {  	[tilespmem:s29+$0xC280] =	vst v6;
	v4 =	vadd.f32 v11, v4  }
0xf3: {  	[tilespmem:s29+$0xC290] =	vst v5;
	v3 =	vadd.f32 v10, v3  }
0xf4: {  	[tilespmem:s29+$0xC2A0] =	vst v4;
	v2 =	vadd.f32 v9, v2  }
0xf5: {  	[tilespmem:s29+$0xC2B0] =	vst v3;
	v1 =	vadd.f32 v8, v1  }
0xf6: {  	[tilespmem:s29+$0xC2C0] =	vst v2;
	v0 =	vadd.f32 v7, v0  }
0xf7: {  	[tilespmem:s29+$0xC2D0] =	vst v1  }
0xf8: {  	[tilespmem:s29+$0xC2E0] =	vst v0  }
0xf9: {  	v14 =	vld [tilespmem:s26+$0x300]  }
0xfa: {  	v13 =	vld [tilespmem:s26+$0x310]  }
0xfb: {  	v12 =	vld [tilespmem:s26+$0x320]  }
0xfc: {  	v11 =	vld [tilespmem:s26+$0x330]  }
0xfd: {  	v10 =	vld [tilespmem:s26+$0x340]  }
0xfe: {  	v9 =	vld [tilespmem:s26+$0x350]  }
0xff: {  	v8 =	vld [tilespmem:s26+$0x360]  }
0x100: {  	v7 =	vld [tilespmem:s26+$0x370]  }
0x101: {  	v6 =	vld [tilespmem:s26+$0x380]  }
0x102: {  	v5 =	vld [tilespmem:s26+$0x390]  }
0x103: {  	v4 =	vld [tilespmem:s26+$0x3A0]  }
0x104: {  	v3 =	vld [tilespmem:s26+$0x3B0]  }
0x105: {  	v2 =	vld [tilespmem:s26+$0x3C0]  }
0x106: {  	v1 =	vld [tilespmem:s26+$0x3D0]  }
0x107: {  	v0 =	vld [tilespmem:s26+$0x3E0]  }
0x108: {  	s28 =	simm.s32 $0x0;
	v15 =	vld [tilespmem:s26+$0x3F0]  }
0x109: {  	v16 =	vld [tilespmem:s28+$0x56F0]  }
0x10a: {  	v17 =	vld [tilespmem:s28+$0x5600]  }
0x10b: {  	v18 =	vld [tilespmem:s28+$0x5610]  }
0x10c: {  	v19 =	vld [tilespmem:s28+$0x5620]  }
0x10d: {  	v22 =	vld [tilespmem:s28+$0x5650]  }
0x10e: {  	v20 =	vld [tilespmem:s28+$0x5630];
	v16 =	vadd.f32 v16, v15  }
0x10f: {  	v21 =	vld [tilespmem:s28+$0x5640];
	v17 =	vadd.f32 v17, v14  }
0x110: {  	v23 =	vld [tilespmem:s28+$0x5660];
	[tilespmem:s28+$0xCEF0] =	vst v16;
	v16 =	vadd.f32 v18, v13  }
0x111: {  	v24 =	vld [tilespmem:s28+$0x5670];
	[tilespmem:s28+$0xCE00] =	vst v17;
	v17 =	vadd.f32 v19, v12  }
0x112: {  	v18 =	vadd.f32 v22, v9;
	[tilespmem:s28+$0xCE10] =	vst v16  }
0x113: {  	v25 =	vld [tilespmem:s28+$0x5680];
	v16 =	vadd.f32 v20, v11;
	[tilespmem:s28+$0xCE20] =	vst v17  }
0x114: {  	v20 =	vld [tilespmem:s28+$0x5690];
	v17 =	vadd.f32 v21, v10;
	[tilespmem:s28+$0xCE50] =	vst v18  }
0x115: {  	v19 =	vadd.f32 v23, v8;
	[tilespmem:s28+$0xCE30] =	vst v16;
	v16 =	vld [tilespmem:s28+$0x56A0]  }
0x116: {  	v21 =	vadd.f32 v24, v7;
	[tilespmem:s28+$0xCE40] =	vst v17;
	v17 =	vld [tilespmem:s28+$0x56B0]  }
0x117: {  	v18 =	vld [tilespmem:s28+$0x56C0];
	[tilespmem:s28+$0xCE60] =	vst v19  }
0x118: {  	v19 =	vld [tilespmem:s28+$0x56D0];
	[tilespmem:s28+$0xCE70] =	vst v21;
	v21 =	vadd.f32 v25, v6  }
0x119: {  	s30 =	simm.s32 $0x800;
	s29 =	simm.s32 $0x100;
	v22 =	vadd.f32 v20, v5;
	v20 =	vld [tilespmem:s28+$0x56E0]  }
.LBB2_9:
0x11a: {  	p1 =	sne.s32 s30, $0x2C00;
	v23 =	vld [tilespmem:s29+$0x56F0];
	[tilespmem:s28+$0xCE80] =	vst v21;
	v16 =	vadd.f32 v16, v4  }
0x11b: {  	v21 =	vld [tilespmem:s29+$0x5600];
	[tilespmem:s28+$0xCE90] =	vst v22;
	v17 =	vadd.f32 v17, v3  }
0x11c: {  	v22 =	vld [tilespmem:s29+$0x5610];
	[tilespmem:s28+$0xCEA0] =	vst v16;
	v16 =	vadd.f32 v18, v2  }
0x11d: {  	v18 =	vld [tilespmem:s29+$0x5620];
	[tilespmem:s28+$0xCEB0] =	vst v17;
	v17 =	vadd.f32 v19, v1  }
0x11e: {  	v19 =	vld [tilespmem:s29+$0x5630];
	[tilespmem:s28+$0xCEC0] =	vst v16;
	v16 =	vadd.f32 v20, v0  }
0x11f: {  	v20 =	vld [tilespmem:s29+$0x5640];
	v23 =	vadd.f32 v23, v15;
	[tilespmem:s28+$0xCED0] =	vst v17  }
0x120: {  	v17 =	vadd.f32 v21, v14;
	v21 =	vld [tilespmem:s29+$0x5650];
	[tilespmem:s28+$0xCEE0] =	vst v16;
	s28 =	smov.u32 s29  }
0x121: {  	v16 =	vadd.f32 v22, v13;
	v22 =	vld [tilespmem:s28+$0x5660];
	[tilespmem:s28+$0xCEF0] =	vst v23  }
0x122: {  	[tilespmem:s28+$0xCE00] =	vst v17;
	v17 =	vadd.f32 v18, v12;
	v18 =	vld [tilespmem:s28+$0x5670]  }
0x123: {  	[tilespmem:s28+$0xCE10] =	vst v16;
	v16 =	vadd.f32 v19, v11;
	v19 =	vld [tilespmem:s28+$0x5680]  }
0x124: {  	[tilespmem:s28+$0xCE20] =	vst v17;
	v17 =	vadd.f32 v20, v10;
	v20 =	vld [tilespmem:s28+$0x5690]  }
.Ltmp5:
0x125: {  	[tilespmem:s28+$0xCE30] =	vst v16;
	v21 =	vadd.f32 v21, v9;
	v16 =	vld [tilespmem:s28+$0x56A0];
	(pc) =	sbr.rel @p1 .LBB2_9-.Ltmp5, $4  }
0x126: {  	[tilespmem:s28+$0xCE40] =	vst v17;
	v22 =	vadd.f32 v22, v8;
	v17 =	vld [tilespmem:s28+$0x56B0]  }
0x127: {  	[tilespmem:s28+$0xCE50] =	vst v21;
	v23 =	vadd.f32 v18, v7;
	v18 =	vld [tilespmem:s28+$0x56C0]  }
0x128: {  	[tilespmem:s28+$0xCE60] =	vst v22;
	v21 =	vadd.f32 v19, v6;
	v19 =	vld [tilespmem:s28+$0x56D0]  }
0x129: {  	s29 =	sshra.s32 s30, $0x2;
	s30 =	sadd.s32 $0x400, s30;
	[tilespmem:s28+$0xCE70] =	vst v23;
	v22 =	vadd.f32 v20, v5;
	v20 =	vld [tilespmem:s28+$0x56E0]  }
0x12a: {  	v23 =	vld [tilespmem:s29+$0x56F0];
	[tilespmem:s28+$0xCE80] =	vst v21;
	v16 =	vadd.f32 v16, v4  }
0x12b: {  	v21 =	vld [tilespmem:s29+$0x5600];
	[tilespmem:s28+$0xCE90] =	vst v22;
	v17 =	vadd.f32 v17, v3  }
0x12c: {  	v22 =	vld [tilespmem:s29+$0x5610];
	[tilespmem:s28+$0xCEA0] =	vst v16;
	v18 =	vadd.f32 v18, v2  }
0x12d: {  	v16 =	vld [tilespmem:s29+$0x5620];
	[tilespmem:s28+$0xCEB0] =	vst v17;
	v19 =	vadd.f32 v19, v1  }
0x12e: {  	v17 =	vld [tilespmem:s29+$0x5630];
	[tilespmem:s28+$0xCEC0] =	vst v18;
	v20 =	vadd.f32 v20, v0  }
0x12f: {  	v18 =	vld [tilespmem:s29+$0x5640];
	[tilespmem:s28+$0xCED0] =	vst v19;
	v15 =	vadd.f32 v23, v15  }
0x130: {  	v19 =	vld [tilespmem:s29+$0x5650];
	[tilespmem:s28+$0xCEE0] =	vst v20;
	v14 =	vadd.f32 v21, v14  }
0x131: {  	v20 =	vld [tilespmem:s29+$0x5660];
	[tilespmem:s29+$0xCEF0] =	vst v15;
	v13 =	vadd.f32 v22, v13  }
0x132: {  	[tilespmem:s29+$0xCE00] =	vst v14;
	v14 =	vld [tilespmem:s29+$0x5670];
	v12 =	vadd.f32 v16, v12  }
0x133: {  	[tilespmem:s29+$0xCE10] =	vst v13;
	v13 =	vld [tilespmem:s29+$0x5680];
	v11 =	vadd.f32 v17, v11  }
0x134: {  	[tilespmem:s29+$0xCE20] =	vst v12;
	v12 =	vld [tilespmem:s29+$0x5690];
	v10 =	vadd.f32 v18, v10  }
0x135: {  	[tilespmem:s29+$0xCE30] =	vst v11;
	v11 =	vld [tilespmem:s29+$0x56A0];
	v9 =	vadd.f32 v19, v9  }
0x136: {  	[tilespmem:s29+$0xCE40] =	vst v10;
	v10 =	vld [tilespmem:s29+$0x56B0];
	v8 =	vadd.f32 v20, v8  }
0x137: {  	[tilespmem:s29+$0xCE50] =	vst v9;
	v9 =	vld [tilespmem:s29+$0x56C0];
	v7 =	vadd.f32 v14, v7  }
0x138: {  	[tilespmem:s29+$0xCE60] =	vst v8;
	v8 =	vld [tilespmem:s29+$0x56D0];
	v6 =	vadd.f32 v13, v6  }
0x139: {  	[tilespmem:s29+$0xCE70] =	vst v7;
	v5 =	vadd.f32 v12, v5;
	v7 =	vld [tilespmem:s29+$0x56E0]  }
0x13a: {  	[tilespmem:s29+$0xCE80] =	vst v6;
	v4 =	vadd.f32 v11, v4  }
0x13b: {  	[tilespmem:s29+$0xCE90] =	vst v5;
	v3 =	vadd.f32 v10, v3  }
0x13c: {  	[tilespmem:s29+$0xCEA0] =	vst v4;
	v2 =	vadd.f32 v9, v2  }
0x13d: {  	[tilespmem:s29+$0xCEB0] =	vst v3;
	v1 =	vadd.f32 v8, v1  }
0x13e: {  	[tilespmem:s29+$0xCEC0] =	vst v2;
	v0 =	vadd.f32 v7, v0  }
0x13f: {  	[tilespmem:s29+$0xCED0] =	vst v1  }
0x140: {  	[tilespmem:s29+$0xCEE0] =	vst v0  }
0x141: {  	v14 =	vld [tilespmem:s26+$0x400]  }
0x142: {  	v13 =	vld [tilespmem:s26+$0x410]  }
0x143: {  	v12 =	vld [tilespmem:s26+$0x420]  }
0x144: {  	v11 =	vld [tilespmem:s26+$0x430]  }
0x145: {  	v10 =	vld [tilespmem:s26+$0x440]  }
0x146: {  	v9 =	vld [tilespmem:s26+$0x450]  }
0x147: {  	v8 =	vld [tilespmem:s26+$0x460]  }
0x148: {  	v7 =	vld [tilespmem:s26+$0x470]  }
0x149: {  	v6 =	vld [tilespmem:s26+$0x480]  }
0x14a: {  	v5 =	vld [tilespmem:s26+$0x490]  }
0x14b: {  	v4 =	vld [tilespmem:s26+$0x4A0]  }
0x14c: {  	v3 =	vld [tilespmem:s26+$0x4B0]  }
0x14d: {  	v2 =	vld [tilespmem:s26+$0x4C0]  }
0x14e: {  	v1 =	vld [tilespmem:s26+$0x4D0]  }
0x14f: {  	v0 =	vld [tilespmem:s26+$0x4E0]  }
0x150: {  	v15 =	vld [tilespmem:s26+$0x4F0];
	s26 =	simm.s32 $0x0  }
0x151: {  	v16 =	vld [tilespmem:s26+$0x62F0]  }
0x152: {  	v17 =	vld [tilespmem:s26+$0x6200]  }
0x153: {  	v18 =	vld [tilespmem:s26+$0x6210]  }
0x154: {  	v19 =	vld [tilespmem:s26+$0x6220]  }
0x155: {  	v22 =	vld [tilespmem:s26+$0x6250]  }
0x156: {  	v20 =	vld [tilespmem:s26+$0x6230];
	v16 =	vadd.f32 v16, v15  }
0x157: {  	v21 =	vld [tilespmem:s26+$0x6240];
	v17 =	vadd.f32 v17, v14  }
0x158: {  	v23 =	vld [tilespmem:s26+$0x6260];
	[tilespmem:s26+$0xDAF0] =	vst v16;
	v16 =	vadd.f32 v18, v13  }
0x159: {  	v24 =	vld [tilespmem:s26+$0x6270];
	[tilespmem:s26+$0xDA00] =	vst v17;
	v17 =	vadd.f32 v19, v12  }
0x15a: {  	v18 =	vadd.f32 v22, v9;
	[tilespmem:s26+$0xDA10] =	vst v16  }
0x15b: {  	v25 =	vld [tilespmem:s26+$0x6280];
	v16 =	vadd.f32 v20, v11;
	[tilespmem:s26+$0xDA20] =	vst v17  }
0x15c: {  	v20 =	vld [tilespmem:s26+$0x6290];
	v17 =	vadd.f32 v21, v10;
	[tilespmem:s26+$0xDA50] =	vst v18  }
0x15d: {  	v19 =	vadd.f32 v23, v8;
	[tilespmem:s26+$0xDA30] =	vst v16;
	v16 =	vld [tilespmem:s26+$0x62A0]  }
0x15e: {  	v21 =	vadd.f32 v24, v7;
	[tilespmem:s26+$0xDA40] =	vst v17;
	v17 =	vld [tilespmem:s26+$0x62B0]  }
0x15f: {  	v18 =	vld [tilespmem:s26+$0x62C0];
	[tilespmem:s26+$0xDA60] =	vst v19  }
0x160: {  	v19 =	vld [tilespmem:s26+$0x62D0];
	[tilespmem:s26+$0xDA70] =	vst v21;
	v21 =	vadd.f32 v25, v6  }
0x161: {  	s28 =	simm.s32 $0x100;
	s29 =	simm.s32 $0x800;
	v22 =	vadd.f32 v20, v5;
	v20 =	vld [tilespmem:s26+$0x62E0]  }
.LBB2_11:
0x162: {  	p1 =	sne.s32 s29, $0x2C00;
	v23 =	vld [tilespmem:s28+$0x62F0];
	[tilespmem:s26+$0xDA80] =	vst v21;
	v16 =	vadd.f32 v16, v4  }
0x163: {  	v21 =	vld [tilespmem:s28+$0x6200];
	[tilespmem:s26+$0xDA90] =	vst v22;
	v17 =	vadd.f32 v17, v3  }
0x164: {  	v22 =	vld [tilespmem:s28+$0x6210];
	[tilespmem:s26+$0xDAA0] =	vst v16;
	v16 =	vadd.f32 v18, v2  }
0x165: {  	v18 =	vld [tilespmem:s28+$0x6220];
	[tilespmem:s26+$0xDAB0] =	vst v17;
	v17 =	vadd.f32 v19, v1  }
0x166: {  	v19 =	vld [tilespmem:s28+$0x6230];
	[tilespmem:s26+$0xDAC0] =	vst v16;
	v16 =	vadd.f32 v20, v0  }
0x167: {  	v20 =	vld [tilespmem:s28+$0x6240];
	v23 =	vadd.f32 v23, v15;
	[tilespmem:s26+$0xDAD0] =	vst v17  }
0x168: {  	v17 =	vadd.f32 v21, v14;
	v21 =	vld [tilespmem:s28+$0x6250];
	[tilespmem:s26+$0xDAE0] =	vst v16;
	s26 =	smov.u32 s28  }
0x169: {  	v16 =	vadd.f32 v22, v13;
	v22 =	vld [tilespmem:s26+$0x6260];
	[tilespmem:s26+$0xDAF0] =	vst v23  }
0x16a: {  	[tilespmem:s26+$0xDA00] =	vst v17;
	v17 =	vadd.f32 v18, v12;
	v18 =	vld [tilespmem:s26+$0x6270]  }
0x16b: {  	[tilespmem:s26+$0xDA10] =	vst v16;
	v16 =	vadd.f32 v19, v11;
	v19 =	vld [tilespmem:s26+$0x6280]  }
0x16c: {  	[tilespmem:s26+$0xDA20] =	vst v17;
	v17 =	vadd.f32 v20, v10;
	v20 =	vld [tilespmem:s26+$0x6290]  }
.Ltmp6:
0x16d: {  	[tilespmem:s26+$0xDA30] =	vst v16;
	v21 =	vadd.f32 v21, v9;
	v16 =	vld [tilespmem:s26+$0x62A0];
	(pc) =	sbr.rel @p1 .LBB2_11-.Ltmp6, $4  }
0x16e: {  	[tilespmem:s26+$0xDA40] =	vst v17;
	v22 =	vadd.f32 v22, v8;
	v17 =	vld [tilespmem:s26+$0x62B0]  }
0x16f: {  	[tilespmem:s26+$0xDA50] =	vst v21;
	v23 =	vadd.f32 v18, v7;
	v18 =	vld [tilespmem:s26+$0x62C0]  }
0x170: {  	[tilespmem:s26+$0xDA60] =	vst v22;
	v21 =	vadd.f32 v19, v6;
	v19 =	vld [tilespmem:s26+$0x62D0]  }
0x171: {  	s28 =	sshra.s32 s29, $0x2;
	s29 =	sadd.s32 $0x400, s29;
	[tilespmem:s26+$0xDA70] =	vst v23;
	v22 =	vadd.f32 v20, v5;
	v20 =	vld [tilespmem:s26+$0x62E0]  }
0x172: {  	v23 =	vld [tilespmem:s28+$0x62F0];
	[tilespmem:s26+$0xDA80] =	vst v21;
	v16 =	vadd.f32 v16, v4  }
0x173: {  	v21 =	vld [tilespmem:s28+$0x6200];
	[tilespmem:s26+$0xDA90] =	vst v22;
	v17 =	vadd.f32 v17, v3  }
0x174: {  	v22 =	vld [tilespmem:s28+$0x6210];
	[tilespmem:s26+$0xDAA0] =	vst v16;
	v18 =	vadd.f32 v18, v2  }
0x175: {  	v16 =	vld [tilespmem:s28+$0x6220];
	[tilespmem:s26+$0xDAB0] =	vst v17;
	v19 =	vadd.f32 v19, v1  }
0x176: {  	v17 =	vld [tilespmem:s28+$0x6230];
	[tilespmem:s26+$0xDAC0] =	vst v18;
	v20 =	vadd.f32 v20, v0  }
0x177: {  	v18 =	vld [tilespmem:s28+$0x6240];
	[tilespmem:s26+$0xDAD0] =	vst v19;
	v15 =	vadd.f32 v23, v15  }
0x178: {  	v19 =	vld [tilespmem:s28+$0x6250];
	[tilespmem:s26+$0xDAE0] =	vst v20;
	v14 =	vadd.f32 v21, v14  }
0x179: {  	v20 =	vld [tilespmem:s28+$0x6260];
	[tilespmem:s28+$0xDAF0] =	vst v15;
	v13 =	vadd.f32 v22, v13  }
0x17a: {  	[tilespmem:s28+$0xDA00] =	vst v14;
	v14 =	vld [tilespmem:s28+$0x6270];
	v12 =	vadd.f32 v16, v12  }
0x17b: {  	[tilespmem:s28+$0xDA10] =	vst v13;
	v13 =	vld [tilespmem:s28+$0x6280];
	v11 =	vadd.f32 v17, v11  }
0x17c: {  	[tilespmem:s28+$0xDA20] =	vst v12;
	v12 =	vld [tilespmem:s28+$0x6290];
	v10 =	vadd.f32 v18, v10  }
0x17d: {  	[tilespmem:s28+$0xDA30] =	vst v11;
	v11 =	vld [tilespmem:s28+$0x62A0];
	v9 =	vadd.f32 v19, v9  }
0x17e: {  	[tilespmem:s28+$0xDA40] =	vst v10;
	v10 =	vld [tilespmem:s28+$0x62B0];
	v8 =	vadd.f32 v20, v8  }
0x17f: {  	[tilespmem:s28+$0xDA50] =	vst v9;
	v9 =	vld [tilespmem:s28+$0x62C0];
	v7 =	vadd.f32 v14, v7  }
0x180: {  	[tilespmem:s28+$0xDA60] =	vst v8;
	v8 =	vld [tilespmem:s28+$0x62D0];
	v6 =	vadd.f32 v13, v6  }
0x181: {  	[tilespmem:s28+$0xDA70] =	vst v7;
	v5 =	vadd.f32 v12, v5;
	v7 =	vld [tilespmem:s28+$0x62E0]  }
0x182: {  	[tilespmem:s28+$0xDA80] =	vst v6;
	v4 =	vadd.f32 v11, v4  }
0x183: {  	[tilespmem:s28+$0xDA90] =	vst v5;
	v3 =	vadd.f32 v10, v3  }
0x184: {  	[tilespmem:s28+$0xDAA0] =	vst v4;
	v2 =	vadd.f32 v9, v2  }
0x185: {  	[tilespmem:s28+$0xDAB0] =	vst v3;
	v1 =	vadd.f32 v8, v1  }
0x186: {  	[tilespmem:s28+$0xDAC0] =	vst v2;
	v0 =	vadd.f32 v7, v0  }
0x187: {  	s25 =	sshrl.u32 s25, $0x3;
	s24 =	sor.u32 $0x1, s24;
	[tilespmem:s28+$0xDAD0] =	vst v1  }
0x188: {  	p1 =	seq.s32 s22, $0x13;
	s25 =	sadd.s32 s6, s25;
	s29 =	smulhi.u32 $0x66666667, s24;
	[tilespmem:s28+$0xDAE0] =	vst v0  }
0x189: {  	[hbm4b:s25+s3] =	stream.linear.scatter [tilespmem:s16], [sflag:$0x3], $0x3C00, $0x38;
	[tilespmem:$0x12200] =	vst v63  }
0x18a: {  	s25 =	sadd.s32 @!p1 s23, s9  }
0x18b: {  	s31 =	sshrl.u32 s29, $0x2;
	s25 =	sshrl.u32 @!p1 s25, $0x3  }
0x18c: {  	s26 =	simm.s32 @!p1 $0x0;
	s28 =	simm.s32 @!p1 $0x3200;
	s25 =	sadd.s32 @!p1 s2, s25  }
0x18d: {  	[tilespmem:s28], [sflag:$0x1] =	stream.linear.gather @!p1 [hbm4b:s25+s26], $0x3C00, $0x38;
	[tilespmem:$0x12200] =	vst v63  }
0x18e: {  	s25 =	smul.u32 $0xA, s31;
	_ =	swait.ge [sflag:s17], $0x3C00  }
0x18f: {  	[sflag:s17] =	ssyncset.done $0x0  }
0x190: {  	s26 =	simm.s32 @!p0 $0x4;
	s25 =	ssub.s32 s24, s25;
	[sflag:s17] =	ssyncadd.s32 $0xFFFFC400  }
0x191: {  	s25 =	smul.u32 $0x1400, s25;
	_ =	swait.ge @!p0 [sflag:s26], $0x3C00  }
0x192: {  	[sflag:s26] =	ssyncset.done @!p0 $0x0  }
0x193: {  	s25 =	sshrl.u32 s25, $0x2;
	[sflag:s26] =	ssyncadd.s32 @!p0 $0xFFFFC400  }
0x194: {  	v14 =	vld [tilespmem:s25+$0x0]  }
0x195: {  	v13 =	vld [tilespmem:s25+$0x10]  }
0x196: {  	v12 =	vld [tilespmem:s25+$0x20]  }
0x197: {  	v11 =	vld [tilespmem:s25+$0x30]  }
0x198: {  	v10 =	vld [tilespmem:s25+$0x40]  }
0x199: {  	v9 =	vld [tilespmem:s25+$0x50]  }
0x19a: {  	v8 =	vld [tilespmem:s25+$0x60]  }
0x19b: {  	v7 =	vld [tilespmem:s25+$0x70]  }
0x19c: {  	v6 =	vld [tilespmem:s25+$0x80]  }
0x19d: {  	v5 =	vld [tilespmem:s25+$0x90]  }
0x19e: {  	v4 =	vld [tilespmem:s25+$0xA0]  }
0x19f: {  	v3 =	vld [tilespmem:s25+$0xB0]  }
0x1a0: {  	v2 =	vld [tilespmem:s25+$0xC0]  }
0x1a1: {  	v1 =	vld [tilespmem:s25+$0xD0]  }
0x1a2: {  	v0 =	vld [tilespmem:s25+$0xE0]  }
0x1a3: {  	s26 =	simm.s32 $0x0;
	v15 =	vld [tilespmem:s25+$0xF0]  }
0x1a4: {  	v16 =	vld [tilespmem:s26+$0x6EF0]  }
0x1a5: {  	v17 =	vld [tilespmem:s26+$0x6E00]  }
0x1a6: {  	v18 =	vld [tilespmem:s26+$0x6E10]  }
0x1a7: {  	v19 =	vld [tilespmem:s26+$0x6E20]  }
0x1a8: {  	v22 =	vld [tilespmem:s26+$0x6E50]  }
0x1a9: {  	v20 =	vld [tilespmem:s26+$0x6E30];
	v16 =	vadd.f32 v16, v15  }
0x1aa: {  	v21 =	vld [tilespmem:s26+$0x6E40];
	v17 =	vadd.f32 v17, v14  }
0x1ab: {  	v23 =	vld [tilespmem:s26+$0x6E60];
	[tilespmem:s26+$0xE6F0] =	vst v16;
	v16 =	vadd.f32 v18, v13  }
0x1ac: {  	v24 =	vld [tilespmem:s26+$0x6E70];
	[tilespmem:s26+$0xE600] =	vst v17;
	v17 =	vadd.f32 v19, v12  }
0x1ad: {  	v18 =	vadd.f32 v22, v9;
	[tilespmem:s26+$0xE610] =	vst v16  }
0x1ae: {  	v25 =	vld [tilespmem:s26+$0x6E80];
	v16 =	vadd.f32 v20, v11;
	[tilespmem:s26+$0xE620] =	vst v17  }
0x1af: {  	v20 =	vld [tilespmem:s26+$0x6E90];
	v17 =	vadd.f32 v21, v10;
	[tilespmem:s26+$0xE650] =	vst v18  }
0x1b0: {  	v19 =	vadd.f32 v23, v8;
	[tilespmem:s26+$0xE630] =	vst v16;
	v16 =	vld [tilespmem:s26+$0x6EA0]  }
0x1b1: {  	v21 =	vadd.f32 v24, v7;
	[tilespmem:s26+$0xE640] =	vst v17;
	v17 =	vld [tilespmem:s26+$0x6EB0]  }
0x1b2: {  	s24 =	smul.u32 $0x3C00, s24;
	v18 =	vld [tilespmem:s26+$0x6EC0];
	[tilespmem:s26+$0xE660] =	vst v19  }
0x1b3: {  	v19 =	vld [tilespmem:s26+$0x6ED0];
	[tilespmem:s26+$0xE670] =	vst v21;
	v21 =	vadd.f32 v25, v6  }
0x1b4: {  	s29 =	simm.s32 $0x800;
	s28 =	simm.s32 $0x100;
	s24 =	sadd.s32 s4, s24;
	v22 =	vadd.f32 v20, v5;
	v20 =	vld [tilespmem:s26+$0x6EE0]  }
.LBB2_13:
0x1b5: {  	p0 =	sne.s32 s29, $0x2C00;
	v23 =	vld [tilespmem:s28+$0x6EF0];
	[tilespmem:s26+$0xE680] =	vst v21;
	v16 =	vadd.f32 v16, v4  }
0x1b6: {  	v21 =	vld [tilespmem:s28+$0x6E00];
	[tilespmem:s26+$0xE690] =	vst v22;
	v17 =	vadd.f32 v17, v3  }
0x1b7: {  	v22 =	vld [tilespmem:s28+$0x6E10];
	[tilespmem:s26+$0xE6A0] =	vst v16;
	v16 =	vadd.f32 v18, v2  }
0x1b8: {  	v18 =	vld [tilespmem:s28+$0x6E20];
	[tilespmem:s26+$0xE6B0] =	vst v17;
	v17 =	vadd.f32 v19, v1  }
0x1b9: {  	v19 =	vld [tilespmem:s28+$0x6E30];
	[tilespmem:s26+$0xE6C0] =	vst v16;
	v16 =	vadd.f32 v20, v0  }
0x1ba: {  	v20 =	vld [tilespmem:s28+$0x6E40];
	v23 =	vadd.f32 v23, v15;
	[tilespmem:s26+$0xE6D0] =	vst v17  }
0x1bb: {  	v17 =	vadd.f32 v21, v14;
	v21 =	vld [tilespmem:s28+$0x6E50];
	[tilespmem:s26+$0xE6E0] =	vst v16;
	s26 =	smov.u32 s28  }
0x1bc: {  	v16 =	vadd.f32 v22, v13;
	v22 =	vld [tilespmem:s26+$0x6E60];
	[tilespmem:s26+$0xE6F0] =	vst v23  }
0x1bd: {  	[tilespmem:s26+$0xE600] =	vst v17;
	v17 =	vadd.f32 v18, v12;
	v18 =	vld [tilespmem:s26+$0x6E70]  }
0x1be: {  	[tilespmem:s26+$0xE610] =	vst v16;
	v16 =	vadd.f32 v19, v11;
	v19 =	vld [tilespmem:s26+$0x6E80]  }
0x1bf: {  	[tilespmem:s26+$0xE620] =	vst v17;
	v17 =	vadd.f32 v20, v10;
	v20 =	vld [tilespmem:s26+$0x6E90]  }
.Ltmp7:
0x1c0: {  	[tilespmem:s26+$0xE630] =	vst v16;
	v21 =	vadd.f32 v21, v9;
	v16 =	vld [tilespmem:s26+$0x6EA0];
	(pc) =	sbr.rel @p0 .LBB2_13-.Ltmp7, $4  }
0x1c1: {  	[tilespmem:s26+$0xE640] =	vst v17;
	v22 =	vadd.f32 v22, v8;
	v17 =	vld [tilespmem:s26+$0x6EB0]  }
0x1c2: {  	[tilespmem:s26+$0xE650] =	vst v21;
	v23 =	vadd.f32 v18, v7;
	v18 =	vld [tilespmem:s26+$0x6EC0]  }
0x1c3: {  	[tilespmem:s26+$0xE660] =	vst v22;
	v21 =	vadd.f32 v19, v6;
	v19 =	vld [tilespmem:s26+$0x6ED0]  }
0x1c4: {  	s28 =	sshra.s32 s29, $0x2;
	s29 =	sadd.s32 $0x400, s29;
	[tilespmem:s26+$0xE670] =	vst v23;
	v22 =	vadd.f32 v20, v5;
	v20 =	vld [tilespmem:s26+$0x6EE0]  }
0x1c5: {  	v23 =	vld [tilespmem:s28+$0x6EF0];
	[tilespmem:s26+$0xE680] =	vst v21;
	v16 =	vadd.f32 v16, v4  }
0x1c6: {  	v21 =	vld [tilespmem:s28+$0x6E00];
	[tilespmem:s26+$0xE690] =	vst v22;
	v17 =	vadd.f32 v17, v3  }
0x1c7: {  	v22 =	vld [tilespmem:s28+$0x6E10];
	[tilespmem:s26+$0xE6A0] =	vst v16;
	v18 =	vadd.f32 v18, v2  }
0x1c8: {  	v16 =	vld [tilespmem:s28+$0x6E20];
	[tilespmem:s26+$0xE6B0] =	vst v17;
	v19 =	vadd.f32 v19, v1  }
0x1c9: {  	v17 =	vld [tilespmem:s28+$0x6E30];
	[tilespmem:s26+$0xE6C0] =	vst v18;
	v20 =	vadd.f32 v20, v0  }
0x1ca: {  	v18 =	vld [tilespmem:s28+$0x6E40];
	[tilespmem:s26+$0xE6D0] =	vst v19;
	v15 =	vadd.f32 v23, v15  }
0x1cb: {  	v19 =	vld [tilespmem:s28+$0x6E50];
	[tilespmem:s26+$0xE6E0] =	vst v20;
	v14 =	vadd.f32 v21, v14  }
0x1cc: {  	v20 =	vld [tilespmem:s28+$0x6E60];
	[tilespmem:s28+$0xE6F0] =	vst v15;
	v13 =	vadd.f32 v22, v13  }
0x1cd: {  	[tilespmem:s28+$0xE600] =	vst v14;
	v14 =	vld [tilespmem:s28+$0x6E70];
	v12 =	vadd.f32 v16, v12  }
0x1ce: {  	[tilespmem:s28+$0xE610] =	vst v13;
	v13 =	vld [tilespmem:s28+$0x6E80];
	v11 =	vadd.f32 v17, v11  }
0x1cf: {  	[tilespmem:s28+$0xE620] =	vst v12;
	v12 =	vld [tilespmem:s28+$0x6E90];
	v10 =	vadd.f32 v18, v10  }
0x1d0: {  	[tilespmem:s28+$0xE630] =	vst v11;
	v11 =	vld [tilespmem:s28+$0x6EA0];
	v9 =	vadd.f32 v19, v9  }
0x1d1: {  	[tilespmem:s28+$0xE640] =	vst v10;
	v10 =	vld [tilespmem:s28+$0x6EB0];
	v8 =	vadd.f32 v20, v8  }
0x1d2: {  	[tilespmem:s28+$0xE650] =	vst v9;
	v9 =	vld [tilespmem:s28+$0x6EC0];
	v7 =	vadd.f32 v14, v7  }
0x1d3: {  	[tilespmem:s28+$0xE660] =	vst v8;
	v8 =	vld [tilespmem:s28+$0x6ED0];
	v6 =	vadd.f32 v13, v6  }
0x1d4: {  	[tilespmem:s28+$0xE670] =	vst v7;
	v5 =	vadd.f32 v12, v5;
	v7 =	vld [tilespmem:s28+$0x6EE0]  }
0x1d5: {  	[tilespmem:s28+$0xE680] =	vst v6;
	v4 =	vadd.f32 v11, v4  }
0x1d6: {  	[tilespmem:s28+$0xE690] =	vst v5;
	v3 =	vadd.f32 v10, v3  }
0x1d7: {  	[tilespmem:s28+$0xE6A0] =	vst v4;
	v2 =	vadd.f32 v9, v2  }
0x1d8: {  	[tilespmem:s28+$0xE6B0] =	vst v3;
	v1 =	vadd.f32 v8, v1  }
0x1d9: {  	[tilespmem:s28+$0xE6C0] =	vst v2;
	v0 =	vadd.f32 v7, v0  }
0x1da: {  	[tilespmem:s28+$0xE6D0] =	vst v1  }
0x1db: {  	[tilespmem:s28+$0xE6E0] =	vst v0  }
0x1dc: {  	v14 =	vld [tilespmem:s25+$0x100]  }
0x1dd: {  	v13 =	vld [tilespmem:s25+$0x110]  }
0x1de: {  	v12 =	vld [tilespmem:s25+$0x120]  }
0x1df: {  	v11 =	vld [tilespmem:s25+$0x130]  }
0x1e0: {  	v10 =	vld [tilespmem:s25+$0x140]  }
0x1e1: {  	v9 =	vld [tilespmem:s25+$0x150]  }
0x1e2: {  	v8 =	vld [tilespmem:s25+$0x160]  }
0x1e3: {  	v7 =	vld [tilespmem:s25+$0x170]  }
0x1e4: {  	v6 =	vld [tilespmem:s25+$0x180]  }
0x1e5: {  	v5 =	vld [tilespmem:s25+$0x190]  }
0x1e6: {  	v4 =	vld [tilespmem:s25+$0x1A0]  }
0x1e7: {  	v3 =	vld [tilespmem:s25+$0x1B0]  }
0x1e8: {  	v2 =	vld [tilespmem:s25+$0x1C0]  }
0x1e9: {  	v1 =	vld [tilespmem:s25+$0x1D0]  }
0x1ea: {  	v0 =	vld [tilespmem:s25+$0x1E0]  }
0x1eb: {  	s26 =	simm.s32 $0x0;
	v15 =	vld [tilespmem:s25+$0x1F0]  }
0x1ec: {  	v16 =	vld [tilespmem:s26+$0x7AF0]  }
0x1ed: {  	v17 =	vld [tilespmem:s26+$0x7A00]  }
0x1ee: {  	v18 =	vld [tilespmem:s26+$0x7A10]  }
0x1ef: {  	v19 =	vld [tilespmem:s26+$0x7A20]  }
0x1f0: {  	v22 =	vld [tilespmem:s26+$0x7A50]  }
0x1f1: {  	v20 =	vld [tilespmem:s26+$0x7A30];
	v16 =	vadd.f32 v16, v15  }
0x1f2: {  	v21 =	vld [tilespmem:s26+$0x7A40];
	v17 =	vadd.f32 v17, v14  }
0x1f3: {  	v23 =	vld [tilespmem:s26+$0x7A60];
	[tilespmem:s26+$0xF2F0] =	vst v16;
	v16 =	vadd.f32 v18, v13  }
0x1f4: {  	v24 =	vld [tilespmem:s26+$0x7A70];
	[tilespmem:s26+$0xF200] =	vst v17;
	v17 =	vadd.f32 v19, v12  }
0x1f5: {  	v18 =	vadd.f32 v22, v9;
	[tilespmem:s26+$0xF210] =	vst v16  }
0x1f6: {  	v25 =	vld [tilespmem:s26+$0x7A80];
	v16 =	vadd.f32 v20, v11;
	[tilespmem:s26+$0xF220] =	vst v17  }
0x1f7: {  	v20 =	vld [tilespmem:s26+$0x7A90];
	v17 =	vadd.f32 v21, v10;
	[tilespmem:s26+$0xF250] =	vst v18  }
0x1f8: {  	v19 =	vadd.f32 v23, v8;
	[tilespmem:s26+$0xF230] =	vst v16;
	v16 =	vld [tilespmem:s26+$0x7AA0]  }
0x1f9: {  	v21 =	vadd.f32 v24, v7;
	[tilespmem:s26+$0xF240] =	vst v17;
	v17 =	vld [tilespmem:s26+$0x7AB0]  }
0x1fa: {  	v18 =	vld [tilespmem:s26+$0x7AC0];
	[tilespmem:s26+$0xF260] =	vst v19  }
0x1fb: {  	v19 =	vld [tilespmem:s26+$0x7AD0];
	[tilespmem:s26+$0xF270] =	vst v21;
	v21 =	vadd.f32 v25, v6  }
0x1fc: {  	s29 =	simm.s32 $0x800;
	s28 =	simm.s32 $0x100;
	v22 =	vadd.f32 v20, v5;
	v20 =	vld [tilespmem:s26+$0x7AE0]  }
.LBB2_15:
0x1fd: {  	p0 =	sne.s32 s29, $0x2C00;
	v23 =	vld [tilespmem:s28+$0x7AF0];
	[tilespmem:s26+$0xF280] =	vst v21;
	v16 =	vadd.f32 v16, v4  }
0x1fe: {  	v21 =	vld [tilespmem:s28+$0x7A00];
	[tilespmem:s26+$0xF290] =	vst v22;
	v17 =	vadd.f32 v17, v3  }
0x1ff: {  	v22 =	vld [tilespmem:s28+$0x7A10];
	[tilespmem:s26+$0xF2A0] =	vst v16;
	v16 =	vadd.f32 v18, v2  }
0x200: {  	v18 =	vld [tilespmem:s28+$0x7A20];
	[tilespmem:s26+$0xF2B0] =	vst v17;
	v17 =	vadd.f32 v19, v1  }
0x201: {  	v19 =	vld [tilespmem:s28+$0x7A30];
	[tilespmem:s26+$0xF2C0] =	vst v16;
	v16 =	vadd.f32 v20, v0  }
0x202: {  	v20 =	vld [tilespmem:s28+$0x7A40];
	v23 =	vadd.f32 v23, v15;
	[tilespmem:s26+$0xF2D0] =	vst v17  }
0x203: {  	v17 =	vadd.f32 v21, v14;
	v21 =	vld [tilespmem:s28+$0x7A50];
	[tilespmem:s26+$0xF2E0] =	vst v16;
	s26 =	smov.u32 s28  }
0x204: {  	v16 =	vadd.f32 v22, v13;
	v22 =	vld [tilespmem:s26+$0x7A60];
	[tilespmem:s26+$0xF2F0] =	vst v23  }
0x205: {  	[tilespmem:s26+$0xF200] =	vst v17;
	v17 =	vadd.f32 v18, v12;
	v18 =	vld [tilespmem:s26+$0x7A70]  }
0x206: {  	[tilespmem:s26+$0xF210] =	vst v16;
	v16 =	vadd.f32 v19, v11;
	v19 =	vld [tilespmem:s26+$0x7A80]  }
0x207: {  	[tilespmem:s26+$0xF220] =	vst v17;
	v17 =	vadd.f32 v20, v10;
	v20 =	vld [tilespmem:s26+$0x7A90]  }
.Ltmp8:
0x208: {  	[tilespmem:s26+$0xF230] =	vst v16;
	v21 =	vadd.f32 v21, v9;
	v16 =	vld [tilespmem:s26+$0x7AA0];
	(pc) =	sbr.rel @p0 .LBB2_15-.Ltmp8, $4  }
0x209: {  	[tilespmem:s26+$0xF240] =	vst v17;
	v22 =	vadd.f32 v22, v8;
	v17 =	vld [tilespmem:s26+$0x7AB0]  }
0x20a: {  	[tilespmem:s26+$0xF250] =	vst v21;
	v23 =	vadd.f32 v18, v7;
	v18 =	vld [tilespmem:s26+$0x7AC0]  }
0x20b: {  	[tilespmem:s26+$0xF260] =	vst v22;
	v21 =	vadd.f32 v19, v6;
	v19 =	vld [tilespmem:s26+$0x7AD0]  }
0x20c: {  	s28 =	sshra.s32 s29, $0x2;
	s29 =	sadd.s32 $0x400, s29;
	[tilespmem:s26+$0xF270] =	vst v23;
	v22 =	vadd.f32 v20, v5;
	v20 =	vld [tilespmem:s26+$0x7AE0]  }
0x20d: {  	v23 =	vld [tilespmem:s28+$0x7AF0];
	[tilespmem:s26+$0xF280] =	vst v21;
	v16 =	vadd.f32 v16, v4  }
0x20e: {  	v21 =	vld [tilespmem:s28+$0x7A00];
	[tilespmem:s26+$0xF290] =	vst v22;
	v17 =	vadd.f32 v17, v3  }
0x20f: {  	v22 =	vld [tilespmem:s28+$0x7A10];
	[tilespmem:s26+$0xF2A0] =	vst v16;
	v18 =	vadd.f32 v18, v2  }
0x210: {  	v16 =	vld [tilespmem:s28+$0x7A20];
	[tilespmem:s26+$0xF2B0] =	vst v17;
	v19 =	vadd.f32 v19, v1  }
0x211: {  	v17 =	vld [tilespmem:s28+$0x7A30];
	[tilespmem:s26+$0xF2C0] =	vst v18;
	v20 =	vadd.f32 v20, v0  }
0x212: {  	v18 =	vld [tilespmem:s28+$0x7A40];
	[tilespmem:s26+$0xF2D0] =	vst v19;
	v15 =	vadd.f32 v23, v15  }
0x213: {  	v19 =	vld [tilespmem:s28+$0x7A50];
	[tilespmem:s26+$0xF2E0] =	vst v20;
	v14 =	vadd.f32 v21, v14  }
0x214: {  	v20 =	vld [tilespmem:s28+$0x7A60];
	[tilespmem:s28+$0xF2F0] =	vst v15;
	v13 =	vadd.f32 v22, v13  }
0x215: {  	[tilespmem:s28+$0xF200] =	vst v14;
	v14 =	vld [tilespmem:s28+$0x7A70];
	v12 =	vadd.f32 v16, v12  }
0x216: {  	[tilespmem:s28+$0xF210] =	vst v13;
	v13 =	vld [tilespmem:s28+$0x7A80];
	v11 =	vadd.f32 v17, v11  }
0x217: {  	[tilespmem:s28+$0xF220] =	vst v12;
	v12 =	vld [tilespmem:s28+$0x7A90];
	v10 =	vadd.f32 v18, v10  }
0x218: {  	[tilespmem:s28+$0xF230] =	vst v11;
	v11 =	vld [tilespmem:s28+$0x7AA0];
	v9 =	vadd.f32 v19, v9  }
0x219: {  	[tilespmem:s28+$0xF240] =	vst v10;
	v10 =	vld [tilespmem:s28+$0x7AB0];
	v8 =	vadd.f32 v20, v8  }
0x21a: {  	[tilespmem:s28+$0xF250] =	vst v9;
	v9 =	vld [tilespmem:s28+$0x7AC0];
	v7 =	vadd.f32 v14, v7  }
0x21b: {  	[tilespmem:s28+$0xF260] =	vst v8;
	v8 =	vld [tilespmem:s28+$0x7AD0];
	v6 =	vadd.f32 v13, v6  }
0x21c: {  	[tilespmem:s28+$0xF270] =	vst v7;
	v5 =	vadd.f32 v12, v5;
	v7 =	vld [tilespmem:s28+$0x7AE0]  }
0x21d: {  	[tilespmem:s28+$0xF280] =	vst v6;
	v4 =	vadd.f32 v11, v4  }
0x21e: {  	[tilespmem:s28+$0xF290] =	vst v5;
	v3 =	vadd.f32 v10, v3  }
0x21f: {  	[tilespmem:s28+$0xF2A0] =	vst v4;
	v2 =	vadd.f32 v9, v2  }
0x220: {  	[tilespmem:s28+$0xF2B0] =	vst v3;
	v1 =	vadd.f32 v8, v1  }
0x221: {  	[tilespmem:s28+$0xF2C0] =	vst v2;
	v0 =	vadd.f32 v7, v0  }
0x222: {  	[tilespmem:s28+$0xF2D0] =	vst v1  }
0x223: {  	[tilespmem:s28+$0xF2E0] =	vst v0  }
0x224: {  	v14 =	vld [tilespmem:s25+$0x200]  }
0x225: {  	v13 =	vld [tilespmem:s25+$0x210]  }
0x226: {  	v12 =	vld [tilespmem:s25+$0x220]  }
0x227: {  	v11 =	vld [tilespmem:s25+$0x230]  }
0x228: {  	v10 =	vld [tilespmem:s25+$0x240]  }
0x229: {  	v9 =	vld [tilespmem:s25+$0x250]  }
0x22a: {  	v8 =	vld [tilespmem:s25+$0x260]  }
0x22b: {  	v7 =	vld [tilespmem:s25+$0x270]  }
0x22c: {  	v6 =	vld [tilespmem:s25+$0x280]  }
0x22d: {  	v5 =	vld [tilespmem:s25+$0x290]  }
0x22e: {  	v4 =	vld [tilespmem:s25+$0x2A0]  }
0x22f: {  	v3 =	vld [tilespmem:s25+$0x2B0]  }
0x230: {  	v2 =	vld [tilespmem:s25+$0x2C0]  }
0x231: {  	v1 =	vld [tilespmem:s25+$0x2D0]  }
0x232: {  	v0 =	vld [tilespmem:s25+$0x2E0]  }
0x233: {  	s26 =	simm.s32 $0x0;
	v15 =	vld [tilespmem:s25+$0x2F0]  }
0x234: {  	v16 =	vld [tilespmem:s26+$0x86F0]  }
0x235: {  	v17 =	vld [tilespmem:s26+$0x8600]  }
0x236: {  	v18 =	vld [tilespmem:s26+$0x8610]  }
0x237: {  	v19 =	vld [tilespmem:s26+$0x8620]  }
0x238: {  	v22 =	vld [tilespmem:s26+$0x8650]  }
0x239: {  	v20 =	vld [tilespmem:s26+$0x8630];
	v16 =	vadd.f32 v16, v15  }
0x23a: {  	v21 =	vld [tilespmem:s26+$0x8640];
	v17 =	vadd.f32 v17, v14  }
0x23b: {  	v23 =	vld [tilespmem:s26+$0x8660];
	[tilespmem:s26+$0xFEF0] =	vst v16;
	v16 =	vadd.f32 v18, v13  }
0x23c: {  	v24 =	vld [tilespmem:s26+$0x8670];
	[tilespmem:s26+$0xFE00] =	vst v17;
	v17 =	vadd.f32 v19, v12  }
0x23d: {  	v18 =	vadd.f32 v22, v9;
	[tilespmem:s26+$0xFE10] =	vst v16  }
0x23e: {  	v25 =	vld [tilespmem:s26+$0x8680];
	v16 =	vadd.f32 v20, v11;
	[tilespmem:s26+$0xFE20] =	vst v17  }
0x23f: {  	v20 =	vld [tilespmem:s26+$0x8690];
	v17 =	vadd.f32 v21, v10;
	[tilespmem:s26+$0xFE50] =	vst v18  }
0x240: {  	v19 =	vadd.f32 v23, v8;
	[tilespmem:s26+$0xFE30] =	vst v16;
	v16 =	vld [tilespmem:s26+$0x86A0]  }
0x241: {  	v21 =	vadd.f32 v24, v7;
	[tilespmem:s26+$0xFE40] =	vst v17;
	v17 =	vld [tilespmem:s26+$0x86B0]  }
0x242: {  	v18 =	vld [tilespmem:s26+$0x86C0];
	[tilespmem:s26+$0xFE60] =	vst v19  }
0x243: {  	v19 =	vld [tilespmem:s26+$0x86D0];
	[tilespmem:s26+$0xFE70] =	vst v21;
	v21 =	vadd.f32 v25, v6  }
0x244: {  	s29 =	simm.s32 $0x800;
	s28 =	simm.s32 $0x100;
	v22 =	vadd.f32 v20, v5;
	v20 =	vld [tilespmem:s26+$0x86E0]  }
.LBB2_17:
0x245: {  	p0 =	sne.s32 s29, $0x2C00;
	v23 =	vld [tilespmem:s28+$0x86F0];
	[tilespmem:s26+$0xFE80] =	vst v21;
	v16 =	vadd.f32 v16, v4  }
0x246: {  	v21 =	vld [tilespmem:s28+$0x8600];
	[tilespmem:s26+$0xFE90] =	vst v22;
	v17 =	vadd.f32 v17, v3  }
0x247: {  	v22 =	vld [tilespmem:s28+$0x8610];
	[tilespmem:s26+$0xFEA0] =	vst v16;
	v16 =	vadd.f32 v18, v2  }
0x248: {  	v18 =	vld [tilespmem:s28+$0x8620];
	[tilespmem:s26+$0xFEB0] =	vst v17;
	v17 =	vadd.f32 v19, v1  }
0x249: {  	v19 =	vld [tilespmem:s28+$0x8630];
	[tilespmem:s26+$0xFEC0] =	vst v16;
	v16 =	vadd.f32 v20, v0  }
0x24a: {  	v20 =	vld [tilespmem:s28+$0x8640];
	v23 =	vadd.f32 v23, v15;
	[tilespmem:s26+$0xFED0] =	vst v17  }
0x24b: {  	v17 =	vadd.f32 v21, v14;
	v21 =	vld [tilespmem:s28+$0x8650];
	[tilespmem:s26+$0xFEE0] =	vst v16;
	s26 =	smov.u32 s28  }
0x24c: {  	v16 =	vadd.f32 v22, v13;
	v22 =	vld [tilespmem:s26+$0x8660];
	[tilespmem:s26+$0xFEF0] =	vst v23  }
0x24d: {  	[tilespmem:s26+$0xFE00] =	vst v17;
	v17 =	vadd.f32 v18, v12;
	v18 =	vld [tilespmem:s26+$0x8670]  }
0x24e: {  	[tilespmem:s26+$0xFE10] =	vst v16;
	v16 =	vadd.f32 v19, v11;
	v19 =	vld [tilespmem:s26+$0x8680]  }
0x24f: {  	[tilespmem:s26+$0xFE20] =	vst v17;
	v17 =	vadd.f32 v20, v10;
	v20 =	vld [tilespmem:s26+$0x8690]  }
.Ltmp9:
0x250: {  	[tilespmem:s26+$0xFE30] =	vst v16;
	v21 =	vadd.f32 v21, v9;
	v16 =	vld [tilespmem:s26+$0x86A0];
	(pc) =	sbr.rel @p0 .LBB2_17-.Ltmp9, $4  }
0x251: {  	[tilespmem:s26+$0xFE40] =	vst v17;
	v22 =	vadd.f32 v22, v8;
	v17 =	vld [tilespmem:s26+$0x86B0]  }
0x252: {  	[tilespmem:s26+$0xFE50] =	vst v21;
	v23 =	vadd.f32 v18, v7;
	v18 =	vld [tilespmem:s26+$0x86C0]  }
0x253: {  	[tilespmem:s26+$0xFE60] =	vst v22;
	v21 =	vadd.f32 v19, v6;
	v19 =	vld [tilespmem:s26+$0x86D0]  }
0x254: {  	s28 =	sshra.s32 s29, $0x2;
	s29 =	sadd.s32 $0x400, s29;
	[tilespmem:s26+$0xFE70] =	vst v23;
	v22 =	vadd.f32 v20, v5;
	v20 =	vld [tilespmem:s26+$0x86E0]  }
0x255: {  	v23 =	vld [tilespmem:s28+$0x86F0];
	[tilespmem:s26+$0xFE80] =	vst v21;
	v16 =	vadd.f32 v16, v4  }
0x256: {  	v21 =	vld [tilespmem:s28+$0x8600];
	[tilespmem:s26+$0xFE90] =	vst v22;
	v17 =	vadd.f32 v17, v3  }
0x257: {  	v22 =	vld [tilespmem:s28+$0x8610];
	[tilespmem:s26+$0xFEA0] =	vst v16;
	v18 =	vadd.f32 v18, v2  }
0x258: {  	v16 =	vld [tilespmem:s28+$0x8620];
	[tilespmem:s26+$0xFEB0] =	vst v17;
	v19 =	vadd.f32 v19, v1  }
0x259: {  	v17 =	vld [tilespmem:s28+$0x8630];
	[tilespmem:s26+$0xFEC0] =	vst v18;
	v20 =	vadd.f32 v20, v0  }
0x25a: {  	v18 =	vld [tilespmem:s28+$0x8640];
	[tilespmem:s26+$0xFED0] =	vst v19;
	v15 =	vadd.f32 v23, v15  }
0x25b: {  	v19 =	vld [tilespmem:s28+$0x8650];
	[tilespmem:s26+$0xFEE0] =	vst v20;
	v14 =	vadd.f32 v21, v14  }
0x25c: {  	v20 =	vld [tilespmem:s28+$0x8660];
	[tilespmem:s28+$0xFEF0] =	vst v15;
	v13 =	vadd.f32 v22, v13  }
0x25d: {  	[tilespmem:s28+$0xFE00] =	vst v14;
	v14 =	vld [tilespmem:s28+$0x8670];
	v12 =	vadd.f32 v16, v12  }
0x25e: {  	[tilespmem:s28+$0xFE10] =	vst v13;
	v13 =	vld [tilespmem:s28+$0x8680];
	v11 =	vadd.f32 v17, v11  }
0x25f: {  	[tilespmem:s28+$0xFE20] =	vst v12;
	v12 =	vld [tilespmem:s28+$0x8690];
	v10 =	vadd.f32 v18, v10  }
0x260: {  	[tilespmem:s28+$0xFE30] =	vst v11;
	v11 =	vld [tilespmem:s28+$0x86A0];
	v9 =	vadd.f32 v19, v9  }
0x261: {  	[tilespmem:s28+$0xFE40] =	vst v10;
	v10 =	vld [tilespmem:s28+$0x86B0];
	v8 =	vadd.f32 v20, v8  }
0x262: {  	[tilespmem:s28+$0xFE50] =	vst v9;
	v9 =	vld [tilespmem:s28+$0x86C0];
	v7 =	vadd.f32 v14, v7  }
0x263: {  	[tilespmem:s28+$0xFE60] =	vst v8;
	v8 =	vld [tilespmem:s28+$0x86D0];
	v6 =	vadd.f32 v13, v6  }
0x264: {  	[tilespmem:s28+$0xFE70] =	vst v7;
	v5 =	vadd.f32 v12, v5;
	v7 =	vld [tilespmem:s28+$0x86E0]  }
0x265: {  	[tilespmem:s28+$0xFE80] =	vst v6;
	v4 =	vadd.f32 v11, v4  }
0x266: {  	[tilespmem:s28+$0xFE90] =	vst v5;
	v3 =	vadd.f32 v10, v3  }
0x267: {  	[tilespmem:s28+$0xFEA0] =	vst v4;
	v2 =	vadd.f32 v9, v2  }
0x268: {  	[tilespmem:s28+$0xFEB0] =	vst v3;
	v1 =	vadd.f32 v8, v1  }
0x269: {  	[tilespmem:s28+$0xFEC0] =	vst v2;
	v0 =	vadd.f32 v7, v0  }
0x26a: {  	[tilespmem:s28+$0xFED0] =	vst v1  }
0x26b: {  	[tilespmem:s28+$0xFEE0] =	vst v0  }
0x26c: {  	v14 =	vld [tilespmem:s25+$0x300]  }
0x26d: {  	v13 =	vld [tilespmem:s25+$0x310]  }
0x26e: {  	v12 =	vld [tilespmem:s25+$0x320]  }
0x26f: {  	v11 =	vld [tilespmem:s25+$0x330]  }
0x270: {  	v10 =	vld [tilespmem:s25+$0x340]  }
0x271: {  	v9 =	vld [tilespmem:s25+$0x350]  }
0x272: {  	v8 =	vld [tilespmem:s25+$0x360]  }
0x273: {  	v7 =	vld [tilespmem:s25+$0x370]  }
0x274: {  	v6 =	vld [tilespmem:s25+$0x380]  }
0x275: {  	v5 =	vld [tilespmem:s25+$0x390]  }
0x276: {  	v4 =	vld [tilespmem:s25+$0x3A0]  }
0x277: {  	v3 =	vld [tilespmem:s25+$0x3B0]  }
0x278: {  	v2 =	vld [tilespmem:s25+$0x3C0]  }
0x279: {  	v1 =	vld [tilespmem:s25+$0x3D0]  }
0x27a: {  	v0 =	vld [tilespmem:s25+$0x3E0]  }
0x27b: {  	s26 =	simm.s32 $0x0;
	v15 =	vld [tilespmem:s25+$0x3F0]  }
0x27c: {  	v16 =	vld [tilespmem:s26+$0x92F0]  }
0x27d: {  	v17 =	vld [tilespmem:s26+$0x9200]  }
0x27e: {  	v18 =	vld [tilespmem:s26+$0x9210]  }
0x27f: {  	v19 =	vld [tilespmem:s26+$0x9220]  }
0x280: {  	v22 =	vld [tilespmem:s26+$0x9250]  }
0x281: {  	v20 =	vld [tilespmem:s26+$0x9230];
	v16 =	vadd.f32 v16, v15  }
0x282: {  	v21 =	vld [tilespmem:s26+$0x9240];
	v17 =	vadd.f32 v17, v14  }
0x283: {  	v23 =	vld [tilespmem:s26+$0x9260];
	[tilespmem:s26+$0x10AF0] =	vst v16;
	v16 =	vadd.f32 v18, v13  }
0x284: {  	v24 =	vld [tilespmem:s26+$0x9270];
	[tilespmem:s26+$0x10A00] =	vst v17;
	v17 =	vadd.f32 v19, v12  }
0x285: {  	v18 =	vadd.f32 v22, v9;
	[tilespmem:s26+$0x10A10] =	vst v16  }
0x286: {  	v25 =	vld [tilespmem:s26+$0x9280];
	v16 =	vadd.f32 v20, v11;
	[tilespmem:s26+$0x10A20] =	vst v17  }
0x287: {  	v20 =	vld [tilespmem:s26+$0x9290];
	v17 =	vadd.f32 v21, v10;
	[tilespmem:s26+$0x10A50] =	vst v18  }
0x288: {  	v19 =	vadd.f32 v23, v8;
	[tilespmem:s26+$0x10A30] =	vst v16;
	v16 =	vld [tilespmem:s26+$0x92A0]  }
0x289: {  	v21 =	vadd.f32 v24, v7;
	[tilespmem:s26+$0x10A40] =	vst v17;
	v17 =	vld [tilespmem:s26+$0x92B0]  }
0x28a: {  	v18 =	vld [tilespmem:s26+$0x92C0];
	[tilespmem:s26+$0x10A60] =	vst v19  }
0x28b: {  	v19 =	vld [tilespmem:s26+$0x92D0];
	[tilespmem:s26+$0x10A70] =	vst v21;
	v21 =	vadd.f32 v25, v6  }
0x28c: {  	s29 =	simm.s32 $0x800;
	s28 =	simm.s32 $0x100;
	v22 =	vadd.f32 v20, v5;
	v20 =	vld [tilespmem:s26+$0x92E0]  }
.LBB2_19:
0x28d: {  	p0 =	sne.s32 s29, $0x2C00;
	v23 =	vld [tilespmem:s28+$0x92F0];
	[tilespmem:s26+$0x10A80] =	vst v21;
	v16 =	vadd.f32 v16, v4  }
0x28e: {  	v21 =	vld [tilespmem:s28+$0x9200];
	[tilespmem:s26+$0x10A90] =	vst v22;
	v17 =	vadd.f32 v17, v3  }
0x28f: {  	v22 =	vld [tilespmem:s28+$0x9210];
	[tilespmem:s26+$0x10AA0] =	vst v16;
	v16 =	vadd.f32 v18, v2  }
0x290: {  	v18 =	vld [tilespmem:s28+$0x9220];
	[tilespmem:s26+$0x10AB0] =	vst v17;
	v17 =	vadd.f32 v19, v1  }
0x291: {  	v19 =	vld [tilespmem:s28+$0x9230];
	[tilespmem:s26+$0x10AC0] =	vst v16;
	v16 =	vadd.f32 v20, v0  }
0x292: {  	v20 =	vld [tilespmem:s28+$0x9240];
	v23 =	vadd.f32 v23, v15;
	[tilespmem:s26+$0x10AD0] =	vst v17  }
0x293: {  	v17 =	vadd.f32 v21, v14;
	v21 =	vld [tilespmem:s28+$0x9250];
	[tilespmem:s26+$0x10AE0] =	vst v16;
	s26 =	smov.u32 s28  }
0x294: {  	v16 =	vadd.f32 v22, v13;
	v22 =	vld [tilespmem:s26+$0x9260];
	[tilespmem:s26+$0x10AF0] =	vst v23  }
0x295: {  	[tilespmem:s26+$0x10A00] =	vst v17;
	v17 =	vadd.f32 v18, v12;
	v18 =	vld [tilespmem:s26+$0x9270]  }
0x296: {  	[tilespmem:s26+$0x10A10] =	vst v16;
	v16 =	vadd.f32 v19, v11;
	v19 =	vld [tilespmem:s26+$0x9280]  }
0x297: {  	[tilespmem:s26+$0x10A20] =	vst v17;
	v17 =	vadd.f32 v20, v10;
	v20 =	vld [tilespmem:s26+$0x9290]  }
.Ltmp10:
0x298: {  	[tilespmem:s26+$0x10A30] =	vst v16;
	v21 =	vadd.f32 v21, v9;
	v16 =	vld [tilespmem:s26+$0x92A0];
	(pc) =	sbr.rel @p0 .LBB2_19-.Ltmp10, $4  }
0x299: {  	[tilespmem:s26+$0x10A40] =	vst v17;
	v22 =	vadd.f32 v22, v8;
	v17 =	vld [tilespmem:s26+$0x92B0]  }
0x29a: {  	[tilespmem:s26+$0x10A50] =	vst v21;
	v23 =	vadd.f32 v18, v7;
	v18 =	vld [tilespmem:s26+$0x92C0]  }
0x29b: {  	[tilespmem:s26+$0x10A60] =	vst v22;
	v21 =	vadd.f32 v19, v6;
	v19 =	vld [tilespmem:s26+$0x92D0]  }
0x29c: {  	s28 =	sshra.s32 s29, $0x2;
	s29 =	sadd.s32 $0x400, s29;
	[tilespmem:s26+$0x10A70] =	vst v23;
	v22 =	vadd.f32 v20, v5;
	v20 =	vld [tilespmem:s26+$0x92E0]  }
0x29d: {  	v23 =	vld [tilespmem:s28+$0x92F0];
	[tilespmem:s26+$0x10A80] =	vst v21;
	v16 =	vadd.f32 v16, v4  }
0x29e: {  	v21 =	vld [tilespmem:s28+$0x9200];
	[tilespmem:s26+$0x10A90] =	vst v22;
	v17 =	vadd.f32 v17, v3  }
0x29f: {  	v22 =	vld [tilespmem:s28+$0x9210];
	[tilespmem:s26+$0x10AA0] =	vst v16;
	v18 =	vadd.f32 v18, v2  }
0x2a0: {  	v16 =	vld [tilespmem:s28+$0x9220];
	[tilespmem:s26+$0x10AB0] =	vst v17;
	v19 =	vadd.f32 v19, v1  }
0x2a1: {  	v17 =	vld [tilespmem:s28+$0x9230];
	[tilespmem:s26+$0x10AC0] =	vst v18;
	v20 =	vadd.f32 v20, v0  }
0x2a2: {  	v18 =	vld [tilespmem:s28+$0x9240];
	[tilespmem:s26+$0x10AD0] =	vst v19;
	v15 =	vadd.f32 v23, v15  }
0x2a3: {  	v19 =	vld [tilespmem:s28+$0x9250];
	[tilespmem:s26+$0x10AE0] =	vst v20;
	v14 =	vadd.f32 v21, v14  }
0x2a4: {  	v20 =	vld [tilespmem:s28+$0x9260];
	[tilespmem:s28+$0x10AF0] =	vst v15;
	v13 =	vadd.f32 v22, v13  }
0x2a5: {  	[tilespmem:s28+$0x10A00] =	vst v14;
	v14 =	vld [tilespmem:s28+$0x9270];
	v12 =	vadd.f32 v16, v12  }
0x2a6: {  	[tilespmem:s28+$0x10A10] =	vst v13;
	v13 =	vld [tilespmem:s28+$0x9280];
	v11 =	vadd.f32 v17, v11  }
0x2a7: {  	[tilespmem:s28+$0x10A20] =	vst v12;
	v12 =	vld [tilespmem:s28+$0x9290];
	v10 =	vadd.f32 v18, v10  }
0x2a8: {  	[tilespmem:s28+$0x10A30] =	vst v11;
	v11 =	vld [tilespmem:s28+$0x92A0];
	v9 =	vadd.f32 v19, v9  }
0x2a9: {  	[tilespmem:s28+$0x10A40] =	vst v10;
	v10 =	vld [tilespmem:s28+$0x92B0];
	v8 =	vadd.f32 v20, v8  }
0x2aa: {  	[tilespmem:s28+$0x10A50] =	vst v9;
	v9 =	vld [tilespmem:s28+$0x92C0];
	v7 =	vadd.f32 v14, v7  }
0x2ab: {  	[tilespmem:s28+$0x10A60] =	vst v8;
	v8 =	vld [tilespmem:s28+$0x92D0];
	v6 =	vadd.f32 v13, v6  }
0x2ac: {  	[tilespmem:s28+$0x10A70] =	vst v7;
	v5 =	vadd.f32 v12, v5;
	v7 =	vld [tilespmem:s28+$0x92E0]  }
0x2ad: {  	[tilespmem:s28+$0x10A80] =	vst v6;
	v4 =	vadd.f32 v11, v4  }
0x2ae: {  	[tilespmem:s28+$0x10A90] =	vst v5;
	v3 =	vadd.f32 v10, v3  }
0x2af: {  	[tilespmem:s28+$0x10AA0] =	vst v4;
	v2 =	vadd.f32 v9, v2  }
0x2b0: {  	[tilespmem:s28+$0x10AB0] =	vst v3;
	v1 =	vadd.f32 v8, v1  }
0x2b1: {  	[tilespmem:s28+$0x10AC0] =	vst v2;
	v0 =	vadd.f32 v7, v0  }
0x2b2: {  	[tilespmem:s28+$0x10AD0] =	vst v1  }
0x2b3: {  	[tilespmem:s28+$0x10AE0] =	vst v0  }
0x2b4: {  	v14 =	vld [tilespmem:s25+$0x400]  }
0x2b5: {  	v13 =	vld [tilespmem:s25+$0x410]  }
0x2b6: {  	v12 =	vld [tilespmem:s25+$0x420]  }
0x2b7: {  	v11 =	vld [tilespmem:s25+$0x430]  }
0x2b8: {  	v10 =	vld [tilespmem:s25+$0x440]  }
0x2b9: {  	v9 =	vld [tilespmem:s25+$0x450]  }
0x2ba: {  	v8 =	vld [tilespmem:s25+$0x460]  }
0x2bb: {  	v7 =	vld [tilespmem:s25+$0x470]  }
0x2bc: {  	v6 =	vld [tilespmem:s25+$0x480]  }
0x2bd: {  	v5 =	vld [tilespmem:s25+$0x490]  }
0x2be: {  	v4 =	vld [tilespmem:s25+$0x4A0]  }
0x2bf: {  	v3 =	vld [tilespmem:s25+$0x4B0]  }
0x2c0: {  	v2 =	vld [tilespmem:s25+$0x4C0]  }
0x2c1: {  	v1 =	vld [tilespmem:s25+$0x4D0]  }
0x2c2: {  	v0 =	vld [tilespmem:s25+$0x4E0]  }
0x2c3: {  	v15 =	vld [tilespmem:s25+$0x4F0];
	s25 =	simm.s32 $0x0  }
0x2c4: {  	v16 =	vld [tilespmem:s25+$0x9EF0]  }
0x2c5: {  	v17 =	vld [tilespmem:s25+$0x9E00]  }
0x2c6: {  	v18 =	vld [tilespmem:s25+$0x9E10]  }
0x2c7: {  	v19 =	vld [tilespmem:s25+$0x9E20]  }
0x2c8: {  	v22 =	vld [tilespmem:s25+$0x9E50]  }
0x2c9: {  	v20 =	vld [tilespmem:s25+$0x9E30];
	v16 =	vadd.f32 v16, v15  }
0x2ca: {  	v21 =	vld [tilespmem:s25+$0x9E40];
	v17 =	vadd.f32 v17, v14  }
0x2cb: {  	v23 =	vld [tilespmem:s25+$0x9E60];
	[tilespmem:s25+$0x116F0] =	vst v16;
	v16 =	vadd.f32 v18, v13  }
0x2cc: {  	v24 =	vld [tilespmem:s25+$0x9E70];
	[tilespmem:s25+$0x11600] =	vst v17;
	v17 =	vadd.f32 v19, v12  }
0x2cd: {  	v18 =	vadd.f32 v22, v9;
	[tilespmem:s25+$0x11610] =	vst v16  }
0x2ce: {  	v25 =	vld [tilespmem:s25+$0x9E80];
	v16 =	vadd.f32 v20, v11;
	[tilespmem:s25+$0x11620] =	vst v17  }
0x2cf: {  	v20 =	vld [tilespmem:s25+$0x9E90];
	v17 =	vadd.f32 v21, v10;
	[tilespmem:s25+$0x11650] =	vst v18  }
0x2d0: {  	v19 =	vadd.f32 v23, v8;
	[tilespmem:s25+$0x11630] =	vst v16;
	v16 =	vld [tilespmem:s25+$0x9EA0]  }
0x2d1: {  	v21 =	vadd.f32 v24, v7;
	[tilespmem:s25+$0x11640] =	vst v17;
	v17 =	vld [tilespmem:s25+$0x9EB0]  }
0x2d2: {  	v18 =	vld [tilespmem:s25+$0x9EC0];
	[tilespmem:s25+$0x11660] =	vst v19  }
0x2d3: {  	v19 =	vld [tilespmem:s25+$0x9ED0];
	[tilespmem:s25+$0x11670] =	vst v21;
	v21 =	vadd.f32 v25, v6  }
0x2d4: {  	s26 =	simm.s32 $0x100;
	s28 =	simm.s32 $0x800;
	v22 =	vadd.f32 v20, v5;
	v20 =	vld [tilespmem:s25+$0x9EE0]  }
.LBB2_21:
0x2d5: {  	p0 =	sne.s32 s28, $0x2C00;
	v23 =	vld [tilespmem:s26+$0x9EF0];
	[tilespmem:s25+$0x11680] =	vst v21;
	v16 =	vadd.f32 v16, v4  }
0x2d6: {  	v21 =	vld [tilespmem:s26+$0x9E00];
	[tilespmem:s25+$0x11690] =	vst v22;
	v17 =	vadd.f32 v17, v3  }
0x2d7: {  	v22 =	vld [tilespmem:s26+$0x9E10];
	[tilespmem:s25+$0x116A0] =	vst v16;
	v16 =	vadd.f32 v18, v2  }
0x2d8: {  	v18 =	vld [tilespmem:s26+$0x9E20];
	[tilespmem:s25+$0x116B0] =	vst v17;
	v17 =	vadd.f32 v19, v1  }
0x2d9: {  	v19 =	vld [tilespmem:s26+$0x9E30];
	[tilespmem:s25+$0x116C0] =	vst v16;
	v16 =	vadd.f32 v20, v0  }
0x2da: {  	v20 =	vld [tilespmem:s26+$0x9E40];
	v23 =	vadd.f32 v23, v15;
	[tilespmem:s25+$0x116D0] =	vst v17  }
0x2db: {  	v17 =	vadd.f32 v21, v14;
	v21 =	vld [tilespmem:s26+$0x9E50];
	[tilespmem:s25+$0x116E0] =	vst v16;
	s25 =	smov.u32 s26  }
0x2dc: {  	v16 =	vadd.f32 v22, v13;
	v22 =	vld [tilespmem:s25+$0x9E60];
	[tilespmem:s25+$0x116F0] =	vst v23  }
0x2dd: {  	[tilespmem:s25+$0x11600] =	vst v17;
	v17 =	vadd.f32 v18, v12;
	v18 =	vld [tilespmem:s25+$0x9E70]  }
0x2de: {  	[tilespmem:s25+$0x11610] =	vst v16;
	v16 =	vadd.f32 v19, v11;
	v19 =	vld [tilespmem:s25+$0x9E80]  }
0x2df: {  	[tilespmem:s25+$0x11620] =	vst v17;
	v17 =	vadd.f32 v20, v10;
	v20 =	vld [tilespmem:s25+$0x9E90]  }
.Ltmp11:
0x2e0: {  	[tilespmem:s25+$0x11630] =	vst v16;
	v21 =	vadd.f32 v21, v9;
	v16 =	vld [tilespmem:s25+$0x9EA0];
	(pc) =	sbr.rel @p0 .LBB2_21-.Ltmp11, $4  }
0x2e1: {  	[tilespmem:s25+$0x11640] =	vst v17;
	v22 =	vadd.f32 v22, v8;
	v17 =	vld [tilespmem:s25+$0x9EB0]  }
0x2e2: {  	[tilespmem:s25+$0x11650] =	vst v21;
	v23 =	vadd.f32 v18, v7;
	v18 =	vld [tilespmem:s25+$0x9EC0]  }
0x2e3: {  	[tilespmem:s25+$0x11660] =	vst v22;
	v21 =	vadd.f32 v19, v6;
	v19 =	vld [tilespmem:s25+$0x9ED0]  }
0x2e4: {  	s26 =	sshra.s32 s28, $0x2;
	s28 =	sadd.s32 $0x400, s28;
	[tilespmem:s25+$0x11670] =	vst v23;
	v22 =	vadd.f32 v20, v5;
	v20 =	vld [tilespmem:s25+$0x9EE0]  }
0x2e5: {  	v23 =	vld [tilespmem:s26+$0x9EF0];
	[tilespmem:s25+$0x11680] =	vst v21;
	v16 =	vadd.f32 v16, v4  }
0x2e6: {  	v21 =	vld [tilespmem:s26+$0x9E00];
	[tilespmem:s25+$0x11690] =	vst v22;
	v17 =	vadd.f32 v17, v3  }
0x2e7: {  	v22 =	vld [tilespmem:s26+$0x9E10];
	[tilespmem:s25+$0x116A0] =	vst v16;
	v18 =	vadd.f32 v18, v2  }
0x2e8: {  	v16 =	vld [tilespmem:s26+$0x9E20];
	[tilespmem:s25+$0x116B0] =	vst v17;
	v19 =	vadd.f32 v19, v1  }
0x2e9: {  	v17 =	vld [tilespmem:s26+$0x9E30];
	[tilespmem:s25+$0x116C0] =	vst v18;
	v20 =	vadd.f32 v20, v0  }
0x2ea: {  	v18 =	vld [tilespmem:s26+$0x9E40];
	[tilespmem:s25+$0x116D0] =	vst v19;
	v15 =	vadd.f32 v23, v15  }
0x2eb: {  	v19 =	vld [tilespmem:s26+$0x9E50];
	[tilespmem:s25+$0x116E0] =	vst v20;
	v14 =	vadd.f32 v21, v14  }
0x2ec: {  	v20 =	vld [tilespmem:s26+$0x9E60];
	[tilespmem:s26+$0x116F0] =	vst v15;
	v13 =	vadd.f32 v22, v13  }
0x2ed: {  	v51 =	vld [tilespmem:s26+$0x9E70];
	[tilespmem:s26+$0x11600] =	vst v14;
	v12 =	vadd.f32 v16, v12  }
0x2ee: {  	v52 =	vld [tilespmem:s26+$0x9E80];
	[tilespmem:s26+$0x11610] =	vst v13;
	v11 =	vadd.f32 v17, v11  }
0x2ef: {  	v53 =	vld [tilespmem:s26+$0x9E90];
	[tilespmem:s26+$0x11620] =	vst v12;
	v10 =	vadd.f32 v18, v10  }
0x2f0: {  	v54 =	vld [tilespmem:s26+$0x9EA0];
	[tilespmem:s26+$0x11630] =	vst v11;
	v9 =	vadd.f32 v19, v9  }
0x2f1: {  	v55 =	vld [tilespmem:s26+$0x9EB0];
	[tilespmem:s26+$0x11640] =	vst v10;
	v8 =	vadd.f32 v20, v8  }
0x2f2: {  	v56 =	vld [tilespmem:s26+$0x9EC0];
	v7 =	vadd.f32 v51, v7;
	[tilespmem:s26+$0x11650] =	vst v9  }
0x2f3: {  	v57 =	vld [tilespmem:s26+$0x9ED0];
	v6 =	vadd.f32 v52, v6;
	[tilespmem:s26+$0x11660] =	vst v8  }
0x2f4: {  	v58 =	vld [tilespmem:s26+$0x9EE0];
	v5 =	vadd.f32 v53, v5;
	[tilespmem:s26+$0x11670] =	vst v7  }
0x2f5: {  	v59 =	vadd.f32 v54, v4;
	[tilespmem:s26+$0x11680] =	vst v6  }
0x2f6: {  	v60 =	vadd.f32 v55, v3;
	[tilespmem:s26+$0x11690] =	vst v5  }
0x2f7: {  	v61 =	vadd.f32 v56, v2;
	[tilespmem:s26+$0x116A0] =	vst v59  }
.Ltmp12:
0x2f8: {  	v62 =	vadd.f32 v57, v1;
	[tilespmem:s26+$0x116B0] =	vst v60;
	(pc) =	sbr.rel @p1 .LBB2_24-.Ltmp12, $4  }
0x2f9: {  	v63 =	vadd.f32 v58, v0;
	[tilespmem:s26+$0x116C0] =	vst v61  }
0x2fa: {  	s24 =	sshrl.u32 s24, $0x3;
	[tilespmem:s26+$0x116D0] =	vst v62  }
0x2fb: {  	s24 =	sadd.s32 s6, s24;
	[tilespmem:s26+$0x116E0] =	vst v63  }
0x2fc: {  	[hbm4b:s24+s3] =	stream.linear.scatter [tilespmem:s18], [sflag:$0x4], $0x3C00, $0x38;
	[tilespmem:$0x12200] =	vst v63  }
.Ltmp13:
0x2fd: {  	(pc) =	sbr.rel .LBB2_2-.Ltmp13, $4  }
0x2fe: {  	s23 =	sadd.s32 s23, s10  }
0x2ff: {  	s23 =	sshrl.u32 s23, $0x3  }
0x300: {  	s22 =	sadd.s32 $0x1, s22;
	s23 =	sadd.s32 s2, s23  }
0x301: {  	[tilespmem:s14], [sflag:$0x2] =	stream.linear.gather [hbm4b:s23+s3], $0x3C00, $0x38;
	[tilespmem:$0x12200] =	vst v63  }
.LBB2_25:
0x302: {  	_ =	sfence.sel $0x180000  }
0x303: {  	[bflag:$0x0] =	sbarrier.arrive $0xFFFF  }
0x304: {  	p0 =	sne.s32 s0, $0x0;
	_ =	strace $0x90000047  }
0x305: {  	s0 =	sadd.s32 @!p0 $0x100000, s1;
	[bflag:$0x2] =	sbarrier.arrive $0xFFFF  }
0x306: {  	[sflag:s0] =	ssyncadd.tile.s32 @!p0 $0x1;
	_ =	shalt  }
.Lfunc_end2:
_tile_overlayer_lowered:
.L_overlay_start_2:
0x307: {  	(tag) =	ssettag $0x2  }
0x308: {  	s0 =	rddreg [dreg:$0x0];
	s2 =	stileid.u32  }
0x309: {  	s1 =	rddreg [dreg:$0x1];
	p0 =	sne.s32 s2, $0x0  }
0x30a: {  	s3 =	rddreg [dreg:$0x2];
	[bflag:$0x3] =	sbarrier.arrive $0xFFFF;
	s2 =	simm.s32 @!p0 $0x1C05  }
0x30b: {  	[timem:s3], [sflag:s2] =	dma.local @!p0 [hbm:s0], s1  }
0x30c: {  	s0 =	simm.s32 @!p0 $0x5  }
0x30d: {  	_ =	swait.ge @!p0 [sflag:s0], s1  }
0x30e: {  	s1 =	ssub.s32 @!p0 $0x0, s1;
	[sflag:s0] =	ssyncset.done @!p0 $0x0  }
0x30f: {  	[sflag:s0] =	ssyncadd.s32 @!p0 s1  }
0x310: {  	[bflag:$0x3] =	sbarrier.arrive $0xFFFF  }
0x311: {  	_ =	shalt  }

// kernel: sparse-core-data-format-call.cloned.1.call-start
scs
called_computation_lowered:
.L_overlay_start_0:
0x0: {  	s2 =	sld [smem:$0x3FD9]  }
0x1: {  	s3 =	sld [smem:$0x3FFE];
	_ =	sdelay $0x1  }
0x2: {  	s1 =	srdreg.scid  }
0x3: {  	s0 =	sand.u32 $0x1, s1  }
0x4: {  	s18 =	sshll.u32 s0, $0xA;
	s2 =	sadd.s32 s3, s2  }
0x5: {  	s2 =	sadd.s32 s2, s18  }
0x6: {  	[smem:$0x3FC6] =	sst s2  }
0x7: {  	_ = 	snop  }
0x8: {  	s2 =	sld [smem:$0x3FD0];
	(tm) =	ssettm $0x1  }
0x9: {  	s19 =	sld [smem:$0x3FFB];
	_ =	sdelay $0x3  }
0xa: {  	_ =	strace s19  }
0xb: {  	s3 =	sld [smem:$0x3FFC];
	_ =	sdelay $0x3  }
0xc: {  	_ =	strace s3  }
0xd: {  	s3 =	sld [smem:$0x3FFD];
	_ =	sdelay $0x3  }
0xe: {  	_ =	strace s3  }
0xf: {  	_ =	strace $0x8FFFFFFF  }
0x10: {  	s20 =	sld [smem:$0x3FDB];
	_ =	sdelay $0x1  }
0x11: {  	s4 =	simm.s32 $_scs_section_size  }
0x12: {  	s5 =	simm.s32 $_size__tile_overlayer_lowered;
	s6 =	simm.s32 $_tile_overlayer_lowered  }
0x13: {  	s23 =	simm.s32 $0x1BFF;
	s22 =	sshll.u32 s6, $0x1;
	s3 =	sadd.s32 s4, s20  }
0x14: {  	s7 =	simm.s32 $0x0;
	s21 =	sshll.u32 s5, $0x1;
	s5 =	sadd.s32 s22, s3  }
0x15: {  	[timem:s7], [sflag:s23] =	dma.local [hbm:s5], s21  }
0x16: {  	_ =	swait.ge [sflag:s23], s21  }
0x17: {  	s4 =	ssub.s32 $0x0, s21;
	[sflag:s23] =	ssyncset.done $0x0  }
0x18: {  	[sflag:s23] =	ssyncadd.s32 s4;
	_ =	sdelay $0x1  }
0x19: {  	s24 =	simm.s32 $0x1B8B  }
0x1a: {  	_ =	swait.ge [sflag:s24], $0x1  }
0x1b: {  	[sflag:s24] =	ssyncset.done $0x0  }
0x1c: {  	s26 =	simm.s32 $0x1B8E;
	s25 =	sld [smem:$0x3FFE];
	[sflag:s24] =	ssyncadd.s32 $0xFFFFFFFF  }
0x1d: {  	s27 =	simm.s32 $execute0_lowered;
	[smem:$0x3FD2] =	sst s26  }
0x1e: {  	s5 =	sshll.u32 s27, $0x1;
	_ =	strace $0x80000049;
	[dreg:$0x1] =	wrdreg $0xFFFFFFFF  }
0x1f: {  	s28 =	simm.s32 $_size_execute0_lowered;
	s3 =	sadd.s32 s3, s5;
	[dreg:$0x0] =	wrdreg $0x0  }
0x20: {  	s5 =	sshll.u32 s28, $0x1;
	[dreg:$0x2] =	wrdreg s3  }
0x21: {  	[dreg:$0x3] =	wrdreg s5  }
0x22: {  	[dreg:$0x4] =	wrdreg $0xC0  }
0x23: {  	_ =	task [dreg:s7], $0x5FFFF  }
0x24: {  	[dreg:$0x1] =	wrdreg $0xFFFFFFFF  }
0x25: {  	[dreg:$0x0] =	wrdreg $0x60  }
0x26: {  	[dreg:$0x2] =	wrdreg s25  }
0x27: {  	[dreg:$0x3] =	wrdreg s2  }
0x28: {  	[dreg:$0x4] =	wrdreg $0x9  }
0x29: {  	_ =	task.clear_ibuf [dreg:s7], $0x5FFFF;
	_ =	strace $0x90000049  }
0x2a: {  	s29 =	simm.s32 $0x9;
	_ =	strace $0x8000004B  }
0x2b: {  	_ =	swait.ge [sflag:s29], $0x1  }
0x2c: {  	[sflag:s29] =	ssyncadd.s32 $0xFFFFFFFF  }
0x2d: {  	_ =	strace $0x9000004B  }
0x2e: {  	_ =	sfence  }
0x2f: {  	s30 =	sld [smem:$0x0];
	_ =	sdelay $0x2  }
0x30: {  	s31 =	sshll.u32 s1, $0xD;
	s1 =	sshrl.u32 s1, $0x2  }
0x31: {  	s3 =	sand.u32 $0x4000, s31;
	s1 =	sadd.s32 s1, s30  }
0x32: {  	s0 =	sor.u32 s3, s0;
	s1 =	sshll.u32 s1, $0x11  }
0x33: {  	s0 =	sor.u32 s1, s0  }
0x34: {  	s0 =	sadd.s32 $0x8F2B, s0  }
0x35: {  	[sflag:s0] =	ssyncadd.remote.s32 $0x1  }
0x36: {  	_ =	sfence.sel $0xFFFF  }
0x37: {  	[dreg:$0x0] =	wrdreg $0xFFFFFFFF;
	(pc) =	sbr.abs _section_cstart, $3  }
0x38: {  	[dreg:$0x1] =	wrdreg $0xFFFFFFFF  }
0x39: {  	_ =	task.clear_ibuf [dreg:s7], $0x2FFFF;
	_ =	strace $0x9FFFFFFF  }
0x3a: {  	(tm) =	ssettm $0x7FFFFFFF  }
0x3b: {  	_ =	shalt  }
tec
execute0_lowered:
.L_overlay_start_1:
0x0: {  	(tag) =	ssettag $0x1  }
0x1: {  	s0 =	srdreg.scid  }
0x2: {  	s6 =	rddreg [dreg:$0x0];
	s0 =	sshll.u32 s0, $0x7  }
0x3: {  	s7 =	simm.s32 $0x2;
	s19 =	simm.s32 $0x0;
	s1 =	sand.u32 $0x80, s0  }
0x4: {  	s9 =	simm.s32 $0x400;
	s10 =	simm.s32 $0x800;
	s2 =	ssub.s32 $0x100, s1  }
0x5: {  	s11 =	simm.s32 $0x0;
	s0 =	stileid.u32;
	s3 =	sshrl.u32 s2, $0x7  }
0x6: {  	s4 =	ssub.s32 $0x41, s0;
	s2 =	sshrl.u32 s2, $0x8;
	s5 =	sand.u32 $0x1, s3  }
0x7: {  	s16 =	simm.s32 $0x0;
	s4 =	sshrl.u32 s4, $0x4;
	s5 =	sadd.s32 s2, s5  }
0x8: {  	s18 =	simm.s32 $0x0;
	s17 =	simm.s32 $0x0;
	s5 =	smul.u32 s5, s4  }
.Ltmp0:
0x9: {  	s12 =	simm.s32 $0x0;
	s3 =	rddreg [dreg:$0x1];
	(pc) =	sbr.rel .LBB1_1-.Ltmp0, $4  }
0xa: {  	s13 =	stileid.u32;
	s14 =	simm.s32 $0x0;
	s2 =	rddreg [dreg:$0x2]  }
0xb: {  	_ =	strace $0x8000004A;
	s4 =	simm.s32 $0x1;
	s5 =	smul.u32 $0xC, s5  }
0xc: {  	s15 =	simm.s32 $0x0;
	s6 =	sadd.s32 $0x259200, s6;
	[sflag:s4] =	ssyncpa.u1 $0x0  }
0xd: {  	[sflag:s7] =	ssyncpa.u1 $0x0;
	s7 =	sshll.u32 s1, $0x3;
	s8 =	sor.u32 $0x1, s5  }
.LBB1_4:
0xe: {  	_ =	sdelay $0x3  }
0xf: {  	[tilespmem:v0+s22+$0xFFFFFFD0 ss:$0x1] =	vst.idx.msk $0xffff, v6  }
0x10: {  	v56 =	vld.idx.msk [tilespmem:v1+s21+$0x0 ss:$0x1], $0xffff;
	[tilespmem:v0+s22+$0xFFFFFFE0 ss:$0x1] =	vst.idx.msk $0xffff, v4  }
0x11: {  	v57 =	vld.idx.msk [tilespmem:v1+s21+$0xFFFFFF90 ss:$0x1], $0xffff;
	[tilespmem:v0+s22+$0xFFFFFFF0 ss:$0x1] =	vst.idx.msk $0xffff, v2  }
0x12: {  	v58 =	vld.idx.msk [tilespmem:v1+s21+$0xFFFFFFA0 ss:$0x1], $0xffff;
	[tilespmem:v0+s22+$0x0 ss:$0x1] =	vst.idx.msk $0xffff, v3  }
0x13: {  	v59 =	vld.idx.msk [tilespmem:v1+s21+$0xFFFFFFB0 ss:$0x1], $0xffff;
	[tilespmem:v0+s22+$0x10 ss:$0x1] =	vst.idx.msk $0xffff, v5  }
0x14: {  	v60 =	vld.idx.msk [tilespmem:v1+s21+$0xFFFFFFC0 ss:$0x1], $0xffff;
	[tilespmem:v0+s22+$0x20 ss:$0x1] =	vst.idx.msk $0xffff, v7  }
0x15: {  	v61 =	vld.idx.msk [tilespmem:v1+s21+$0xFFFFFFD0 ss:$0x1], $0xffff;
	[tilespmem:v0+s21+$0x30 ss:$0x1] =	vst.idx.msk $0xffff, v56  }
0x16: {  	s28 =	sshll.u32 s17, $0x8;
	v62 =	vld.idx.msk [tilespmem:v1+s21+$0xFFFFFFE0 ss:$0x1], $0xffff;
	s19 =	sshll.u32 s19, $0x3;
	[tilespmem:v0+s21+$0xFFFFFFC0 ss:$0x1] =	vst.idx.msk $0xffff, v57  }
0x17: {  	s23 =	sshll.u32 s17, $0x7;
	v63 =	vld.idx.msk [tilespmem:v1+s21+$0xFFFFFFF0 ss:$0x1], $0xffff;
	s18 =	smul.u32 $0xC000, s18;
	s22 =	sand.u32 $0x7800, s28;
	[tilespmem:v0+s21+$0xFFFFFFD0 ss:$0x1] =	vst.idx.msk $0xffff, v58  }
0x18: {  	s16 =	sshll.u32 s16, $0xC;
	s29 =	sand.u32 $0x300, s23;
	s19 =	sor.u32 s22, s19;
	[tilespmem:v0+s21+$0xFFFFFFE0 ss:$0x1] =	vst.idx.msk $0xffff, v59  }
0x19: {  	s30 =	sshll.u32 s17, $0x4;
	s18 =	sadd.s32 s3, s18;
	s19 =	sor.u32 s29, s19;
	[tilespmem:v0+s21+$0xFFFFFFF0 ss:$0x1] =	vst.idx.msk $0xffff, v60  }
0x1a: {  	s17 =	sand.u32 $0x10, s30;
	s16 =	sadd.s32 s16, s18;
	s19 =	sshrl.u32 s19, $0x3;
	[tilespmem:v0+s21+$0x0 ss:$0x1] =	vst.idx.msk $0xffff, v61  }
0x1b: {  	s16 =	sadd.s32 s17, s16;
	[tilespmem:v0+s21+$0x10 ss:$0x1] =	vst.idx.msk $0xffff, v62;
	s31 =	sand.u32 $0xFE0, s19  }
0x1c: {  	[tilespmem:v0+s21+$0x20 ss:$0x1] =	vst.idx.msk $0xffff, v63;
	s16 =	sadd.s32 s31, s16  }
0x1d: {  	[hbm4b:s16+s9] =	stream.strided.scatter [tilespmem:s20], [sflag:$0x2], $0x4000, s10, s9, $0x38;
	[tilespmem:$0x10000] =	vst v63  }
.LBB1_5:
0x1e: {  	s20 =	sadd.s32 $0x1, s12  }
0x1f: {  	s16 =	sadd.s32 $0x10, s13;
	s21 =	smov.u32 s13;
	p1 =	sgt.s32 s20, $0xB  }
0x20: {  	s21 =	smov.u32 @p1 s16  }
0x21: {  	s22 =	smov.u32 s14;
	s16 =	sadd.s32 $0x80, s14;
	p2 =	sgt.s32 s21, $0x31  }
0x22: {  	s22 =	smov.u32 @p2 s16  }
0x23: {  	s20 =	simm.s32 @p1 $0x0;
	p1 =	sgt.s32 s22, $0x7F  }
0x24: {  	p0 =	slt.u32 s15, $0x2;
	s22 =	simm.s32 @p1 $0x0;
	p1 =	sne.s32 s15, s8  }
.Ltmp1:
0x25: {  	s18 =	smov.u32 s13;
	s19 =	simm.s32 @!p0 $0x2;
	(pc) =	sbr.rel @!p1 .LBB1_6-.Ltmp1, $4  }
0x26: {  	s17 =	smov.u32 s14;
	s11 =	sadd.s32 $0x4000, s11;
	_ =	swait.ge @!p0 [sflag:s19], $0x4000  }
0x27: {  	[sflag:s19] =	ssyncset.done @!p0 $0x0;
	s21 =	smov.u32 @p2 s0;
	s16 =	smov.u32 s12  }
0x28: {  	[sflag:s19] =	ssyncadd.s32 @!p0 $0xFFFFC000;
	s19 =	smov.u32 s1;
	s12 =	smov.u32 s20  }
0x29: {  	s13 =	smov.u32 s21;
	s15 =	sadd.s32 $0x1, s15;
	s14 =	smov.u32 s22  }
.LBB1_1:
0x2a: {  	p0 =	sge.u32 s15, s5  }
0x2b: {  	s31 =	sadd.s32 $0xFFFFFFFF, s15;
	s20 =	sshll.u32 @!p0 s12, $0x8;
	s21 =	sshll.u32 @!p0 s12, $0x7  }
0x2c: {  	s22 =	smul.u32 @!p0 $0x6400, s14;
	s23 =	sxor.u32 @!p0 $0xFFFFFFFF, s15;
	s20 =	sand.u32 @!p0 $0x800, s20  }
0x2d: {  	s24 =	sshll.u32 @!p0 s12, $0x4;
	s21 =	sand.u32 @!p0 $0x300, s21;
	s20 =	sor.u32 @!p0 s7, s20  }
0x2e: {  	s22 =	sadd.s32 @!p0 s6, s22;
	s20 =	sor.u32 @!p0 s21, s20;
	s21 =	sshll.u32 @!p0 s13, $0x9  }
0x2f: {  	s23 =	sshll.u32 @!p0 s23, $0xE;
	s24 =	sand.u32 @!p0 $0x10, s24;
	s21 =	sadd.s32 @!p0 s21, s22  }
0x30: {  	s22 =	sand.u32 @!p0 $0x4000, s23;
	s20 =	sshrl.u32 @!p0 s20, $0x3;
	s21 =	sadd.s32 @!p0 s24, s21  }
0x31: {  	s23 =	simm.s32 @!p0 $0x32000;
	s20 =	sadd.s32 @!p0 s20, s21;
	s21 =	simm.s32 @!p0 $0x80  }
0x32: {  	[tilespmem:s22], [sflag:$0x1] =	stream.strided.gather @!p0 [hbm4b:s20+s21], $0x4000, s23, s21, $0x38;
	[tilespmem:$0x10000] =	vst v63  }
0x33: {  	p0 =	sge.u32 s31, s5  }
.Ltmp2:
0x34: {  	_ = 	snop;
	(pc) =	sbr.rel @p0 .LBB1_5-.Ltmp2, $1  }
0x35: {  	_ =	sdelay $0x3  }
0x36: {  	s20 =	sand.u32 $0x4000, s11  }
0x37: {  	s21 =	sor.u32 $0x70, s20  }
0x38: {  	v1 =	vmov s21;
	_ =	sdelay $0x1  }
0x39: {  	_ =	swait.ge [sflag:s4], $0x4000  }
0x3a: {  	[sflag:s4] =	ssyncset.done $0x0  }
0x3b: {  	s22 =	simm.s32 $0x0;
	[sflag:s4] =	ssyncadd.s32 $0xFFFFC000  }
0x3c: {  	s20 =	sor.u32 $0x8040, s20;
	v7 =	vld.idx.msk [tilespmem:v1+s22+$0x0 ss:$0x1], $0xffff  }
0x3d: {  	v0 =	vmov s20;
	v8 =	vld.idx.msk [tilespmem:v1+s22+$0xFFFFFF90 ss:$0x1], $0xffff  }
0x3e: {  	v6 =	vld.idx.msk [tilespmem:v1+s22+$0xFFFFFFA0 ss:$0x1], $0xffff  }
0x3f: {  	v4 =	vld.idx.msk [tilespmem:v1+s22+$0xFFFFFFB0 ss:$0x1], $0xffff  }
0x40: {  	v2 =	vld.idx.msk [tilespmem:v1+s22+$0xFFFFFFC0 ss:$0x1], $0xffff  }
0x41: {  	s31 =	sshll.u32 s15, $0xE;
	v3 =	vld.idx.msk [tilespmem:v1+s22+$0xFFFFFFD0 ss:$0x1], $0xffff  }
0x42: {  	s20 =	sand.u32 $0x4000, s31;
	v5 =	vld.idx.msk [tilespmem:v1+s22+$0xFFFFFFE0 ss:$0x1], $0xffff;
	[tilespmem:v0+s22+$0x30 ss:$0x1] =	vst.idx.msk $0xffff, v7  }
0x43: {  	s23 =	simm.s32 $0x400;
	s21 =	simm.s32 $0x80;
	s20 =	sor.u32 $0x8000, s20;
	[tilespmem:v0+s22+$0xFFFFFFC0 ss:$0x1] =	vst.idx.msk $0xffff, v8;
	v7 =	vld.idx.msk [tilespmem:v1+s22+$0xFFFFFFF0 ss:$0x1], $0xffff  }
.LBB1_3:
0x44: {  	p0 =	sne.s32 s23, $0xFE00;
	v8 =	vld.idx.msk [tilespmem:v1+s21+$0x0 ss:$0x1], $0xffff;
	[tilespmem:v0+s22+$0xFFFFFFD0 ss:$0x1] =	vst.idx.msk $0xffff, v6  }
0x45: {  	v9 =	vld.idx.msk [tilespmem:v1+s21+$0xFFFFFF90 ss:$0x1], $0xffff;
	[tilespmem:v0+s22+$0xFFFFFFE0 ss:$0x1] =	vst.idx.msk $0xffff, v4  }
0x46: {  	v6 =	vld.idx.msk [tilespmem:v1+s21+$0xFFFFFFA0 ss:$0x1], $0xffff;
	[tilespmem:v0+s22+$0xFFFFFFF0 ss:$0x1] =	vst.idx.msk $0xffff, v2  }
.Ltmp3:
0x47: {  	v4 =	vld.idx.msk [tilespmem:v1+s21+$0xFFFFFFB0 ss:$0x1], $0xffff;
	[tilespmem:v0+s22+$0x0 ss:$0x1] =	vst.idx.msk $0xffff, v3;
	(pc) =	sbr.rel @p0 .LBB1_3-.Ltmp3, $4  }
0x48: {  	v2 =	vld.idx.msk [tilespmem:v1+s21+$0xFFFFFFC0 ss:$0x1], $0xffff;
	[tilespmem:v0+s22+$0x10 ss:$0x1] =	vst.idx.msk $0xffff, v5  }
0x49: {  	v3 =	vld.idx.msk [tilespmem:v1+s21+$0xFFFFFFD0 ss:$0x1], $0xffff;
	[tilespmem:v0+s22+$0x20 ss:$0x1] =	vst.idx.msk $0xffff, v7;
	s22 =	smov.u32 s21  }
0x4a: {  	v5 =	vld.idx.msk [tilespmem:v1+s22+$0xFFFFFFE0 ss:$0x1], $0xffff;
	[tilespmem:v0+s22+$0x30 ss:$0x1] =	vst.idx.msk $0xffff, v8  }
0x4b: {  	s21 =	sshra.s32 s23, $0x2;
	s23 =	sadd.s32 $0x200, s23;
	[tilespmem:v0+s22+$0xFFFFFFC0 ss:$0x1] =	vst.idx.msk $0xffff, v9;
	v7 =	vld.idx.msk [tilespmem:v1+s22+$0xFFFFFFF0 ss:$0x1], $0xffff  }
.Ltmp4:
0x4c: {  	_ = 	snop;
	(pc) =	sbr.rel .LBB1_4-.Ltmp4, $1  }
0x4d: {  	_ =	sdelay $0x3  }
.LBB1_6:
0x4e: {  	_ =	sfence.sel $0x180000  }
0x4f: {  	s1 =	simm.s32 $0x1;
	[bflag:$0x0] =	sbarrier.arrive $0xFFFF  }
0x50: {  	s31 =	simm.s32 $0x2;
	[sflag:s1] =	ssyncpa.u1 $0x1  }
0x51: {  	[sflag:s31] =	ssyncpa.u1 $0x1  }
0x52: {  	p0 =	sne.s32 s0, $0x0;
	_ =	strace $0x9000004A  }
0x53: {  	s0 =	sadd.s32 @!p0 $0x100000, s2;
	[bflag:$0x2] =	sbarrier.arrive $0xFFFF  }
0x54: {  	[sflag:s0] =	ssyncadd.tile.s32 @!p0 $0x1;
	_ =	shalt  }
.Lfunc_end1:
_tile_overlayer_lowered:
.L_overlay_start_2:
0x55: {  	(tag) =	ssettag $0x2  }
0x56: {  	s0 =	rddreg [dreg:$0x0];
	s2 =	stileid.u32  }
0x57: {  	s1 =	rddreg [dreg:$0x1];
	p0 =	sne.s32 s2, $0x0  }
0x58: {  	s3 =	rddreg [dreg:$0x2];
	[bflag:$0x3] =	sbarrier.arrive $0xFFFF;
	s2 =	simm.s32 @!p0 $0x1C01  }
0x59: {  	[timem:s3], [sflag:s2] =	dma.local @!p0 [hbm:s0], s1  }
0x5a: {  	s0 =	simm.s32 @!p0 $0x1  }
0x5b: {  	_ =	swait.ge @!p0 [sflag:s0], s1  }
0x5c: {  	s1 =	ssub.s32 @!p0 $0x0, s1;
	[sflag:s0] =	ssyncset.done @!p0 $0x0  }
0x5d: {  	[sflag:s0] =	ssyncadd.s32 @!p0 s1  }
0x5e: {  	[bflag:$0x3] =	sbarrier.arrive $0xFFFF  }
0x5f: {  	_ =	shalt  }

</sc_bundles>
